<compile_context>
chip_gen: v7x
topology: tpu7x:2x2x1
jax: 0.10.2.dev20260603
libtpu: 0.0.44.dev20260713+nightly
codegen_flags: <defaults>
</compile_context>

<pallas_src>
import functools

import jax
import jax.numpy as jnp
from jax import lax
from jax.experimental import pallas as pl
from jax.experimental.pallas import tpu as pltpu
from jax.experimental.pallas import tpu_sc as plsc

TEMPERATURE = 0.1
EPS = 1e-8

_NC = 2
_NS = 16
_NW = _NC * _NS

_ROW_W = 16
_Q = 128


def _normalize_body(x_ref, o_ref):
    x = x_ref[...]
    nrm = jnp.sqrt(jnp.sum(x * x, axis=-1, keepdims=True))
    o_ref[...] = (x / jnp.maximum(nrm, EPS)).astype(jnp.bfloat16)


def _normalize(flat):
    L, R, D = flat.shape
    rb = 1024
    return pl.pallas_call(
        _normalize_body,
        grid=(L, R // rb),
        in_specs=[pl.BlockSpec((1, rb, D), lambda l, i: (l, i, 0))],
        out_specs=pl.BlockSpec((1, rb, D), lambda l, i: (l, i, 0)),
        out_shape=jax.ShapeDtypeStruct((L, R, D), jnp.bfloat16),
    )(flat)


_TB_I = 1024
_TB_J = 1024
_TRI = 10
_T0, _T1, _T2 = 4, 7, 9


def _pack2(lo, hi):
    lo16 = lax.bitcast_convert_type(lo.astype(jnp.bfloat16), jnp.uint16)
    hi16 = lax.bitcast_convert_type(hi.astype(jnp.bfloat16), jnp.uint16)
    return lo16.astype(jnp.uint32) | (hi16.astype(jnp.uint32) << 16)


def _gram_body(a_ref, b_ref, o_ref):
    d = lax.dot_general(
        a_ref[0], b_ref[0],
        (((1,), (1,)), ((), ())),
        preferred_element_type=jnp.float32,
    )
    o_ref[...] = jnp.concatenate(
        [_pack2(d[:, k * 256:k * 256 + 128],
                d[:, k * 256 + 128:k * 256 + 256])
         for k in range(_TB_J // 256)], axis=0)


def _tri_i(t):
    return ((t >= _T0).astype(jnp.int32) + (t >= _T1).astype(jnp.int32)
            + (t >= _T2).astype(jnp.int32))


def _gram(xhat, l0, lh):
    L, R, D = xhat.shape

    def amap(l, t):
        return (l0 + l, _tri_i(t), 0)

    def bmap(l, t):
        i = _tri_i(t)
        return (l0 + l, t - lax.shift_right_logical(9 * i - i * i, 1) + i, 0)

    return pl.pallas_call(
        _gram_body,
        grid=(lh, _TRI),
        in_specs=[
            pl.BlockSpec((1, _TB_I, D), amap),
            pl.BlockSpec((1, _TB_J, D), bmap),
        ],
        out_specs=pl.BlockSpec(
            (4 * _TB_I, 128), lambda l, t: (l * _TRI + t, 0)),
        out_shape=jax.ShapeDtypeStruct((lh * _TRI * 4 * _TB_I, 128),
                                       jnp.uint32),
    )(xhat, xhat)


def _make_sc_gather(L, R, N, NB):
    sh_i = _TB_I.bit_length() - 1
    sh_j = _TB_J.bit_length() - 1
    ch = N // _NW
    nq = ch // _Q

    mesh = plsc.VectorSubcoreMesh(core_axis_name="c", subcore_axis_name="s")

    @functools.partial(
        pl.kernel,
        out_type=jax.ShapeDtypeStruct((L, NB, N), jnp.uint32),
        mesh=mesh,
        scratch_types=[
            pltpu.VMEM((ch,), jnp.int32),
            pltpu.VMEM((NB, ch), jnp.int32),
            pltpu.VMEM((NB * nq, _Q), jnp.int32),
            pltpu.VMEM((NB, ch), jnp.uint32),
            pltpu.SemaphoreType.DMA,
        ],
    )
    def sc_gather(g_hbm, a_hbm, b_hbm, out_hbm, a_v, b_v, idx_v, simu_v,
                  sem):
        wid = lax.axis_index("s") * _NC + lax.axis_index("c")
        base = wid * ch
        pltpu.sync_copy(a_hbm.at[pl.ds(base, ch)], a_v)
        for r in range(NB):
            pltpu.sync_copy(b_hbm.at[r, pl.ds(base, ch)], b_v.at[r])

        def layer_body(l, carry):
            ltri = l * _TRI
            for r in range(NB):
                def idx_body(c, carry3):
                    off = c * 16
                    a16 = a_v[pl.ds(off, 16)]
                    b16 = b_v[r, pl.ds(off, 16)]
                    swap = (lax.shift_right_logical(a16, sh_i)
                            > lax.shift_right_logical(b16, sh_i))
                    aa = jnp.where(swap, b16, a16)
                    bb = jnp.where(swap, a16, b16)
                    i = lax.shift_right_logical(aa, sh_i)
                    j = lax.shift_right_logical(bb, sh_j)
                    t = (lax.shift_right_logical(9 * i - i * i, 1)
                         + j - i)
                    sel = lax.bitwise_and(
                        lax.shift_right_logical(bb, 8), 3)
                    word = (((ltri + t) * 4 + sel) * _TB_I
                            + lax.bitwise_and(aa, _TB_I - 1)) * 128 \
                        + lax.bitwise_and(bb, 127)
                    q = lax.div(c, jnp.int32(_Q // 16))
                    within = lax.rem(c, jnp.int32(_Q // 16))
                    idx_v[r * nq + q, pl.ds(within * 16, 16)] = word
                    return carry3

                lax.fori_loop(0, ch // 16, idx_body, 0)
            copies = []
            for r in range(NB):
                for q in range(nq):
                    copies.append(pltpu.async_copy(
                        g_hbm.at[idx_v.at[r * nq + q]],
                        simu_v.at[r, pl.ds(q * _Q, _Q)], sem))
            for cp in copies:
                cp.wait()
            pltpu.sync_copy(simu_v, out_hbm.at[l, :, pl.ds(base, ch)])
            return carry

        lax.fori_loop(0, L, layer_body, 0)

    return sc_gather


def _loss_body(su_ref, b_ref, a_ref, o_ref):
    v = su_ref[...]
    b = b_ref[...]
    a = jnp.broadcast_to(a_ref[...][None], b.shape)
    sh = _TB_I.bit_length() - 1
    bb = jnp.where(lax.shift_right_logical(a, sh)
                   > lax.shift_right_logical(b, sh), a, b)
    odd = lax.bitwise_and(lax.shift_right_logical(bb, 7), 1)
    odd3 = jnp.broadcast_to(odd[None], v.shape)
    h = jnp.where(odd3 == 1,
                  lax.shift_right_logical(v, jnp.uint32(16)),
                  lax.bitwise_and(v, jnp.uint32(0xFFFF)))
    s = lax.bitcast_convert_type(
        lax.shift_left(h, jnp.uint32(16)), jnp.float32)
    logits = s * (1.0 / TEMPERATURE)
    pos = logits[:, 0, :]
    denom = jnp.exp(pos) + jnp.sum(jnp.exp(logits[:, 1:, :]), axis=1)
    terms = pos - jnp.log(denom)
    o_ref[...] = jnp.sum(jnp.mean(terms, axis=-1)).reshape(1, 1)


def _loss_part(sims_u, b_all, anchor_idx):
    return pl.pallas_call(
        _loss_body,
        out_shape=jax.ShapeDtypeStruct((1, 1), jnp.float32),
    )(sims_u, b_all, anchor_idx)


def kernel(activations, anchor_idx, pos_idx, neg_idx):
    L, B, S, D = activations.shape
    R = B * S
    N, K = neg_idx.shape
    flat = activations.reshape(L, R, D)

    xhat = _normalize(flat)
    b_all = jnp.concatenate([pos_idx[None, :], neg_idx.T], axis=0)

    lh = L // 2
    sc = _make_sc_gather(lh, R, N, K + 1)
    flat_words = lh * _TRI * 4 * _TB_I * 128
    g0 = _gram(xhat, 0, lh).reshape(flat_words)
    sims_u0 = sc(g0, anchor_idx, b_all)
    g1 = _gram(xhat, lh, lh).reshape(flat_words)
    sims_u1 = sc(g1, anchor_idx, b_all)
    p0 = _loss_part(sims_u0, b_all, anchor_idx)[0, 0]
    p1 = _loss_part(sims_u1, b_all, anchor_idx)[0, 0]
    return -(p0 + p1) / L

# --- scband reference (transcript-rebuilt; emitter-appended) ---
"""Pipeline reference for scband-miloss-56040733278514 (READ-ONLY COPY).

The authoritative reference and input builder live on the scoring server;
editing this copy changes nothing except your own understanding.
"""

import jax, jax.numpy as jnp
import numpy as np

TEMPERATURE = 0.1
N_NEGATIVES = 5
EPS = 1e-8


def setup_inputs(seed: int = 0) -> dict:
    key = jax.random.key(seed)
    k1, k2, k3, k4 = jax.random.split(key, 4)
    L, B, S, D = 12, 2, 2048, 768
    N = 16384
    activations = jax.random.normal(k1, (L, B, S, D), dtype=jnp.float32)
    anchor_idx = jax.random.randint(k2, (N,), 0, B * S, dtype=jnp.int32)
    pos_idx = jax.random.randint(k3, (N,), 0, B * S, dtype=jnp.int32)
    neg_idx = jax.random.randint(k4, (N, N_NEGATIVES), 0, B * S, dtype=jnp.int32)
    return {"activations": activations, "anchor_idx": anchor_idx, "pos_idx": pos_idx, "neg_idx": neg_idx}


def _cosine(a, b):
    # mirrors F.cosine_similarity with eps clamp on norms
    an = jnp.maximum(jnp.linalg.norm(a, axis=-1), EPS)
    bn = jnp.maximum(jnp.linalg.norm(b, axis=-1), EPS)
    return jnp.sum(a * b, axis=-1) / (an * bn)


def reference(activations, anchor_idx, pos_idx, neg_idx):
    L, B, S, D = activations.shape
    flat = activations.reshape(L, B * S, D)
    N, K = neg_idx.shape

    def layer_mi(acts):
        # gather anchors / positives / negatives from flattened (batch, token) axis
        anchors = jnp.take(acts, anchor_idx, axis=0)            # [N, D]
        positives = jnp.take(acts, pos_idx, axis=0)             # [N, D]
        negatives = jnp.take(acts, neg_idx.reshape(-1), axis=0).reshape(N, K, D)
        pos_sim = _cosine(anchors, positives) / TEMPERATURE     # [N]
        neg_sim = _cosine(anchors[:, None, :], negatives) / TEMPERATURE  # [N, K]
        numer = jnp.exp(pos_sim)
        denom = numer + jnp.sum(jnp.exp(neg_sim), axis=1)
        return jnp.mean(jnp.log(numer / denom))

    mis = jax.vmap(layer_mi)(flat)                              # [L] per-layer MI estimates
    total_mi = jnp.sum(mis)
    n_valid_layers = mis.shape[0]
    return -total_mi / n_valid_layers

if __name__ == "__main__":
    import jax
    _d = setup_inputs()
    print(jax.jit(kernel)(*tuple(_d.values())))

</pallas_src>

<mosaic_0001>
#map = affine_map<(d0, d1) -> (0)>
#map1 = affine_map<(d0, d1) -> (0, 0)>
#map2 = affine_map<(d0, d1) -> (0, 0, 0)>
module attributes {stable_mosaic.version = 14 : i64} {
  func.func @sc_gather(%arg0: i32, %arg1: i32, %arg2: memref<31457280xi32, #tpu.memory_space<hbm>>, %arg3: memref<16384xi32, #tpu.memory_space<hbm>>, %arg4: memref<6x16384xi32, #tpu.memory_space<hbm>>, %arg5: memref<6x6x16384xi32, #tpu.memory_space<hbm>>, %arg6: memref<512xi32, #tpu.memory_space<vmem>>, %arg7: memref<6x512xi32, #tpu.memory_space<vmem>>, %arg8: memref<24x128xi32, #tpu.memory_space<vmem>>, %arg9: memref<6x512xi32, #tpu.memory_space<vmem>>, %arg10: memref<!tpu.dma_semaphore, #tpu.memory_space<semaphore_mem>>) attributes {dimension_semantics = [#tpu.dimension_semantics<core_parallel>, #tpu.dimension_semantics<subcore_parallel>], iteration_bounds = array<i64: 2, 16>, scalar_prefetch = 0 : i64, scratch_operands = 5 : i64, tpu.core_type = #tpu.core_type<sc_vector_subcore>, window_params = [{transform_indices = #map}, {transform_indices = #map}, {transform_indices = #map1}, {transform_indices = #map2}]} {
    %mul3A = arith.constant 2 : i32
    %mul3A_0 = arith.muli %arg1, %mul3A : i32
    %add3A = arith.addi %mul3A_0, %arg0 : i32
    %mul3A_1 = arith.constant 512 : i32
    %mul3A_2 = arith.muli %add3A, %mul3A_1 : i32
    "tpu.region"() ({
      %run_scoped3A_19 = tpu.sem_alloc : memref<!tpu.dma_semaphore, #tpu.memory_space<semaphore_mem>>
      %dma_start3A = tpu.memref_slice %arg3[%mul3A_2] : memref<16384xi32, #tpu.memory_space<hbm>> -> memref<512xi32, #tpu.memory_space<hbm>>
      %dma_start3A_20 = tpu.memref_slice %arg3[%mul3A_2] : memref<16384xi32, #tpu.memory_space<hbm>> -> memref<512xi32, #tpu.memory_space<hbm>>
      tpu.enqueue_dma source(%dma_start3A_20 : memref<512xi32, #tpu.memory_space<hbm>>) target(%arg6 : memref<512xi32, #tpu.memory_space<vmem>>) target_semaphore(%run_scoped3A_19 : memref<!tpu.dma_semaphore, #tpu.memory_space<semaphore_mem>>)
      %dma_wait3A = tpu.memref_slice %arg3[%mul3A_2] : memref<16384xi32, #tpu.memory_space<hbm>> -> memref<512xi32, #tpu.memory_space<hbm>>
      %dma_wait3A_21 = tpu.memref_slice %arg3[%mul3A_2] : memref<16384xi32, #tpu.memory_space<hbm>> -> memref<512xi32, #tpu.memory_space<hbm>>
      tpu.wait_dma2 semaphore(%run_scoped3A_19 : memref<!tpu.dma_semaphore, #tpu.memory_space<semaphore_mem>>) src(%dma_wait3A_21 : memref<512xi32, #tpu.memory_space<hbm>>) dst(%arg6 : memref<512xi32, #tpu.memory_space<vmem>>)
      tpu.yield
    }) : () -> ()
    %run_scoped3A = arith.constant 0 : i32
    %run_scoped3A_3 = arith.constant 0 : i32
    "tpu.region"() ({
      %run_scoped3A_19 = tpu.sem_alloc : memref<!tpu.dma_semaphore, #tpu.memory_space<semaphore_mem>>
      %dma_start3A = arith.constant 0 : i32
      %dma_start3A_20 = tpu.memref_slice %arg7[%run_scoped3A_3, %dma_start3A] : memref<6x512xi32, #tpu.memory_space<vmem>> -> memref<1x512xi32, #tpu.memory_space<vmem>>
      %dma_start3A_21 = tpu.memref_squeeze %dma_start3A_20 : memref<1x512xi32, #tpu.memory_space<vmem>> -> memref<512xi32, #tpu.memory_space<vmem>>
      %dma_start3A_22 = tpu.memref_slice %arg4[%run_scoped3A, %mul3A_2] : memref<6x16384xi32, #tpu.memory_space<hbm>> -> memref<1x512xi32, #tpu.memory_space<hbm>>
      %dma_start3A_23 = tpu.memref_squeeze %dma_start3A_22 : memref<1x512xi32, #tpu.memory_space<hbm>> -> memref<512xi32, #tpu.memory_space<hbm>>
      %dma_start3A_24 = arith.constant 0 : i32
      %dma_start3A_25 = tpu.memref_slice %arg7[%run_scoped3A_3, %dma_start3A_24] : memref<6x512xi32, #tpu.memory_space<vmem>> -> memref<1x512xi32, #tpu.memory_space<vmem>>
      %dma_start3A_26 = tpu.memref_squeeze %dma_start3A_25 : memref<1x512xi32, #tpu.memory_space<vmem>> -> memref<512xi32, #tpu.memory_space<vmem>>
      %dma_start3A_27 = tpu.memref_slice %arg4[%run_scoped3A, %mul3A_2] : memref<6x16384xi32, #tpu.memory_space<hbm>> -> memref<1x512xi32, #tpu.memory_space<hbm>>
      %dma_start3A_28 = tpu.memref_squeeze %dma_start3A_27 : memref<1x512xi32, #tpu.memory_space<hbm>> -> memref<512xi32, #tpu.memory_space<hbm>>
      tpu.enqueue_dma source(%dma_start3A_28 : memref<512xi32, #tpu.memory_space<hbm>>) target(%dma_start3A_26 : memref<512xi32, #tpu.memory_space<vmem>>) target_semaphore(%run_scoped3A_19 : memref<!tpu.dma_semaphore, #tpu.memory_space<semaphore_mem>>)
      %dma_wait3A = arith.constant 0 : i32
      %dma_wait3A_29 = tpu.memref_slice %arg7[%run_scoped3A_3, %dma_wait3A] : memref<6x512xi32, #tpu.memory_space<vmem>> -> memref<1x512xi32, #tpu.memory_space<vmem>>
      %dma_wait3A_30 = tpu.memref_squeeze %dma_wait3A_29 : memref<1x512xi32, #tpu.memory_space<vmem>> -> memref<512xi32, #tpu.memory_space<vmem>>
      %dma_wait3A_31 = tpu.memref_slice %arg4[%run_scoped3A, %mul3A_2] : memref<6x16384xi32, #tpu.memory_space<hbm>> -> memref<1x512xi32, #tpu.memory_space<hbm>>
      %dma_wait3A_32 = tpu.memref_squeeze %dma_wait3A_31 : memref<1x512xi32, #tpu.memory_space<hbm>> -> memref<512xi32, #tpu.memory_space<hbm>>
      %dma_wait3A_33 = arith.constant 0 : i32
      %dma_wait3A_34 = tpu.memref_slice %arg7[%run_scoped3A_3, %dma_wait3A_33] : memref<6x512xi32, #tpu.memory_space<vmem>> -> memref<1x512xi32, #tpu.memory_space<vmem>>
      %dma_wait3A_35 = tpu.memref_squeeze %dma_wait3A_34 : memref<1x512xi32, #tpu.memory_space<vmem>> -> memref<512xi32, #tpu.memory_space<vmem>>
      %dma_wait3A_36 = tpu.memref_slice %arg4[%run_scoped3A, %mul3A_2] : memref<6x16384xi32, #tpu.memory_space<hbm>> -> memref<1x512xi32, #tpu.memory_space<hbm>>
      %dma_wait3A_37 = tpu.memref_squeeze %dma_wait3A_36 : memref<1x512xi32, #tpu.memory_space<hbm>> -> memref<512xi32, #tpu.memory_space<hbm>>
      tpu.wait_dma2 semaphore(%run_scoped3A_19 : memref<!tpu.dma_semaphore, #tpu.memory_space<semaphore_mem>>) src(%dma_wait3A_37 : memref<512xi32, #tpu.memory_space<hbm>>) dst(%dma_wait3A_35 : memref<512xi32, #tpu.memory_space<vmem>>)
      tpu.yield
    }) : () -> ()
    %run_scoped3A_4 = arith.constant 1 : i32
    %run_scoped3A_5 = arith.constant 1 : i32
    "tpu.region"() ({
      %run_scoped3A_19 = tpu.sem_alloc : memref<!tpu.dma_semaphore, #tpu.memory_space<semaphore_mem>>
      %dma_start3A = arith.constant 0 : i32
      %dma_start3A_20 = tpu.memref_slice %arg7[%run_scoped3A_5, %dma_start3A] : memref<6x512xi32, #tpu.memory_space<vmem>> -> memref<1x512xi32, #tpu.memory_space<vmem>>
      %dma_start3A_21 = tpu.memref_squeeze %dma_start3A_20 : memref<1x512xi32, #tpu.memory_space<vmem>> -> memref<512xi32, #tpu.memory_space<vmem>>
      %dma_start3A_22 = tpu.memref_slice %arg4[%run_scoped3A_4, %mul3A_2] : memref<6x16384xi32, #tpu.memory_space<hbm>> -> memref<1x512xi32, #tpu.memory_space<hbm>>
      %dma_start3A_23 = tpu.memref_squeeze %dma_start3A_22 : memref<1x512xi32, #tpu.memory_space<hbm>> -> memref<512xi32, #tpu.memory_space<hbm>>
      %dma_start3A_24 = arith.constant 0 : i32
      %dma_start3A_25 = tpu.memref_slice %arg7[%run_scoped3A_5, %dma_start3A_24] : memref<6x512xi32, #tpu.memory_space<vmem>> -> memref<1x512xi32, #tpu.memory_space<vmem>>
      %dma_start3A_26 = tpu.memref_squeeze %dma_start3A_25 : memref<1x512xi32, #tpu.memory_space<vmem>> -> memref<512xi32, #tpu.memory_space<vmem>>
      %dma_start3A_27 = tpu.memref_slice %arg4[%run_scoped3A_4, %mul3A_2] : memref<6x16384xi32, #tpu.memory_space<hbm>> -> memref<1x512xi32, #tpu.memory_space<hbm>>
      %dma_start3A_28 = tpu.memref_squeeze %dma_start3A_27 : memref<1x512xi32, #tpu.memory_space<hbm>> -> memref<512xi32, #tpu.memory_space<hbm>>
      tpu.enqueue_dma source(%dma_start3A_28 : memref<512xi32, #tpu.memory_space<hbm>>) target(%dma_start3A_26 : memref<512xi32, #tpu.memory_space<vmem>>) target_semaphore(%run_scoped3A_19 : memref<!tpu.dma_semaphore, #tpu.memory_space<semaphore_mem>>)
      %dma_wait3A = arith.constant 0 : i32
      %dma_wait3A_29 = tpu.memref_slice %arg7[%run_scoped3A_5, %dma_wait3A] : memref<6x512xi32, #tpu.memory_space<vmem>> -> memref<1x512xi32, #tpu.memory_space<vmem>>
      %dma_wait3A_30 = tpu.memref_squeeze %dma_wait3A_29 : memref<1x512xi32, #tpu.memory_space<vmem>> -> memref<512xi32, #tpu.memory_space<vmem>>
      %dma_wait3A_31 = tpu.memref_slice %arg4[%run_scoped3A_4, %mul3A_2] : memref<6x16384xi32, #tpu.memory_space<hbm>> -> memref<1x512xi32, #tpu.memory_space<hbm>>
      %dma_wait3A_32 = tpu.memref_squeeze %dma_wait3A_31 : memref<1x512xi32, #tpu.memory_space<hbm>> -> memref<512xi32, #tpu.memory_space<hbm>>
      %dma_wait3A_33 = arith.constant 0 : i32
      %dma_wait3A_34 = tpu.memref_slice %arg7[%run_scoped3A_5, %dma_wait3A_33] : memref<6x512xi32, #tpu.memory_space<vmem>> -> memref<1x512xi32, #tpu.memory_space<vmem>>
      %dma_wait3A_35 = tpu.memref_squeeze %dma_wait3A_34 : memref<1x512xi32, #tpu.memory_space<vmem>> -> memref<512xi32, #tpu.memory_space<vmem>>
      %dma_wait3A_36 = tpu.memref_slice %arg4[%run_scoped3A_4, %mul3A_2] : memref<6x16384xi32, #tpu.memory_space<hbm>> -> memref<1x512xi32, #tpu.memory_space<hbm>>
      %dma_wait3A_37 = tpu.memref_squeeze %dma_wait3A_36 : memref<1x512xi32, #tpu.memory_space<hbm>> -> memref<512xi32, #tpu.memory_space<hbm>>
      tpu.wait_dma2 semaphore(%run_scoped3A_19 : memref<!tpu.dma_semaphore, #tpu.memory_space<semaphore_mem>>) src(%dma_wait3A_37 : memref<512xi32, #tpu.memory_space<hbm>>) dst(%dma_wait3A_35 : memref<512xi32, #tpu.memory_space<vmem>>)
      tpu.yield
    }) : () -> ()
    %run_scoped3A_6 = arith.constant 2 : i32
    %run_scoped3A_7 = arith.constant 2 : i32
    "tpu.region"() ({
      %run_scoped3A_19 = tpu.sem_alloc : memref<!tpu.dma_semaphore, #tpu.memory_space<semaphore_mem>>
      %dma_start3A = arith.constant 0 : i32
      %dma_start3A_20 = tpu.memref_slice %arg7[%run_scoped3A_7, %dma_start3A] : memref<6x512xi32, #tpu.memory_space<vmem>> -> memref<1x512xi32, #tpu.memory_space<vmem>>
      %dma_start3A_21 = tpu.memref_squeeze %dma_start3A_20 : memref<1x512xi32, #tpu.memory_space<vmem>> -> memref<512xi32, #tpu.memory_space<vmem>>
      %dma_start3A_22 = tpu.memref_slice %arg4[%run_scoped3A_6, %mul3A_2] : memref<6x16384xi32, #tpu.memory_space<hbm>> -> memref<1x512xi32, #tpu.memory_space<hbm>>
      %dma_start3A_23 = tpu.memref_squeeze %dma_start3A_22 : memref<1x512xi32, #tpu.memory_space<hbm>> -> memref<512xi32, #tpu.memory_space<hbm>>
      %dma_start3A_24 = arith.constant 0 : i32
      %dma_start3A_25 = tpu.memref_slice %arg7[%run_scoped3A_7, %dma_start3A_24] : memref<6x512xi32, #tpu.memory_space<vmem>> -> memref<1x512xi32, #tpu.memory_space<vmem>>
      %dma_start3A_26 = tpu.memref_squeeze %dma_start3A_25 : memref<1x512xi32, #tpu.memory_space<vmem>> -> memref<512xi32, #tpu.memory_space<vmem>>
      %dma_start3A_27 = tpu.memref_slice %arg4[%run_scoped3A_6, %mul3A_2] : memref<6x16384xi32, #tpu.memory_space<hbm>> -> memref<1x512xi32, #tpu.memory_space<hbm>>
      %dma_start3A_28 = tpu.memref_squeeze %dma_start3A_27 : memref<1x512xi32, #tpu.memory_space<hbm>> -> memref<512xi32, #tpu.memory_space<hbm>>
      tpu.enqueue_dma source(%dma_start3A_28 : memref<512xi32, #tpu.memory_space<hbm>>) target(%dma_start3A_26 : memref<512xi32, #tpu.memory_space<vmem>>) target_semaphore(%run_scoped3A_19 : memref<!tpu.dma_semaphore, #tpu.memory_space<semaphore_mem>>)
      %dma_wait3A = arith.constant 0 : i32
      %dma_wait3A_29 = tpu.memref_slice %arg7[%run_scoped3A_7, %dma_wait3A] : memref<6x512xi32, #tpu.memory_space<vmem>> -> memref<1x512xi32, #tpu.memory_space<vmem>>
      %dma_wait3A_30 = tpu.memref_squeeze %dma_wait3A_29 : memref<1x512xi32, #tpu.memory_space<vmem>> -> memref<512xi32, #tpu.memory_space<vmem>>
      %dma_wait3A_31 = tpu.memref_slice %arg4[%run_scoped3A_6, %mul3A_2] : memref<6x16384xi32, #tpu.memory_space<hbm>> -> memref<1x512xi32, #tpu.memory_space<hbm>>
      %dma_wait3A_32 = tpu.memref_squeeze %dma_wait3A_31 : memref<1x512xi32, #tpu.memory_space<hbm>> -> memref<512xi32, #tpu.memory_space<hbm>>
      %dma_wait3A_33 = arith.constant 0 : i32
      %dma_wait3A_34 = tpu.memref_slice %arg7[%run_scoped3A_7, %dma_wait3A_33] : memref<6x512xi32, #tpu.memory_space<vmem>> -> memref<1x512xi32, #tpu.memory_space<vmem>>
      %dma_wait3A_35 = tpu.memref_squeeze %dma_wait3A_34 : memref<1x512xi32, #tpu.memory_space<vmem>> -> memref<512xi32, #tpu.memory_space<vmem>>
      %dma_wait3A_36 = tpu.memref_slice %arg4[%run_scoped3A_6, %mul3A_2] : memref<6x16384xi32, #tpu.memory_space<hbm>> -> memref<1x512xi32, #tpu.memory_space<hbm>>
      %dma_wait3A_37 = tpu.memref_squeeze %dma_wait3A_36 : memref<1x512xi32, #tpu.memory_space<hbm>> -> memref<512xi32, #tpu.memory_space<hbm>>
      tpu.wait_dma2 semaphore(%run_scoped3A_19 : memref<!tpu.dma_semaphore, #tpu.memory_space<semaphore_mem>>) src(%dma_wait3A_37 : memref<512xi32, #tpu.memory_space<hbm>>) dst(%dma_wait3A_35 : memref<512xi32, #tpu.memory_space<vmem>>)
      tpu.yield
    }) : () -> ()
    %run_scoped3A_8 = arith.constant 3 : i32
    %run_scoped3A_9 = arith.constant 3 : i32
    "tpu.region"() ({
      %run_scoped3A_19 = tpu.sem_alloc : memref<!tpu.dma_semaphore, #tpu.memory_space<semaphore_mem>>
      %dma_start3A = arith.constant 0 : i32
      %dma_start3A_20 = tpu.memref_slice %arg7[%run_scoped3A_9, %dma_start3A] : memref<6x512xi32, #tpu.memory_space<vmem>> -> memref<1x512xi32, #tpu.memory_space<vmem>>
      %dma_start3A_21 = tpu.memref_squeeze %dma_start3A_20 : memref<1x512xi32, #tpu.memory_space<vmem>> -> memref<512xi32, #tpu.memory_space<vmem>>
      %dma_start3A_22 = tpu.memref_slice %arg4[%run_scoped3A_8, %mul3A_2] : memref<6x16384xi32, #tpu.memory_space<hbm>> -> memref<1x512xi32, #tpu.memory_space<hbm>>
      %dma_start3A_23 = tpu.memref_squeeze %dma_start3A_22 : memref<1x512xi32, #tpu.memory_space<hbm>> -> memref<512xi32, #tpu.memory_space<hbm>>
      %dma_start3A_24 = arith.constant 0 : i32
      %dma_start3A_25 = tpu.memref_slice %arg7[%run_scoped3A_9, %dma_start3A_24] : memref<6x512xi32, #tpu.memory_space<vmem>> -> memref<1x512xi32, #tpu.memory_space<vmem>>
      %dma_start3A_26 = tpu.memref_squeeze %dma_start3A_25 : memref<1x512xi32, #tpu.memory_space<vmem>> -> memref<512xi32, #tpu.memory_space<vmem>>
      %dma_start3A_27 = tpu.memref_slice %arg4[%run_scoped3A_8, %mul3A_2] : memref<6x16384xi32, #tpu.memory_space<hbm>> -> memref<1x512xi32, #tpu.memory_space<hbm>>
      %dma_start3A_28 = tpu.memref_squeeze %dma_start3A_27 : memref<1x512xi32, #tpu.memory_space<hbm>> -> memref<512xi32, #tpu.memory_space<hbm>>
      tpu.enqueue_dma source(%dma_start3A_28 : memref<512xi32, #tpu.memory_space<hbm>>) target(%dma_start3A_26 : memref<512xi32, #tpu.memory_space<vmem>>) target_semaphore(%run_scoped3A_19 : memref<!tpu.dma_semaphore, #tpu.memory_space<semaphore_mem>>)
      %dma_wait3A = arith.constant 0 : i32
      %dma_wait3A_29 = tpu.memref_slice %arg7[%run_scoped3A_9, %dma_wait3A] : memref<6x512xi32, #tpu.memory_space<vmem>> -> memref<1x512xi32, #tpu.memory_space<vmem>>
      %dma_wait3A_30 = tpu.memref_squeeze %dma_wait3A_29 : memref<1x512xi32, #tpu.memory_space<vmem>> -> memref<512xi32, #tpu.memory_space<vmem>>
      %dma_wait3A_31 = tpu.memref_slice %arg4[%run_scoped3A_8, %mul3A_2] : memref<6x16384xi32, #tpu.memory_space<hbm>> -> memref<1x512xi32, #tpu.memory_space<hbm>>
      %dma_wait3A_32 = tpu.memref_squeeze %dma_wait3A_31 : memref<1x512xi32, #tpu.memory_space<hbm>> -> memref<512xi32, #tpu.memory_space<hbm>>
      %dma_wait3A_33 = arith.constant 0 : i32
      %dma_wait3A_34 = tpu.memref_slice %arg7[%run_scoped3A_9, %dma_wait3A_33] : memref<6x512xi32, #tpu.memory_space<vmem>> -> memref<1x512xi32, #tpu.memory_space<vmem>>
      %dma_wait3A_35 = tpu.memref_squeeze %dma_wait3A_34 : memref<1x512xi32, #tpu.memory_space<vmem>> -> memref<512xi32, #tpu.memory_space<vmem>>
      %dma_wait3A_36 = tpu.memref_slice %arg4[%run_scoped3A_8, %mul3A_2] : memref<6x16384xi32, #tpu.memory_space<hbm>> -> memref<1x512xi32, #tpu.memory_space<hbm>>
      %dma_wait3A_37 = tpu.memref_squeeze %dma_wait3A_36 : memref<1x512xi32, #tpu.memory_space<hbm>> -> memref<512xi32, #tpu.memory_space<hbm>>
      tpu.wait_dma2 semaphore(%run_scoped3A_19 : memref<!tpu.dma_semaphore, #tpu.memory_space<semaphore_mem>>) src(%dma_wait3A_37 : memref<512xi32, #tpu.memory_space<hbm>>) dst(%dma_wait3A_35 : memref<512xi32, #tpu.memory_space<vmem>>)
      tpu.yield
    }) : () -> ()
    %run_scoped3A_10 = arith.constant 4 : i32
    %run_scoped3A_11 = arith.constant 4 : i32
    "tpu.region"() ({
      %run_scoped3A_19 = tpu.sem_alloc : memref<!tpu.dma_semaphore, #tpu.memory_space<semaphore_mem>>
      %dma_start3A = arith.constant 0 : i32
      %dma_start3A_20 = tpu.memref_slice %arg7[%run_scoped3A_11, %dma_start3A] : memref<6x512xi32, #tpu.memory_space<vmem>> -> memref<1x512xi32, #tpu.memory_space<vmem>>
      %dma_start3A_21 = tpu.memref_squeeze %dma_start3A_20 : memref<1x512xi32, #tpu.memory_space<vmem>> -> memref<512xi32, #tpu.memory_space<vmem>>
      %dma_start3A_22 = tpu.memref_slice %arg4[%run_scoped3A_10, %mul3A_2] : memref<6x16384xi32, #tpu.memory_space<hbm>> -> memref<1x512xi32, #tpu.memory_space<hbm>>
      %dma_start3A_23 = tpu.memref_squeeze %dma_start3A_22 : memref<1x512xi32, #tpu.memory_space<hbm>> -> memref<512xi32, #tpu.memory_space<hbm>>
      %dma_start3A_24 = arith.constant 0 : i32
      %dma_start3A_25 = tpu.memref_slice %arg7[%run_scoped3A_11, %dma_start3A_24] : memref<6x512xi32, #tpu.memory_space<vmem>> -> memref<1x512xi32, #tpu.memory_space<vmem>>
      %dma_start3A_26 = tpu.memref_squeeze %dma_start3A_25 : memref<1x512xi32, #tpu.memory_space<vmem>> -> memref<512xi32, #tpu.memory_space<vmem>>
      %dma_start3A_27 = tpu.memref_slice %arg4[%run_scoped3A_10, %mul3A_2] : memref<6x16384xi32, #tpu.memory_space<hbm>> -> memref<1x512xi32, #tpu.memory_space<hbm>>
      %dma_start3A_28 = tpu.memref_squeeze %dma_start3A_27 : memref<1x512xi32, #tpu.memory_space<hbm>> -> memref<512xi32, #tpu.memory_space<hbm>>
      tpu.enqueue_dma source(%dma_start3A_28 : memref<512xi32, #tpu.memory_space<hbm>>) target(%dma_start3A_26 : memref<512xi32, #tpu.memory_space<vmem>>) target_semaphore(%run_scoped3A_19 : memref<!tpu.dma_semaphore, #tpu.memory_space<semaphore_mem>>)
      %dma_wait3A = arith.constant 0 : i32
      %dma_wait3A_29 = tpu.memref_slice %arg7[%run_scoped3A_11, %dma_wait3A] : memref<6x512xi32, #tpu.memory_space<vmem>> -> memref<1x512xi32, #tpu.memory_space<vmem>>
      %dma_wait3A_30 = tpu.memref_squeeze %dma_wait3A_29 : memref<1x512xi32, #tpu.memory_space<vmem>> -> memref<512xi32, #tpu.memory_space<vmem>>
      %dma_wait3A_31 = tpu.memref_slice %arg4[%run_scoped3A_10, %mul3A_2] : memref<6x16384xi32, #tpu.memory_space<hbm>> -> memref<1x512xi32, #tpu.memory_space<hbm>>
      %dma_wait3A_32 = tpu.memref_squeeze %dma_wait3A_31 : memref<1x512xi32, #tpu.memory_space<hbm>> -> memref<512xi32, #tpu.memory_space<hbm>>
      %dma_wait3A_33 = arith.constant 0 : i32
      %dma_wait3A_34 = tpu.memref_slice %arg7[%run_scoped3A_11, %dma_wait3A_33] : memref<6x512xi32, #tpu.memory_space<vmem>> -> memref<1x512xi32, #tpu.memory_space<vmem>>
      %dma_wait3A_35 = tpu.memref_squeeze %dma_wait3A_34 : memref<1x512xi32, #tpu.memory_space<vmem>> -> memref<512xi32, #tpu.memory_space<vmem>>
      %dma_wait3A_36 = tpu.memref_slice %arg4[%run_scoped3A_10, %mul3A_2] : memref<6x16384xi32, #tpu.memory_space<hbm>> -> memref<1x512xi32, #tpu.memory_space<hbm>>
      %dma_wait3A_37 = tpu.memref_squeeze %dma_wait3A_36 : memref<1x512xi32, #tpu.memory_space<hbm>> -> memref<512xi32, #tpu.memory_space<hbm>>
      tpu.wait_dma2 semaphore(%run_scoped3A_19 : memref<!tpu.dma_semaphore, #tpu.memory_space<semaphore_mem>>) src(%dma_wait3A_37 : memref<512xi32, #tpu.memory_space<hbm>>) dst(%dma_wait3A_35 : memref<512xi32, #tpu.memory_space<vmem>>)
      tpu.yield
    }) : () -> ()
    %run_scoped3A_12 = arith.constant 5 : i32
    %run_scoped3A_13 = arith.constant 5 : i32
    "tpu.region"() ({
      %run_scoped3A_19 = tpu.sem_alloc : memref<!tpu.dma_semaphore, #tpu.memory_space<semaphore_mem>>
      %dma_start3A = arith.constant 0 : i32
      %dma_start3A_20 = tpu.memref_slice %arg7[%run_scoped3A_13, %dma_start3A] : memref<6x512xi32, #tpu.memory_space<vmem>> -> memref<1x512xi32, #tpu.memory_space<vmem>>
      %dma_start3A_21 = tpu.memref_squeeze %dma_start3A_20 : memref<1x512xi32, #tpu.memory_space<vmem>> -> memref<512xi32, #tpu.memory_space<vmem>>
      %dma_start3A_22 = tpu.memref_slice %arg4[%run_scoped3A_12, %mul3A_2] : memref<6x16384xi32, #tpu.memory_space<hbm>> -> memref<1x512xi32, #tpu.memory_space<hbm>>
      %dma_start3A_23 = tpu.memref_squeeze %dma_start3A_22 : memref<1x512xi32, #tpu.memory_space<hbm>> -> memref<512xi32, #tpu.memory_space<hbm>>
      %dma_start3A_24 = arith.constant 0 : i32
      %dma_start3A_25 = tpu.memref_slice %arg7[%run_scoped3A_13, %dma_start3A_24] : memref<6x512xi32, #tpu.memory_space<vmem>> -> memref<1x512xi32, #tpu.memory_space<vmem>>
      %dma_start3A_26 = tpu.memref_squeeze %dma_start3A_25 : memref<1x512xi32, #tpu.memory_space<vmem>> -> memref<512xi32, #tpu.memory_space<vmem>>
      %dma_start3A_27 = tpu.memref_slice %arg4[%run_scoped3A_12, %mul3A_2] : memref<6x16384xi32, #tpu.memory_space<hbm>> -> memref<1x512xi32, #tpu.memory_space<hbm>>
      %dma_start3A_28 = tpu.memref_squeeze %dma_start3A_27 : memref<1x512xi32, #tpu.memory_space<hbm>> -> memref<512xi32, #tpu.memory_space<hbm>>
      tpu.enqueue_dma source(%dma_start3A_28 : memref<512xi32, #tpu.memory_space<hbm>>) target(%dma_start3A_26 : memref<512xi32, #tpu.memory_space<vmem>>) target_semaphore(%run_scoped3A_19 : memref<!tpu.dma_semaphore, #tpu.memory_space<semaphore_mem>>)
      %dma_wait3A = arith.constant 0 : i32
      %dma_wait3A_29 = tpu.memref_slice %arg7[%run_scoped3A_13, %dma_wait3A] : memref<6x512xi32, #tpu.memory_space<vmem>> -> memref<1x512xi32, #tpu.memory_space<vmem>>
      %dma_wait3A_30 = tpu.memref_squeeze %dma_wait3A_29 : memref<1x512xi32, #tpu.memory_space<vmem>> -> memref<512xi32, #tpu.memory_space<vmem>>
      %dma_wait3A_31 = tpu.memref_slice %arg4[%run_scoped3A_12, %mul3A_2] : memref<6x16384xi32, #tpu.memory_space<hbm>> -> memref<1x512xi32, #tpu.memory_space<hbm>>
      %dma_wait3A_32 = tpu.memref_squeeze %dma_wait3A_31 : memref<1x512xi32, #tpu.memory_space<hbm>> -> memref<512xi32, #tpu.memory_space<hbm>>
      %dma_wait3A_33 = arith.constant 0 : i32
      %dma_wait3A_34 = tpu.memref_slice %arg7[%run_scoped3A_13, %dma_wait3A_33] : memref<6x512xi32, #tpu.memory_space<vmem>> -> memref<1x512xi32, #tpu.memory_space<vmem>>
      %dma_wait3A_35 = tpu.memref_squeeze %dma_wait3A_34 : memref<1x512xi32, #tpu.memory_space<vmem>> -> memref<512xi32, #tpu.memory_space<vmem>>
      %dma_wait3A_36 = tpu.memref_slice %arg4[%run_scoped3A_12, %mul3A_2] : memref<6x16384xi32, #tpu.memory_space<hbm>> -> memref<1x512xi32, #tpu.memory_space<hbm>>
      %dma_wait3A_37 = tpu.memref_squeeze %dma_wait3A_36 : memref<1x512xi32, #tpu.memory_space<hbm>> -> memref<512xi32, #tpu.memory_space<hbm>>
      tpu.wait_dma2 semaphore(%run_scoped3A_19 : memref<!tpu.dma_semaphore, #tpu.memory_space<semaphore_mem>>) src(%dma_wait3A_37 : memref<512xi32, #tpu.memory_space<hbm>>) dst(%dma_wait3A_35 : memref<512xi32, #tpu.memory_space<vmem>>)
      tpu.yield
    }) : () -> ()
    %scan3A = arith.constant 0 : i32
    %scan3A_14 = arith.constant 0 : i32
    %scan3A_15 = arith.constant 6 : i32
    %scan3A_16 = arith.addi %scan3A_14, %scan3A_15 : i32
    %scan3A_17 = arith.constant 1 : i32
    scf.for %scan3A_19 = %scan3A_14 to %scan3A_16 step %scan3A_17  : i32 {
      %mul3A_20 = arith.constant 10 : i32
      %mul3A_21 = arith.muli %scan3A_19, %mul3A_20 : i32
      %scan3A_22 = arith.constant 0 : i32
      %scan3A_23 = arith.constant 0 : i32
      %scan3A_24 = arith.constant 32 : i32
      %scan3A_25 = arith.addi %scan3A_23, %scan3A_24 : i32
      %scan3A_26 = arith.constant 1 : i32
      scf.for %scan3A_536 = %scan3A_23 to %scan3A_25 step %scan3A_26  : i32 {
        %mul3A_537 = arith.constant 16 : i32
        %mul3A_538 = arith.muli %scan3A_536, %mul3A_537 : i32
        %get3A = arith.index_cast %mul3A_538 : i32 to index
        %get3A_539 = tpu.vector_load %arg6[%get3A] {strides = array<i32>} : memref<512xi32, #tpu.memory_space<vmem>>, vector<16xi32>,
        %get3A_540 = vector.shape_cast %get3A_539 : vector<16xi32> to vector<16xi32>
        %get3A_541 = arith.constant 0 : i32
        %get3A_542 = arith.index_cast %get3A_541 : i32 to index
        %get3A_543 = arith.index_cast %mul3A_538 : i32 to index
        %get3A_544 = tpu.vector_load %arg7[%get3A_542, %get3A_543] {strides = array<i32>} : memref<6x512xi32, #tpu.memory_space<vmem>>, vector<1x16xi32>,
        %get3A_545 = vector.shape_cast %get3A_544 : vector<1x16xi32> to vector<16xi32>
        %shift_right_logical3A = arith.constant 10 : i32
        %shift_right_logical3A_546 = vector.broadcast %shift_right_logical3A : i32 to vector<16xi32>
        %shift_right_logical3A_547 = arith.shrui %get3A_540, %shift_right_logical3A_546 : vector<16xi32>
        %shift_right_logical3A_548 = arith.constant 10 : i32
        %shift_right_logical3A_549 = vector.broadcast %shift_right_logical3A_548 : i32 to vector<16xi32>
        %shift_right_logical3A_550 = arith.shrui %get3A_545, %shift_right_logical3A_549 : vector<16xi32>
        %gt3A = arith.cmpi sgt, %shift_right_logical3A_547, %shift_right_logical3A_550 : vector<16xi32>
        %select_n3A = arith.select %gt3A, %get3A_545, %get3A_540 : vector<16xi1>, vector<16xi32>
        %select_n3A_551 = arith.select %gt3A, %get3A_540, %get3A_545 : vector<16xi1>, vector<16xi32>
        %shift_right_logical3A_552 = arith.constant 10 : i32
        %shift_right_logical3A_553 = vector.broadcast %shift_right_logical3A_552 : i32 to vector<16xi32>
        %shift_right_logical3A_554 = arith.shrui %select_n3A, %shift_right_logical3A_553 : vector<16xi32>
        %shift_right_logical3A_555 = arith.constant 10 : i32
        %shift_right_logical3A_556 = vector.broadcast %shift_right_logical3A_555 : i32 to vector<16xi32>
        %shift_right_logical3A_557 = arith.shrui %select_n3A_551, %shift_right_logical3A_556 : vector<16xi32>
        %mul3A_558 = arith.constant 9 : i32
        %mul3A_559 = vector.broadcast %mul3A_558 : i32 to vector<16xi32>
        %mul3A_560 = arith.muli %mul3A_559, %shift_right_logical3A_554 : vector<16xi32>
        %mul3A_561 = arith.muli %shift_right_logical3A_554, %shift_right_logical3A_554 : vector<16xi32>
        %sub3A = arith.subi %mul3A_560, %mul3A_561 : vector<16xi32>
        %shift_right_logical3A_562 = arith.constant 1 : i32
        %shift_right_logical3A_563 = vector.broadcast %shift_right_logical3A_562 : i32 to vector<16xi32>
        %shift_right_logical3A_564 = arith.shrui %sub3A, %shift_right_logical3A_563 : vector<16xi32>
        %add3A_565 = arith.addi %shift_right_logical3A_564, %shift_right_logical3A_557 : vector<16xi32>
        %sub3A_566 = arith.subi %add3A_565, %shift_right_logical3A_554 : vector<16xi32>
        %shift_right_logical3A_567 = arith.constant 8 : i32
        %shift_right_logical3A_568 = vector.broadcast %shift_right_logical3A_567 : i32 to vector<16xi32>
        %shift_right_logical3A_569 = arith.shrui %select_n3A_551, %shift_right_logical3A_568 : vector<16xi32>
        %and3A = arith.constant 3 : i32
        %and3A_570 = vector.broadcast %and3A : i32 to vector<16xi32>
        %and3A_571 = arith.andi %shift_right_logical3A_569, %and3A_570 : vector<16xi32>
        %add3A_572 = vector.broadcast %mul3A_21 : i32 to vector<16xi32>
        %add3A_573 = arith.addi %add3A_572, %sub3A_566 : vector<16xi32>
        %mul3A_574 = arith.constant 4 : i32
        %mul3A_575 = vector.broadcast %mul3A_574 : i32 to vector<16xi32>
        %mul3A_576 = arith.muli %add3A_573, %mul3A_575 : vector<16xi32>
        %add3A_577 = arith.addi %mul3A_576, %and3A_571 : vector<16xi32>
        %mul3A_578 = arith.constant 1024 : i32
        %mul3A_579 = vector.broadcast %mul3A_578 : i32 to vector<16xi32>
        %mul3A_580 = arith.muli %add3A_577, %mul3A_579 : vector<16xi32>
        %and3A_581 = arith.constant 1023 : i32
        %and3A_582 = vector.broadcast %and3A_581 : i32 to vector<16xi32>
        %and3A_583 = arith.andi %select_n3A, %and3A_582 : vector<16xi32>
        %add3A_584 = arith.addi %mul3A_580, %and3A_583 : vector<16xi32>
        %mul3A_585 = arith.constant 128 : i32
        %mul3A_586 = vector.broadcast %mul3A_585 : i32 to vector<16xi32>
        %mul3A_587 = arith.muli %add3A_584, %mul3A_586 : vector<16xi32>
        %and3A_588 = arith.constant 127 : i32
        %and3A_589 = vector.broadcast %and3A_588 : i32 to vector<16xi32>
        %and3A_590 = arith.andi %select_n3A_551, %and3A_589 : vector<16xi32>
        %add3A_591 = arith.addi %mul3A_587, %and3A_590 : vector<16xi32>
        %div3A = arith.constant 8 : i32
        %div3A_592 = arith.divsi %scan3A_536, %div3A : i32
        %rem3A = arith.constant 8 : i32
        %rem3A_593 = arith.remsi %scan3A_536, %rem3A : i32
        %add3A_594 = arith.constant 0 : i32
        %add3A_595 = arith.addi %add3A_594, %div3A_592 : i32
        %mul3A_596 = arith.constant 16 : i32
        %mul3A_597 = arith.muli %rem3A_593, %mul3A_596 : i32
        %swap3A = arith.index_cast %add3A_595 : i32 to index
        %swap3A_598 = arith.index_cast %mul3A_597 : i32 to index
        %swap3A_599 = tpu.vector_load %arg8[%swap3A, %swap3A_598] {strides = array<i32>} : memref<24x128xi32, #tpu.memory_space<vmem>>, vector<1x16xi32>,
        %swap3A_600 = vector.shape_cast %swap3A_599 : vector<1x16xi32> to vector<16xi32>
        %swap3A_601 = vector.shape_cast %add3A_591 : vector<16xi32> to vector<1x16xi32>
        tpu.vector_store %arg8[%swap3A, %swap3A_598], %swap3A_601 {strides = array<i32>} : memref<24x128xi32, #tpu.memory_space<vmem>>, vector<1x16xi32>,
      }
      %scan3A_27 = arith.constant 32 : i32
      %scan3A_28 = arith.constant 0 : i32
      %scan3A_29 = arith.constant 0 : i32
      %scan3A_30 = arith.constant 32 : i32
      %scan3A_31 = arith.addi %scan3A_29, %scan3A_30 : i32
      %scan3A_32 = arith.constant 1 : i32
      scf.for %scan3A_536 = %scan3A_29 to %scan3A_31 step %scan3A_32  : i32 {
        %mul3A_537 = arith.constant 16 : i32
        %mul3A_538 = arith.muli %scan3A_536, %mul3A_537 : i32
        %get3A = arith.index_cast %mul3A_538 : i32 to index
        %get3A_539 = tpu.vector_load %arg6[%get3A] {strides = array<i32>} : memref<512xi32, #tpu.memory_space<vmem>>, vector<16xi32>,
        %get3A_540 = vector.shape_cast %get3A_539 : vector<16xi32> to vector<16xi32>
        %get3A_541 = arith.constant 1 : i32
        %get3A_542 = arith.index_cast %get3A_541 : i32 to index
        %get3A_543 = arith.index_cast %mul3A_538 : i32 to index
        %get3A_544 = tpu.vector_load %arg7[%get3A_542, %get3A_543] {strides = array<i32>} : memref<6x512xi32, #tpu.memory_space<vmem>>, vector<1x16xi32>,
        %get3A_545 = vector.shape_cast %get3A_544 : vector<1x16xi32> to vector<16xi32>
        %shift_right_logical3A = arith.constant 10 : i32
        %shift_right_logical3A_546 = vector.broadcast %shift_right_logical3A : i32 to vector<16xi32>
        %shift_right_logical3A_547 = arith.shrui %get3A_540, %shift_right_logical3A_546 : vector<16xi32>
        %shift_right_logical3A_548 = arith.constant 10 : i32
        %shift_right_logical3A_549 = vector.broadcast %shift_right_logical3A_548 : i32 to vector<16xi32>
        %shift_right_logical3A_550 = arith.shrui %get3A_545, %shift_right_logical3A_549 : vector<16xi32>
        %gt3A = arith.cmpi sgt, %shift_right_logical3A_547, %shift_right_logical3A_550 : vector<16xi32>
        %select_n3A = arith.select %gt3A, %get3A_545, %get3A_540 : vector<16xi1>, vector<16xi32>
        %select_n3A_551 = arith.select %gt3A, %get3A_540, %get3A_545 : vector<16xi1>, vector<16xi32>
        %shift_right_logical3A_552 = arith.constant 10 : i32
        %shift_right_logical3A_553 = vector.broadcast %shift_right_logical3A_552 : i32 to vector<16xi32>
        %shift_right_logical3A_554 = arith.shrui %select_n3A, %shift_right_logical3A_553 : vector<16xi32>
        %shift_right_logical3A_555 = arith.constant 10 : i32
        %shift_right_logical3A_556 = vector.broadcast %shift_right_logical3A_555 : i32 to vector<16xi32>
        %shift_right_logical3A_557 = arith.shrui %select_n3A_551, %shift_right_logical3A_556 : vector<16xi32>
        %mul3A_558 = arith.constant 9 : i32
        %mul3A_559 = vector.broadcast %mul3A_558 : i32 to vector<16xi32>
        %mul3A_560 = arith.muli %mul3A_559, %shift_right_logical3A_554 : vector<16xi32>
        %mul3A_561 = arith.muli %shift_right_logical3A_554, %shift_right_logical3A_554 : vector<16xi32>
        %sub3A = arith.subi %mul3A_560, %mul3A_561 : vector<16xi32>
        %shift_right_logical3A_562 = arith.constant 1 : i32
        %shift_right_logical3A_563 = vector.broadcast %shift_right_logical3A_562 : i32 to vector<16xi32>
        %shift_right_logical3A_564 = arith.shrui %sub3A, %shift_right_logical3A_563 : vector<16xi32>
        %add3A_565 = arith.addi %shift_right_logical3A_564, %shift_right_logical3A_557 : vector<16xi32>
        %sub3A_566 = arith.subi %add3A_565, %shift_right_logical3A_554 : vector<16xi32>
        %shift_right_logical3A_567 = arith.constant 8 : i32
        %shift_right_logical3A_568 = vector.broadcast %shift_right_logical3A_567 : i32 to vector<16xi32>
        %shift_right_logical3A_569 = arith.shrui %select_n3A_551, %shift_right_logical3A_568 : vector<16xi32>
        %and3A = arith.constant 3 : i32
        %and3A_570 = vector.broadcast %and3A : i32 to vector<16xi32>
        %and3A_571 = arith.andi %shift_right_logical3A_569, %and3A_570 : vector<16xi32>
        %add3A_572 = vector.broadcast %mul3A_21 : i32 to vector<16xi32>
        %add3A_573 = arith.addi %add3A_572, %sub3A_566 : vector<16xi32>
        %mul3A_574 = arith.constant 4 : i32
        %mul3A_575 = vector.broadcast %mul3A_574 : i32 to vector<16xi32>
        %mul3A_576 = arith.muli %add3A_573, %mul3A_575 : vector<16xi32>
        %add3A_577 = arith.addi %mul3A_576, %and3A_571 : vector<16xi32>
        %mul3A_578 = arith.constant 1024 : i32
        %mul3A_579 = vector.broadcast %mul3A_578 : i32 to vector<16xi32>
        %mul3A_580 = arith.muli %add3A_577, %mul3A_579 : vector<16xi32>
        %and3A_581 = arith.constant 1023 : i32
        %and3A_582 = vector.broadcast %and3A_581 : i32 to vector<16xi32>
        %and3A_583 = arith.andi %select_n3A, %and3A_582 : vector<16xi32>
        %add3A_584 = arith.addi %mul3A_580, %and3A_583 : vector<16xi32>
        %mul3A_585 = arith.constant 128 : i32
        %mul3A_586 = vector.broadcast %mul3A_585 : i32 to vector<16xi32>
        %mul3A_587 = arith.muli %add3A_584, %mul3A_586 : vector<16xi32>
        %and3A_588 = arith.constant 127 : i32
        %and3A_589 = vector.broadcast %and3A_588 : i32 to vector<16xi32>
        %and3A_590 = arith.andi %select_n3A_551, %and3A_589 : vector<16xi32>
        %add3A_591 = arith.addi %mul3A_587, %and3A_590 : vector<16xi32>
        %div3A = arith.constant 8 : i32
        %div3A_592 = arith.divsi %scan3A_536, %div3A : i32
        %rem3A = arith.constant 8 : i32
        %rem3A_593 = arith.remsi %scan3A_536, %rem3A : i32
        %add3A_594 = arith.constant 4 : i32
        %add3A_595 = arith.addi %add3A_594, %div3A_592 : i32
        %mul3A_596 = arith.constant 16 : i32
        %mul3A_597 = arith.muli %rem3A_593, %mul3A_596 : i32
        %swap3A = arith.index_cast %add3A_595 : i32 to index
        %swap3A_598 = arith.index_cast %mul3A_597 : i32 to index
        %swap3A_599 = tpu.vector_load %arg8[%swap3A, %swap3A_598] {strides = array<i32>} : memref<24x128xi32, #tpu.memory_space<vmem>>, vector<1x16xi32>,
        %swap3A_600 = vector.shape_cast %swap3A_599 : vector<1x16xi32> to vector<16xi32>
        %swap3A_601 = vector.shape_cast %add3A_591 : vector<16xi32> to vector<1x16xi32>
        tpu.vector_store %arg8[%swap3A, %swap3A_598], %swap3A_601 {strides = array<i32>} : memref<24x128xi32, #tpu.memory_space<vmem>>, vector<1x16xi32>,
      }
      %scan3A_33 = arith.constant 32 : i32
      %scan3A_34 = arith.constant 0 : i32
      %scan3A_35 = arith.constant 0 : i32
      %scan3A_36 = arith.constant 32 : i32
      %scan3A_37 = arith.addi %scan3A_35, %scan3A_36 : i32
      %scan3A_38 = arith.constant 1 : i32
      scf.for %scan3A_536 = %scan3A_35 to %scan3A_37 step %scan3A_38  : i32 {
        %mul3A_537 = arith.constant 16 : i32
        %mul3A_538 = arith.muli %scan3A_536, %mul3A_537 : i32
        %get3A = arith.index_cast %mul3A_538 : i32 to index
        %get3A_539 = tpu.vector_load %arg6[%get3A] {strides = array<i32>} : memref<512xi32, #tpu.memory_space<vmem>>, vector<16xi32>,
        %get3A_540 = vector.shape_cast %get3A_539 : vector<16xi32> to vector<16xi32>
        %get3A_541 = arith.constant 2 : i32
        %get3A_542 = arith.index_cast %get3A_541 : i32 to index
        %get3A_543 = arith.index_cast %mul3A_538 : i32 to index
        %get3A_544 = tpu.vector_load %arg7[%get3A_542, %get3A_543] {strides = array<i32>} : memref<6x512xi32, #tpu.memory_space<vmem>>, vector<1x16xi32>,
        %get3A_545 = vector.shape_cast %get3A_544 : vector<1x16xi32> to vector<16xi32>
        %shift_right_logical3A = arith.constant 10 : i32
        %shift_right_logical3A_546 = vector.broadcast %shift_right_logical3A : i32 to vector<16xi32>
        %shift_right_logical3A_547 = arith.shrui %get3A_540, %shift_right_logical3A_546 : vector<16xi32>
        %shift_right_logical3A_548 = arith.constant 10 : i32
        %shift_right_logical3A_549 = vector.broadcast %shift_right_logical3A_548 : i32 to vector<16xi32>
        %shift_right_logical3A_550 = arith.shrui %get3A_545, %shift_right_logical3A_549 : vector<16xi32>
        %gt3A = arith.cmpi sgt, %shift_right_logical3A_547, %shift_right_logical3A_550 : vector<16xi32>
        %select_n3A = arith.select %gt3A, %get3A_545, %get3A_540 : vector<16xi1>, vector<16xi32>
        %select_n3A_551 = arith.select %gt3A, %get3A_540, %get3A_545 : vector<16xi1>, vector<16xi32>
        %shift_right_logical3A_552 = arith.constant 10 : i32
        %shift_right_logical3A_553 = vector.broadcast %shift_right_logical3A_552 : i32 to vector<16xi32>
        %shift_right_logical3A_554 = arith.shrui %select_n3A, %shift_right_logical3A_553 : vector<16xi32>
        %shift_right_logical3A_555 = arith.constant 10 : i32
        %shift_right_logical3A_556 = vector.broadcast %shift_right_logical3A_555 : i32 to vector<16xi32>
        %shift_right_logical3A_557 = arith.shrui %select_n3A_551, %shift_right_logical3A_556 : vector<16xi32>
        %mul3A_558 = arith.constant 9 : i32
        %mul3A_559 = vector.broadcast %mul3A_558 : i32 to vector<16xi32>
        %mul3A_560 = arith.muli %mul3A_559, %shift_right_logical3A_554 : vector<16xi32>
        %mul3A_561 = arith.muli %shift_right_logical3A_554, %shift_right_logical3A_554 : vector<16xi32>
        %sub3A = arith.subi %mul3A_560, %mul3A_561 : vector<16xi32>
        %shift_right_logical3A_562 = arith.constant 1 : i32
        %shift_right_logical3A_563 = vector.broadcast %shift_right_logical3A_562 : i32 to vector<16xi32>
        %shift_right_logical3A_564 = arith.shrui %sub3A, %shift_right_logical3A_563 : vector<16xi32>
        %add3A_565 = arith.addi %shift_right_logical3A_564, %shift_right_logical3A_557 : vector<16xi32>
        %sub3A_566 = arith.subi %add3A_565, %shift_right_logical3A_554 : vector<16xi32>
        %shift_right_logical3A_567 = arith.constant 8 : i32
        %shift_right_logical3A_568 = vector.broadcast %shift_right_logical3A_567 : i32 to vector<16xi32>
        %shift_right_logical3A_569 = arith.shrui %select_n3A_551, %shift_right_logical3A_568 : vector<16xi32>
        %and3A = arith.constant 3 : i32
        %and3A_570 = vector.broadcast %and3A : i32 to vector<16xi32>
        %and3A_571 = arith.andi %shift_right_logical3A_569, %and3A_570 : vector<16xi32>
        %add3A_572 = vector.broadcast %mul3A_21 : i32 to vector<16xi32>
        %add3A_573 = arith.addi %add3A_572, %sub3A_566 : vector<16xi32>
        %mul3A_574 = arith.constant 4 : i32
        %mul3A_575 = vector.broadcast %mul3A_574 : i32 to vector<16xi32>
        %mul3A_576 = arith.muli %add3A_573, %mul3A_575 : vector<16xi32>
        %add3A_577 = arith.addi %mul3A_576, %and3A_571 : vector<16xi32>
        %mul3A_578 = arith.constant 1024 : i32
        %mul3A_579 = vector.broadcast %mul3A_578 : i32 to vector<16xi32>
        %mul3A_580 = arith.muli %add3A_577, %mul3A_579 : vector<16xi32>
        %and3A_581 = arith.constant 1023 : i32
        %and3A_582 = vector.broadcast %and3A_581 : i32 to vector<16xi32>
        %and3A_583 = arith.andi %select_n3A, %and3A_582 : vector<16xi32>
        %add3A_584 = arith.addi %mul3A_580, %and3A_583 : vector<16xi32>
        %mul3A_585 = arith.constant 128 : i32
        %mul3A_586 = vector.broadcast %mul3A_585 : i32 to vector<16xi32>
        %mul3A_587 = arith.muli %add3A_584, %mul3A_586 : vector<16xi32>
        %and3A_588 = arith.constant 127 : i32
        %and3A_589 = vector.broadcast %and3A_588 : i32 to vector<16xi32>
        %and3A_590 = arith.andi %select_n3A_551, %and3A_589 : vector<16xi32>
        %add3A_591 = arith.addi %mul3A_587, %and3A_590 : vector<16xi32>
        %div3A = arith.constant 8 : i32
        %div3A_592 = arith.divsi %scan3A_536, %div3A : i32
        %rem3A = arith.constant 8 : i32
        %rem3A_593 = arith.remsi %scan3A_536, %rem3A : i32
        %add3A_594 = arith.constant 8 : i32
        %add3A_595 = arith.addi %add3A_594, %div3A_592 : i32
        %mul3A_596 = arith.constant 16 : i32
        %mul3A_597 = arith.muli %rem3A_593, %mul3A_596 : i32
        %swap3A = arith.index_cast %add3A_595 : i32 to index
        %swap3A_598 = arith.index_cast %mul3A_597 : i32 to index
        %swap3A_599 = tpu.vector_load %arg8[%swap3A, %swap3A_598] {strides = array<i32>} : memref<24x128xi32, #tpu.memory_space<vmem>>, vector<1x16xi32>,
        %swap3A_600 = vector.shape_cast %swap3A_599 : vector<1x16xi32> to vector<16xi32>
        %swap3A_601 = vector.shape_cast %add3A_591 : vector<16xi32> to vector<1x16xi32>
        tpu.vector_store %arg8[%swap3A, %swap3A_598], %swap3A_601 {strides = array<i32>} : memref<24x128xi32, #tpu.memory_space<vmem>>, vector<1x16xi32>,
      }
      %scan3A_39 = arith.constant 32 : i32
      %scan3A_40 = arith.constant 0 : i32
      %scan3A_41 = arith.constant 0 : i32
      %scan3A_42 = arith.constant 32 : i32
      %scan3A_43 = arith.addi %scan3A_41, %scan3A_42 : i32
      %scan3A_44 = arith.constant 1 : i32
      scf.for %scan3A_536 = %scan3A_41 to %scan3A_43 step %scan3A_44  : i32 {
        %mul3A_537 = arith.constant 16 : i32
        %mul3A_538 = arith.muli %scan3A_536, %mul3A_537 : i32
        %get3A = arith.index_cast %mul3A_538 : i32 to index
        %get3A_539 = tpu.vector_load %arg6[%get3A] {strides = array<i32>} : memref<512xi32, #tpu.memory_space<vmem>>, vector<16xi32>,
        %get3A_540 = vector.shape_cast %get3A_539 : vector<16xi32> to vector<16xi32>
        %get3A_541 = arith.constant 3 : i32
        %get3A_542 = arith.index_cast %get3A_541 : i32 to index
        %get3A_543 = arith.index_cast %mul3A_538 : i32 to index
        %get3A_544 = tpu.vector_load %arg7[%get3A_542, %get3A_543] {strides = array<i32>} : memref<6x512xi32, #tpu.memory_space<vmem>>, vector<1x16xi32>,
        %get3A_545 = vector.shape_cast %get3A_544 : vector<1x16xi32> to vector<16xi32>
        %shift_right_logical3A = arith.constant 10 : i32
        %shift_right_logical3A_546 = vector.broadcast %shift_right_logical3A : i32 to vector<16xi32>
        %shift_right_logical3A_547 = arith.shrui %get3A_540, %shift_right_logical3A_546 : vector<16xi32>
        %shift_right_logical3A_548 = arith.constant 10 : i32
        %shift_right_logical3A_549 = vector.broadcast %shift_right_logical3A_548 : i32 to vector<16xi32>
        %shift_right_logical3A_550 = arith.shrui %get3A_545, %shift_right_logical3A_549 : vector<16xi32>
        %gt3A = arith.cmpi sgt, %shift_right_logical3A_547, %shift_right_logical3A_550 : vector<16xi32>
        %select_n3A = arith.select %gt3A, %get3A_545, %get3A_540 : vector<16xi1>, vector<16xi32>
        %select_n3A_551 = arith.select %gt3A, %get3A_540, %get3A_545 : vector<16xi1>, vector<16xi32>
        %shift_right_logical3A_552 = arith.constant 10 : i32
        %shift_right_logical3A_553 = vector.broadcast %shift_right_logical3A_552 : i32 to vector<16xi32>
        %shift_right_logical3A_554 = arith.shrui %select_n3A, %shift_right_logical3A_553 : vector<16xi32>
        %shift_right_logical3A_555 = arith.constant 10 : i32
        %shift_right_logical3A_556 = vector.broadcast %shift_right_logical3A_555 : i32 to vector<16xi32>
        %shift_right_logical3A_557 = arith.shrui %select_n3A_551, %shift_right_logical3A_556 : vector<16xi32>
        %mul3A_558 = arith.constant 9 : i32
        %mul3A_559 = vector.broadcast %mul3A_558 : i32 to vector<16xi32>
        %mul3A_560 = arith.muli %mul3A_559, %shift_right_logical3A_554 : vector<16xi32>
        %mul3A_561 = arith.muli %shift_right_logical3A_554, %shift_right_logical3A_554 : vector<16xi32>
        %sub3A = arith.subi %mul3A_560, %mul3A_561 : vector<16xi32>
        %shift_right_logical3A_562 = arith.constant 1 : i32
        %shift_right_logical3A_563 = vector.broadcast %shift_right_logical3A_562 : i32 to vector<16xi32>
        %shift_right_logical3A_564 = arith.shrui %sub3A, %shift_right_logical3A_563 : vector<16xi32>
        %add3A_565 = arith.addi %shift_right_logical3A_564, %shift_right_logical3A_557 : vector<16xi32>
        %sub3A_566 = arith.subi %add3A_565, %shift_right_logical3A_554 : vector<16xi32>
        %shift_right_logical3A_567 = arith.constant 8 : i32
        %shift_right_logical3A_568 = vector.broadcast %shift_right_logical3A_567 : i32 to vector<16xi32>
        %shift_right_logical3A_569 = arith.shrui %select_n3A_551, %shift_right_logical3A_568 : vector<16xi32>
        %and3A = arith.constant 3 : i32
        %and3A_570 = vector.broadcast %and3A : i32 to vector<16xi32>
        %and3A_571 = arith.andi %shift_right_logical3A_569, %and3A_570 : vector<16xi32>
        %add3A_572 = vector.broadcast %mul3A_21 : i32 to vector<16xi32>
        %add3A_573 = arith.addi %add3A_572, %sub3A_566 : vector<16xi32>
        %mul3A_574 = arith.constant 4 : i32
        %mul3A_575 = vector.broadcast %mul3A_574 : i32 to vector<16xi32>
        %mul3A_576 = arith.muli %add3A_573, %mul3A_575 : vector<16xi32>
        %add3A_577 = arith.addi %mul3A_576, %and3A_571 : vector<16xi32>
        %mul3A_578 = arith.constant 1024 : i32
        %mul3A_579 = vector.broadcast %mul3A_578 : i32 to vector<16xi32>
        %mul3A_580 = arith.muli %add3A_577, %mul3A_579 : vector<16xi32>
        %and3A_581 = arith.constant 1023 : i32
        %and3A_582 = vector.broadcast %and3A_581 : i32 to vector<16xi32>
        %and3A_583 = arith.andi %select_n3A, %and3A_582 : vector<16xi32>
        %add3A_584 = arith.addi %mul3A_580, %and3A_583 : vector<16xi32>
        %mul3A_585 = arith.constant 128 : i32
        %mul3A_586 = vector.broadcast %mul3A_585 : i32 to vector<16xi32>
        %mul3A_587 = arith.muli %add3A_584, %mul3A_586 : vector<16xi32>
        %and3A_588 = arith.constant 127 : i32
        %and3A_589 = vector.broadcast %and3A_588 : i32 to vector<16xi32>
        %and3A_590 = arith.andi %select_n3A_551, %and3A_589 : vector<16xi32>
        %add3A_591 = arith.addi %mul3A_587, %and3A_590 : vector<16xi32>
        %div3A = arith.constant 8 : i32
        %div3A_592 = arith.divsi %scan3A_536, %div3A : i32
        %rem3A = arith.constant 8 : i32
        %rem3A_593 = arith.remsi %scan3A_536, %rem3A : i32
        %add3A_594 = arith.constant 12 : i32
        %add3A_595 = arith.addi %add3A_594, %div3A_592 : i32
        %mul3A_596 = arith.constant 16 : i32
        %mul3A_597 = arith.muli %rem3A_593, %mul3A_596 : i32
        %swap3A = arith.index_cast %add3A_595 : i32 to index
        %swap3A_598 = arith.index_cast %mul3A_597 : i32 to index
        %swap3A_599 = tpu.vector_load %arg8[%swap3A, %swap3A_598] {strides = array<i32>} : memref<24x128xi32, #tpu.memory_space<vmem>>, vector<1x16xi32>,
        %swap3A_600 = vector.shape_cast %swap3A_599 : vector<1x16xi32> to vector<16xi32>
        %swap3A_601 = vector.shape_cast %add3A_591 : vector<16xi32> to vector<1x16xi32>
        tpu.vector_store %arg8[%swap3A, %swap3A_598], %swap3A_601 {strides = array<i32>} : memref<24x128xi32, #tpu.memory_space<vmem>>, vector<1x16xi32>,
      }
      %scan3A_45 = arith.constant 32 : i32
      %scan3A_46 = arith.constant 0 : i32
      %scan3A_47 = arith.constant 0 : i32
      %scan3A_48 = arith.constant 32 : i32
      %scan3A_49 = arith.addi %scan3A_47, %scan3A_48 : i32
      %scan3A_50 = arith.constant 1 : i32
      scf.for %scan3A_536 = %scan3A_47 to %scan3A_49 step %scan3A_50  : i32 {
        %mul3A_537 = arith.constant 16 : i32
        %mul3A_538 = arith.muli %scan3A_536, %mul3A_537 : i32
        %get3A = arith.index_cast %mul3A_538 : i32 to index
        %get3A_539 = tpu.vector_load %arg6[%get3A] {strides = array<i32>} : memref<512xi32, #tpu.memory_space<vmem>>, vector<16xi32>,
        %get3A_540 = vector.shape_cast %get3A_539 : vector<16xi32> to vector<16xi32>
        %get3A_541 = arith.constant 4 : i32
        %get3A_542 = arith.index_cast %get3A_541 : i32 to index
        %get3A_543 = arith.index_cast %mul3A_538 : i32 to index
        %get3A_544 = tpu.vector_load %arg7[%get3A_542, %get3A_543] {strides = array<i32>} : memref<6x512xi32, #tpu.memory_space<vmem>>, vector<1x16xi32>,
        %get3A_545 = vector.shape_cast %get3A_544 : vector<1x16xi32> to vector<16xi32>
        %shift_right_logical3A = arith.constant 10 : i32
        %shift_right_logical3A_546 = vector.broadcast %shift_right_logical3A : i32 to vector<16xi32>
        %shift_right_logical3A_547 = arith.shrui %get3A_540, %shift_right_logical3A_546 : vector<16xi32>
        %shift_right_logical3A_548 = arith.constant 10 : i32
        %shift_right_logical3A_549 = vector.broadcast %shift_right_logical3A_548 : i32 to vector<16xi32>
        %shift_right_logical3A_550 = arith.shrui %get3A_545, %shift_right_logical3A_549 : vector<16xi32>
        %gt3A = arith.cmpi sgt, %shift_right_logical3A_547, %shift_right_logical3A_550 : vector<16xi32>
        %select_n3A = arith.select %gt3A, %get3A_545, %get3A_540 : vector<16xi1>, vector<16xi32>
        %select_n3A_551 = arith.select %gt3A, %get3A_540, %get3A_545 : vector<16xi1>, vector<16xi32>
        %shift_right_logical3A_552 = arith.constant 10 : i32
        %shift_right_logical3A_553 = vector.broadcast %shift_right_logical3A_552 : i32 to vector<16xi32>
        %shift_right_logical3A_554 = arith.shrui %select_n3A, %shift_right_logical3A_553 : vector<16xi32>
        %shift_right_logical3A_555 = arith.constant 10 : i32
        %shift_right_logical3A_556 = vector.broadcast %shift_right_logical3A_555 : i32 to vector<16xi32>
        %shift_right_logical3A_557 = arith.shrui %select_n3A_551, %shift_right_logical3A_556 : vector<16xi32>
        %mul3A_558 = arith.constant 9 : i32
        %mul3A_559 = vector.broadcast %mul3A_558 : i32 to vector<16xi32>
        %mul3A_560 = arith.muli %mul3A_559, %shift_right_logical3A_554 : vector<16xi32>
        %mul3A_561 = arith.muli %shift_right_logical3A_554, %shift_right_logical3A_554 : vector<16xi32>
        %sub3A = arith.subi %mul3A_560, %mul3A_561 : vector<16xi32>
        %shift_right_logical3A_562 = arith.constant 1 : i32
        %shift_right_logical3A_563 = vector.broadcast %shift_right_logical3A_562 : i32 to vector<16xi32>
        %shift_right_logical3A_564 = arith.shrui %sub3A, %shift_right_logical3A_563 : vector<16xi32>
        %add3A_565 = arith.addi %shift_right_logical3A_564, %shift_right_logical3A_557 : vector<16xi32>
        %sub3A_566 = arith.subi %add3A_565, %shift_right_logical3A_554 : vector<16xi32>
        %shift_right_logical3A_567 = arith.constant 8 : i32
        %shift_right_logical3A_568 = vector.broadcast %shift_right_logical3A_567 : i32 to vector<16xi32>
        %shift_right_logical3A_569 = arith.shrui %select_n3A_551, %shift_right_logical3A_568 : vector<16xi32>
        %and3A = arith.constant 3 : i32
        %and3A_570 = vector.broadcast %and3A : i32 to vector<16xi32>
        %and3A_571 = arith.andi %shift_right_logical3A_569, %and3A_570 : vector<16xi32>
        %add3A_572 = vector.broadcast %mul3A_21 : i32 to vector<16xi32>
        %add3A_573 = arith.addi %add3A_572, %sub3A_566 : vector<16xi32>
        %mul3A_574 = arith.constant 4 : i32
        %mul3A_575 = vector.broadcast %mul3A_574 : i32 to vector<16xi32>
        %mul3A_576 = arith.muli %add3A_573, %mul3A_575 : vector<16xi32>
        %add3A_577 = arith.addi %mul3A_576, %and3A_571 : vector<16xi32>
        %mul3A_578 = arith.constant 1024 : i32
        %mul3A_579 = vector.broadcast %mul3A_578 : i32 to vector<16xi32>
        %mul3A_580 = arith.muli %add3A_577, %mul3A_579 : vector<16xi32>
        %and3A_581 = arith.constant 1023 : i32
        %and3A_582 = vector.broadcast %and3A_581 : i32 to vector<16xi32>
        %and3A_583 = arith.andi %select_n3A, %and3A_582 : vector<16xi32>
        %add3A_584 = arith.addi %mul3A_580, %and3A_583 : vector<16xi32>
        %mul3A_585 = arith.constant 128 : i32
        %mul3A_586 = vector.broadcast %mul3A_585 : i32 to vector<16xi32>
        %mul3A_587 = arith.muli %add3A_584, %mul3A_586 : vector<16xi32>
        %and3A_588 = arith.constant 127 : i32
        %and3A_589 = vector.broadcast %and3A_588 : i32 to vector<16xi32>
        %and3A_590 = arith.andi %select_n3A_551, %and3A_589 : vector<16xi32>
        %add3A_591 = arith.addi %mul3A_587, %and3A_590 : vector<16xi32>
        %div3A = arith.constant 8 : i32
        %div3A_592 = arith.divsi %scan3A_536, %div3A : i32
        %rem3A = arith.constant 8 : i32
        %rem3A_593 = arith.remsi %scan3A_536, %rem3A : i32
        %add3A_594 = arith.constant 16 : i32
        %add3A_595 = arith.addi %add3A_594, %div3A_592 : i32
        %mul3A_596 = arith.constant 16 : i32
        %mul3A_597 = arith.muli %rem3A_593, %mul3A_596 : i32
        %swap3A = arith.index_cast %add3A_595 : i32 to index
        %swap3A_598 = arith.index_cast %mul3A_597 : i32 to index
        %swap3A_599 = tpu.vector_load %arg8[%swap3A, %swap3A_598] {strides = array<i32>} : memref<24x128xi32, #tpu.memory_space<vmem>>, vector<1x16xi32>,
        %swap3A_600 = vector.shape_cast %swap3A_599 : vector<1x16xi32> to vector<16xi32>
        %swap3A_601 = vector.shape_cast %add3A_591 : vector<16xi32> to vector<1x16xi32>
        tpu.vector_store %arg8[%swap3A, %swap3A_598], %swap3A_601 {strides = array<i32>} : memref<24x128xi32, #tpu.memory_space<vmem>>, vector<1x16xi32>,
      }
      %scan3A_51 = arith.constant 32 : i32
      %scan3A_52 = arith.constant 0 : i32
      %scan3A_53 = arith.constant 0 : i32
      %scan3A_54 = arith.constant 32 : i32
      %scan3A_55 = arith.addi %scan3A_53, %scan3A_54 : i32
      %scan3A_56 = arith.constant 1 : i32
      scf.for %scan3A_536 = %scan3A_53 to %scan3A_55 step %scan3A_56  : i32 {
        %mul3A_537 = arith.constant 16 : i32
        %mul3A_538 = arith.muli %scan3A_536, %mul3A_537 : i32
        %get3A = arith.index_cast %mul3A_538 : i32 to index
        %get3A_539 = tpu.vector_load %arg6[%get3A] {strides = array<i32>} : memref<512xi32, #tpu.memory_space<vmem>>, vector<16xi32>,
        %get3A_540 = vector.shape_cast %get3A_539 : vector<16xi32> to vector<16xi32>
        %get3A_541 = arith.constant 5 : i32
        %get3A_542 = arith.index_cast %get3A_541 : i32 to index
        %get3A_543 = arith.index_cast %mul3A_538 : i32 to index
        %get3A_544 = tpu.vector_load %arg7[%get3A_542, %get3A_543] {strides = array<i32>} : memref<6x512xi32, #tpu.memory_space<vmem>>, vector<1x16xi32>,
        %get3A_545 = vector.shape_cast %get3A_544 : vector<1x16xi32> to vector<16xi32>
        %shift_right_logical3A = arith.constant 10 : i32
        %shift_right_logical3A_546 = vector.broadcast %shift_right_logical3A : i32 to vector<16xi32>
        %shift_right_logical3A_547 = arith.shrui %get3A_540, %shift_right_logical3A_546 : vector<16xi32>
        %shift_right_logical3A_548 = arith.constant 10 : i32
        %shift_right_logical3A_549 = vector.broadcast %shift_right_logical3A_548 : i32 to vector<16xi32>
        %shift_right_logical3A_550 = arith.shrui %get3A_545, %shift_right_logical3A_549 : vector<16xi32>
        %gt3A = arith.cmpi sgt, %shift_right_logical3A_547, %shift_right_logical3A_550 : vector<16xi32>
        %select_n3A = arith.select %gt3A, %get3A_545, %get3A_540 : vector<16xi1>, vector<16xi32>
        %select_n3A_551 = arith.select %gt3A, %get3A_540, %get3A_545 : vector<16xi1>, vector<16xi32>
        %shift_right_logical3A_552 = arith.constant 10 : i32
        %shift_right_logical3A_553 = vector.broadcast %shift_right_logical3A_552 : i32 to vector<16xi32>
        %shift_right_logical3A_554 = arith.shrui %select_n3A, %shift_right_logical3A_553 : vector<16xi32>
        %shift_right_logical3A_555 = arith.constant 10 : i32
        %shift_right_logical3A_556 = vector.broadcast %shift_right_logical3A_555 : i32 to vector<16xi32>
        %shift_right_logical3A_557 = arith.shrui %select_n3A_551, %shift_right_logical3A_556 : vector<16xi32>
        %mul3A_558 = arith.constant 9 : i32
        %mul3A_559 = vector.broadcast %mul3A_558 : i32 to vector<16xi32>
        %mul3A_560 = arith.muli %mul3A_559, %shift_right_logical3A_554 : vector<16xi32>
        %mul3A_561 = arith.muli %shift_right_logical3A_554, %shift_right_logical3A_554 : vector<16xi32>
        %sub3A = arith.subi %mul3A_560, %mul3A_561 : vector<16xi32>
        %shift_right_logical3A_562 = arith.constant 1 : i32
        %shift_right_logical3A_563 = vector.broadcast %shift_right_logical3A_562 : i32 to vector<16xi32>
        %shift_right_logical3A_564 = arith.shrui %sub3A, %shift_right_logical3A_563 : vector<16xi32>
        %add3A_565 = arith.addi %shift_right_logical3A_564, %shift_right_logical3A_557 : vector<16xi32>
        %sub3A_566 = arith.subi %add3A_565, %shift_right_logical3A_554 : vector<16xi32>
        %shift_right_logical3A_567 = arith.constant 8 : i32
        %shift_right_logical3A_568 = vector.broadcast %shift_right_logical3A_567 : i32 to vector<16xi32>
        %shift_right_logical3A_569 = arith.shrui %select_n3A_551, %shift_right_logical3A_568 : vector<16xi32>
        %and3A = arith.constant 3 : i32
        %and3A_570 = vector.broadcast %and3A : i32 to vector<16xi32>
        %and3A_571 = arith.andi %shift_right_logical3A_569, %and3A_570 : vector<16xi32>
        %add3A_572 = vector.broadcast %mul3A_21 : i32 to vector<16xi32>
        %add3A_573 = arith.addi %add3A_572, %sub3A_566 : vector<16xi32>
        %mul3A_574 = arith.constant 4 : i32
        %mul3A_575 = vector.broadcast %mul3A_574 : i32 to vector<16xi32>
        %mul3A_576 = arith.muli %add3A_573, %mul3A_575 : vector<16xi32>
        %add3A_577 = arith.addi %mul3A_576, %and3A_571 : vector<16xi32>
        %mul3A_578 = arith.constant 1024 : i32
        %mul3A_579 = vector.broadcast %mul3A_578 : i32 to vector<16xi32>
        %mul3A_580 = arith.muli %add3A_577, %mul3A_579 : vector<16xi32>
        %and3A_581 = arith.constant 1023 : i32
        %and3A_582 = vector.broadcast %and3A_581 : i32 to vector<16xi32>
        %and3A_583 = arith.andi %select_n3A, %and3A_582 : vector<16xi32>
        %add3A_584 = arith.addi %mul3A_580, %and3A_583 : vector<16xi32>
        %mul3A_585 = arith.constant 128 : i32
        %mul3A_586 = vector.broadcast %mul3A_585 : i32 to vector<16xi32>
        %mul3A_587 = arith.muli %add3A_584, %mul3A_586 : vector<16xi32>
        %and3A_588 = arith.constant 127 : i32
        %and3A_589 = vector.broadcast %and3A_588 : i32 to vector<16xi32>
        %and3A_590 = arith.andi %select_n3A_551, %and3A_589 : vector<16xi32>
        %add3A_591 = arith.addi %mul3A_587, %and3A_590 : vector<16xi32>
        %div3A = arith.constant 8 : i32
        %div3A_592 = arith.divsi %scan3A_536, %div3A : i32
        %rem3A = arith.constant 8 : i32
        %rem3A_593 = arith.remsi %scan3A_536, %rem3A : i32
        %add3A_594 = arith.constant 20 : i32
        %add3A_595 = arith.addi %add3A_594, %div3A_592 : i32
        %mul3A_596 = arith.constant 16 : i32
        %mul3A_597 = arith.muli %rem3A_593, %mul3A_596 : i32
        %swap3A = arith.index_cast %add3A_595 : i32 to index
        %swap3A_598 = arith.index_cast %mul3A_597 : i32 to index
        %swap3A_599 = tpu.vector_load %arg8[%swap3A, %swap3A_598] {strides = array<i32>} : memref<24x128xi32, #tpu.memory_space<vmem>>, vector<1x16xi32>,
        %swap3A_600 = vector.shape_cast %swap3A_599 : vector<1x16xi32> to vector<16xi32>
        %swap3A_601 = vector.shape_cast %add3A_591 : vector<16xi32> to vector<1x16xi32>
        tpu.vector_store %arg8[%swap3A, %swap3A_598], %swap3A_601 {strides = array<i32>} : memref<24x128xi32, #tpu.memory_space<vmem>>, vector<1x16xi32>,
      }
      %scan3A_57 = arith.constant 32 : i32
      %dma_start3A = arith.constant 0 : i32
      %dma_start3A_58 = arith.constant 0 : i32
      %dma_start3A_59 = arith.constant 0 : i32
      %dma_start3A_60 = tpu.memref_slice %arg9[%dma_start3A_58, %dma_start3A_59] : memref<6x512xi32, #tpu.memory_space<vmem>> -> memref<1x128xi32, #tpu.memory_space<vmem>>
      %dma_start3A_61 = tpu.memref_squeeze %dma_start3A_60 : memref<1x128xi32, #tpu.memory_space<vmem>> -> memref<128xi32, #tpu.memory_space<vmem>>
      %dma_start3A_62 = arith.constant 0 : i32
      %dma_start3A_63 = tpu.memref_slice %arg8[%dma_start3A, %dma_start3A_62] : memref<24x128xi32, #tpu.memory_space<vmem>> -> memref<1x128xi32, #tpu.memory_space<vmem>>
      %dma_start3A_64 = tpu.memref_squeeze %dma_start3A_63 : memref<1x128xi32, #tpu.memory_space<vmem>> -> memref<128xi32, #tpu.memory_space<vmem>>
      %dma_start3A_65 = arith.constant 0 : i32
      %dma_start3A_66 = tpu.memref_slice %arg2[%dma_start3A_65] : memref<31457280xi32, #tpu.memory_space<hbm>> -> memref<31457280xi32, #tpu.memory_space<hbm>>
      tpu.enqueue_indirect_dma source(%dma_start3A_66 : memref<31457280xi32, #tpu.memory_space<hbm>>) target(%dma_start3A_61 : memref<128xi32, #tpu.memory_space<vmem>>) offsets(%dma_start3A_64 : memref<128xi32, #tpu.memory_space<vmem>>) semaphore(%arg10 : memref<!tpu.dma_semaphore, #tpu.memory_space<semaphore_mem>>)
      %dma_start3A_67 = arith.constant 1 : i32
      %dma_start3A_68 = arith.constant 0 : i32
      %dma_start3A_69 = arith.constant 128 : i32
      %dma_start3A_70 = tpu.memref_slice %arg9[%dma_start3A_68, %dma_start3A_69] : memref<6x512xi32, #tpu.memory_space<vmem>> -> memref<1x128xi32, #tpu.memory_space<vmem>>
      %dma_start3A_71 = tpu.memref_squeeze %dma_start3A_70 : memref<1x128xi32, #tpu.memory_space<vmem>> -> memref<128xi32, #tpu.memory_space<vmem>>
      %dma_start3A_72 = arith.constant 0 : i32
      %dma_start3A_73 = tpu.memref_slice %arg8[%dma_start3A_67, %dma_start3A_72] : memref<24x128xi32, #tpu.memory_space<vmem>> -> memref<1x128xi32, #tpu.memory_space<vmem>>
      %dma_start3A_74 = tpu.memref_squeeze %dma_start3A_73 : memref<1x128xi32, #tpu.memory_space<vmem>> -> memref<128xi32, #tpu.memory_space<vmem>>
      %dma_start3A_75 = arith.constant 0 : i32
      %dma_start3A_76 = tpu.memref_slice %arg2[%dma_start3A_75] : memref<31457280xi32, #tpu.memory_space<hbm>> -> memref<31457280xi32, #tpu.memory_space<hbm>>
      tpu.enqueue_indirect_dma source(%dma_start3A_76 : memref<31457280xi32, #tpu.memory_space<hbm>>) target(%dma_start3A_71 : memref<128xi32, #tpu.memory_space<vmem>>) offsets(%dma_start3A_74 : memref<128xi32, #tpu.memory_space<vmem>>) semaphore(%arg10 : memref<!tpu.dma_semaphore, #tpu.memory_space<semaphore_mem>>)
      %dma_start3A_77 = arith.constant 2 : i32
      %dma_start3A_78 = arith.constant 0 : i32
      %dma_start3A_79 = arith.constant 256 : i32
      %dma_start3A_80 = tpu.memref_slice %arg9[%dma_start3A_78, %dma_start3A_79] : memref<6x512xi32, #tpu.memory_space<vmem>> -> memref<1x128xi32, #tpu.memory_space<vmem>>
      %dma_start3A_81 = tpu.memref_squeeze %dma_start3A_80 : memref<1x128xi32, #tpu.memory_space<vmem>> -> memref<128xi32, #tpu.memory_space<vmem>>
      %dma_start3A_82 = arith.constant 0 : i32
      %dma_start3A_83 = tpu.memref_slice %arg8[%dma_start3A_77, %dma_start3A_82] : memref<24x128xi32, #tpu.memory_space<vmem>> -> memref<1x128xi32, #tpu.memory_space<vmem>>
      %dma_start3A_84 = tpu.memref_squeeze %dma_start3A_83 : memref<1x128xi32, #tpu.memory_space<vmem>> -> memref<128xi32, #tpu.memory_space<vmem>>
      %dma_start3A_85 = arith.constant 0 : i32
      %dma_start3A_86 = tpu.memref_slice %arg2[%dma_start3A_85] : memref<31457280xi32, #tpu.memory_space<hbm>> -> memref<31457280xi32, #tpu.memory_space<hbm>>
      tpu.enqueue_indirect_dma source(%dma_start3A_86 : memref<31457280xi32, #tpu.memory_space<hbm>>) target(%dma_start3A_81 : memref<128xi32, #tpu.memory_space<vmem>>) offsets(%dma_start3A_84 : memref<128xi32, #tpu.memory_space<vmem>>) semaphore(%arg10 : memref<!tpu.dma_semaphore, #tpu.memory_space<semaphore_mem>>)
      %dma_start3A_87 = arith.constant 3 : i32
      %dma_start3A_88 = arith.constant 0 : i32
      %dma_start3A_89 = arith.constant 384 : i32
      %dma_start3A_90 = tpu.memref_slice %arg9[%dma_start3A_88, %dma_start3A_89] : memref<6x512xi32, #tpu.memory_space<vmem>> -> memref<1x128xi32, #tpu.memory_space<vmem>>
      %dma_start3A_91 = tpu.memref_squeeze %dma_start3A_90 : memref<1x128xi32, #tpu.memory_space<vmem>> -> memref<128xi32, #tpu.memory_space<vmem>>
      %dma_start3A_92 = arith.constant 0 : i32
      %dma_start3A_93 = tpu.memref_slice %arg8[%dma_start3A_87, %dma_start3A_92] : memref<24x128xi32, #tpu.memory_space<vmem>> -> memref<1x128xi32, #tpu.memory_space<vmem>>
      %dma_start3A_94 = tpu.memref_squeeze %dma_start3A_93 : memref<1x128xi32, #tpu.memory_space<vmem>> -> memref<128xi32, #tpu.memory_space<vmem>>
      %dma_start3A_95 = arith.constant 0 : i32
      %dma_start3A_96 = tpu.memref_slice %arg2[%dma_start3A_95] : memref<31457280xi32, #tpu.memory_space<hbm>> -> memref<31457280xi32, #tpu.memory_space<hbm>>
      tpu.enqueue_indirect_dma source(%dma_start3A_96 : memref<31457280xi32, #tpu.memory_space<hbm>>) target(%dma_start3A_91 : memref<128xi32, #tpu.memory_space<vmem>>) offsets(%dma_start3A_94 : memref<128xi32, #tpu.memory_space<vmem>>) semaphore(%arg10 : memref<!tpu.dma_semaphore, #tpu.memory_space<semaphore_mem>>)
      %dma_start3A_97 = arith.constant 4 : i32
      %dma_start3A_98 = arith.constant 1 : i32
      %dma_start3A_99 = arith.constant 0 : i32
      %dma_start3A_100 = tpu.memref_slice %arg9[%dma_start3A_98, %dma_start3A_99] : memref<6x512xi32, #tpu.memory_space<vmem>> -> memref<1x128xi32, #tpu.memory_space<vmem>>
      %dma_start3A_101 = tpu.memref_squeeze %dma_start3A_100 : memref<1x128xi32, #tpu.memory_space<vmem>> -> memref<128xi32, #tpu.memory_space<vmem>>
      %dma_start3A_102 = arith.constant 0 : i32
      %dma_start3A_103 = tpu.memref_slice %arg8[%dma_start3A_97, %dma_start3A_102] : memref<24x128xi32, #tpu.memory_space<vmem>> -> memref<1x128xi32, #tpu.memory_space<vmem>>
      %dma_start3A_104 = tpu.memref_squeeze %dma_start3A_103 : memref<1x128xi32, #tpu.memory_space<vmem>> -> memref<128xi32, #tpu.memory_space<vmem>>
      %dma_start3A_105 = arith.constant 0 : i32
      %dma_start3A_106 = tpu.memref_slice %arg2[%dma_start3A_105] : memref<31457280xi32, #tpu.memory_space<hbm>> -> memref<31457280xi32, #tpu.memory_space<hbm>>
      tpu.enqueue_indirect_dma source(%dma_start3A_106 : memref<31457280xi32, #tpu.memory_space<hbm>>) target(%dma_start3A_101 : memref<128xi32, #tpu.memory_space<vmem>>) offsets(%dma_start3A_104 : memref<128xi32, #tpu.memory_space<vmem>>) semaphore(%arg10 : memref<!tpu.dma_semaphore, #tpu.memory_space<semaphore_mem>>)
      %dma_start3A_107 = arith.constant 5 : i32
      %dma_start3A_108 = arith.constant 1 : i32
      %dma_start3A_109 = arith.constant 128 : i32
      %dma_start3A_110 = tpu.memref_slice %arg9[%dma_start3A_108, %dma_start3A_109] : memref<6x512xi32, #tpu.memory_space<vmem>> -> memref<1x128xi32, #tpu.memory_space<vmem>>
      %dma_start3A_111 = tpu.memref_squeeze %dma_start3A_110 : memref<1x128xi32, #tpu.memory_space<vmem>> -> memref<128xi32, #tpu.memory_space<vmem>>
      %dma_start3A_112 = arith.constant 0 : i32
      %dma_start3A_113 = tpu.memref_slice %arg8[%dma_start3A_107, %dma_start3A_112] : memref<24x128xi32, #tpu.memory_space<vmem>> -> memref<1x128xi32, #tpu.memory_space<vmem>>
      %dma_start3A_114 = tpu.memref_squeeze %dma_start3A_113 : memref<1x128xi32, #tpu.memory_space<vmem>> -> memref<128xi32, #tpu.memory_space<vmem>>
      %dma_start3A_115 = arith.constant 0 : i32
      %dma_start3A_116 = tpu.memref_slice %arg2[%dma_start3A_115] : memref<31457280xi32, #tpu.memory_space<hbm>> -> memref<31457280xi32, #tpu.memory_space<hbm>>
      tpu.enqueue_indirect_dma source(%dma_start3A_116 : memref<31457280xi32, #tpu.memory_space<hbm>>) target(%dma_start3A_111 : memref<128xi32, #tpu.memory_space<vmem>>) offsets(%dma_start3A_114 : memref<128xi32, #tpu.memory_space<vmem>>) semaphore(%arg10 : memref<!tpu.dma_semaphore, #tpu.memory_space<semaphore_mem>>)
      %dma_start3A_117 = arith.constant 6 : i32
      %dma_start3A_118 = arith.constant 1 : i32
      %dma_start3A_119 = arith.constant 256 : i32
      %dma_start3A_120 = tpu.memref_slice %arg9[%dma_start3A_118, %dma_start3A_119] : memref<6x512xi32, #tpu.memory_space<vmem>> -> memref<1x128xi32, #tpu.memory_space<vmem>>
      %dma_start3A_121 = tpu.memref_squeeze %dma_start3A_120 : memref<1x128xi32, #tpu.memory_space<vmem>> -> memref<128xi32, #tpu.memory_space<vmem>>
      %dma_start3A_122 = arith.constant 0 : i32
      %dma_start3A_123 = tpu.memref_slice %arg8[%dma_start3A_117, %dma_start3A_122] : memref<24x128xi32, #tpu.memory_space<vmem>> -> memref<1x128xi32, #tpu.memory_space<vmem>>
      %dma_start3A_124 = tpu.memref_squeeze %dma_start3A_123 : memref<1x128xi32, #tpu.memory_space<vmem>> -> memref<128xi32, #tpu.memory_space<vmem>>
      %dma_start3A_125 = arith.constant 0 : i32
      %dma_start3A_126 = tpu.memref_slice %arg2[%dma_start3A_125] : memref<31457280xi32, #tpu.memory_space<hbm>> -> memref<31457280xi32, #tpu.memory_space<hbm>>
      tpu.enqueue_indirect_dma source(%dma_start3A_126 : memref<31457280xi32, #tpu.memory_space<hbm>>) target(%dma_start3A_121 : memref<128xi32, #tpu.memory_space<vmem>>) offsets(%dma_start3A_124 : memref<128xi32, #tpu.memory_space<vmem>>) semaphore(%arg10 : memref<!tpu.dma_semaphore, #tpu.memory_space<semaphore_mem>>)
      %dma_start3A_127 = arith.constant 7 : i32
      %dma_start3A_128 = arith.constant 1 : i32
      %dma_start3A_129 = arith.constant 384 : i32
      %dma_start3A_130 = tpu.memref_slice %arg9[%dma_start3A_128, %dma_start3A_129] : memref<6x512xi32, #tpu.memory_space<vmem>> -> memref<1x128xi32, #tpu.memory_space<vmem>>
      %dma_start3A_131 = tpu.memref_squeeze %dma_start3A_130 : memref<1x128xi32, #tpu.memory_space<vmem>> -> memref<128xi32, #tpu.memory_space<vmem>>
      %dma_start3A_132 = arith.constant 0 : i32
      %dma_start3A_133 = tpu.memref_slice %arg8[%dma_start3A_127, %dma_start3A_132] : memref<24x128xi32, #tpu.memory_space<vmem>> -> memref<1x128xi32, #tpu.memory_space<vmem>>
      %dma_start3A_134 = tpu.memref_squeeze %dma_start3A_133 : memref<1x128xi32, #tpu.memory_space<vmem>> -> memref<128xi32, #tpu.memory_space<vmem>>
      %dma_start3A_135 = arith.constant 0 : i32
      %dma_start3A_136 = tpu.memref_slice %arg2[%dma_start3A_135] : memref<31457280xi32, #tpu.memory_space<hbm>> -> memref<31457280xi32, #tpu.memory_space<hbm>>
      tpu.enqueue_indirect_dma source(%dma_start3A_136 : memref<31457280xi32, #tpu.memory_space<hbm>>) target(%dma_start3A_131 : memref<128xi32, #tpu.memory_space<vmem>>) offsets(%dma_start3A_134 : memref<128xi32, #tpu.memory_space<vmem>>) semaphore(%arg10 : memref<!tpu.dma_semaphore, #tpu.memory_space<semaphore_mem>>)
      %dma_start3A_137 = arith.constant 8 : i32
      %dma_start3A_138 = arith.constant 2 : i32
      %dma_start3A_139 = arith.constant 0 : i32
      %dma_start3A_140 = tpu.memref_slice %arg9[%dma_start3A_138, %dma_start3A_139] : memref<6x512xi32, #tpu.memory_space<vmem>> -> memref<1x128xi32, #tpu.memory_space<vmem>>
      %dma_start3A_141 = tpu.memref_squeeze %dma_start3A_140 : memref<1x128xi32, #tpu.memory_space<vmem>> -> memref<128xi32, #tpu.memory_space<vmem>>
      %dma_start3A_142 = arith.constant 0 : i32
      %dma_start3A_143 = tpu.memref_slice %arg8[%dma_start3A_137, %dma_start3A_142] : memref<24x128xi32, #tpu.memory_space<vmem>> -> memref<1x128xi32, #tpu.memory_space<vmem>>
      %dma_start3A_144 = tpu.memref_squeeze %dma_start3A_143 : memref<1x128xi32, #tpu.memory_space<vmem>> -> memref<128xi32, #tpu.memory_space<vmem>>
      %dma_start3A_145 = arith.constant 0 : i32
      %dma_start3A_146 = tpu.memref_slice %arg2[%dma_start3A_145] : memref<31457280xi32, #tpu.memory_space<hbm>> -> memref<31457280xi32, #tpu.memory_space<hbm>>
      tpu.enqueue_indirect_dma source(%dma_start3A_146 : memref<31457280xi32, #tpu.memory_space<hbm>>) target(%dma_start3A_141 : memref<128xi32, #tpu.memory_space<vmem>>) offsets(%dma_start3A_144 : memref<128xi32, #tpu.memory_space<vmem>>) semaphore(%arg10 : memref<!tpu.dma_semaphore, #tpu.memory_space<semaphore_mem>>)
      %dma_start3A_147 = arith.constant 9 : i32
      %dma_start3A_148 = arith.constant 2 : i32
      %dma_start3A_149 = arith.constant 128 : i32
      %dma_start3A_150 = tpu.memref_slice %arg9[%dma_start3A_148, %dma_start3A_149] : memref<6x512xi32, #tpu.memory_space<vmem>> -> memref<1x128xi32, #tpu.memory_space<vmem>>
      %dma_start3A_151 = tpu.memref_squeeze %dma_start3A_150 : memref<1x128xi32, #tpu.memory_space<vmem>> -> memref<128xi32, #tpu.memory_space<vmem>>
      %dma_start3A_152 = arith.constant 0 : i32
      %dma_start3A_153 = tpu.memref_slice %arg8[%dma_start3A_147, %dma_start3A_152] : memref<24x128xi32, #tpu.memory_space<vmem>> -> memref<1x128xi32, #tpu.memory_space<vmem>>
      %dma_start3A_154 = tpu.memref_squeeze %dma_start3A_153 : memref<1x128xi32, #tpu.memory_space<vmem>> -> memref<128xi32, #tpu.memory_space<vmem>>
      %dma_start3A_155 = arith.constant 0 : i32
      %dma_start3A_156 = tpu.memref_slice %arg2[%dma_start3A_155] : memref<31457280xi32, #tpu.memory_space<hbm>> -> memref<31457280xi32, #tpu.memory_space<hbm>>
      tpu.enqueue_indirect_dma source(%dma_start3A_156 : memref<31457280xi32, #tpu.memory_space<hbm>>) target(%dma_start3A_151 : memref<128xi32, #tpu.memory_space<vmem>>) offsets(%dma_start3A_154 : memref<128xi32, #tpu.memory_space<vmem>>) semaphore(%arg10 : memref<!tpu.dma_semaphore, #tpu.memory_space<semaphore_mem>>)
      %dma_start3A_157 = arith.constant 10 : i32
      %dma_start3A_158 = arith.constant 2 : i32
      %dma_start3A_159 = arith.constant 256 : i32
      %dma_start3A_160 = tpu.memref_slice %arg9[%dma_start3A_158, %dma_start3A_159] : memref<6x512xi32, #tpu.memory_space<vmem>> -> memref<1x128xi32, #tpu.memory_space<vmem>>
      %dma_start3A_161 = tpu.memref_squeeze %dma_start3A_160 : memref<1x128xi32, #tpu.memory_space<vmem>> -> memref<128xi32, #tpu.memory_space<vmem>>
      %dma_start3A_162 = arith.constant 0 : i32
      %dma_start3A_163 = tpu.memref_slice %arg8[%dma_start3A_157, %dma_start3A_162] : memref<24x128xi32, #tpu.memory_space<vmem>> -> memref<1x128xi32, #tpu.memory_space<vmem>>
      %dma_start3A_164 = tpu.memref_squeeze %dma_start3A_163 : memref<1x128xi32, #tpu.memory_space<vmem>> -> memref<128xi32, #tpu.memory_space<vmem>>
      %dma_start3A_165 = arith.constant 0 : i32
      %dma_start3A_166 = tpu.memref_slice %arg2[%dma_start3A_165] : memref<31457280xi32, #tpu.memory_space<hbm>> -> memref<31457280xi32, #tpu.memory_space<hbm>>
      tpu.enqueue_indirect_dma source(%dma_start3A_166 : memref<31457280xi32, #tpu.memory_space<hbm>>) target(%dma_start3A_161 : memref<128xi32, #tpu.memory_space<vmem>>) offsets(%dma_start3A_164 : memref<128xi32, #tpu.memory_space<vmem>>) semaphore(%arg10 : memref<!tpu.dma_semaphore, #tpu.memory_space<semaphore_mem>>)
      %dma_start3A_167 = arith.constant 11 : i32
      %dma_start3A_168 = arith.constant 2 : i32
      %dma_start3A_169 = arith.constant 384 : i32
      %dma_start3A_170 = tpu.memref_slice %arg9[%dma_start3A_168, %dma_start3A_169] : memref<6x512xi32, #tpu.memory_space<vmem>> -> memref<1x128xi32, #tpu.memory_space<vmem>>
      %dma_start3A_171 = tpu.memref_squeeze %dma_start3A_170 : memref<1x128xi32, #tpu.memory_space<vmem>> -> memref<128xi32, #tpu.memory_space<vmem>>
      %dma_start3A_172 = arith.constant 0 : i32
      %dma_start3A_173 = tpu.memref_slice %arg8[%dma_start3A_167, %dma_start3A_172] : memref<24x128xi32, #tpu.memory_space<vmem>> -> memref<1x128xi32, #tpu.memory_space<vmem>>
      %dma_start3A_174 = tpu.memref_squeeze %dma_start3A_173 : memref<1x128xi32, #tpu.memory_space<vmem>> -> memref<128xi32, #tpu.memory_space<vmem>>
      %dma_start3A_175 = arith.constant 0 : i32
      %dma_start3A_176 = tpu.memref_slice %arg2[%dma_start3A_175] : memref<31457280xi32, #tpu.memory_space<hbm>> -> memref<31457280xi32, #tpu.memory_space<hbm>>
      tpu.enqueue_indirect_dma source(%dma_start3A_176 : memref<31457280xi32, #tpu.memory_space<hbm>>) target(%dma_start3A_171 : memref<128xi32, #tpu.memory_space<vmem>>) offsets(%dma_start3A_174 : memref<128xi32, #tpu.memory_space<vmem>>) semaphore(%arg10 : memref<!tpu.dma_semaphore, #tpu.memory_space<semaphore_mem>>)
      %dma_start3A_177 = arith.constant 12 : i32
      %dma_start3A_178 = arith.constant 3 : i32
      %dma_start3A_179 = arith.constant 0 : i32
      %dma_start3A_180 = tpu.memref_slice %arg9[%dma_start3A_178, %dma_start3A_179] : memref<6x512xi32, #tpu.memory_space<vmem>> -> memref<1x128xi32, #tpu.memory_space<vmem>>
      %dma_start3A_181 = tpu.memref_squeeze %dma_start3A_180 : memref<1x128xi32, #tpu.memory_space<vmem>> -> memref<128xi32, #tpu.memory_space<vmem>>
      %dma_start3A_182 = arith.constant 0 : i32
      %dma_start3A_183 = tpu.memref_slice %arg8[%dma_start3A_177, %dma_start3A_182] : memref<24x128xi32, #tpu.memory_space<vmem>> -> memref<1x128xi32, #tpu.memory_space<vmem>>
      %dma_start3A_184 = tpu.memref_squeeze %dma_start3A_183 : memref<1x128xi32, #tpu.memory_space<vmem>> -> memref<128xi32, #tpu.memory_space<vmem>>
      %dma_start3A_185 = arith.constant 0 : i32
      %dma_start3A_186 = tpu.memref_slice %arg2[%dma_start3A_185] : memref<31457280xi32, #tpu.memory_space<hbm>> -> memref<31457280xi32, #tpu.memory_space<hbm>>
      tpu.enqueue_indirect_dma source(%dma_start3A_186 : memref<31457280xi32, #tpu.memory_space<hbm>>) target(%dma_start3A_181 : memref<128xi32, #tpu.memory_space<vmem>>) offsets(%dma_start3A_184 : memref<128xi32, #tpu.memory_space<vmem>>) semaphore(%arg10 : memref<!tpu.dma_semaphore, #tpu.memory_space<semaphore_mem>>)
      %dma_start3A_187 = arith.constant 13 : i32
      %dma_start3A_188 = arith.constant 3 : i32
      %dma_start3A_189 = arith.constant 128 : i32
      %dma_start3A_190 = tpu.memref_slice %arg9[%dma_start3A_188, %dma_start3A_189] : memref<6x512xi32, #tpu.memory_space<vmem>> -> memref<1x128xi32, #tpu.memory_space<vmem>>
      %dma_start3A_191 = tpu.memref_squeeze %dma_start3A_190 : memref<1x128xi32, #tpu.memory_space<vmem>> -> memref<128xi32, #tpu.memory_space<vmem>>
      %dma_start3A_192 = arith.constant 0 : i32
      %dma_start3A_193 = tpu.memref_slice %arg8[%dma_start3A_187, %dma_start3A_192] : memref<24x128xi32, #tpu.memory_space<vmem>> -> memref<1x128xi32, #tpu.memory_space<vmem>>
      %dma_start3A_194 = tpu.memref_squeeze %dma_start3A_193 : memref<1x128xi32, #tpu.memory_space<vmem>> -> memref<128xi32, #tpu.memory_space<vmem>>
      %dma_start3A_195 = arith.constant 0 : i32
      %dma_start3A_196 = tpu.memref_slice %arg2[%dma_start3A_195] : memref<31457280xi32, #tpu.memory_space<hbm>> -> memref<31457280xi32, #tpu.memory_space<hbm>>
      tpu.enqueue_indirect_dma source(%dma_start3A_196 : memref<31457280xi32, #tpu.memory_space<hbm>>) target(%dma_start3A_191 : memref<128xi32, #tpu.memory_space<vmem>>) offsets(%dma_start3A_194 : memref<128xi32, #tpu.memory_space<vmem>>) semaphore(%arg10 : memref<!tpu.dma_semaphore, #tpu.memory_space<semaphore_mem>>)
      %dma_start3A_197 = arith.constant 14 : i32
      %dma_start3A_198 = arith.constant 3 : i32
      %dma_start3A_199 = arith.constant 256 : i32
      %dma_start3A_200 = tpu.memref_slice %arg9[%dma_start3A_198, %dma_start3A_199] : memref<6x512xi32, #tpu.memory_space<vmem>> -> memref<1x128xi32, #tpu.memory_space<vmem>>
      %dma_start3A_201 = tpu.memref_squeeze %dma_start3A_200 : memref<1x128xi32, #tpu.memory_space<vmem>> -> memref<128xi32, #tpu.memory_space<vmem>>
      %dma_start3A_202 = arith.constant 0 : i32
      %dma_start3A_203 = tpu.memref_slice %arg8[%dma_start3A_197, %dma_start3A_202] : memref<24x128xi32, #tpu.memory_space<vmem>> -> memref<1x128xi32, #tpu.memory_space<vmem>>
      %dma_start3A_204 = tpu.memref_squeeze %dma_start3A_203 : memref<1x128xi32, #tpu.memory_space<vmem>> -> memref<128xi32, #tpu.memory_space<vmem>>
      %dma_start3A_205 = arith.constant 0 : i32
      %dma_start3A_206 = tpu.memref_slice %arg2[%dma_start3A_205] : memref<31457280xi32, #tpu.memory_space<hbm>> -> memref<31457280xi32, #tpu.memory_space<hbm>>
      tpu.enqueue_indirect_dma source(%dma_start3A_206 : memref<31457280xi32, #tpu.memory_space<hbm>>) target(%dma_start3A_201 : memref<128xi32, #tpu.memory_space<vmem>>) offsets(%dma_start3A_204 : memref<128xi32, #tpu.memory_space<vmem>>) semaphore(%arg10 : memref<!tpu.dma_semaphore, #tpu.memory_space<semaphore_mem>>)
      %dma_start3A_207 = arith.constant 15 : i32
      %dma_start3A_208 = arith.constant 3 : i32
      %dma_start3A_209 = arith.constant 384 : i32
      %dma_start3A_210 = tpu.memref_slice %arg9[%dma_start3A_208, %dma_start3A_209] : memref<6x512xi32, #tpu.memory_space<vmem>> -> memref<1x128xi32, #tpu.memory_space<vmem>>
      %dma_start3A_211 = tpu.memref_squeeze %dma_start3A_210 : memref<1x128xi32, #tpu.memory_space<vmem>> -> memref<128xi32, #tpu.memory_space<vmem>>
      %dma_start3A_212 = arith.constant 0 : i32
      %dma_start3A_213 = tpu.memref_slice %arg8[%dma_start3A_207, %dma_start3A_212] : memref<24x128xi32, #tpu.memory_space<vmem>> -> memref<1x128xi32, #tpu.memory_space<vmem>>
      %dma_start3A_214 = tpu.memref_squeeze %dma_start3A_213 : memref<1x128xi32, #tpu.memory_space<vmem>> -> memref<128xi32, #tpu.memory_space<vmem>>
      %dma_start3A_215 = arith.constant 0 : i32
      %dma_start3A_216 = tpu.memref_slice %arg2[%dma_start3A_215] : memref<31457280xi32, #tpu.memory_space<hbm>> -> memref<31457280xi32, #tpu.memory_space<hbm>>
      tpu.enqueue_indirect_dma source(%dma_start3A_216 : memref<31457280xi32, #tpu.memory_space<hbm>>) target(%dma_start3A_211 : memref<128xi32, #tpu.memory_space<vmem>>) offsets(%dma_start3A_214 : memref<128xi32, #tpu.memory_space<vmem>>) semaphore(%arg10 : memref<!tpu.dma_semaphore, #tpu.memory_space<semaphore_mem>>)
      %dma_start3A_217 = arith.constant 16 : i32
      %dma_start3A_218 = arith.constant 4 : i32
      %dma_start3A_219 = arith.constant 0 : i32
      %dma_start3A_220 = tpu.memref_slice %arg9[%dma_start3A_218, %dma_start3A_219] : memref<6x512xi32, #tpu.memory_space<vmem>> -> memref<1x128xi32, #tpu.memory_space<vmem>>
      %dma_start3A_221 = tpu.memref_squeeze %dma_start3A_220 : memref<1x128xi32, #tpu.memory_space<vmem>> -> memref<128xi32, #tpu.memory_space<vmem>>
      %dma_start3A_222 = arith.constant 0 : i32
      %dma_start3A_223 = tpu.memref_slice %arg8[%dma_start3A_217, %dma_start3A_222] : memref<24x128xi32, #tpu.memory_space<vmem>> -> memref<1x128xi32, #tpu.memory_space<vmem>>
      %dma_start3A_224 = tpu.memref_squeeze %dma_start3A_223 : memref<1x128xi32, #tpu.memory_space<vmem>> -> memref<128xi32, #tpu.memory_space<vmem>>
      %dma_start3A_225 = arith.constant 0 : i32
      %dma_start3A_226 = tpu.memref_slice %arg2[%dma_start3A_225] : memref<31457280xi32, #tpu.memory_space<hbm>> -> memref<31457280xi32, #tpu.memory_space<hbm>>
      tpu.enqueue_indirect_dma source(%dma_start3A_226 : memref<31457280xi32, #tpu.memory_space<hbm>>) target(%dma_start3A_221 : memref<128xi32, #tpu.memory_space<vmem>>) offsets(%dma_start3A_224 : memref<128xi32, #tpu.memory_space<vmem>>) semaphore(%arg10 : memref<!tpu.dma_semaphore, #tpu.memory_space<semaphore_mem>>)
      %dma_start3A_227 = arith.constant 17 : i32
      %dma_start3A_228 = arith.constant 4 : i32
      %dma_start3A_229 = arith.constant 128 : i32
      %dma_start3A_230 = tpu.memref_slice %arg9[%dma_start3A_228, %dma_start3A_229] : memref<6x512xi32, #tpu.memory_space<vmem>> -> memref<1x128xi32, #tpu.memory_space<vmem>>
      %dma_start3A_231 = tpu.memref_squeeze %dma_start3A_230 : memref<1x128xi32, #tpu.memory_space<vmem>> -> memref<128xi32, #tpu.memory_space<vmem>>
      %dma_start3A_232 = arith.constant 0 : i32
      %dma_start3A_233 = tpu.memref_slice %arg8[%dma_start3A_227, %dma_start3A_232] : memref<24x128xi32, #tpu.memory_space<vmem>> -> memref<1x128xi32, #tpu.memory_space<vmem>>
      %dma_start3A_234 = tpu.memref_squeeze %dma_start3A_233 : memref<1x128xi32, #tpu.memory_space<vmem>> -> memref<128xi32, #tpu.memory_space<vmem>>
      %dma_start3A_235 = arith.constant 0 : i32
      %dma_start3A_236 = tpu.memref_slice %arg2[%dma_start3A_235] : memref<31457280xi32, #tpu.memory_space<hbm>> -> memref<31457280xi32, #tpu.memory_space<hbm>>
      tpu.enqueue_indirect_dma source(%dma_start3A_236 : memref<31457280xi32, #tpu.memory_space<hbm>>) target(%dma_start3A_231 : memref<128xi32, #tpu.memory_space<vmem>>) offsets(%dma_start3A_234 : memref<128xi32, #tpu.memory_space<vmem>>) semaphore(%arg10 : memref<!tpu.dma_semaphore, #tpu.memory_space<semaphore_mem>>)
      %dma_start3A_237 = arith.constant 18 : i32
      %dma_start3A_238 = arith.constant 4 : i32
      %dma_start3A_239 = arith.constant 256 : i32
      %dma_start3A_240 = tpu.memref_slice %arg9[%dma_start3A_238, %dma_start3A_239] : memref<6x512xi32, #tpu.memory_space<vmem>> -> memref<1x128xi32, #tpu.memory_space<vmem>>
      %dma_start3A_241 = tpu.memref_squeeze %dma_start3A_240 : memref<1x128xi32, #tpu.memory_space<vmem>> -> memref<128xi32, #tpu.memory_space<vmem>>
      %dma_start3A_242 = arith.constant 0 : i32
      %dma_start3A_243 = tpu.memref_slice %arg8[%dma_start3A_237, %dma_start3A_242] : memref<24x128xi32, #tpu.memory_space<vmem>> -> memref<1x128xi32, #tpu.memory_space<vmem>>
      %dma_start3A_244 = tpu.memref_squeeze %dma_start3A_243 : memref<1x128xi32, #tpu.memory_space<vmem>> -> memref<128xi32, #tpu.memory_space<vmem>>
      %dma_start3A_245 = arith.constant 0 : i32
      %dma_start3A_246 = tpu.memref_slice %arg2[%dma_start3A_245] : memref<31457280xi32, #tpu.memory_space<hbm>> -> memref<31457280xi32, #tpu.memory_space<hbm>>
      tpu.enqueue_indirect_dma source(%dma_start3A_246 : memref<31457280xi32, #tpu.memory_space<hbm>>) target(%dma_start3A_241 : memref<128xi32, #tpu.memory_space<vmem>>) offsets(%dma_start3A_244 : memref<128xi32, #tpu.memory_space<vmem>>) semaphore(%arg10 : memref<!tpu.dma_semaphore, #tpu.memory_space<semaphore_mem>>)
      %dma_start3A_247 = arith.constant 19 : i32
      %dma_start3A_248 = arith.constant 4 : i32
      %dma_start3A_249 = arith.constant 384 : i32
      %dma_start3A_250 = tpu.memref_slice %arg9[%dma_start3A_248, %dma_start3A_249] : memref<6x512xi32, #tpu.memory_space<vmem>> -> memref<1x128xi32, #tpu.memory_space<vmem>>
      %dma_start3A_251 = tpu.memref_squeeze %dma_start3A_250 : memref<1x128xi32, #tpu.memory_space<vmem>> -> memref<128xi32, #tpu.memory_space<vmem>>
      %dma_start3A_252 = arith.constant 0 : i32
      %dma_start3A_253 = tpu.memref_slice %arg8[%dma_start3A_247, %dma_start3A_252] : memref<24x128xi32, #tpu.memory_space<vmem>> -> memref<1x128xi32, #tpu.memory_space<vmem>>
      %dma_start3A_254 = tpu.memref_squeeze %dma_start3A_253 : memref<1x128xi32, #tpu.memory_space<vmem>> -> memref<128xi32, #tpu.memory_space<vmem>>
      %dma_start3A_255 = arith.constant 0 : i32
      %dma_start3A_256 = tpu.memref_slice %arg2[%dma_start3A_255] : memref<31457280xi32, #tpu.memory_space<hbm>> -> memref<31457280xi32, #tpu.memory_space<hbm>>
      tpu.enqueue_indirect_dma source(%dma_start3A_256 : memref<31457280xi32, #tpu.memory_space<hbm>>) target(%dma_start3A_251 : memref<128xi32, #tpu.memory_space<vmem>>) offsets(%dma_start3A_254 : memref<128xi32, #tpu.memory_space<vmem>>) semaphore(%arg10 : memref<!tpu.dma_semaphore, #tpu.memory_space<semaphore_mem>>)
      %dma_start3A_257 = arith.constant 20 : i32
      %dma_start3A_258 = arith.constant 5 : i32
      %dma_start3A_259 = arith.constant 0 : i32
      %dma_start3A_260 = tpu.memref_slice %arg9[%dma_start3A_258, %dma_start3A_259] : memref<6x512xi32, #tpu.memory_space<vmem>> -> memref<1x128xi32, #tpu.memory_space<vmem>>
      %dma_start3A_261 = tpu.memref_squeeze %dma_start3A_260 : memref<1x128xi32, #tpu.memory_space<vmem>> -> memref<128xi32, #tpu.memory_space<vmem>>
      %dma_start3A_262 = arith.constant 0 : i32
      %dma_start3A_263 = tpu.memref_slice %arg8[%dma_start3A_257, %dma_start3A_262] : memref<24x128xi32, #tpu.memory_space<vmem>> -> memref<1x128xi32, #tpu.memory_space<vmem>>
      %dma_start3A_264 = tpu.memref_squeeze %dma_start3A_263 : memref<1x128xi32, #tpu.memory_space<vmem>> -> memref<128xi32, #tpu.memory_space<vmem>>
      %dma_start3A_265 = arith.constant 0 : i32
      %dma_start3A_266 = tpu.memref_slice %arg2[%dma_start3A_265] : memref<31457280xi32, #tpu.memory_space<hbm>> -> memref<31457280xi32, #tpu.memory_space<hbm>>
      tpu.enqueue_indirect_dma source(%dma_start3A_266 : memref<31457280xi32, #tpu.memory_space<hbm>>) target(%dma_start3A_261 : memref<128xi32, #tpu.memory_space<vmem>>) offsets(%dma_start3A_264 : memref<128xi32, #tpu.memory_space<vmem>>) semaphore(%arg10 : memref<!tpu.dma_semaphore, #tpu.memory_space<semaphore_mem>>)
      %dma_start3A_267 = arith.constant 21 : i32
      %dma_start3A_268 = arith.constant 5 : i32
      %dma_start3A_269 = arith.constant 128 : i32
      %dma_start3A_270 = tpu.memref_slice %arg9[%dma_start3A_268, %dma_start3A_269] : memref<6x512xi32, #tpu.memory_space<vmem>> -> memref<1x128xi32, #tpu.memory_space<vmem>>
      %dma_start3A_271 = tpu.memref_squeeze %dma_start3A_270 : memref<1x128xi32, #tpu.memory_space<vmem>> -> memref<128xi32, #tpu.memory_space<vmem>>
      %dma_start3A_272 = arith.constant 0 : i32
      %dma_start3A_273 = tpu.memref_slice %arg8[%dma_start3A_267, %dma_start3A_272] : memref<24x128xi32, #tpu.memory_space<vmem>> -> memref<1x128xi32, #tpu.memory_space<vmem>>
      %dma_start3A_274 = tpu.memref_squeeze %dma_start3A_273 : memref<1x128xi32, #tpu.memory_space<vmem>> -> memref<128xi32, #tpu.memory_space<vmem>>
      %dma_start3A_275 = arith.constant 0 : i32
      %dma_start3A_276 = tpu.memref_slice %arg2[%dma_start3A_275] : memref<31457280xi32, #tpu.memory_space<hbm>> -> memref<31457280xi32, #tpu.memory_space<hbm>>
      tpu.enqueue_indirect_dma source(%dma_start3A_276 : memref<31457280xi32, #tpu.memory_space<hbm>>) target(%dma_start3A_271 : memref<128xi32, #tpu.memory_space<vmem>>) offsets(%dma_start3A_274 : memref<128xi32, #tpu.memory_space<vmem>>) semaphore(%arg10 : memref<!tpu.dma_semaphore, #tpu.memory_space<semaphore_mem>>)
      %dma_start3A_277 = arith.constant 22 : i32
      %dma_start3A_278 = arith.constant 5 : i32
      %dma_start3A_279 = arith.constant 256 : i32
      %dma_start3A_280 = tpu.memref_slice %arg9[%dma_start3A_278, %dma_start3A_279] : memref<6x512xi32, #tpu.memory_space<vmem>> -> memref<1x128xi32, #tpu.memory_space<vmem>>
      %dma_start3A_281 = tpu.memref_squeeze %dma_start3A_280 : memref<1x128xi32, #tpu.memory_space<vmem>> -> memref<128xi32, #tpu.memory_space<vmem>>
      %dma_start3A_282 = arith.constant 0 : i32
      %dma_start3A_283 = tpu.memref_slice %arg8[%dma_start3A_277, %dma_start3A_282] : memref<24x128xi32, #tpu.memory_space<vmem>> -> memref<1x128xi32, #tpu.memory_space<vmem>>
      %dma_start3A_284 = tpu.memref_squeeze %dma_start3A_283 : memref<1x128xi32, #tpu.memory_space<vmem>> -> memref<128xi32, #tpu.memory_space<vmem>>
      %dma_start3A_285 = arith.constant 0 : i32
      %dma_start3A_286 = tpu.memref_slice %arg2[%dma_start3A_285] : memref<31457280xi32, #tpu.memory_space<hbm>> -> memref<31457280xi32, #tpu.memory_space<hbm>>
      tpu.enqueue_indirect_dma source(%dma_start3A_286 : memref<31457280xi32, #tpu.memory_space<hbm>>) target(%dma_start3A_281 : memref<128xi32, #tpu.memory_space<vmem>>) offsets(%dma_start3A_284 : memref<128xi32, #tpu.memory_space<vmem>>) semaphore(%arg10 : memref<!tpu.dma_semaphore, #tpu.memory_space<semaphore_mem>>)
      %dma_start3A_287 = arith.constant 23 : i32
      %dma_start3A_288 = arith.constant 5 : i32
      %dma_start3A_289 = arith.constant 384 : i32
      %dma_start3A_290 = tpu.memref_slice %arg9[%dma_start3A_288, %dma_start3A_289] : memref<6x512xi32, #tpu.memory_space<vmem>> -> memref<1x128xi32, #tpu.memory_space<vmem>>
      %dma_start3A_291 = tpu.memref_squeeze %dma_start3A_290 : memref<1x128xi32, #tpu.memory_space<vmem>> -> memref<128xi32, #tpu.memory_space<vmem>>
      %dma_start3A_292 = arith.constant 0 : i32
      %dma_start3A_293 = tpu.memref_slice %arg8[%dma_start3A_287, %dma_start3A_292] : memref<24x128xi32, #tpu.memory_space<vmem>> -> memref<1x128xi32, #tpu.memory_space<vmem>>
      %dma_start3A_294 = tpu.memref_squeeze %dma_start3A_293 : memref<1x128xi32, #tpu.memory_space<vmem>> -> memref<128xi32, #tpu.memory_space<vmem>>
      %dma_start3A_295 = arith.constant 0 : i32
      %dma_start3A_296 = tpu.memref_slice %arg2[%dma_start3A_295] : memref<31457280xi32, #tpu.memory_space<hbm>> -> memref<31457280xi32, #tpu.memory_space<hbm>>
      tpu.enqueue_indirect_dma source(%dma_start3A_296 : memref<31457280xi32, #tpu.memory_space<hbm>>) target(%dma_start3A_291 : memref<128xi32, #tpu.memory_space<vmem>>) offsets(%dma_start3A_294 : memref<128xi32, #tpu.memory_space<vmem>>) semaphore(%arg10 : memref<!tpu.dma_semaphore, #tpu.memory_space<semaphore_mem>>)
      %dma_wait3A = arith.constant 0 : i32
      %dma_wait3A_297 = arith.constant 0 : i32
      %dma_wait3A_298 = arith.constant 0 : i32
      %dma_wait3A_299 = tpu.memref_slice %arg9[%dma_wait3A_297, %dma_wait3A_298] : memref<6x512xi32, #tpu.memory_space<vmem>> -> memref<1x128xi32, #tpu.memory_space<vmem>>
      %dma_wait3A_300 = tpu.memref_squeeze %dma_wait3A_299 : memref<1x128xi32, #tpu.memory_space<vmem>> -> memref<128xi32, #tpu.memory_space<vmem>>
      %dma_wait3A_301 = arith.constant 0 : i32
      %dma_wait3A_302 = tpu.memref_slice %arg8[%dma_wait3A, %dma_wait3A_301] : memref<24x128xi32, #tpu.memory_space<vmem>> -> memref<1x128xi32, #tpu.memory_space<vmem>>
      %dma_wait3A_303 = tpu.memref_squeeze %dma_wait3A_302 : memref<1x128xi32, #tpu.memory_space<vmem>> -> memref<128xi32, #tpu.memory_space<vmem>>
      %dma_wait3A_304 = arith.constant 0 : i32
      %dma_wait3A_305 = tpu.memref_slice %arg2[%dma_wait3A_304] : memref<31457280xi32, #tpu.memory_space<hbm>> -> memref<31457280xi32, #tpu.memory_space<hbm>>
      tpu.wait_indirect_dma semaphore(%arg10 : memref<!tpu.dma_semaphore, #tpu.memory_space<semaphore_mem>>) src(%dma_wait3A_305 : memref<31457280xi32, #tpu.memory_space<hbm>>) dst(%dma_wait3A_300 : memref<128xi32, #tpu.memory_space<vmem>>)
      %dma_wait3A_306 = arith.constant 1 : i32
      %dma_wait3A_307 = arith.constant 0 : i32
      %dma_wait3A_308 = arith.constant 128 : i32
      %dma_wait3A_309 = tpu.memref_slice %arg9[%dma_wait3A_307, %dma_wait3A_308] : memref<6x512xi32, #tpu.memory_space<vmem>> -> memref<1x128xi32, #tpu.memory_space<vmem>>
      %dma_wait3A_310 = tpu.memref_squeeze %dma_wait3A_309 : memref<1x128xi32, #tpu.memory_space<vmem>> -> memref<128xi32, #tpu.memory_space<vmem>>
      %dma_wait3A_311 = arith.constant 0 : i32
      %dma_wait3A_312 = tpu.memref_slice %arg8[%dma_wait3A_306, %dma_wait3A_311] : memref<24x128xi32, #tpu.memory_space<vmem>> -> memref<1x128xi32, #tpu.memory_space<vmem>>
      %dma_wait3A_313 = tpu.memref_squeeze %dma_wait3A_312 : memref<1x128xi32, #tpu.memory_space<vmem>> -> memref<128xi32, #tpu.memory_space<vmem>>
      %dma_wait3A_314 = arith.constant 0 : i32
      %dma_wait3A_315 = tpu.memref_slice %arg2[%dma_wait3A_314] : memref<31457280xi32, #tpu.memory_space<hbm>> -> memref<31457280xi32, #tpu.memory_space<hbm>>
      tpu.wait_indirect_dma semaphore(%arg10 : memref<!tpu.dma_semaphore, #tpu.memory_space<semaphore_mem>>) src(%dma_wait3A_315 : memref<31457280xi32, #tpu.memory_space<hbm>>) dst(%dma_wait3A_310 : memref<128xi32, #tpu.memory_space<vmem>>)
      %dma_wait3A_316 = arith.constant 2 : i32
      %dma_wait3A_317 = arith.constant 0 : i32
      %dma_wait3A_318 = arith.constant 256 : i32
      %dma_wait3A_319 = tpu.memref_slice %arg9[%dma_wait3A_317, %dma_wait3A_318] : memref<6x512xi32, #tpu.memory_space<vmem>> -> memref<1x128xi32, #tpu.memory_space<vmem>>
      %dma_wait3A_320 = tpu.memref_squeeze %dma_wait3A_319 : memref<1x128xi32, #tpu.memory_space<vmem>> -> memref<128xi32, #tpu.memory_space<vmem>>
      %dma_wait3A_321 = arith.constant 0 : i32
      %dma_wait3A_322 = tpu.memref_slice %arg8[%dma_wait3A_316, %dma_wait3A_321] : memref<24x128xi32, #tpu.memory_space<vmem>> -> memref<1x128xi32, #tpu.memory_space<vmem>>
      %dma_wait3A_323 = tpu.memref_squeeze %dma_wait3A_322 : memref<1x128xi32, #tpu.memory_space<vmem>> -> memref<128xi32, #tpu.memory_space<vmem>>
      %dma_wait3A_324 = arith.constant 0 : i32
      %dma_wait3A_325 = tpu.memref_slice %arg2[%dma_wait3A_324] : memref<31457280xi32, #tpu.memory_space<hbm>> -> memref<31457280xi32, #tpu.memory_space<hbm>>
      tpu.wait_indirect_dma semaphore(%arg10 : memref<!tpu.dma_semaphore, #tpu.memory_space<semaphore_mem>>) src(%dma_wait3A_325 : memref<31457280xi32, #tpu.memory_space<hbm>>) dst(%dma_wait3A_320 : memref<128xi32, #tpu.memory_space<vmem>>)
      %dma_wait3A_326 = arith.constant 3 : i32
      %dma_wait3A_327 = arith.constant 0 : i32
      %dma_wait3A_328 = arith.constant 384 : i32
      %dma_wait3A_329 = tpu.memref_slice %arg9[%dma_wait3A_327, %dma_wait3A_328] : memref<6x512xi32, #tpu.memory_space<vmem>> -> memref<1x128xi32, #tpu.memory_space<vmem>>
      %dma_wait3A_330 = tpu.memref_squeeze %dma_wait3A_329 : memref<1x128xi32, #tpu.memory_space<vmem>> -> memref<128xi32, #tpu.memory_space<vmem>>
      %dma_wait3A_331 = arith.constant 0 : i32
      %dma_wait3A_332 = tpu.memref_slice %arg8[%dma_wait3A_326, %dma_wait3A_331] : memref<24x128xi32, #tpu.memory_space<vmem>> -> memref<1x128xi32, #tpu.memory_space<vmem>>
      %dma_wait3A_333 = tpu.memref_squeeze %dma_wait3A_332 : memref<1x128xi32, #tpu.memory_space<vmem>> -> memref<128xi32, #tpu.memory_space<vmem>>
      %dma_wait3A_334 = arith.constant 0 : i32
      %dma_wait3A_335 = tpu.memref_slice %arg2[%dma_wait3A_334] : memref<31457280xi32, #tpu.memory_space<hbm>> -> memref<31457280xi32, #tpu.memory_space<hbm>>
      tpu.wait_indirect_dma semaphore(%arg10 : memref<!tpu.dma_semaphore, #tpu.memory_space<semaphore_mem>>) src(%dma_wait3A_335 : memref<31457280xi32, #tpu.memory_space<hbm>>) dst(%dma_wait3A_330 : memref<128xi32, #tpu.memory_space<vmem>>)
      %dma_wait3A_336 = arith.constant 4 : i32
      %dma_wait3A_337 = arith.constant 1 : i32
      %dma_wait3A_338 = arith.constant 0 : i32
      %dma_wait3A_339 = tpu.memref_slice %arg9[%dma_wait3A_337, %dma_wait3A_338] : memref<6x512xi32, #tpu.memory_space<vmem>> -> memref<1x128xi32, #tpu.memory_space<vmem>>
      %dma_wait3A_340 = tpu.memref_squeeze %dma_wait3A_339 : memref<1x128xi32, #tpu.memory_space<vmem>> -> memref<128xi32, #tpu.memory_space<vmem>>
      %dma_wait3A_341 = arith.constant 0 : i32
      %dma_wait3A_342 = tpu.memref_slice %arg8[%dma_wait3A_336, %dma_wait3A_341] : memref<24x128xi32, #tpu.memory_space<vmem>> -> memref<1x128xi32, #tpu.memory_space<vmem>>
      %dma_wait3A_343 = tpu.memref_squeeze %dma_wait3A_342 : memref<1x128xi32, #tpu.memory_space<vmem>> -> memref<128xi32, #tpu.memory_space<vmem>>
      %dma_wait3A_344 = arith.constant 0 : i32
      %dma_wait3A_345 = tpu.memref_slice %arg2[%dma_wait3A_344] : memref<31457280xi32, #tpu.memory_space<hbm>> -> memref<31457280xi32, #tpu.memory_space<hbm>>
      tpu.wait_indirect_dma semaphore(%arg10 : memref<!tpu.dma_semaphore, #tpu.memory_space<semaphore_mem>>) src(%dma_wait3A_345 : memref<31457280xi32, #tpu.memory_space<hbm>>) dst(%dma_wait3A_340 : memref<128xi32, #tpu.memory_space<vmem>>)
      %dma_wait3A_346 = arith.constant 5 : i32
      %dma_wait3A_347 = arith.constant 1 : i32
      %dma_wait3A_348 = arith.constant 128 : i32
      %dma_wait3A_349 = tpu.memref_slice %arg9[%dma_wait3A_347, %dma_wait3A_348] : memref<6x512xi32, #tpu.memory_space<vmem>> -> memref<1x128xi32, #tpu.memory_space<vmem>>
      %dma_wait3A_350 = tpu.memref_squeeze %dma_wait3A_349 : memref<1x128xi32, #tpu.memory_space<vmem>> -> memref<128xi32, #tpu.memory_space<vmem>>
      %dma_wait3A_351 = arith.constant 0 : i32
      %dma_wait3A_352 = tpu.memref_slice %arg8[%dma_wait3A_346, %dma_wait3A_351] : memref<24x128xi32, #tpu.memory_space<vmem>> -> memref<1x128xi32, #tpu.memory_space<vmem>>
      %dma_wait3A_353 = tpu.memref_squeeze %dma_wait3A_352 : memref<1x128xi32, #tpu.memory_space<vmem>> -> memref<128xi32, #tpu.memory_space<vmem>>
      %dma_wait3A_354 = arith.constant 0 : i32
      %dma_wait3A_355 = tpu.memref_slice %arg2[%dma_wait3A_354] : memref<31457280xi32, #tpu.memory_space<hbm>> -> memref<31457280xi32, #tpu.memory_space<hbm>>
      tpu.wait_indirect_dma semaphore(%arg10 : memref<!tpu.dma_semaphore, #tpu.memory_space<semaphore_mem>>) src(%dma_wait3A_355 : memref<31457280xi32, #tpu.memory_space<hbm>>) dst(%dma_wait3A_350 : memref<128xi32, #tpu.memory_space<vmem>>)
      %dma_wait3A_356 = arith.constant 6 : i32
      %dma_wait3A_357 = arith.constant 1 : i32
      %dma_wait3A_358 = arith.constant 256 : i32
      %dma_wait3A_359 = tpu.memref_slice %arg9[%dma_wait3A_357, %dma_wait3A_358] : memref<6x512xi32, #tpu.memory_space<vmem>> -> memref<1x128xi32, #tpu.memory_space<vmem>>
      %dma_wait3A_360 = tpu.memref_squeeze %dma_wait3A_359 : memref<1x128xi32, #tpu.memory_space<vmem>> -> memref<128xi32, #tpu.memory_space<vmem>>
      %dma_wait3A_361 = arith.constant 0 : i32
      %dma_wait3A_362 = tpu.memref_slice %arg8[%dma_wait3A_356, %dma_wait3A_361] : memref<24x128xi32, #tpu.memory_space<vmem>> -> memref<1x128xi32, #tpu.memory_space<vmem>>
      %dma_wait3A_363 = tpu.memref_squeeze %dma_wait3A_362 : memref<1x128xi32, #tpu.memory_space<vmem>> -> memref<128xi32, #tpu.memory_space<vmem>>
      %dma_wait3A_364 = arith.constant 0 : i32
      %dma_wait3A_365 = tpu.memref_slice %arg2[%dma_wait3A_364] : memref<31457280xi32, #tpu.memory_space<hbm>> -> memref<31457280xi32, #tpu.memory_space<hbm>>
      tpu.wait_indirect_dma semaphore(%arg10 : memref<!tpu.dma_semaphore, #tpu.memory_space<semaphore_mem>>) src(%dma_wait3A_365 : memref<31457280xi32, #tpu.memory_space<hbm>>) dst(%dma_wait3A_360 : memref<128xi32, #tpu.memory_space<vmem>>)
      %dma_wait3A_366 = arith.constant 7 : i32
      %dma_wait3A_367 = arith.constant 1 : i32
      %dma_wait3A_368 = arith.constant 384 : i32
      %dma_wait3A_369 = tpu.memref_slice %arg9[%dma_wait3A_367, %dma_wait3A_368] : memref<6x512xi32, #tpu.memory_space<vmem>> -> memref<1x128xi32, #tpu.memory_space<vmem>>
      %dma_wait3A_370 = tpu.memref_squeeze %dma_wait3A_369 : memref<1x128xi32, #tpu.memory_space<vmem>> -> memref<128xi32, #tpu.memory_space<vmem>>
      %dma_wait3A_371 = arith.constant 0 : i32
      %dma_wait3A_372 = tpu.memref_slice %arg8[%dma_wait3A_366, %dma_wait3A_371] : memref<24x128xi32, #tpu.memory_space<vmem>> -> memref<1x128xi32, #tpu.memory_space<vmem>>
      %dma_wait3A_373 = tpu.memref_squeeze %dma_wait3A_372 : memref<1x128xi32, #tpu.memory_space<vmem>> -> memref<128xi32, #tpu.memory_space<vmem>>
      %dma_wait3A_374 = arith.constant 0 : i32
      %dma_wait3A_375 = tpu.memref_slice %arg2[%dma_wait3A_374] : memref<31457280xi32, #tpu.memory_space<hbm>> -> memref<31457280xi32, #tpu.memory_space<hbm>>
      tpu.wait_indirect_dma semaphore(%arg10 : memref<!tpu.dma_semaphore, #tpu.memory_space<semaphore_mem>>) src(%dma_wait3A_375 : memref<31457280xi32, #tpu.memory_space<hbm>>) dst(%dma_wait3A_370 : memref<128xi32, #tpu.memory_space<vmem>>)
      %dma_wait3A_376 = arith.constant 8 : i32
      %dma_wait3A_377 = arith.constant 2 : i32
      %dma_wait3A_378 = arith.constant 0 : i32
      %dma_wait3A_379 = tpu.memref_slice %arg9[%dma_wait3A_377, %dma_wait3A_378] : memref<6x512xi32, #tpu.memory_space<vmem>> -> memref<1x128xi32, #tpu.memory_space<vmem>>
      %dma_wait3A_380 = tpu.memref_squeeze %dma_wait3A_379 : memref<1x128xi32, #tpu.memory_space<vmem>> -> memref<128xi32, #tpu.memory_space<vmem>>
      %dma_wait3A_381 = arith.constant 0 : i32
      %dma_wait3A_382 = tpu.memref_slice %arg8[%dma_wait3A_376, %dma_wait3A_381] : memref<24x128xi32, #tpu.memory_space<vmem>> -> memref<1x128xi32, #tpu.memory_space<vmem>>
      %dma_wait3A_383 = tpu.memref_squeeze %dma_wait3A_382 : memref<1x128xi32, #tpu.memory_space<vmem>> -> memref<128xi32, #tpu.memory_space<vmem>>
      %dma_wait3A_384 = arith.constant 0 : i32
      %dma_wait3A_385 = tpu.memref_slice %arg2[%dma_wait3A_384] : memref<31457280xi32, #tpu.memory_space<hbm>> -> memref<31457280xi32, #tpu.memory_space<hbm>>
      tpu.wait_indirect_dma semaphore(%arg10 : memref<!tpu.dma_semaphore, #tpu.memory_space<semaphore_mem>>) src(%dma_wait3A_385 : memref<31457280xi32, #tpu.memory_space<hbm>>) dst(%dma_wait3A_380 : memref<128xi32, #tpu.memory_space<vmem>>)
      %dma_wait3A_386 = arith.constant 9 : i32
      %dma_wait3A_387 = arith.constant 2 : i32
      %dma_wait3A_388 = arith.constant 128 : i32
      %dma_wait3A_389 = tpu.memref_slice %arg9[%dma_wait3A_387, %dma_wait3A_388] : memref<6x512xi32, #tpu.memory_space<vmem>> -> memref<1x128xi32, #tpu.memory_space<vmem>>
      %dma_wait3A_390 = tpu.memref_squeeze %dma_wait3A_389 : memref<1x128xi32, #tpu.memory_space<vmem>> -> memref<128xi32, #tpu.memory_space<vmem>>
      %dma_wait3A_391 = arith.constant 0 : i32
      %dma_wait3A_392 = tpu.memref_slice %arg8[%dma_wait3A_386, %dma_wait3A_391] : memref<24x128xi32, #tpu.memory_space<vmem>> -> memref<1x128xi32, #tpu.memory_space<vmem>>
      %dma_wait3A_393 = tpu.memref_squeeze %dma_wait3A_392 : memref<1x128xi32, #tpu.memory_space<vmem>> -> memref<128xi32, #tpu.memory_space<vmem>>
      %dma_wait3A_394 = arith.constant 0 : i32
      %dma_wait3A_395 = tpu.memref_slice %arg2[%dma_wait3A_394] : memref<31457280xi32, #tpu.memory_space<hbm>> -> memref<31457280xi32, #tpu.memory_space<hbm>>
      tpu.wait_indirect_dma semaphore(%arg10 : memref<!tpu.dma_semaphore, #tpu.memory_space<semaphore_mem>>) src(%dma_wait3A_395 : memref<31457280xi32, #tpu.memory_space<hbm>>) dst(%dma_wait3A_390 : memref<128xi32, #tpu.memory_space<vmem>>)
      %dma_wait3A_396 = arith.constant 10 : i32
      %dma_wait3A_397 = arith.constant 2 : i32
      %dma_wait3A_398 = arith.constant 256 : i32
      %dma_wait3A_399 = tpu.memref_slice %arg9[%dma_wait3A_397, %dma_wait3A_398] : memref<6x512xi32, #tpu.memory_space<vmem>> -> memref<1x128xi32, #tpu.memory_space<vmem>>
      %dma_wait3A_400 = tpu.memref_squeeze %dma_wait3A_399 : memref<1x128xi32, #tpu.memory_space<vmem>> -> memref<128xi32, #tpu.memory_space<vmem>>
      %dma_wait3A_401 = arith.constant 0 : i32
      %dma_wait3A_402 = tpu.memref_slice %arg8[%dma_wait3A_396, %dma_wait3A_401] : memref<24x128xi32, #tpu.memory_space<vmem>> -> memref<1x128xi32, #tpu.memory_space<vmem>>
      %dma_wait3A_403 = tpu.memref_squeeze %dma_wait3A_402 : memref<1x128xi32, #tpu.memory_space<vmem>> -> memref<128xi32, #tpu.memory_space<vmem>>
      %dma_wait3A_404 = arith.constant 0 : i32
      %dma_wait3A_405 = tpu.memref_slice %arg2[%dma_wait3A_404] : memref<31457280xi32, #tpu.memory_space<hbm>> -> memref<31457280xi32, #tpu.memory_space<hbm>>
      tpu.wait_indirect_dma semaphore(%arg10 : memref<!tpu.dma_semaphore, #tpu.memory_space<semaphore_mem>>) src(%dma_wait3A_405 : memref<31457280xi32, #tpu.memory_space<hbm>>) dst(%dma_wait3A_400 : memref<128xi32, #tpu.memory_space<vmem>>)
      %dma_wait3A_406 = arith.constant 11 : i32
      %dma_wait3A_407 = arith.constant 2 : i32
      %dma_wait3A_408 = arith.constant 384 : i32
      %dma_wait3A_409 = tpu.memref_slice %arg9[%dma_wait3A_407, %dma_wait3A_408] : memref<6x512xi32, #tpu.memory_space<vmem>> -> memref<1x128xi32, #tpu.memory_space<vmem>>
      %dma_wait3A_410 = tpu.memref_squeeze %dma_wait3A_409 : memref<1x128xi32, #tpu.memory_space<vmem>> -> memref<128xi32, #tpu.memory_space<vmem>>
      %dma_wait3A_411 = arith.constant 0 : i32
      %dma_wait3A_412 = tpu.memref_slice %arg8[%dma_wait3A_406, %dma_wait3A_411] : memref<24x128xi32, #tpu.memory_space<vmem>> -> memref<1x128xi32, #tpu.memory_space<vmem>>
      %dma_wait3A_413 = tpu.memref_squeeze %dma_wait3A_412 : memref<1x128xi32, #tpu.memory_space<vmem>> -> memref<128xi32, #tpu.memory_space<vmem>>
      %dma_wait3A_414 = arith.constant 0 : i32
      %dma_wait3A_415 = tpu.memref_slice %arg2[%dma_wait3A_414] : memref<31457280xi32, #tpu.memory_space<hbm>> -> memref<31457280xi32, #tpu.memory_space<hbm>>
      tpu.wait_indirect_dma semaphore(%arg10 : memref<!tpu.dma_semaphore, #tpu.memory_space<semaphore_mem>>) src(%dma_wait3A_415 : memref<31457280xi32, #tpu.memory_space<hbm>>) dst(%dma_wait3A_410 : memref<128xi32, #tpu.memory_space<vmem>>)
      %dma_wait3A_416 = arith.constant 12 : i32
      %dma_wait3A_417 = arith.constant 3 : i32
      %dma_wait3A_418 = arith.constant 0 : i32
      %dma_wait3A_419 = tpu.memref_slice %arg9[%dma_wait3A_417, %dma_wait3A_418] : memref<6x512xi32, #tpu.memory_space<vmem>> -> memref<1x128xi32, #tpu.memory_space<vmem>>
      %dma_wait3A_420 = tpu.memref_squeeze %dma_wait3A_419 : memref<1x128xi32, #tpu.memory_space<vmem>> -> memref<128xi32, #tpu.memory_space<vmem>>
      %dma_wait3A_421 = arith.constant 0 : i32
      %dma_wait3A_422 = tpu.memref_slice %arg8[%dma_wait3A_416, %dma_wait3A_421] : memref<24x128xi32, #tpu.memory_space<vmem>> -> memref<1x128xi32, #tpu.memory_space<vmem>>
      %dma_wait3A_423 = tpu.memref_squeeze %dma_wait3A_422 : memref<1x128xi32, #tpu.memory_space<vmem>> -> memref<128xi32, #tpu.memory_space<vmem>>
      %dma_wait3A_424 = arith.constant 0 : i32
      %dma_wait3A_425 = tpu.memref_slice %arg2[%dma_wait3A_424] : memref<31457280xi32, #tpu.memory_space<hbm>> -> memref<31457280xi32, #tpu.memory_space<hbm>>
      tpu.wait_indirect_dma semaphore(%arg10 : memref<!tpu.dma_semaphore, #tpu.memory_space<semaphore_mem>>) src(%dma_wait3A_425 : memref<31457280xi32, #tpu.memory_space<hbm>>) dst(%dma_wait3A_420 : memref<128xi32, #tpu.memory_space<vmem>>)
      %dma_wait3A_426 = arith.constant 13 : i32
      %dma_wait3A_427 = arith.constant 3 : i32
      %dma_wait3A_428 = arith.constant 128 : i32
      %dma_wait3A_429 = tpu.memref_slice %arg9[%dma_wait3A_427, %dma_wait3A_428] : memref<6x512xi32, #tpu.memory_space<vmem>> -> memref<1x128xi32, #tpu.memory_space<vmem>>
      %dma_wait3A_430 = tpu.memref_squeeze %dma_wait3A_429 : memref<1x128xi32, #tpu.memory_space<vmem>> -> memref<128xi32, #tpu.memory_space<vmem>>
      %dma_wait3A_431 = arith.constant 0 : i32
      %dma_wait3A_432 = tpu.memref_slice %arg8[%dma_wait3A_426, %dma_wait3A_431] : memref<24x128xi32, #tpu.memory_space<vmem>> -> memref<1x128xi32, #tpu.memory_space<vmem>>
      %dma_wait3A_433 = tpu.memref_squeeze %dma_wait3A_432 : memref<1x128xi32, #tpu.memory_space<vmem>> -> memref<128xi32, #tpu.memory_space<vmem>>
      %dma_wait3A_434 = arith.constant 0 : i32
      %dma_wait3A_435 = tpu.memref_slice %arg2[%dma_wait3A_434] : memref<31457280xi32, #tpu.memory_space<hbm>> -> memref<31457280xi32, #tpu.memory_space<hbm>>
      tpu.wait_indirect_dma semaphore(%arg10 : memref<!tpu.dma_semaphore, #tpu.memory_space<semaphore_mem>>) src(%dma_wait3A_435 : memref<31457280xi32, #tpu.memory_space<hbm>>) dst(%dma_wait3A_430 : memref<128xi32, #tpu.memory_space<vmem>>)
      %dma_wait3A_436 = arith.constant 14 : i32
      %dma_wait3A_437 = arith.constant 3 : i32
      %dma_wait3A_438 = arith.constant 256 : i32
      %dma_wait3A_439 = tpu.memref_slice %arg9[%dma_wait3A_437, %dma_wait3A_438] : memref<6x512xi32, #tpu.memory_space<vmem>> -> memref<1x128xi32, #tpu.memory_space<vmem>>
      %dma_wait3A_440 = tpu.memref_squeeze %dma_wait3A_439 : memref<1x128xi32, #tpu.memory_space<vmem>> -> memref<128xi32, #tpu.memory_space<vmem>>
      %dma_wait3A_441 = arith.constant 0 : i32
      %dma_wait3A_442 = tpu.memref_slice %arg8[%dma_wait3A_436, %dma_wait3A_441] : memref<24x128xi32, #tpu.memory_space<vmem>> -> memref<1x128xi32, #tpu.memory_space<vmem>>
      %dma_wait3A_443 = tpu.memref_squeeze %dma_wait3A_442 : memref<1x128xi32, #tpu.memory_space<vmem>> -> memref<128xi32, #tpu.memory_space<vmem>>
      %dma_wait3A_444 = arith.constant 0 : i32
      %dma_wait3A_445 = tpu.memref_slice %arg2[%dma_wait3A_444] : memref<31457280xi32, #tpu.memory_space<hbm>> -> memref<31457280xi32, #tpu.memory_space<hbm>>
      tpu.wait_indirect_dma semaphore(%arg10 : memref<!tpu.dma_semaphore, #tpu.memory_space<semaphore_mem>>) src(%dma_wait3A_445 : memref<31457280xi32, #tpu.memory_space<hbm>>) dst(%dma_wait3A_440 : memref<128xi32, #tpu.memory_space<vmem>>)
      %dma_wait3A_446 = arith.constant 15 : i32
      %dma_wait3A_447 = arith.constant 3 : i32
      %dma_wait3A_448 = arith.constant 384 : i32
      %dma_wait3A_449 = tpu.memref_slice %arg9[%dma_wait3A_447, %dma_wait3A_448] : memref<6x512xi32, #tpu.memory_space<vmem>> -> memref<1x128xi32, #tpu.memory_space<vmem>>
      %dma_wait3A_450 = tpu.memref_squeeze %dma_wait3A_449 : memref<1x128xi32, #tpu.memory_space<vmem>> -> memref<128xi32, #tpu.memory_space<vmem>>
      %dma_wait3A_451 = arith.constant 0 : i32
      %dma_wait3A_452 = tpu.memref_slice %arg8[%dma_wait3A_446, %dma_wait3A_451] : memref<24x128xi32, #tpu.memory_space<vmem>> -> memref<1x128xi32, #tpu.memory_space<vmem>>
      %dma_wait3A_453 = tpu.memref_squeeze %dma_wait3A_452 : memref<1x128xi32, #tpu.memory_space<vmem>> -> memref<128xi32, #tpu.memory_space<vmem>>
      %dma_wait3A_454 = arith.constant 0 : i32
      %dma_wait3A_455 = tpu.memref_slice %arg2[%dma_wait3A_454] : memref<31457280xi32, #tpu.memory_space<hbm>> -> memref<31457280xi32, #tpu.memory_space<hbm>>
      tpu.wait_indirect_dma semaphore(%arg10 : memref<!tpu.dma_semaphore, #tpu.memory_space<semaphore_mem>>) src(%dma_wait3A_455 : memref<31457280xi32, #tpu.memory_space<hbm>>) dst(%dma_wait3A_450 : memref<128xi32, #tpu.memory_space<vmem>>)
      %dma_wait3A_456 = arith.constant 16 : i32
      %dma_wait3A_457 = arith.constant 4 : i32
      %dma_wait3A_458 = arith.constant 0 : i32
      %dma_wait3A_459 = tpu.memref_slice %arg9[%dma_wait3A_457, %dma_wait3A_458] : memref<6x512xi32, #tpu.memory_space<vmem>> -> memref<1x128xi32, #tpu.memory_space<vmem>>
      %dma_wait3A_460 = tpu.memref_squeeze %dma_wait3A_459 : memref<1x128xi32, #tpu.memory_space<vmem>> -> memref<128xi32, #tpu.memory_space<vmem>>
      %dma_wait3A_461 = arith.constant 0 : i32
      %dma_wait3A_462 = tpu.memref_slice %arg8[%dma_wait3A_456, %dma_wait3A_461] : memref<24x128xi32, #tpu.memory_space<vmem>> -> memref<1x128xi32, #tpu.memory_space<vmem>>
      %dma_wait3A_463 = tpu.memref_squeeze %dma_wait3A_462 : memref<1x128xi32, #tpu.memory_space<vmem>> -> memref<128xi32, #tpu.memory_space<vmem>>
      %dma_wait3A_464 = arith.constant 0 : i32
      %dma_wait3A_465 = tpu.memref_slice %arg2[%dma_wait3A_464] : memref<31457280xi32, #tpu.memory_space<hbm>> -> memref<31457280xi32, #tpu.memory_space<hbm>>
      tpu.wait_indirect_dma semaphore(%arg10 : memref<!tpu.dma_semaphore, #tpu.memory_space<semaphore_mem>>) src(%dma_wait3A_465 : memref<31457280xi32, #tpu.memory_space<hbm>>) dst(%dma_wait3A_460 : memref<128xi32, #tpu.memory_space<vmem>>)
      %dma_wait3A_466 = arith.constant 17 : i32
      %dma_wait3A_467 = arith.constant 4 : i32
      %dma_wait3A_468 = arith.constant 128 : i32
      %dma_wait3A_469 = tpu.memref_slice %arg9[%dma_wait3A_467, %dma_wait3A_468] : memref<6x512xi32, #tpu.memory_space<vmem>> -> memref<1x128xi32, #tpu.memory_space<vmem>>
      %dma_wait3A_470 = tpu.memref_squeeze %dma_wait3A_469 : memref<1x128xi32, #tpu.memory_space<vmem>> -> memref<128xi32, #tpu.memory_space<vmem>>
      %dma_wait3A_471 = arith.constant 0 : i32
      %dma_wait3A_472 = tpu.memref_slice %arg8[%dma_wait3A_466, %dma_wait3A_471] : memref<24x128xi32, #tpu.memory_space<vmem>> -> memref<1x128xi32, #tpu.memory_space<vmem>>
      %dma_wait3A_473 = tpu.memref_squeeze %dma_wait3A_472 : memref<1x128xi32, #tpu.memory_space<vmem>> -> memref<128xi32, #tpu.memory_space<vmem>>
      %dma_wait3A_474 = arith.constant 0 : i32
      %dma_wait3A_475 = tpu.memref_slice %arg2[%dma_wait3A_474] : memref<31457280xi32, #tpu.memory_space<hbm>> -> memref<31457280xi32, #tpu.memory_space<hbm>>
      tpu.wait_indirect_dma semaphore(%arg10 : memref<!tpu.dma_semaphore, #tpu.memory_space<semaphore_mem>>) src(%dma_wait3A_475 : memref<31457280xi32, #tpu.memory_space<hbm>>) dst(%dma_wait3A_470 : memref<128xi32, #tpu.memory_space<vmem>>)
      %dma_wait3A_476 = arith.constant 18 : i32
      %dma_wait3A_477 = arith.constant 4 : i32
      %dma_wait3A_478 = arith.constant 256 : i32
      %dma_wait3A_479 = tpu.memref_slice %arg9[%dma_wait3A_477, %dma_wait3A_478] : memref<6x512xi32, #tpu.memory_space<vmem>> -> memref<1x128xi32, #tpu.memory_space<vmem>>
      %dma_wait3A_480 = tpu.memref_squeeze %dma_wait3A_479 : memref<1x128xi32, #tpu.memory_space<vmem>> -> memref<128xi32, #tpu.memory_space<vmem>>
      %dma_wait3A_481 = arith.constant 0 : i32
      %dma_wait3A_482 = tpu.memref_slice %arg8[%dma_wait3A_476, %dma_wait3A_481] : memref<24x128xi32, #tpu.memory_space<vmem>> -> memref<1x128xi32, #tpu.memory_space<vmem>>
      %dma_wait3A_483 = tpu.memref_squeeze %dma_wait3A_482 : memref<1x128xi32, #tpu.memory_space<vmem>> -> memref<128xi32, #tpu.memory_space<vmem>>
      %dma_wait3A_484 = arith.constant 0 : i32
      %dma_wait3A_485 = tpu.memref_slice %arg2[%dma_wait3A_484] : memref<31457280xi32, #tpu.memory_space<hbm>> -> memref<31457280xi32, #tpu.memory_space<hbm>>
      tpu.wait_indirect_dma semaphore(%arg10 : memref<!tpu.dma_semaphore, #tpu.memory_space<semaphore_mem>>) src(%dma_wait3A_485 : memref<31457280xi32, #tpu.memory_space<hbm>>) dst(%dma_wait3A_480 : memref<128xi32, #tpu.memory_space<vmem>>)
      %dma_wait3A_486 = arith.constant 19 : i32
      %dma_wait3A_487 = arith.constant 4 : i32
      %dma_wait3A_488 = arith.constant 384 : i32
      %dma_wait3A_489 = tpu.memref_slice %arg9[%dma_wait3A_487, %dma_wait3A_488] : memref<6x512xi32, #tpu.memory_space<vmem>> -> memref<1x128xi32, #tpu.memory_space<vmem>>
      %dma_wait3A_490 = tpu.memref_squeeze %dma_wait3A_489 : memref<1x128xi32, #tpu.memory_space<vmem>> -> memref<128xi32, #tpu.memory_space<vmem>>
      %dma_wait3A_491 = arith.constant 0 : i32
      %dma_wait3A_492 = tpu.memref_slice %arg8[%dma_wait3A_486, %dma_wait3A_491] : memref<24x128xi32, #tpu.memory_space<vmem>> -> memref<1x128xi32, #tpu.memory_space<vmem>>
      %dma_wait3A_493 = tpu.memref_squeeze %dma_wait3A_492 : memref<1x128xi32, #tpu.memory_space<vmem>> -> memref<128xi32, #tpu.memory_space<vmem>>
      %dma_wait3A_494 = arith.constant 0 : i32
      %dma_wait3A_495 = tpu.memref_slice %arg2[%dma_wait3A_494] : memref<31457280xi32, #tpu.memory_space<hbm>> -> memref<31457280xi32, #tpu.memory_space<hbm>>
      tpu.wait_indirect_dma semaphore(%arg10 : memref<!tpu.dma_semaphore, #tpu.memory_space<semaphore_mem>>) src(%dma_wait3A_495 : memref<31457280xi32, #tpu.memory_space<hbm>>) dst(%dma_wait3A_490 : memref<128xi32, #tpu.memory_space<vmem>>)
      %dma_wait3A_496 = arith.constant 20 : i32
      %dma_wait3A_497 = arith.constant 5 : i32
      %dma_wait3A_498 = arith.constant 0 : i32
      %dma_wait3A_499 = tpu.memref_slice %arg9[%dma_wait3A_497, %dma_wait3A_498] : memref<6x512xi32, #tpu.memory_space<vmem>> -> memref<1x128xi32, #tpu.memory_space<vmem>>
      %dma_wait3A_500 = tpu.memref_squeeze %dma_wait3A_499 : memref<1x128xi32, #tpu.memory_space<vmem>> -> memref<128xi32, #tpu.memory_space<vmem>>
      %dma_wait3A_501 = arith.constant 0 : i32
      %dma_wait3A_502 = tpu.memref_slice %arg8[%dma_wait3A_496, %dma_wait3A_501] : memref<24x128xi32, #tpu.memory_space<vmem>> -> memref<1x128xi32, #tpu.memory_space<vmem>>
      %dma_wait3A_503 = tpu.memref_squeeze %dma_wait3A_502 : memref<1x128xi32, #tpu.memory_space<vmem>> -> memref<128xi32, #tpu.memory_space<vmem>>
      %dma_wait3A_504 = arith.constant 0 : i32
      %dma_wait3A_505 = tpu.memref_slice %arg2[%dma_wait3A_504] : memref<31457280xi32, #tpu.memory_space<hbm>> -> memref<31457280xi32, #tpu.memory_space<hbm>>
      tpu.wait_indirect_dma semaphore(%arg10 : memref<!tpu.dma_semaphore, #tpu.memory_space<semaphore_mem>>) src(%dma_wait3A_505 : memref<31457280xi32, #tpu.memory_space<hbm>>) dst(%dma_wait3A_500 : memref<128xi32, #tpu.memory_space<vmem>>)
      %dma_wait3A_506 = arith.constant 21 : i32
      %dma_wait3A_507 = arith.constant 5 : i32
      %dma_wait3A_508 = arith.constant 128 : i32
      %dma_wait3A_509 = tpu.memref_slice %arg9[%dma_wait3A_507, %dma_wait3A_508] : memref<6x512xi32, #tpu.memory_space<vmem>> -> memref<1x128xi32, #tpu.memory_space<vmem>>
      %dma_wait3A_510 = tpu.memref_squeeze %dma_wait3A_509 : memref<1x128xi32, #tpu.memory_space<vmem>> -> memref<128xi32, #tpu.memory_space<vmem>>
      %dma_wait3A_511 = arith.constant 0 : i32
      %dma_wait3A_512 = tpu.memref_slice %arg8[%dma_wait3A_506, %dma_wait3A_511] : memref<24x128xi32, #tpu.memory_space<vmem>> -> memref<1x128xi32, #tpu.memory_space<vmem>>
      %dma_wait3A_513 = tpu.memref_squeeze %dma_wait3A_512 : memref<1x128xi32, #tpu.memory_space<vmem>> -> memref<128xi32, #tpu.memory_space<vmem>>
      %dma_wait3A_514 = arith.constant 0 : i32
      %dma_wait3A_515 = tpu.memref_slice %arg2[%dma_wait3A_514] : memref<31457280xi32, #tpu.memory_space<hbm>> -> memref<31457280xi32, #tpu.memory_space<hbm>>
      tpu.wait_indirect_dma semaphore(%arg10 : memref<!tpu.dma_semaphore, #tpu.memory_space<semaphore_mem>>) src(%dma_wait3A_515 : memref<31457280xi32, #tpu.memory_space<hbm>>) dst(%dma_wait3A_510 : memref<128xi32, #tpu.memory_space<vmem>>)
      %dma_wait3A_516 = arith.constant 22 : i32
      %dma_wait3A_517 = arith.constant 5 : i32
      %dma_wait3A_518 = arith.constant 256 : i32
      %dma_wait3A_519 = tpu.memref_slice %arg9[%dma_wait3A_517, %dma_wait3A_518] : memref<6x512xi32, #tpu.memory_space<vmem>> -> memref<1x128xi32, #tpu.memory_space<vmem>>
      %dma_wait3A_520 = tpu.memref_squeeze %dma_wait3A_519 : memref<1x128xi32, #tpu.memory_space<vmem>> -> memref<128xi32, #tpu.memory_space<vmem>>
      %dma_wait3A_521 = arith.constant 0 : i32
      %dma_wait3A_522 = tpu.memref_slice %arg8[%dma_wait3A_516, %dma_wait3A_521] : memref<24x128xi32, #tpu.memory_space<vmem>> -> memref<1x128xi32, #tpu.memory_space<vmem>>
      %dma_wait3A_523 = tpu.memref_squeeze %dma_wait3A_522 : memref<1x128xi32, #tpu.memory_space<vmem>> -> memref<128xi32, #tpu.memory_space<vmem>>
      %dma_wait3A_524 = arith.constant 0 : i32
      %dma_wait3A_525 = tpu.memref_slice %arg2[%dma_wait3A_524] : memref<31457280xi32, #tpu.memory_space<hbm>> -> memref<31457280xi32, #tpu.memory_space<hbm>>
      tpu.wait_indirect_dma semaphore(%arg10 : memref<!tpu.dma_semaphore, #tpu.memory_space<semaphore_mem>>) src(%dma_wait3A_525 : memref<31457280xi32, #tpu.memory_space<hbm>>) dst(%dma_wait3A_520 : memref<128xi32, #tpu.memory_space<vmem>>)
      %dma_wait3A_526 = arith.constant 23 : i32
      %dma_wait3A_527 = arith.constant 5 : i32
      %dma_wait3A_528 = arith.constant 384 : i32
      %dma_wait3A_529 = tpu.memref_slice %arg9[%dma_wait3A_527, %dma_wait3A_528] : memref<6x512xi32, #tpu.memory_space<vmem>> -> memref<1x128xi32, #tpu.memory_space<vmem>>
      %dma_wait3A_530 = tpu.memref_squeeze %dma_wait3A_529 : memref<1x128xi32, #tpu.memory_space<vmem>> -> memref<128xi32, #tpu.memory_space<vmem>>
      %dma_wait3A_531 = arith.constant 0 : i32
      %dma_wait3A_532 = tpu.memref_slice %arg8[%dma_wait3A_526, %dma_wait3A_531] : memref<24x128xi32, #tpu.memory_space<vmem>> -> memref<1x128xi32, #tpu.memory_space<vmem>>
      %dma_wait3A_533 = tpu.memref_squeeze %dma_wait3A_532 : memref<1x128xi32, #tpu.memory_space<vmem>> -> memref<128xi32, #tpu.memory_space<vmem>>
      %dma_wait3A_534 = arith.constant 0 : i32
      %dma_wait3A_535 = tpu.memref_slice %arg2[%dma_wait3A_534] : memref<31457280xi32, #tpu.memory_space<hbm>> -> memref<31457280xi32, #tpu.memory_space<hbm>>
      tpu.wait_indirect_dma semaphore(%arg10 : memref<!tpu.dma_semaphore, #tpu.memory_space<semaphore_mem>>) src(%dma_wait3A_535 : memref<31457280xi32, #tpu.memory_space<hbm>>) dst(%dma_wait3A_530 : memref<128xi32, #tpu.memory_space<vmem>>)
      "tpu.region"() ({
        %run_scoped3A_536 = tpu.sem_alloc : memref<!tpu.dma_semaphore, #tpu.memory_space<semaphore_mem>>
        %dma_start3A_537 = arith.constant 0 : i32
        %dma_start3A_538 = tpu.memref_slice %arg5[%scan3A_19, %dma_start3A_537, %mul3A_2] : memref<6x6x16384xi32, #tpu.memory_space<hbm>> -> memref<1x6x512xi32, #tpu.memory_space<hbm>>
        %dma_start3A_539 = tpu.memref_squeeze %dma_start3A_538 : memref<1x6x512xi32, #tpu.memory_space<hbm>> -> memref<6x512xi32, #tpu.memory_space<hbm>>
        %dma_start3A_540 = arith.constant 0 : i32
        %dma_start3A_541 = tpu.memref_slice %arg5[%scan3A_19, %dma_start3A_540, %mul3A_2] : memref<6x6x16384xi32, #tpu.memory_space<hbm>> -> memref<1x6x512xi32, #tpu.memory_space<hbm>>
        %dma_start3A_542 = tpu.memref_squeeze %dma_start3A_541 : memref<1x6x512xi32, #tpu.memory_space<hbm>> -> memref<6x512xi32, #tpu.memory_space<hbm>>
        tpu.enqueue_dma source(%arg9 : memref<6x512xi32, #tpu.memory_space<vmem>>) target(%dma_start3A_542 : memref<6x512xi32, #tpu.memory_space<hbm>>) target_semaphore(%run_scoped3A_536 : memref<!tpu.dma_semaphore, #tpu.memory_space<semaphore_mem>>)
        %dma_wait3A_543 = arith.constant 0 : i32
        %dma_wait3A_544 = tpu.memref_slice %arg5[%scan3A_19, %dma_wait3A_543, %mul3A_2] : memref<6x6x16384xi32, #tpu.memory_space<hbm>> -> memref<1x6x512xi32, #tpu.memory_space<hbm>>
        %dma_wait3A_545 = tpu.memref_squeeze %dma_wait3A_544 : memref<1x6x512xi32, #tpu.memory_space<hbm>> -> memref<6x512xi32, #tpu.memory_space<hbm>>
        %dma_wait3A_546 = arith.constant 0 : i32
        %dma_wait3A_547 = tpu.memref_slice %arg5[%scan3A_19, %dma_wait3A_546, %mul3A_2] : memref<6x6x16384xi32, #tpu.memory_space<hbm>> -> memref<1x6x512xi32, #tpu.memory_space<hbm>>
        %dma_wait3A_548 = tpu.memref_squeeze %dma_wait3A_547 : memref<1x6x512xi32, #tpu.memory_space<hbm>> -> memref<6x512xi32, #tpu.memory_space<hbm>>
        tpu.wait_dma2 semaphore(%run_scoped3A_536 : memref<!tpu.dma_semaphore, #tpu.memory_space<semaphore_mem>>) src(%arg9 : memref<6x512xi32, #tpu.memory_space<vmem>>) dst(%dma_wait3A_548 : memref<6x512xi32, #tpu.memory_space<hbm>>)
        tpu.yield
      }) : () -> ()
    }
    %scan3A_18 = arith.constant 6 : i32
    return
  }
}

#map = affine_map<(d0, d1) -> (0)>
#map1 = affine_map<(d0, d1) -> (0, 0)>
#map2 = affine_map<(d0, d1) -> (0, 0, 0)>
module attributes {stable_mosaic.version = 14 : i64} {
  func.func @sc_gather(%arg0: i32, %arg1: i32, %arg2: memref<31457280xi32, #tpu.memory_space<hbm>>, %arg3: memref<16384xi32, #tpu.memory_space<hbm>>, %arg4: memref<6x16384xi32, #tpu.memory_space<hbm>>, %arg5: memref<6x6x16384xi32, #tpu.memory_space<hbm>>, %arg6: memref<512xi32, #tpu.memory_space<vmem>>, %arg7: memref<6x512xi32, #tpu.memory_space<vmem>>, %arg8: memref<24x128xi32, #tpu.memory_space<vmem>>, %arg9: memref<6x512xi32, #tpu.memory_space<vmem>>, %arg10: memref<!tpu.dma_semaphore, #tpu.memory_space<semaphore_mem>>) attributes {dimension_semantics = [#tpu.dimension_semantics<core_parallel>, #tpu.dimension_semantics<subcore_parallel>], iteration_bounds = array<i64: 2, 16>, scalar_prefetch = 0 : i64, scratch_operands = 5 : i64, tpu.core_type = #tpu.core_type<sc_vector_subcore>, window_params = [{transform_indices = #map}, {transform_indices = #map}, {transform_indices = #map1}, {transform_indices = #map2}]} {
    %mul3A = arith.constant 2 : i32
    %mul3A_0 = arith.muli %arg1, %mul3A : i32
    %add3A = arith.addi %mul3A_0, %arg0 : i32
    %mul3A_1 = arith.constant 512 : i32
    %mul3A_2 = arith.muli %add3A, %mul3A_1 : i32
    "tpu.region"() ({
      %run_scoped3A_19 = tpu.sem_alloc : memref<!tpu.dma_semaphore, #tpu.memory_space<semaphore_mem>>
      %dma_start3A = tpu.memref_slice %arg3[%mul3A_2] : memref<16384xi32, #tpu.memory_space<hbm>> -> memref<512xi32, #tpu.memory_space<hbm>>
      %dma_start3A_20 = tpu.memref_slice %arg3[%mul3A_2] : memref<16384xi32, #tpu.memory_space<hbm>> -> memref<512xi32, #tpu.memory_space<hbm>>
      tpu.enqueue_dma source(%dma_start3A_20 : memref<512xi32, #tpu.memory_space<hbm>>) target(%arg6 : memref<512xi32, #tpu.memory_space<vmem>>) target_semaphore(%run_scoped3A_19 : memref<!tpu.dma_semaphore, #tpu.memory_space<semaphore_mem>>)
      %dma_wait3A = tpu.memref_slice %arg3[%mul3A_2] : memref<16384xi32, #tpu.memory_space<hbm>> -> memref<512xi32, #tpu.memory_space<hbm>>
      %dma_wait3A_21 = tpu.memref_slice %arg3[%mul3A_2] : memref<16384xi32, #tpu.memory_space<hbm>> -> memref<512xi32, #tpu.memory_space<hbm>>
      tpu.wait_dma2 semaphore(%run_scoped3A_19 : memref<!tpu.dma_semaphore, #tpu.memory_space<semaphore_mem>>) src(%dma_wait3A_21 : memref<512xi32, #tpu.memory_space<hbm>>) dst(%arg6 : memref<512xi32, #tpu.memory_space<vmem>>)
      tpu.yield
    }) : () -> ()
    %run_scoped3A = arith.constant 0 : i32
    %run_scoped3A_3 = arith.constant 0 : i32
    "tpu.region"() ({
      %run_scoped3A_19 = tpu.sem_alloc : memref<!tpu.dma_semaphore, #tpu.memory_space<semaphore_mem>>
      %dma_start3A = arith.constant 0 : i32
      %dma_start3A_20 = tpu.memref_slice %arg7[%run_scoped3A_3, %dma_start3A] : memref<6x512xi32, #tpu.memory_space<vmem>> -> memref<1x512xi32, #tpu.memory_space<vmem>>
      %dma_start3A_21 = tpu.memref_squeeze %dma_start3A_20 : memref<1x512xi32, #tpu.memory_space<vmem>> -> memref<512xi32, #tpu.memory_space<vmem>>
      %dma_start3A_22 = tpu.memref_slice %arg4[%run_scoped3A, %mul3A_2] : memref<6x16384xi32, #tpu.memory_space<hbm>> -> memref<1x512xi32, #tpu.memory_space<hbm>>
      %dma_start3A_23 = tpu.memref_squeeze %dma_start3A_22 : memref<1x512xi32, #tpu.memory_space<hbm>> -> memref<512xi32, #tpu.memory_space<hbm>>
      %dma_start3A_24 = arith.constant 0 : i32
      %dma_start3A_25 = tpu.memref_slice %arg7[%run_scoped3A_3, %dma_start3A_24] : memref<6x512xi32, #tpu.memory_space<vmem>> -> memref<1x512xi32, #tpu.memory_space<vmem>>
      %dma_start3A_26 = tpu.memref_squeeze %dma_start3A_25 : memref<1x512xi32, #tpu.memory_space<vmem>> -> memref<512xi32, #tpu.memory_space<vmem>>
      %dma_start3A_27 = tpu.memref_slice %arg4[%run_scoped3A, %mul3A_2] : memref<6x16384xi32, #tpu.memory_space<hbm>> -> memref<1x512xi32, #tpu.memory_space<hbm>>
      %dma_start3A_28 = tpu.memref_squeeze %dma_start3A_27 : memref<1x512xi32, #tpu.memory_space<hbm>> -> memref<512xi32, #tpu.memory_space<hbm>>
      tpu.enqueue_dma source(%dma_start3A_28 : memref<512xi32, #tpu.memory_space<hbm>>) target(%dma_start3A_26 : memref<512xi32, #tpu.memory_space<vmem>>) target_semaphore(%run_scoped3A_19 : memref<!tpu.dma_semaphore, #tpu.memory_space<semaphore_mem>>)
      %dma_wait3A = arith.constant 0 : i32
      %dma_wait3A_29 = tpu.memref_slice %arg7[%run_scoped3A_3, %dma_wait3A] : memref<6x512xi32, #tpu.memory_space<vmem>> -> memref<1x512xi32, #tpu.memory_space<vmem>>
      %dma_wait3A_30 = tpu.memref_squeeze %dma_wait3A_29 : memref<1x512xi32, #tpu.memory_space<vmem>> -> memref<512xi32, #tpu.memory_space<vmem>>
      %dma_wait3A_31 = tpu.memref_slice %arg4[%run_scoped3A, %mul3A_2] : memref<6x16384xi32, #tpu.memory_space<hbm>> -> memref<1x512xi32, #tpu.memory_space<hbm>>
      %dma_wait3A_32 = tpu.memref_squeeze %dma_wait3A_31 : memref<1x512xi32, #tpu.memory_space<hbm>> -> memref<512xi32, #tpu.memory_space<hbm>>
      %dma_wait3A_33 = arith.constant 0 : i32
      %dma_wait3A_34 = tpu.memref_slice %arg7[%run_scoped3A_3, %dma_wait3A_33] : memref<6x512xi32, #tpu.memory_space<vmem>> -> memref<1x512xi32, #tpu.memory_space<vmem>>
      %dma_wait3A_35 = tpu.memref_squeeze %dma_wait3A_34 : memref<1x512xi32, #tpu.memory_space<vmem>> -> memref<512xi32, #tpu.memory_space<vmem>>
      %dma_wait3A_36 = tpu.memref_slice %arg4[%run_scoped3A, %mul3A_2] : memref<6x16384xi32, #tpu.memory_space<hbm>> -> memref<1x512xi32, #tpu.memory_space<hbm>>
      %dma_wait3A_37 = tpu.memref_squeeze %dma_wait3A_36 : memref<1x512xi32, #tpu.memory_space<hbm>> -> memref<512xi32, #tpu.memory_space<hbm>>
      tpu.wait_dma2 semaphore(%run_scoped3A_19 : memref<!tpu.dma_semaphore, #tpu.memory_space<semaphore_mem>>) src(%dma_wait3A_37 : memref<512xi32, #tpu.memory_space<hbm>>) dst(%dma_wait3A_35 : memref<512xi32, #tpu.memory_space<vmem>>)
      tpu.yield
    }) : () -> ()
    %run_scoped3A_4 = arith.constant 1 : i32
    %run_scoped3A_5 = arith.constant 1 : i32
    "tpu.region"() ({
      %run_scoped3A_19 = tpu.sem_alloc : memref<!tpu.dma_semaphore, #tpu.memory_space<semaphore_mem>>
      %dma_start3A = arith.constant 0 : i32
      %dma_start3A_20 = tpu.memref_slice %arg7[%run_scoped3A_5, %dma_start3A] : memref<6x512xi32, #tpu.memory_space<vmem>> -> memref<1x512xi32, #tpu.memory_space<vmem>>
      %dma_start3A_21 = tpu.memref_squeeze %dma_start3A_20 : memref<1x512xi32, #tpu.memory_space<vmem>> -> memref<512xi32, #tpu.memory_space<vmem>>
      %dma_start3A_22 = tpu.memref_slice %arg4[%run_scoped3A_4, %mul3A_2] : memref<6x16384xi32, #tpu.memory_space<hbm>> -> memref<1x512xi32, #tpu.memory_space<hbm>>
      %dma_start3A_23 = tpu.memref_squeeze %dma_start3A_22 : memref<1x512xi32, #tpu.memory_space<hbm>> -> memref<512xi32, #tpu.memory_space<hbm>>
      %dma_start3A_24 = arith.constant 0 : i32
      %dma_start3A_25 = tpu.memref_slice %arg7[%run_scoped3A_5, %dma_start3A_24] : memref<6x512xi32, #tpu.memory_space<vmem>> -> memref<1x512xi32, #tpu.memory_space<vmem>>
      %dma_start3A_26 = tpu.memref_squeeze %dma_start3A_25 : memref<1x512xi32, #tpu.memory_space<vmem>> -> memref<512xi32, #tpu.memory_space<vmem>>
      %dma_start3A_27 = tpu.memref_slice %arg4[%run_scoped3A_4, %mul3A_2] : memref<6x16384xi32, #tpu.memory_space<hbm>> -> memref<1x512xi32, #tpu.memory_space<hbm>>
      %dma_start3A_28 = tpu.memref_squeeze %dma_start3A_27 : memref<1x512xi32, #tpu.memory_space<hbm>> -> memref<512xi32, #tpu.memory_space<hbm>>
      tpu.enqueue_dma source(%dma_start3A_28 : memref<512xi32, #tpu.memory_space<hbm>>) target(%dma_start3A_26 : memref<512xi32, #tpu.memory_space<vmem>>) target_semaphore(%run_scoped3A_19 : memref<!tpu.dma_semaphore, #tpu.memory_space<semaphore_mem>>)
      %dma_wait3A = arith.constant 0 : i32
      %dma_wait3A_29 = tpu.memref_slice %arg7[%run_scoped3A_5, %dma_wait3A] : memref<6x512xi32, #tpu.memory_space<vmem>> -> memref<1x512xi32, #tpu.memory_space<vmem>>
      %dma_wait3A_30 = tpu.memref_squeeze %dma_wait3A_29 : memref<1x512xi32, #tpu.memory_space<vmem>> -> memref<512xi32, #tpu.memory_space<vmem>>
      %dma_wait3A_31 = tpu.memref_slice %arg4[%run_scoped3A_4, %mul3A_2] : memref<6x16384xi32, #tpu.memory_space<hbm>> -> memref<1x512xi32, #tpu.memory_space<hbm>>
      %dma_wait3A_32 = tpu.memref_squeeze %dma_wait3A_31 : memref<1x512xi32, #tpu.memory_space<hbm>> -> memref<512xi32, #tpu.memory_space<hbm>>
      %dma_wait3A_33 = arith.constant 0 : i32
      %dma_wait3A_34 = tpu.memref_slice %arg7[%run_scoped3A_5, %dma_wait3A_33] : memref<6x512xi32, #tpu.memory_space<vmem>> -> memref<1x512xi32, #tpu.memory_space<vmem>>
      %dma_wait3A_35 = tpu.memref_squeeze %dma_wait3A_34 : memref<1x512xi32, #tpu.memory_space<vmem>> -> memref<512xi32, #tpu.memory_space<vmem>>
      %dma_wait3A_36 = tpu.memref_slice %arg4[%run_scoped3A_4, %mul3A_2] : memref<6x16384xi32, #tpu.memory_space<hbm>> -> memref<1x512xi32, #tpu.memory_space<hbm>>
      %dma_wait3A_37 = tpu.memref_squeeze %dma_wait3A_36 : memref<1x512xi32, #tpu.memory_space<hbm>> -> memref<512xi32, #tpu.memory_space<hbm>>
      tpu.wait_dma2 semaphore(%run_scoped3A_19 : memref<!tpu.dma_semaphore, #tpu.memory_space<semaphore_mem>>) src(%dma_wait3A_37 : memref<512xi32, #tpu.memory_space<hbm>>) dst(%dma_wait3A_35 : memref<512xi32, #tpu.memory_space<vmem>>)
      tpu.yield
    }) : () -> ()
    %run_scoped3A_6 = arith.constant 2 : i32
    %run_scoped3A_7 = arith.constant 2 : i32
    "tpu.region"() ({
      %run_scoped3A_19 = tpu.sem_alloc : memref<!tpu.dma_semaphore, #tpu.memory_space<semaphore_mem>>
      %dma_start3A = arith.constant 0 : i32
      %dma_start3A_20 = tpu.memref_slice %arg7[%run_scoped3A_7, %dma_start3A] : memref<6x512xi32, #tpu.memory_space<vmem>> -> memref<1x512xi32, #tpu.memory_space<vmem>>
      %dma_start3A_21 = tpu.memref_squeeze %dma_start3A_20 : memref<1x512xi32, #tpu.memory_space<vmem>> -> memref<512xi32, #tpu.memory_space<vmem>>
      %dma_start3A_22 = tpu.memref_slice %arg4[%run_scoped3A_6, %mul3A_2] : memref<6x16384xi32, #tpu.memory_space<hbm>> -> memref<1x512xi32, #tpu.memory_space<hbm>>
      %dma_start3A_23 = tpu.memref_squeeze %dma_start3A_22 : memref<1x512xi32, #tpu.memory_space<hbm>> -> memref<512xi32, #tpu.memory_space<hbm>>
      %dma_start3A_24 = arith.constant 0 : i32
      %dma_start3A_25 = tpu.memref_slice %arg7[%run_scoped3A_7, %dma_start3A_24] : memref<6x512xi32, #tpu.memory_space<vmem>> -> memref<1x512xi32, #tpu.memory_space<vmem>>
      %dma_start3A_26 = tpu.memref_squeeze %dma_start3A_25 : memref<1x512xi32, #tpu.memory_space<vmem>> -> memref<512xi32, #tpu.memory_space<vmem>>
      %dma_start3A_27 = tpu.memref_slice %arg4[%run_scoped3A_6, %mul3A_2] : memref<6x16384xi32, #tpu.memory_space<hbm>> -> memref<1x512xi32, #tpu.memory_space<hbm>>
      %dma_start3A_28 = tpu.memref_squeeze %dma_start3A_27 : memref<1x512xi32, #tpu.memory_space<hbm>> -> memref<512xi32, #tpu.memory_space<hbm>>
      tpu.enqueue_dma source(%dma_start3A_28 : memref<512xi32, #tpu.memory_space<hbm>>) target(%dma_start3A_26 : memref<512xi32, #tpu.memory_space<vmem>>) target_semaphore(%run_scoped3A_19 : memref<!tpu.dma_semaphore, #tpu.memory_space<semaphore_mem>>)
      %dma_wait3A = arith.constant 0 : i32
      %dma_wait3A_29 = tpu.memref_slice %arg7[%run_scoped3A_7, %dma_wait3A] : memref<6x512xi32, #tpu.memory_space<vmem>> -> memref<1x512xi32, #tpu.memory_space<vmem>>
      %dma_wait3A_30 = tpu.memref_squeeze %dma_wait3A_29 : memref<1x512xi32, #tpu.memory_space<vmem>> -> memref<512xi32, #tpu.memory_space<vmem>>
      %dma_wait3A_31 = tpu.memref_slice %arg4[%run_scoped3A_6, %mul3A_2] : memref<6x16384xi32, #tpu.memory_space<hbm>> -> memref<1x512xi32, #tpu.memory_space<hbm>>
      %dma_wait3A_32 = tpu.memref_squeeze %dma_wait3A_31 : memref<1x512xi32, #tpu.memory_space<hbm>> -> memref<512xi32, #tpu.memory_space<hbm>>
      %dma_wait3A_33 = arith.constant 0 : i32
      %dma_wait3A_34 = tpu.memref_slice %arg7[%run_scoped3A_7, %dma_wait3A_33] : memref<6x512xi32, #tpu.memory_space<vmem>> -> memref<1x512xi32, #tpu.memory_space<vmem>>
      %dma_wait3A_35 = tpu.memref_squeeze %dma_wait3A_34 : memref<1x512xi32, #tpu.memory_space<vmem>> -> memref<512xi32, #tpu.memory_space<vmem>>
      %dma_wait3A_36 = tpu.memref_slice %arg4[%run_scoped3A_6, %mul3A_2] : memref<6x16384xi32, #tpu.memory_space<hbm>> -> memref<1x512xi32, #tpu.memory_space<hbm>>
      %dma_wait3A_37 = tpu.memref_squeeze %dma_wait3A_36 : memref<1x512xi32, #tpu.memory_space<hbm>> -> memref<512xi32, #tpu.memory_space<hbm>>
      tpu.wait_dma2 semaphore(%run_scoped3A_19 : memref<!tpu.dma_semaphore, #tpu.memory_space<semaphore_mem>>) src(%dma_wait3A_37 : memref<512xi32, #tpu.memory_space<hbm>>) dst(%dma_wait3A_35 : memref<512xi32, #tpu.memory_space<vmem>>)
      tpu.yield
    }) : () -> ()
    %run_scoped3A_8 = arith.constant 3 : i32
    %run_scoped3A_9 = arith.constant 3 : i32
    "tpu.region"() ({
      %run_scoped3A_19 = tpu.sem_alloc : memref<!tpu.dma_semaphore, #tpu.memory_space<semaphore_mem>>
      %dma_start3A = arith.constant 0 : i32
      %dma_start3A_20 = tpu.memref_slice %arg7[%run_scoped3A_9, %dma_start3A] : memref<6x512xi32, #tpu.memory_space<vmem>> -> memref<1x512xi32, #tpu.memory_space<vmem>>
      %dma_start3A_21 = tpu.memref_squeeze %dma_start3A_20 : memref<1x512xi32, #tpu.memory_space<vmem>> -> memref<512xi32, #tpu.memory_space<vmem>>
      %dma_start3A_22 = tpu.memref_slice %arg4[%run_scoped3A_8, %mul3A_2] : memref<6x16384xi32, #tpu.memory_space<hbm>> -> memref<1x512xi32, #tpu.memory_space<hbm>>
      %dma_start3A_23 = tpu.memref_squeeze %dma_start3A_22 : memref<1x512xi32, #tpu.memory_space<hbm>> -> memref<512xi32, #tpu.memory_space<hbm>>
      %dma_start3A_24 = arith.constant 0 : i32
      %dma_start3A_25 = tpu.memref_slice %arg7[%run_scoped3A_9, %dma_start3A_24] : memref<6x512xi32, #tpu.memory_space<vmem>> -> memref<1x512xi32, #tpu.memory_space<vmem>>
      %dma_start3A_26 = tpu.memref_squeeze %dma_start3A_25 : memref<1x512xi32, #tpu.memory_space<vmem>> -> memref<512xi32, #tpu.memory_space<vmem>>
      %dma_start3A_27 = tpu.memref_slice %arg4[%run_scoped3A_8, %mul3A_2] : memref<6x16384xi32, #tpu.memory_space<hbm>> -> memref<1x512xi32, #tpu.memory_space<hbm>>
      %dma_start3A_28 = tpu.memref_squeeze %dma_start3A_27 : memref<1x512xi32, #tpu.memory_space<hbm>> -> memref<512xi32, #tpu.memory_space<hbm>>
      tpu.enqueue_dma source(%dma_start3A_28 : memref<512xi32, #tpu.memory_space<hbm>>) target(%dma_start3A_26 : memref<512xi32, #tpu.memory_space<vmem>>) target_semaphore(%run_scoped3A_19 : memref<!tpu.dma_semaphore, #tpu.memory_space<semaphore_mem>>)
      %dma_wait3A = arith.constant 0 : i32
      %dma_wait3A_29 = tpu.memref_slice %arg7[%run_scoped3A_9, %dma_wait3A] : memref<6x512xi32, #tpu.memory_space<vmem>> -> memref<1x512xi32, #tpu.memory_space<vmem>>
      %dma_wait3A_30 = tpu.memref_squeeze %dma_wait3A_29 : memref<1x512xi32, #tpu.memory_space<vmem>> -> memref<512xi32, #tpu.memory_space<vmem>>
      %dma_wait3A_31 = tpu.memref_slice %arg4[%run_scoped3A_8, %mul3A_2] : memref<6x16384xi32, #tpu.memory_space<hbm>> -> memref<1x512xi32, #tpu.memory_space<hbm>>
      %dma_wait3A_32 = tpu.memref_squeeze %dma_wait3A_31 : memref<1x512xi32, #tpu.memory_space<hbm>> -> memref<512xi32, #tpu.memory_space<hbm>>
      %dma_wait3A_33 = arith.constant 0 : i32
      %dma_wait3A_34 = tpu.memref_slice %arg7[%run_scoped3A_9, %dma_wait3A_33] : memref<6x512xi32, #tpu.memory_space<vmem>> -> memref<1x512xi32, #tpu.memory_space<vmem>>
      %dma_wait3A_35 = tpu.memref_squeeze %dma_wait3A_34 : memref<1x512xi32, #tpu.memory_space<vmem>> -> memref<512xi32, #tpu.memory_space<vmem>>
      %dma_wait3A_36 = tpu.memref_slice %arg4[%run_scoped3A_8, %mul3A_2] : memref<6x16384xi32, #tpu.memory_space<hbm>> -> memref<1x512xi32, #tpu.memory_space<hbm>>
      %dma_wait3A_37 = tpu.memref_squeeze %dma_wait3A_36 : memref<1x512xi32, #tpu.memory_space<hbm>> -> memref<512xi32, #tpu.memory_space<hbm>>
      tpu.wait_dma2 semaphore(%run_scoped3A_19 : memref<!tpu.dma_semaphore, #tpu.memory_space<semaphore_mem>>) src(%dma_wait3A_37 : memref<512xi32, #tpu.memory_space<hbm>>) dst(%dma_wait3A_35 : memref<512xi32, #tpu.memory_space<vmem>>)
      tpu.yield
    }) : () -> ()
    %run_scoped3A_10 = arith.constant 4 : i32
    %run_scoped3A_11 = arith.constant 4 : i32
    "tpu.region"() ({
      %run_scoped3A_19 = tpu.sem_alloc : memref<!tpu.dma_semaphore, #tpu.memory_space<semaphore_mem>>
      %dma_start3A = arith.constant 0 : i32
      %dma_start3A_20 = tpu.memref_slice %arg7[%run_scoped3A_11, %dma_start3A] : memref<6x512xi32, #tpu.memory_space<vmem>> -> memref<1x512xi32, #tpu.memory_space<vmem>>
      %dma_start3A_21 = tpu.memref_squeeze %dma_start3A_20 : memref<1x512xi32, #tpu.memory_space<vmem>> -> memref<512xi32, #tpu.memory_space<vmem>>
      %dma_start3A_22 = tpu.memref_slice %arg4[%run_scoped3A_10, %mul3A_2] : memref<6x16384xi32, #tpu.memory_space<hbm>> -> memref<1x512xi32, #tpu.memory_space<hbm>>
      %dma_start3A_23 = tpu.memref_squeeze %dma_start3A_22 : memref<1x512xi32, #tpu.memory_space<hbm>> -> memref<512xi32, #tpu.memory_space<hbm>>
      %dma_start3A_24 = arith.constant 0 : i32
      %dma_start3A_25 = tpu.memref_slice %arg7[%run_scoped3A_11, %dma_start3A_24] : memref<6x512xi32, #tpu.memory_space<vmem>> -> memref<1x512xi32, #tpu.memory_space<vmem>>
      %dma_start3A_26 = tpu.memref_squeeze %dma_start3A_25 : memref<1x512xi32, #tpu.memory_space<vmem>> -> memref<512xi32, #tpu.memory_space<vmem>>
      %dma_start3A_27 = tpu.memref_slice %arg4[%run_scoped3A_10, %mul3A_2] : memref<6x16384xi32, #tpu.memory_space<hbm>> -> memref<1x512xi32, #tpu.memory_space<hbm>>
      %dma_start3A_28 = tpu.memref_squeeze %dma_start3A_27 : memref<1x512xi32, #tpu.memory_space<hbm>> -> memref<512xi32, #tpu.memory_space<hbm>>
      tpu.enqueue_dma source(%dma_start3A_28 : memref<512xi32, #tpu.memory_space<hbm>>) target(%dma_start3A_26 : memref<512xi32, #tpu.memory_space<vmem>>) target_semaphore(%run_scoped3A_19 : memref<!tpu.dma_semaphore, #tpu.memory_space<semaphore_mem>>)
      %dma_wait3A = arith.constant 0 : i32
      %dma_wait3A_29 = tpu.memref_slice %arg7[%run_scoped3A_11, %dma_wait3A] : memref<6x512xi32, #tpu.memory_space<vmem>> -> memref<1x512xi32, #tpu.memory_space<vmem>>
      %dma_wait3A_30 = tpu.memref_squeeze %dma_wait3A_29 : memref<1x512xi32, #tpu.memory_space<vmem>> -> memref<512xi32, #tpu.memory_space<vmem>>
      %dma_wait3A_31 = tpu.memref_slice %arg4[%run_scoped3A_10, %mul3A_2] : memref<6x16384xi32, #tpu.memory_space<hbm>> -> memref<1x512xi32, #tpu.memory_space<hbm>>
      %dma_wait3A_32 = tpu.memref_squeeze %dma_wait3A_31 : memref<1x512xi32, #tpu.memory_space<hbm>> -> memref<512xi32, #tpu.memory_space<hbm>>
      %dma_wait3A_33 = arith.constant 0 : i32
      %dma_wait3A_34 = tpu.memref_slice %arg7[%run_scoped3A_11, %dma_wait3A_33] : memref<6x512xi32, #tpu.memory_space<vmem>> -> memref<1x512xi32, #tpu.memory_space<vmem>>
      %dma_wait3A_35 = tpu.memref_squeeze %dma_wait3A_34 : memref<1x512xi32, #tpu.memory_space<vmem>> -> memref<512xi32, #tpu.memory_space<vmem>>
      %dma_wait3A_36 = tpu.memref_slice %arg4[%run_scoped3A_10, %mul3A_2] : memref<6x16384xi32, #tpu.memory_space<hbm>> -> memref<1x512xi32, #tpu.memory_space<hbm>>
      %dma_wait3A_37 = tpu.memref_squeeze %dma_wait3A_36 : memref<1x512xi32, #tpu.memory_space<hbm>> -> memref<512xi32, #tpu.memory_space<hbm>>
      tpu.wait_dma2 semaphore(%run_scoped3A_19 : memref<!tpu.dma_semaphore, #tpu.memory_space<semaphore_mem>>) src(%dma_wait3A_37 : memref<512xi32, #tpu.memory_space<hbm>>) dst(%dma_wait3A_35 : memref<512xi32, #tpu.memory_space<vmem>>)
      tpu.yield
    }) : () -> ()
    %run_scoped3A_12 = arith.constant 5 : i32
    %run_scoped3A_13 = arith.constant 5 : i32
    "tpu.region"() ({
      %run_scoped3A_19 = tpu.sem_alloc : memref<!tpu.dma_semaphore, #tpu.memory_space<semaphore_mem>>
      %dma_start3A = arith.constant 0 : i32
      %dma_start3A_20 = tpu.memref_slice %arg7[%run_scoped3A_13, %dma_start3A] : memref<6x512xi32, #tpu.memory_space<vmem>> -> memref<1x512xi32, #tpu.memory_space<vmem>>
      %dma_start3A_21 = tpu.memref_squeeze %dma_start3A_20 : memref<1x512xi32, #tpu.memory_space<vmem>> -> memref<512xi32, #tpu.memory_space<vmem>>
      %dma_start3A_22 = tpu.memref_slice %arg4[%run_scoped3A_12, %mul3A_2] : memref<6x16384xi32, #tpu.memory_space<hbm>> -> memref<1x512xi32, #tpu.memory_space<hbm>>
      %dma_start3A_23 = tpu.memref_squeeze %dma_start3A_22 : memref<1x512xi32, #tpu.memory_space<hbm>> -> memref<512xi32, #tpu.memory_space<hbm>>
      %dma_start3A_24 = arith.constant 0 : i32
      %dma_start3A_25 = tpu.memref_slice %arg7[%run_scoped3A_13, %dma_start3A_24] : memref<6x512xi32, #tpu.memory_space<vmem>> -> memref<1x512xi32, #tpu.memory_space<vmem>>
      %dma_start3A_26 = tpu.memref_squeeze %dma_start3A_25 : memref<1x512xi32, #tpu.memory_space<vmem>> -> memref<512xi32, #tpu.memory_space<vmem>>
      %dma_start3A_27 = tpu.memref_slice %arg4[%run_scoped3A_12, %mul3A_2] : memref<6x16384xi32, #tpu.memory_space<hbm>> -> memref<1x512xi32, #tpu.memory_space<hbm>>
      %dma_start3A_28 = tpu.memref_squeeze %dma_start3A_27 : memref<1x512xi32, #tpu.memory_space<hbm>> -> memref<512xi32, #tpu.memory_space<hbm>>
      tpu.enqueue_dma source(%dma_start3A_28 : memref<512xi32, #tpu.memory_space<hbm>>) target(%dma_start3A_26 : memref<512xi32, #tpu.memory_space<vmem>>) target_semaphore(%run_scoped3A_19 : memref<!tpu.dma_semaphore, #tpu.memory_space<semaphore_mem>>)
      %dma_wait3A = arith.constant 0 : i32
      %dma_wait3A_29 = tpu.memref_slice %arg7[%run_scoped3A_13, %dma_wait3A] : memref<6x512xi32, #tpu.memory_space<vmem>> -> memref<1x512xi32, #tpu.memory_space<vmem>>
      %dma_wait3A_30 = tpu.memref_squeeze %dma_wait3A_29 : memref<1x512xi32, #tpu.memory_space<vmem>> -> memref<512xi32, #tpu.memory_space<vmem>>
      %dma_wait3A_31 = tpu.memref_slice %arg4[%run_scoped3A_12, %mul3A_2] : memref<6x16384xi32, #tpu.memory_space<hbm>> -> memref<1x512xi32, #tpu.memory_space<hbm>>
      %dma_wait3A_32 = tpu.memref_squeeze %dma_wait3A_31 : memref<1x512xi32, #tpu.memory_space<hbm>> -> memref<512xi32, #tpu.memory_space<hbm>>
      %dma_wait3A_33 = arith.constant 0 : i32
      %dma_wait3A_34 = tpu.memref_slice %arg7[%run_scoped3A_13, %dma_wait3A_33] : memref<6x512xi32, #tpu.memory_space<vmem>> -> memref<1x512xi32, #tpu.memory_space<vmem>>
      %dma_wait3A_35 = tpu.memref_squeeze %dma_wait3A_34 : memref<1x512xi32, #tpu.memory_space<vmem>> -> memref<512xi32, #tpu.memory_space<vmem>>
      %dma_wait3A_36 = tpu.memref_slice %arg4[%run_scoped3A_12, %mul3A_2] : memref<6x16384xi32, #tpu.memory_space<hbm>> -> memref<1x512xi32, #tpu.memory_space<hbm>>
      %dma_wait3A_37 = tpu.memref_squeeze %dma_wait3A_36 : memref<1x512xi32, #tpu.memory_space<hbm>> -> memref<512xi32, #tpu.memory_space<hbm>>
      tpu.wait_dma2 semaphore(%run_scoped3A_19 : memref<!tpu.dma_semaphore, #tpu.memory_space<semaphore_mem>>) src(%dma_wait3A_37 : memref<512xi32, #tpu.memory_space<hbm>>) dst(%dma_wait3A_35 : memref<512xi32, #tpu.memory_space<vmem>>)
      tpu.yield
    }) : () -> ()
    %scan3A = arith.constant 0 : i32
    %scan3A_14 = arith.constant 0 : i32
    %scan3A_15 = arith.constant 6 : i32
    %scan3A_16 = arith.addi %scan3A_14, %scan3A_15 : i32
    %scan3A_17 = arith.constant 1 : i32
    scf.for %scan3A_19 = %scan3A_14 to %scan3A_16 step %scan3A_17  : i32 {
      %mul3A_20 = arith.constant 10 : i32
      %mul3A_21 = arith.muli %scan3A_19, %mul3A_20 : i32
      %scan3A_22 = arith.constant 0 : i32
      %scan3A_23 = arith.constant 0 : i32
      %scan3A_24 = arith.constant 32 : i32
      %scan3A_25 = arith.addi %scan3A_23, %scan3A_24 : i32
      %scan3A_26 = arith.constant 1 : i32
      scf.for %scan3A_536 = %scan3A_23 to %scan3A_25 step %scan3A_26  : i32 {
        %mul3A_537 = arith.constant 16 : i32
        %mul3A_538 = arith.muli %scan3A_536, %mul3A_537 : i32
        %get3A = arith.index_cast %mul3A_538 : i32 to index
        %get3A_539 = tpu.vector_load %arg6[%get3A] {strides = array<i32>} : memref<512xi32, #tpu.memory_space<vmem>>, vector<16xi32>,
        %get3A_540 = vector.shape_cast %get3A_539 : vector<16xi32> to vector<16xi32>
        %get3A_541 = arith.constant 0 : i32
        %get3A_542 = arith.index_cast %get3A_541 : i32 to index
        %get3A_543 = arith.index_cast %mul3A_538 : i32 to index
        %get3A_544 = tpu.vector_load %arg7[%get3A_542, %get3A_543] {strides = array<i32>} : memref<6x512xi32, #tpu.memory_space<vmem>>, vector<1x16xi32>,
        %get3A_545 = vector.shape_cast %get3A_544 : vector<1x16xi32> to vector<16xi32>
        %shift_right_logical3A = arith.constant 10 : i32
        %shift_right_logical3A_546 = vector.broadcast %shift_right_logical3A : i32 to vector<16xi32>
        %shift_right_logical3A_547 = arith.shrui %get3A_540, %shift_right_logical3A_546 : vector<16xi32>
        %shift_right_logical3A_548 = arith.constant 10 : i32
        %shift_right_logical3A_549 = vector.broadcast %shift_right_logical3A_548 : i32 to vector<16xi32>
        %shift_right_logical3A_550 = arith.shrui %get3A_545, %shift_right_logical3A_549 : vector<16xi32>
        %gt3A = arith.cmpi sgt, %shift_right_logical3A_547, %shift_right_logical3A_550 : vector<16xi32>
        %select_n3A = arith.select %gt3A, %get3A_545, %get3A_540 : vector<16xi1>, vector<16xi32>
        %select_n3A_551 = arith.select %gt3A, %get3A_540, %get3A_545 : vector<16xi1>, vector<16xi32>
        %shift_right_logical3A_552 = arith.constant 10 : i32
        %shift_right_logical3A_553 = vector.broadcast %shift_right_logical3A_552 : i32 to vector<16xi32>
        %shift_right_logical3A_554 = arith.shrui %select_n3A, %shift_right_logical3A_553 : vector<16xi32>
        %shift_right_logical3A_555 = arith.constant 10 : i32
        %shift_right_logical3A_556 = vector.broadcast %shift_right_logical3A_555 : i32 to vector<16xi32>
        %shift_right_logical3A_557 = arith.shrui %select_n3A_551, %shift_right_logical3A_556 : vector<16xi32>
        %mul3A_558 = arith.constant 9 : i32
        %mul3A_559 = vector.broadcast %mul3A_558 : i32 to vector<16xi32>
        %mul3A_560 = arith.muli %mul3A_559, %shift_right_logical3A_554 : vector<16xi32>
        %mul3A_561 = arith.muli %shift_right_logical3A_554, %shift_right_logical3A_554 : vector<16xi32>
        %sub3A = arith.subi %mul3A_560, %mul3A_561 : vector<16xi32>
        %shift_right_logical3A_562 = arith.constant 1 : i32
        %shift_right_logical3A_563 = vector.broadcast %shift_right_logical3A_562 : i32 to vector<16xi32>
        %shift_right_logical3A_564 = arith.shrui %sub3A, %shift_right_logical3A_563 : vector<16xi32>
        %add3A_565 = arith.addi %shift_right_logical3A_564, %shift_right_logical3A_557 : vector<16xi32>
        %sub3A_566 = arith.subi %add3A_565, %shift_right_logical3A_554 : vector<16xi32>
        %shift_right_logical3A_567 = arith.constant 8 : i32
        %shift_right_logical3A_568 = vector.broadcast %shift_right_logical3A_567 : i32 to vector<16xi32>
        %shift_right_logical3A_569 = arith.shrui %select_n3A_551, %shift_right_logical3A_568 : vector<16xi32>
        %and3A = arith.constant 3 : i32
        %and3A_570 = vector.broadcast %and3A : i32 to vector<16xi32>
        %and3A_571 = arith.andi %shift_right_logical3A_569, %and3A_570 : vector<16xi32>
        %add3A_572 = vector.broadcast %mul3A_21 : i32 to vector<16xi32>
        %add3A_573 = arith.addi %add3A_572, %sub3A_566 : vector<16xi32>
        %mul3A_574 = arith.constant 4 : i32
        %mul3A_575 = vector.broadcast %mul3A_574 : i32 to vector<16xi32>
        %mul3A_576 = arith.muli %add3A_573, %mul3A_575 : vector<16xi32>
        %add3A_577 = arith.addi %mul3A_576, %and3A_571 : vector<16xi32>
        %mul3A_578 = arith.constant 1024 : i32
        %mul3A_579 = vector.broadcast %mul3A_578 : i32 to vector<16xi32>
        %mul3A_580 = arith.muli %add3A_577, %mul3A_579 : vector<16xi32>
        %and3A_581 = arith.constant 1023 : i32
        %and3A_582 = vector.broadcast %and3A_581 : i32 to vector<16xi32>
        %and3A_583 = arith.andi %select_n3A, %and3A_582 : vector<16xi32>
        %add3A_584 = arith.addi %mul3A_580, %and3A_583 : vector<16xi32>
        %mul3A_585 = arith.constant 128 : i32
        %mul3A_586 = vector.broadcast %mul3A_585 : i32 to vector<16xi32>
        %mul3A_587 = arith.muli %add3A_584, %mul3A_586 : vector<16xi32>
        %and3A_588 = arith.constant 127 : i32
        %and3A_589 = vector.broadcast %and3A_588 : i32 to vector<16xi32>
        %and3A_590 = arith.andi %select_n3A_551, %and3A_589 : vector<16xi32>
        %add3A_591 = arith.addi %mul3A_587, %and3A_590 : vector<16xi32>
        %div3A = arith.constant 8 : i32
        %div3A_592 = arith.divsi %scan3A_536, %div3A : i32
        %rem3A = arith.constant 8 : i32
        %rem3A_593 = arith.remsi %scan3A_536, %rem3A : i32
        %add3A_594 = arith.constant 0 : i32
        %add3A_595 = arith.addi %add3A_594, %div3A_592 : i32
        %mul3A_596 = arith.constant 16 : i32
        %mul3A_597 = arith.muli %rem3A_593, %mul3A_596 : i32
        %swap3A = arith.index_cast %add3A_595 : i32 to index
        %swap3A_598 = arith.index_cast %mul3A_597 : i32 to index
        %swap3A_599 = tpu.vector_load %arg8[%swap3A, %swap3A_598] {strides = array<i32>} : memref<24x128xi32, #tpu.memory_space<vmem>>, vector<1x16xi32>,
        %swap3A_600 = vector.shape_cast %swap3A_599 : vector<1x16xi32> to vector<16xi32>
        %swap3A_601 = vector.shape_cast %add3A_591 : vector<16xi32> to vector<1x16xi32>
        tpu.vector_store %arg8[%swap3A, %swap3A_598], %swap3A_601 {strides = array<i32>} : memref<24x128xi32, #tpu.memory_space<vmem>>, vector<1x16xi32>,
      }
      %scan3A_27 = arith.constant 32 : i32
      %scan3A_28 = arith.constant 0 : i32
      %scan3A_29 = arith.constant 0 : i32
      %scan3A_30 = arith.constant 32 : i32
      %scan3A_31 = arith.addi %scan3A_29, %scan3A_30 : i32
      %scan3A_32 = arith.constant 1 : i32
      scf.for %scan3A_536 = %scan3A_29 to %scan3A_31 step %scan3A_32  : i32 {
        %mul3A_537 = arith.constant 16 : i32
        %mul3A_538 = arith.muli %scan3A_536, %mul3A_537 : i32
        %get3A = arith.index_cast %mul3A_538 : i32 to index
        %get3A_539 = tpu.vector_load %arg6[%get3A] {strides = array<i32>} : memref<512xi32, #tpu.memory_space<vmem>>, vector<16xi32>,
        %get3A_540 = vector.shape_cast %get3A_539 : vector<16xi32> to vector<16xi32>
        %get3A_541 = arith.constant 1 : i32
        %get3A_542 = arith.index_cast %get3A_541 : i32 to index
        %get3A_543 = arith.index_cast %mul3A_538 : i32 to index
        %get3A_544 = tpu.vector_load %arg7[%get3A_542, %get3A_543] {strides = array<i32>} : memref<6x512xi32, #tpu.memory_space<vmem>>, vector<1x16xi32>,
        %get3A_545 = vector.shape_cast %get3A_544 : vector<1x16xi32> to vector<16xi32>
        %shift_right_logical3A = arith.constant 10 : i32
        %shift_right_logical3A_546 = vector.broadcast %shift_right_logical3A : i32 to vector<16xi32>
        %shift_right_logical3A_547 = arith.shrui %get3A_540, %shift_right_logical3A_546 : vector<16xi32>
        %shift_right_logical3A_548 = arith.constant 10 : i32
        %shift_right_logical3A_549 = vector.broadcast %shift_right_logical3A_548 : i32 to vector<16xi32>
        %shift_right_logical3A_550 = arith.shrui %get3A_545, %shift_right_logical3A_549 : vector<16xi32>
        %gt3A = arith.cmpi sgt, %shift_right_logical3A_547, %shift_right_logical3A_550 : vector<16xi32>
        %select_n3A = arith.select %gt3A, %get3A_545, %get3A_540 : vector<16xi1>, vector<16xi32>
        %select_n3A_551 = arith.select %gt3A, %get3A_540, %get3A_545 : vector<16xi1>, vector<16xi32>
        %shift_right_logical3A_552 = arith.constant 10 : i32
        %shift_right_logical3A_553 = vector.broadcast %shift_right_logical3A_552 : i32 to vector<16xi32>
        %shift_right_logical3A_554 = arith.shrui %select_n3A, %shift_right_logical3A_553 : vector<16xi32>
        %shift_right_logical3A_555 = arith.constant 10 : i32
        %shift_right_logical3A_556 = vector.broadcast %shift_right_logical3A_555 : i32 to vector<16xi32>
        %shift_right_logical3A_557 = arith.shrui %select_n3A_551, %shift_right_logical3A_556 : vector<16xi32>
        %mul3A_558 = arith.constant 9 : i32
        %mul3A_559 = vector.broadcast %mul3A_558 : i32 to vector<16xi32>
        %mul3A_560 = arith.muli %mul3A_559, %shift_right_logical3A_554 : vector<16xi32>
        %mul3A_561 = arith.muli %shift_right_logical3A_554, %shift_right_logical3A_554 : vector<16xi32>
        %sub3A = arith.subi %mul3A_560, %mul3A_561 : vector<16xi32>
        %shift_right_logical3A_562 = arith.constant 1 : i32
        %shift_right_logical3A_563 = vector.broadcast %shift_right_logical3A_562 : i32 to vector<16xi32>
        %shift_right_logical3A_564 = arith.shrui %sub3A, %shift_right_logical3A_563 : vector<16xi32>
        %add3A_565 = arith.addi %shift_right_logical3A_564, %shift_right_logical3A_557 : vector<16xi32>
        %sub3A_566 = arith.subi %add3A_565, %shift_right_logical3A_554 : vector<16xi32>
        %shift_right_logical3A_567 = arith.constant 8 : i32
        %shift_right_logical3A_568 = vector.broadcast %shift_right_logical3A_567 : i32 to vector<16xi32>
        %shift_right_logical3A_569 = arith.shrui %select_n3A_551, %shift_right_logical3A_568 : vector<16xi32>
        %and3A = arith.constant 3 : i32
        %and3A_570 = vector.broadcast %and3A : i32 to vector<16xi32>
        %and3A_571 = arith.andi %shift_right_logical3A_569, %and3A_570 : vector<16xi32>
        %add3A_572 = vector.broadcast %mul3A_21 : i32 to vector<16xi32>
        %add3A_573 = arith.addi %add3A_572, %sub3A_566 : vector<16xi32>
        %mul3A_574 = arith.constant 4 : i32
        %mul3A_575 = vector.broadcast %mul3A_574 : i32 to vector<16xi32>
        %mul3A_576 = arith.muli %add3A_573, %mul3A_575 : vector<16xi32>
        %add3A_577 = arith.addi %mul3A_576, %and3A_571 : vector<16xi32>
        %mul3A_578 = arith.constant 1024 : i32
        %mul3A_579 = vector.broadcast %mul3A_578 : i32 to vector<16xi32>
        %mul3A_580 = arith.muli %add3A_577, %mul3A_579 : vector<16xi32>
        %and3A_581 = arith.constant 1023 : i32
        %and3A_582 = vector.broadcast %and3A_581 : i32 to vector<16xi32>
        %and3A_583 = arith.andi %select_n3A, %and3A_582 : vector<16xi32>
        %add3A_584 = arith.addi %mul3A_580, %and3A_583 : vector<16xi32>
        %mul3A_585 = arith.constant 128 : i32
        %mul3A_586 = vector.broadcast %mul3A_585 : i32 to vector<16xi32>
        %mul3A_587 = arith.muli %add3A_584, %mul3A_586 : vector<16xi32>
        %and3A_588 = arith.constant 127 : i32
        %and3A_589 = vector.broadcast %and3A_588 : i32 to vector<16xi32>
        %and3A_590 = arith.andi %select_n3A_551, %and3A_589 : vector<16xi32>
        %add3A_591 = arith.addi %mul3A_587, %and3A_590 : vector<16xi32>
        %div3A = arith.constant 8 : i32
        %div3A_592 = arith.divsi %scan3A_536, %div3A : i32
        %rem3A = arith.constant 8 : i32
        %rem3A_593 = arith.remsi %scan3A_536, %rem3A : i32
        %add3A_594 = arith.constant 4 : i32
        %add3A_595 = arith.addi %add3A_594, %div3A_592 : i32
        %mul3A_596 = arith.constant 16 : i32
        %mul3A_597 = arith.muli %rem3A_593, %mul3A_596 : i32
        %swap3A = arith.index_cast %add3A_595 : i32 to index
        %swap3A_598 = arith.index_cast %mul3A_597 : i32 to index
        %swap3A_599 = tpu.vector_load %arg8[%swap3A, %swap3A_598] {strides = array<i32>} : memref<24x128xi32, #tpu.memory_space<vmem>>, vector<1x16xi32>,
        %swap3A_600 = vector.shape_cast %swap3A_599 : vector<1x16xi32> to vector<16xi32>
        %swap3A_601 = vector.shape_cast %add3A_591 : vector<16xi32> to vector<1x16xi32>
        tpu.vector_store %arg8[%swap3A, %swap3A_598], %swap3A_601 {strides = array<i32>} : memref<24x128xi32, #tpu.memory_space<vmem>>, vector<1x16xi32>,
      }
      %scan3A_33 = arith.constant 32 : i32
      %scan3A_34 = arith.constant 0 : i32
      %scan3A_35 = arith.constant 0 : i32
      %scan3A_36 = arith.constant 32 : i32
      %scan3A_37 = arith.addi %scan3A_35, %scan3A_36 : i32
      %scan3A_38 = arith.constant 1 : i32
      scf.for %scan3A_536 = %scan3A_35 to %scan3A_37 step %scan3A_38  : i32 {
        %mul3A_537 = arith.constant 16 : i32
        %mul3A_538 = arith.muli %scan3A_536, %mul3A_537 : i32
        %get3A = arith.index_cast %mul3A_538 : i32 to index
        %get3A_539 = tpu.vector_load %arg6[%get3A] {strides = array<i32>} : memref<512xi32, #tpu.memory_space<vmem>>, vector<16xi32>,
        %get3A_540 = vector.shape_cast %get3A_539 : vector<16xi32> to vector<16xi32>
        %get3A_541 = arith.constant 2 : i32
        %get3A_542 = arith.index_cast %get3A_541 : i32 to index
        %get3A_543 = arith.index_cast %mul3A_538 : i32 to index
        %get3A_544 = tpu.vector_load %arg7[%get3A_542, %get3A_543] {strides = array<i32>} : memref<6x512xi32, #tpu.memory_space<vmem>>, vector<1x16xi32>,
        %get3A_545 = vector.shape_cast %get3A_544 : vector<1x16xi32> to vector<16xi32>
        %shift_right_logical3A = arith.constant 10 : i32
        %shift_right_logical3A_546 = vector.broadcast %shift_right_logical3A : i32 to vector<16xi32>
        %shift_right_logical3A_547 = arith.shrui %get3A_540, %shift_right_logical3A_546 : vector<16xi32>
        %shift_right_logical3A_548 = arith.constant 10 : i32
        %shift_right_logical3A_549 = vector.broadcast %shift_right_logical3A_548 : i32 to vector<16xi32>
        %shift_right_logical3A_550 = arith.shrui %get3A_545, %shift_right_logical3A_549 : vector<16xi32>
        %gt3A = arith.cmpi sgt, %shift_right_logical3A_547, %shift_right_logical3A_550 : vector<16xi32>
        %select_n3A = arith.select %gt3A, %get3A_545, %get3A_540 : vector<16xi1>, vector<16xi32>
        %select_n3A_551 = arith.select %gt3A, %get3A_540, %get3A_545 : vector<16xi1>, vector<16xi32>
        %shift_right_logical3A_552 = arith.constant 10 : i32
        %shift_right_logical3A_553 = vector.broadcast %shift_right_logical3A_552 : i32 to vector<16xi32>
        %shift_right_logical3A_554 = arith.shrui %select_n3A, %shift_right_logical3A_553 : vector<16xi32>
        %shift_right_logical3A_555 = arith.constant 10 : i32
        %shift_right_logical3A_556 = vector.broadcast %shift_right_logical3A_555 : i32 to vector<16xi32>
        %shift_right_logical3A_557 = arith.shrui %select_n3A_551, %shift_right_logical3A_556 : vector<16xi32>
        %mul3A_558 = arith.constant 9 : i32
        %mul3A_559 = vector.broadcast %mul3A_558 : i32 to vector<16xi32>
        %mul3A_560 = arith.muli %mul3A_559, %shift_right_logical3A_554 : vector<16xi32>
        %mul3A_561 = arith.muli %shift_right_logical3A_554, %shift_right_logical3A_554 : vector<16xi32>
        %sub3A = arith.subi %mul3A_560, %mul3A_561 : vector<16xi32>
        %shift_right_logical3A_562 = arith.constant 1 : i32
        %shift_right_logical3A_563 = vector.broadcast %shift_right_logical3A_562 : i32 to vector<16xi32>
        %shift_right_logical3A_564 = arith.shrui %sub3A, %shift_right_logical3A_563 : vector<16xi32>
        %add3A_565 = arith.addi %shift_right_logical3A_564, %shift_right_logical3A_557 : vector<16xi32>
        %sub3A_566 = arith.subi %add3A_565, %shift_right_logical3A_554 : vector<16xi32>
        %shift_right_logical3A_567 = arith.constant 8 : i32
        %shift_right_logical3A_568 = vector.broadcast %shift_right_logical3A_567 : i32 to vector<16xi32>
        %shift_right_logical3A_569 = arith.shrui %select_n3A_551, %shift_right_logical3A_568 : vector<16xi32>
        %and3A = arith.constant 3 : i32
        %and3A_570 = vector.broadcast %and3A : i32 to vector<16xi32>
        %and3A_571 = arith.andi %shift_right_logical3A_569, %and3A_570 : vector<16xi32>
        %add3A_572 = vector.broadcast %mul3A_21 : i32 to vector<16xi32>
        %add3A_573 = arith.addi %add3A_572, %sub3A_566 : vector<16xi32>
        %mul3A_574 = arith.constant 4 : i32
        %mul3A_575 = vector.broadcast %mul3A_574 : i32 to vector<16xi32>
        %mul3A_576 = arith.muli %add3A_573, %mul3A_575 : vector<16xi32>
        %add3A_577 = arith.addi %mul3A_576, %and3A_571 : vector<16xi32>
        %mul3A_578 = arith.constant 1024 : i32
        %mul3A_579 = vector.broadcast %mul3A_578 : i32 to vector<16xi32>
        %mul3A_580 = arith.muli %add3A_577, %mul3A_579 : vector<16xi32>
        %and3A_581 = arith.constant 1023 : i32
        %and3A_582 = vector.broadcast %and3A_581 : i32 to vector<16xi32>
        %and3A_583 = arith.andi %select_n3A, %and3A_582 : vector<16xi32>
        %add3A_584 = arith.addi %mul3A_580, %and3A_583 : vector<16xi32>
        %mul3A_585 = arith.constant 128 : i32
        %mul3A_586 = vector.broadcast %mul3A_585 : i32 to vector<16xi32>
        %mul3A_587 = arith.muli %add3A_584, %mul3A_586 : vector<16xi32>
        %and3A_588 = arith.constant 127 : i32
        %and3A_589 = vector.broadcast %and3A_588 : i32 to vector<16xi32>
        %and3A_590 = arith.andi %select_n3A_551, %and3A_589 : vector<16xi32>
        %add3A_591 = arith.addi %mul3A_587, %and3A_590 : vector<16xi32>
        %div3A = arith.constant 8 : i32
        %div3A_592 = arith.divsi %scan3A_536, %div3A : i32
        %rem3A = arith.constant 8 : i32
        %rem3A_593 = arith.remsi %scan3A_536, %rem3A : i32
        %add3A_594 = arith.constant 8 : i32
        %add3A_595 = arith.addi %add3A_594, %div3A_592 : i32
        %mul3A_596 = arith.constant 16 : i32
        %mul3A_597 = arith.muli %rem3A_593, %mul3A_596 : i32
        %swap3A = arith.index_cast %add3A_595 : i32 to index
        %swap3A_598 = arith.index_cast %mul3A_597 : i32 to index
        %swap3A_599 = tpu.vector_load %arg8[%swap3A, %swap3A_598] {strides = array<i32>} : memref<24x128xi32, #tpu.memory_space<vmem>>, vector<1x16xi32>,
        %swap3A_600 = vector.shape_cast %swap3A_599 : vector<1x16xi32> to vector<16xi32>
        %swap3A_601 = vector.shape_cast %add3A_591 : vector<16xi32> to vector<1x16xi32>
        tpu.vector_store %arg8[%swap3A, %swap3A_598], %swap3A_601 {strides = array<i32>} : memref<24x128xi32, #tpu.memory_space<vmem>>, vector<1x16xi32>,
      }
      %scan3A_39 = arith.constant 32 : i32
      %scan3A_40 = arith.constant 0 : i32
      %scan3A_41 = arith.constant 0 : i32
      %scan3A_42 = arith.constant 32 : i32
      %scan3A_43 = arith.addi %scan3A_41, %scan3A_42 : i32
      %scan3A_44 = arith.constant 1 : i32
      scf.for %scan3A_536 = %scan3A_41 to %scan3A_43 step %scan3A_44  : i32 {
        %mul3A_537 = arith.constant 16 : i32
        %mul3A_538 = arith.muli %scan3A_536, %mul3A_537 : i32
        %get3A = arith.index_cast %mul3A_538 : i32 to index
        %get3A_539 = tpu.vector_load %arg6[%get3A] {strides = array<i32>} : memref<512xi32, #tpu.memory_space<vmem>>, vector<16xi32>,
        %get3A_540 = vector.shape_cast %get3A_539 : vector<16xi32> to vector<16xi32>
        %get3A_541 = arith.constant 3 : i32
        %get3A_542 = arith.index_cast %get3A_541 : i32 to index
        %get3A_543 = arith.index_cast %mul3A_538 : i32 to index
        %get3A_544 = tpu.vector_load %arg7[%get3A_542, %get3A_543] {strides = array<i32>} : memref<6x512xi32, #tpu.memory_space<vmem>>, vector<1x16xi32>,
        %get3A_545 = vector.shape_cast %get3A_544 : vector<1x16xi32> to vector<16xi32>
        %shift_right_logical3A = arith.constant 10 : i32
        %shift_right_logical3A_546 = vector.broadcast %shift_right_logical3A : i32 to vector<16xi32>
        %shift_right_logical3A_547 = arith.shrui %get3A_540, %shift_right_logical3A_546 : vector<16xi32>
        %shift_right_logical3A_548 = arith.constant 10 : i32
        %shift_right_logical3A_549 = vector.broadcast %shift_right_logical3A_548 : i32 to vector<16xi32>
        %shift_right_logical3A_550 = arith.shrui %get3A_545, %shift_right_logical3A_549 : vector<16xi32>
        %gt3A = arith.cmpi sgt, %shift_right_logical3A_547, %shift_right_logical3A_550 : vector<16xi32>
        %select_n3A = arith.select %gt3A, %get3A_545, %get3A_540 : vector<16xi1>, vector<16xi32>
        %select_n3A_551 = arith.select %gt3A, %get3A_540, %get3A_545 : vector<16xi1>, vector<16xi32>
        %shift_right_logical3A_552 = arith.constant 10 : i32
        %shift_right_logical3A_553 = vector.broadcast %shift_right_logical3A_552 : i32 to vector<16xi32>
        %shift_right_logical3A_554 = arith.shrui %select_n3A, %shift_right_logical3A_553 : vector<16xi32>
        %shift_right_logical3A_555 = arith.constant 10 : i32
        %shift_right_logical3A_556 = vector.broadcast %shift_right_logical3A_555 : i32 to vector<16xi32>
        %shift_right_logical3A_557 = arith.shrui %select_n3A_551, %shift_right_logical3A_556 : vector<16xi32>
        %mul3A_558 = arith.constant 9 : i32
        %mul3A_559 = vector.broadcast %mul3A_558 : i32 to vector<16xi32>
        %mul3A_560 = arith.muli %mul3A_559, %shift_right_logical3A_554 : vector<16xi32>
        %mul3A_561 = arith.muli %shift_right_logical3A_554, %shift_right_logical3A_554 : vector<16xi32>
        %sub3A = arith.subi %mul3A_560, %mul3A_561 : vector<16xi32>
        %shift_right_logical3A_562 = arith.constant 1 : i32
        %shift_right_logical3A_563 = vector.broadcast %shift_right_logical3A_562 : i32 to vector<16xi32>
        %shift_right_logical3A_564 = arith.shrui %sub3A, %shift_right_logical3A_563 : vector<16xi32>
        %add3A_565 = arith.addi %shift_right_logical3A_564, %shift_right_logical3A_557 : vector<16xi32>
        %sub3A_566 = arith.subi %add3A_565, %shift_right_logical3A_554 : vector<16xi32>
        %shift_right_logical3A_567 = arith.constant 8 : i32
        %shift_right_logical3A_568 = vector.broadcast %shift_right_logical3A_567 : i32 to vector<16xi32>
        %shift_right_logical3A_569 = arith.shrui %select_n3A_551, %shift_right_logical3A_568 : vector<16xi32>
        %and3A = arith.constant 3 : i32
        %and3A_570 = vector.broadcast %and3A : i32 to vector<16xi32>
        %and3A_571 = arith.andi %shift_right_logical3A_569, %and3A_570 : vector<16xi32>
        %add3A_572 = vector.broadcast %mul3A_21 : i32 to vector<16xi32>
        %add3A_573 = arith.addi %add3A_572, %sub3A_566 : vector<16xi32>
        %mul3A_574 = arith.constant 4 : i32
        %mul3A_575 = vector.broadcast %mul3A_574 : i32 to vector<16xi32>
        %mul3A_576 = arith.muli %add3A_573, %mul3A_575 : vector<16xi32>
        %add3A_577 = arith.addi %mul3A_576, %and3A_571 : vector<16xi32>
        %mul3A_578 = arith.constant 1024 : i32
        %mul3A_579 = vector.broadcast %mul3A_578 : i32 to vector<16xi32>
        %mul3A_580 = arith.muli %add3A_577, %mul3A_579 : vector<16xi32>
        %and3A_581 = arith.constant 1023 : i32
        %and3A_582 = vector.broadcast %and3A_581 : i32 to vector<16xi32>
        %and3A_583 = arith.andi %select_n3A, %and3A_582 : vector<16xi32>
        %add3A_584 = arith.addi %mul3A_580, %and3A_583 : vector<16xi32>
        %mul3A_585 = arith.constant 128 : i32
        %mul3A_586 = vector.broadcast %mul3A_585 : i32 to vector<16xi32>
        %mul3A_587 = arith.muli %add3A_584, %mul3A_586 : vector<16xi32>
        %and3A_588 = arith.constant 127 : i32
        %and3A_589 = vector.broadcast %and3A_588 : i32 to vector<16xi32>
        %and3A_590 = arith.andi %select_n3A_551, %and3A_589 : vector<16xi32>
        %add3A_591 = arith.addi %mul3A_587, %and3A_590 : vector<16xi32>
        %div3A = arith.constant 8 : i32
        %div3A_592 = arith.divsi %scan3A_536, %div3A : i32
        %rem3A = arith.constant 8 : i32
        %rem3A_593 = arith.remsi %scan3A_536, %rem3A : i32
        %add3A_594 = arith.constant 12 : i32
        %add3A_595 = arith.addi %add3A_594, %div3A_592 : i32
        %mul3A_596 = arith.constant 16 : i32
        %mul3A_597 = arith.muli %rem3A_593, %mul3A_596 : i32
        %swap3A = arith.index_cast %add3A_595 : i32 to index
        %swap3A_598 = arith.index_cast %mul3A_597 : i32 to index
        %swap3A_599 = tpu.vector_load %arg8[%swap3A, %swap3A_598] {strides = array<i32>} : memref<24x128xi32, #tpu.memory_space<vmem>>, vector<1x16xi32>,
        %swap3A_600 = vector.shape_cast %swap3A_599 : vector<1x16xi32> to vector<16xi32>
        %swap3A_601 = vector.shape_cast %add3A_591 : vector<16xi32> to vector<1x16xi32>
        tpu.vector_store %arg8[%swap3A, %swap3A_598], %swap3A_601 {strides = array<i32>} : memref<24x128xi32, #tpu.memory_space<vmem>>, vector<1x16xi32>,
      }
      %scan3A_45 = arith.constant 32 : i32
      %scan3A_46 = arith.constant 0 : i32
      %scan3A_47 = arith.constant 0 : i32
      %scan3A_48 = arith.constant 32 : i32
      %scan3A_49 = arith.addi %scan3A_47, %scan3A_48 : i32
      %scan3A_50 = arith.constant 1 : i32
      scf.for %scan3A_536 = %scan3A_47 to %scan3A_49 step %scan3A_50  : i32 {
        %mul3A_537 = arith.constant 16 : i32
        %mul3A_538 = arith.muli %scan3A_536, %mul3A_537 : i32
        %get3A = arith.index_cast %mul3A_538 : i32 to index
        %get3A_539 = tpu.vector_load %arg6[%get3A] {strides = array<i32>} : memref<512xi32, #tpu.memory_space<vmem>>, vector<16xi32>,
        %get3A_540 = vector.shape_cast %get3A_539 : vector<16xi32> to vector<16xi32>
        %get3A_541 = arith.constant 4 : i32
        %get3A_542 = arith.index_cast %get3A_541 : i32 to index
        %get3A_543 = arith.index_cast %mul3A_538 : i32 to index
        %get3A_544 = tpu.vector_load %arg7[%get3A_542, %get3A_543] {strides = array<i32>} : memref<6x512xi32, #tpu.memory_space<vmem>>, vector<1x16xi32>,
        %get3A_545 = vector.shape_cast %get3A_544 : vector<1x16xi32> to vector<16xi32>
        %shift_right_logical3A = arith.constant 10 : i32
        %shift_right_logical3A_546 = vector.broadcast %shift_right_logical3A : i32 to vector<16xi32>
        %shift_right_logical3A_547 = arith.shrui %get3A_540, %shift_right_logical3A_546 : vector<16xi32>
        %shift_right_logical3A_548 = arith.constant 10 : i32
        %shift_right_logical3A_549 = vector.broadcast %shift_right_logical3A_548 : i32 to vector<16xi32>
        %shift_right_logical3A_550 = arith.shrui %get3A_545, %shift_right_logical3A_549 : vector<16xi32>
        %gt3A = arith.cmpi sgt, %shift_right_logical3A_547, %shift_right_logical3A_550 : vector<16xi32>
        %select_n3A = arith.select %gt3A, %get3A_545, %get3A_540 : vector<16xi1>, vector<16xi32>
        %select_n3A_551 = arith.select %gt3A, %get3A_540, %get3A_545 : vector<16xi1>, vector<16xi32>
        %shift_right_logical3A_552 = arith.constant 10 : i32
        %shift_right_logical3A_553 = vector.broadcast %shift_right_logical3A_552 : i32 to vector<16xi32>
        %shift_right_logical3A_554 = arith.shrui %select_n3A, %shift_right_logical3A_553 : vector<16xi32>
        %shift_right_logical3A_555 = arith.constant 10 : i32
        %shift_right_logical3A_556 = vector.broadcast %shift_right_logical3A_555 : i32 to vector<16xi32>
        %shift_right_logical3A_557 = arith.shrui %select_n3A_551, %shift_right_logical3A_556 : vector<16xi32>
        %mul3A_558 = arith.constant 9 : i32
        %mul3A_559 = vector.broadcast %mul3A_558 : i32 to vector<16xi32>
        %mul3A_560 = arith.muli %mul3A_559, %shift_right_logical3A_554 : vector<16xi32>
        %mul3A_561 = arith.muli %shift_right_logical3A_554, %shift_right_logical3A_554 : vector<16xi32>
        %sub3A = arith.subi %mul3A_560, %mul3A_561 : vector<16xi32>
        %shift_right_logical3A_562 = arith.constant 1 : i32
        %shift_right_logical3A_563 = vector.broadcast %shift_right_logical3A_562 : i32 to vector<16xi32>
        %shift_right_logical3A_564 = arith.shrui %sub3A, %shift_right_logical3A_563 : vector<16xi32>
        %add3A_565 = arith.addi %shift_right_logical3A_564, %shift_right_logical3A_557 : vector<16xi32>
        %sub3A_566 = arith.subi %add3A_565, %shift_right_logical3A_554 : vector<16xi32>
        %shift_right_logical3A_567 = arith.constant 8 : i32
        %shift_right_logical3A_568 = vector.broadcast %shift_right_logical3A_567 : i32 to vector<16xi32>
        %shift_right_logical3A_569 = arith.shrui %select_n3A_551, %shift_right_logical3A_568 : vector<16xi32>
        %and3A = arith.constant 3 : i32
        %and3A_570 = vector.broadcast %and3A : i32 to vector<16xi32>
        %and3A_571 = arith.andi %shift_right_logical3A_569, %and3A_570 : vector<16xi32>
        %add3A_572 = vector.broadcast %mul3A_21 : i32 to vector<16xi32>
        %add3A_573 = arith.addi %add3A_572, %sub3A_566 : vector<16xi32>
        %mul3A_574 = arith.constant 4 : i32
        %mul3A_575 = vector.broadcast %mul3A_574 : i32 to vector<16xi32>
        %mul3A_576 = arith.muli %add3A_573, %mul3A_575 : vector<16xi32>
        %add3A_577 = arith.addi %mul3A_576, %and3A_571 : vector<16xi32>
        %mul3A_578 = arith.constant 1024 : i32
        %mul3A_579 = vector.broadcast %mul3A_578 : i32 to vector<16xi32>
        %mul3A_580 = arith.muli %add3A_577, %mul3A_579 : vector<16xi32>
        %and3A_581 = arith.constant 1023 : i32
        %and3A_582 = vector.broadcast %and3A_581 : i32 to vector<16xi32>
        %and3A_583 = arith.andi %select_n3A, %and3A_582 : vector<16xi32>
        %add3A_584 = arith.addi %mul3A_580, %and3A_583 : vector<16xi32>
        %mul3A_585 = arith.constant 128 : i32
        %mul3A_586 = vector.broadcast %mul3A_585 : i32 to vector<16xi32>
        %mul3A_587 = arith.muli %add3A_584, %mul3A_586 : vector<16xi32>
        %and3A_588 = arith.constant 127 : i32
        %and3A_589 = vector.broadcast %and3A_588 : i32 to vector<16xi32>
        %and3A_590 = arith.andi %select_n3A_551, %and3A_589 : vector<16xi32>
        %add3A_591 = arith.addi %mul3A_587, %and3A_590 : vector<16xi32>
        %div3A = arith.constant 8 : i32
        %div3A_592 = arith.divsi %scan3A_536, %div3A : i32
        %rem3A = arith.constant 8 : i32
        %rem3A_593 = arith.remsi %scan3A_536, %rem3A : i32
        %add3A_594 = arith.constant 16 : i32
        %add3A_595 = arith.addi %add3A_594, %div3A_592 : i32
        %mul3A_596 = arith.constant 16 : i32
        %mul3A_597 = arith.muli %rem3A_593, %mul3A_596 : i32
        %swap3A = arith.index_cast %add3A_595 : i32 to index
        %swap3A_598 = arith.index_cast %mul3A_597 : i32 to index
        %swap3A_599 = tpu.vector_load %arg8[%swap3A, %swap3A_598] {strides = array<i32>} : memref<24x128xi32, #tpu.memory_space<vmem>>, vector<1x16xi32>,
        %swap3A_600 = vector.shape_cast %swap3A_599 : vector<1x16xi32> to vector<16xi32>
        %swap3A_601 = vector.shape_cast %add3A_591 : vector<16xi32> to vector<1x16xi32>
        tpu.vector_store %arg8[%swap3A, %swap3A_598], %swap3A_601 {strides = array<i32>} : memref<24x128xi32, #tpu.memory_space<vmem>>, vector<1x16xi32>,
      }
      %scan3A_51 = arith.constant 32 : i32
      %scan3A_52 = arith.constant 0 : i32
      %scan3A_53 = arith.constant 0 : i32
      %scan3A_54 = arith.constant 32 : i32
      %scan3A_55 = arith.addi %scan3A_53, %scan3A_54 : i32
      %scan3A_56 = arith.constant 1 : i32
      scf.for %scan3A_536 = %scan3A_53 to %scan3A_55 step %scan3A_56  : i32 {
        %mul3A_537 = arith.constant 16 : i32
        %mul3A_538 = arith.muli %scan3A_536, %mul3A_537 : i32
        %get3A = arith.index_cast %mul3A_538 : i32 to index
        %get3A_539 = tpu.vector_load %arg6[%get3A] {strides = array<i32>} : memref<512xi32, #tpu.memory_space<vmem>>, vector<16xi32>,
        %get3A_540 = vector.shape_cast %get3A_539 : vector<16xi32> to vector<16xi32>
        %get3A_541 = arith.constant 5 : i32
        %get3A_542 = arith.index_cast %get3A_541 : i32 to index
        %get3A_543 = arith.index_cast %mul3A_538 : i32 to index
        %get3A_544 = tpu.vector_load %arg7[%get3A_542, %get3A_543] {strides = array<i32>} : memref<6x512xi32, #tpu.memory_space<vmem>>, vector<1x16xi32>,
        %get3A_545 = vector.shape_cast %get3A_544 : vector<1x16xi32> to vector<16xi32>
        %shift_right_logical3A = arith.constant 10 : i32
        %shift_right_logical3A_546 = vector.broadcast %shift_right_logical3A : i32 to vector<16xi32>
        %shift_right_logical3A_547 = arith.shrui %get3A_540, %shift_right_logical3A_546 : vector<16xi32>
        %shift_right_logical3A_548 = arith.constant 10 : i32
        %shift_right_logical3A_549 = vector.broadcast %shift_right_logical3A_548 : i32 to vector<16xi32>
        %shift_right_logical3A_550 = arith.shrui %get3A_545, %shift_right_logical3A_549 : vector<16xi32>
        %gt3A = arith.cmpi sgt, %shift_right_logical3A_547, %shift_right_logical3A_550 : vector<16xi32>
        %select_n3A = arith.select %gt3A, %get3A_545, %get3A_540 : vector<16xi1>, vector<16xi32>
        %select_n3A_551 = arith.select %gt3A, %get3A_540, %get3A_545 : vector<16xi1>, vector<16xi32>
        %shift_right_logical3A_552 = arith.constant 10 : i32
        %shift_right_logical3A_553 = vector.broadcast %shift_right_logical3A_552 : i32 to vector<16xi32>
        %shift_right_logical3A_554 = arith.shrui %select_n3A, %shift_right_logical3A_553 : vector<16xi32>
        %shift_right_logical3A_555 = arith.constant 10 : i32
        %shift_right_logical3A_556 = vector.broadcast %shift_right_logical3A_555 : i32 to vector<16xi32>
        %shift_right_logical3A_557 = arith.shrui %select_n3A_551, %shift_right_logical3A_556 : vector<16xi32>
        %mul3A_558 = arith.constant 9 : i32
        %mul3A_559 = vector.broadcast %mul3A_558 : i32 to vector<16xi32>
        %mul3A_560 = arith.muli %mul3A_559, %shift_right_logical3A_554 : vector<16xi32>
        %mul3A_561 = arith.muli %shift_right_logical3A_554, %shift_right_logical3A_554 : vector<16xi32>
        %sub3A = arith.subi %mul3A_560, %mul3A_561 : vector<16xi32>
        %shift_right_logical3A_562 = arith.constant 1 : i32
        %shift_right_logical3A_563 = vector.broadcast %shift_right_logical3A_562 : i32 to vector<16xi32>
        %shift_right_logical3A_564 = arith.shrui %sub3A, %shift_right_logical3A_563 : vector<16xi32>
        %add3A_565 = arith.addi %shift_right_logical3A_564, %shift_right_logical3A_557 : vector<16xi32>
        %sub3A_566 = arith.subi %add3A_565, %shift_right_logical3A_554 : vector<16xi32>
        %shift_right_logical3A_567 = arith.constant 8 : i32
        %shift_right_logical3A_568 = vector.broadcast %shift_right_logical3A_567 : i32 to vector<16xi32>
        %shift_right_logical3A_569 = arith.shrui %select_n3A_551, %shift_right_logical3A_568 : vector<16xi32>
        %and3A = arith.constant 3 : i32
        %and3A_570 = vector.broadcast %and3A : i32 to vector<16xi32>
        %and3A_571 = arith.andi %shift_right_logical3A_569, %and3A_570 : vector<16xi32>
        %add3A_572 = vector.broadcast %mul3A_21 : i32 to vector<16xi32>
        %add3A_573 = arith.addi %add3A_572, %sub3A_566 : vector<16xi32>
        %mul3A_574 = arith.constant 4 : i32
        %mul3A_575 = vector.broadcast %mul3A_574 : i32 to vector<16xi32>
        %mul3A_576 = arith.muli %add3A_573, %mul3A_575 : vector<16xi32>
        %add3A_577 = arith.addi %mul3A_576, %and3A_571 : vector<16xi32>
        %mul3A_578 = arith.constant 1024 : i32
        %mul3A_579 = vector.broadcast %mul3A_578 : i32 to vector<16xi32>
        %mul3A_580 = arith.muli %add3A_577, %mul3A_579 : vector<16xi32>
        %and3A_581 = arith.constant 1023 : i32
        %and3A_582 = vector.broadcast %and3A_581 : i32 to vector<16xi32>
        %and3A_583 = arith.andi %select_n3A, %and3A_582 : vector<16xi32>
        %add3A_584 = arith.addi %mul3A_580, %and3A_583 : vector<16xi32>
        %mul3A_585 = arith.constant 128 : i32
        %mul3A_586 = vector.broadcast %mul3A_585 : i32 to vector<16xi32>
        %mul3A_587 = arith.muli %add3A_584, %mul3A_586 : vector<16xi32>
        %and3A_588 = arith.constant 127 : i32
        %and3A_589 = vector.broadcast %and3A_588 : i32 to vector<16xi32>
        %and3A_590 = arith.andi %select_n3A_551, %and3A_589 : vector<16xi32>
        %add3A_591 = arith.addi %mul3A_587, %and3A_590 : vector<16xi32>
        %div3A = arith.constant 8 : i32
        %div3A_592 = arith.divsi %scan3A_536, %div3A : i32
        %rem3A = arith.constant 8 : i32
        %rem3A_593 = arith.remsi %scan3A_536, %rem3A : i32
        %add3A_594 = arith.constant 20 : i32
        %add3A_595 = arith.addi %add3A_594, %div3A_592 : i32
        %mul3A_596 = arith.constant 16 : i32
        %mul3A_597 = arith.muli %rem3A_593, %mul3A_596 : i32
        %swap3A = arith.index_cast %add3A_595 : i32 to index
        %swap3A_598 = arith.index_cast %mul3A_597 : i32 to index
        %swap3A_599 = tpu.vector_load %arg8[%swap3A, %swap3A_598] {strides = array<i32>} : memref<24x128xi32, #tpu.memory_space<vmem>>, vector<1x16xi32>,
        %swap3A_600 = vector.shape_cast %swap3A_599 : vector<1x16xi32> to vector<16xi32>
        %swap3A_601 = vector.shape_cast %add3A_591 : vector<16xi32> to vector<1x16xi32>
        tpu.vector_store %arg8[%swap3A, %swap3A_598], %swap3A_601 {strides = array<i32>} : memref<24x128xi32, #tpu.memory_space<vmem>>, vector<1x16xi32>,
      }
      %scan3A_57 = arith.constant 32 : i32
      %dma_start3A = arith.constant 0 : i32
      %dma_start3A_58 = arith.constant 0 : i32
      %dma_start3A_59 = arith.constant 0 : i32
      %dma_start3A_60 = tpu.memref_slice %arg9[%dma_start3A_58, %dma_start3A_59] : memref<6x512xi32, #tpu.memory_space<vmem>> -> memref<1x128xi32, #tpu.memory_space<vmem>>
      %dma_start3A_61 = tpu.memref_squeeze %dma_start3A_60 : memref<1x128xi32, #tpu.memory_space<vmem>> -> memref<128xi32, #tpu.memory_space<vmem>>
      %dma_start3A_62 = arith.constant 0 : i32
      %dma_start3A_63 = tpu.memref_slice %arg8[%dma_start3A, %dma_start3A_62] : memref<24x128xi32, #tpu.memory_space<vmem>> -> memref<1x128xi32, #tpu.memory_space<vmem>>
      %dma_start3A_64 = tpu.memref_squeeze %dma_start3A_63 : memref<1x128xi32, #tpu.memory_space<vmem>> -> memref<128xi32, #tpu.memory_space<vmem>>
      %dma_start3A_65 = arith.constant 0 : i32
      %dma_start3A_66 = tpu.memref_slice %arg2[%dma_start3A_65] : memref<31457280xi32, #tpu.memory_space<hbm>> -> memref<31457280xi32, #tpu.memory_space<hbm>>
      tpu.enqueue_indirect_dma source(%dma_start3A_66 : memref<31457280xi32, #tpu.memory_space<hbm>>) target(%dma_start3A_61 : memref<128xi32, #tpu.memory_space<vmem>>) offsets(%dma_start3A_64 : memref<128xi32, #tpu.memory_space<vmem>>) semaphore(%arg10 : memref<!tpu.dma_semaphore, #tpu.memory_space<semaphore_mem>>)
      %dma_start3A_67 = arith.constant 1 : i32
      %dma_start3A_68 = arith.constant 0 : i32
      %dma_start3A_69 = arith.constant 128 : i32
      %dma_start3A_70 = tpu.memref_slice %arg9[%dma_start3A_68, %dma_start3A_69] : memref<6x512xi32, #tpu.memory_space<vmem>> -> memref<1x128xi32, #tpu.memory_space<vmem>>
      %dma_start3A_71 = tpu.memref_squeeze %dma_start3A_70 : memref<1x128xi32, #tpu.memory_space<vmem>> -> memref<128xi32, #tpu.memory_space<vmem>>
      %dma_start3A_72 = arith.constant 0 : i32
      %dma_start3A_73 = tpu.memref_slice %arg8[%dma_start3A_67, %dma_start3A_72] : memref<24x128xi32, #tpu.memory_space<vmem>> -> memref<1x128xi32, #tpu.memory_space<vmem>>
      %dma_start3A_74 = tpu.memref_squeeze %dma_start3A_73 : memref<1x128xi32, #tpu.memory_space<vmem>> -> memref<128xi32, #tpu.memory_space<vmem>>
      %dma_start3A_75 = arith.constant 0 : i32
      %dma_start3A_76 = tpu.memref_slice %arg2[%dma_start3A_75] : memref<31457280xi32, #tpu.memory_space<hbm>> -> memref<31457280xi32, #tpu.memory_space<hbm>>
      tpu.enqueue_indirect_dma source(%dma_start3A_76 : memref<31457280xi32, #tpu.memory_space<hbm>>) target(%dma_start3A_71 : memref<128xi32, #tpu.memory_space<vmem>>) offsets(%dma_start3A_74 : memref<128xi32, #tpu.memory_space<vmem>>) semaphore(%arg10 : memref<!tpu.dma_semaphore, #tpu.memory_space<semaphore_mem>>)
      %dma_start3A_77 = arith.constant 2 : i32
      %dma_start3A_78 = arith.constant 0 : i32
      %dma_start3A_79 = arith.constant 256 : i32
      %dma_start3A_80 = tpu.memref_slice %arg9[%dma_start3A_78, %dma_start3A_79] : memref<6x512xi32, #tpu.memory_space<vmem>> -> memref<1x128xi32, #tpu.memory_space<vmem>>
      %dma_start3A_81 = tpu.memref_squeeze %dma_start3A_80 : memref<1x128xi32, #tpu.memory_space<vmem>> -> memref<128xi32, #tpu.memory_space<vmem>>
      %dma_start3A_82 = arith.constant 0 : i32
      %dma_start3A_83 = tpu.memref_slice %arg8[%dma_start3A_77, %dma_start3A_82] : memref<24x128xi32, #tpu.memory_space<vmem>> -> memref<1x128xi32, #tpu.memory_space<vmem>>
      %dma_start3A_84 = tpu.memref_squeeze %dma_start3A_83 : memref<1x128xi32, #tpu.memory_space<vmem>> -> memref<128xi32, #tpu.memory_space<vmem>>
      %dma_start3A_85 = arith.constant 0 : i32
      %dma_start3A_86 = tpu.memref_slice %arg2[%dma_start3A_85] : memref<31457280xi32, #tpu.memory_space<hbm>> -> memref<31457280xi32, #tpu.memory_space<hbm>>
      tpu.enqueue_indirect_dma source(%dma_start3A_86 : memref<31457280xi32, #tpu.memory_space<hbm>>) target(%dma_start3A_81 : memref<128xi32, #tpu.memory_space<vmem>>) offsets(%dma_start3A_84 : memref<128xi32, #tpu.memory_space<vmem>>) semaphore(%arg10 : memref<!tpu.dma_semaphore, #tpu.memory_space<semaphore_mem>>)
      %dma_start3A_87 = arith.constant 3 : i32
      %dma_start3A_88 = arith.constant 0 : i32
      %dma_start3A_89 = arith.constant 384 : i32
      %dma_start3A_90 = tpu.memref_slice %arg9[%dma_start3A_88, %dma_start3A_89] : memref<6x512xi32, #tpu.memory_space<vmem>> -> memref<1x128xi32, #tpu.memory_space<vmem>>
      %dma_start3A_91 = tpu.memref_squeeze %dma_start3A_90 : memref<1x128xi32, #tpu.memory_space<vmem>> -> memref<128xi32, #tpu.memory_space<vmem>>
      %dma_start3A_92 = arith.constant 0 : i32
      %dma_start3A_93 = tpu.memref_slice %arg8[%dma_start3A_87, %dma_start3A_92] : memref<24x128xi32, #tpu.memory_space<vmem>> -> memref<1x128xi32, #tpu.memory_space<vmem>>
      %dma_start3A_94 = tpu.memref_squeeze %dma_start3A_93 : memref<1x128xi32, #tpu.memory_space<vmem>> -> memref<128xi32, #tpu.memory_space<vmem>>
      %dma_start3A_95 = arith.constant 0 : i32
      %dma_start3A_96 = tpu.memref_slice %arg2[%dma_start3A_95] : memref<31457280xi32, #tpu.memory_space<hbm>> -> memref<31457280xi32, #tpu.memory_space<hbm>>
      tpu.enqueue_indirect_dma source(%dma_start3A_96 : memref<31457280xi32, #tpu.memory_space<hbm>>) target(%dma_start3A_91 : memref<128xi32, #tpu.memory_space<vmem>>) offsets(%dma_start3A_94 : memref<128xi32, #tpu.memory_space<vmem>>) semaphore(%arg10 : memref<!tpu.dma_semaphore, #tpu.memory_space<semaphore_mem>>)
      %dma_start3A_97 = arith.constant 4 : i32
      %dma_start3A_98 = arith.constant 1 : i32
      %dma_start3A_99 = arith.constant 0 : i32
      %dma_start3A_100 = tpu.memref_slice %arg9[%dma_start3A_98, %dma_start3A_99] : memref<6x512xi32, #tpu.memory_space<vmem>> -> memref<1x128xi32, #tpu.memory_space<vmem>>
      %dma_start3A_101 = tpu.memref_squeeze %dma_start3A_100 : memref<1x128xi32, #tpu.memory_space<vmem>> -> memref<128xi32, #tpu.memory_space<vmem>>
      %dma_start3A_102 = arith.constant 0 : i32
      %dma_start3A_103 = tpu.memref_slice %arg8[%dma_start3A_97, %dma_start3A_102] : memref<24x128xi32, #tpu.memory_space<vmem>> -> memref<1x128xi32, #tpu.memory_space<vmem>>
      %dma_start3A_104 = tpu.memref_squeeze %dma_start3A_103 : memref<1x128xi32, #tpu.memory_space<vmem>> -> memref<128xi32, #tpu.memory_space<vmem>>
      %dma_start3A_105 = arith.constant 0 : i32
      %dma_start3A_106 = tpu.memref_slice %arg2[%dma_start3A_105] : memref<31457280xi32, #tpu.memory_space<hbm>> -> memref<31457280xi32, #tpu.memory_space<hbm>>
      tpu.enqueue_indirect_dma source(%dma_start3A_106 : memref<31457280xi32, #tpu.memory_space<hbm>>) target(%dma_start3A_101 : memref<128xi32, #tpu.memory_space<vmem>>) offsets(%dma_start3A_104 : memref<128xi32, #tpu.memory_space<vmem>>) semaphore(%arg10 : memref<!tpu.dma_semaphore, #tpu.memory_space<semaphore_mem>>)
      %dma_start3A_107 = arith.constant 5 : i32
      %dma_start3A_108 = arith.constant 1 : i32
      %dma_start3A_109 = arith.constant 128 : i32
      %dma_start3A_110 = tpu.memref_slice %arg9[%dma_start3A_108, %dma_start3A_109] : memref<6x512xi32, #tpu.memory_space<vmem>> -> memref<1x128xi32, #tpu.memory_space<vmem>>
      %dma_start3A_111 = tpu.memref_squeeze %dma_start3A_110 : memref<1x128xi32, #tpu.memory_space<vmem>> -> memref<128xi32, #tpu.memory_space<vmem>>
      %dma_start3A_112 = arith.constant 0 : i32
      %dma_start3A_113 = tpu.memref_slice %arg8[%dma_start3A_107, %dma_start3A_112] : memref<24x128xi32, #tpu.memory_space<vmem>> -> memref<1x128xi32, #tpu.memory_space<vmem>>
      %dma_start3A_114 = tpu.memref_squeeze %dma_start3A_113 : memref<1x128xi32, #tpu.memory_space<vmem>> -> memref<128xi32, #tpu.memory_space<vmem>>
      %dma_start3A_115 = arith.constant 0 : i32
      %dma_start3A_116 = tpu.memref_slice %arg2[%dma_start3A_115] : memref<31457280xi32, #tpu.memory_space<hbm>> -> memref<31457280xi32, #tpu.memory_space<hbm>>
      tpu.enqueue_indirect_dma source(%dma_start3A_116 : memref<31457280xi32, #tpu.memory_space<hbm>>) target(%dma_start3A_111 : memref<128xi32, #tpu.memory_space<vmem>>) offsets(%dma_start3A_114 : memref<128xi32, #tpu.memory_space<vmem>>) semaphore(%arg10 : memref<!tpu.dma_semaphore, #tpu.memory_space<semaphore_mem>>)
      %dma_start3A_117 = arith.constant 6 : i32
      %dma_start3A_118 = arith.constant 1 : i32
      %dma_start3A_119 = arith.constant 256 : i32
      %dma_start3A_120 = tpu.memref_slice %arg9[%dma_start3A_118, %dma_start3A_119] : memref<6x512xi32, #tpu.memory_space<vmem>> -> memref<1x128xi32, #tpu.memory_space<vmem>>
      %dma_start3A_121 = tpu.memref_squeeze %dma_start3A_120 : memref<1x128xi32, #tpu.memory_space<vmem>> -> memref<128xi32, #tpu.memory_space<vmem>>
      %dma_start3A_122 = arith.constant 0 : i32
      %dma_start3A_123 = tpu.memref_slice %arg8[%dma_start3A_117, %dma_start3A_122] : memref<24x128xi32, #tpu.memory_space<vmem>> -> memref<1x128xi32, #tpu.memory_space<vmem>>
      %dma_start3A_124 = tpu.memref_squeeze %dma_start3A_123 : memref<1x128xi32, #tpu.memory_space<vmem>> -> memref<128xi32, #tpu.memory_space<vmem>>
      %dma_start3A_125 = arith.constant 0 : i32
      %dma_start3A_126 = tpu.memref_slice %arg2[%dma_start3A_125] : memref<31457280xi32, #tpu.memory_space<hbm>> -> memref<31457280xi32, #tpu.memory_space<hbm>>
      tpu.enqueue_indirect_dma source(%dma_start3A_126 : memref<31457280xi32, #tpu.memory_space<hbm>>) target(%dma_start3A_121 : memref<128xi32, #tpu.memory_space<vmem>>) offsets(%dma_start3A_124 : memref<128xi32, #tpu.memory_space<vmem>>) semaphore(%arg10 : memref<!tpu.dma_semaphore, #tpu.memory_space<semaphore_mem>>)
      %dma_start3A_127 = arith.constant 7 : i32
      %dma_start3A_128 = arith.constant 1 : i32
      %dma_start3A_129 = arith.constant 384 : i32
      %dma_start3A_130 = tpu.memref_slice %arg9[%dma_start3A_128, %dma_start3A_129] : memref<6x512xi32, #tpu.memory_space<vmem>> -> memref<1x128xi32, #tpu.memory_space<vmem>>
      %dma_start3A_131 = tpu.memref_squeeze %dma_start3A_130 : memref<1x128xi32, #tpu.memory_space<vmem>> -> memref<128xi32, #tpu.memory_space<vmem>>
      %dma_start3A_132 = arith.constant 0 : i32
      %dma_start3A_133 = tpu.memref_slice %arg8[%dma_start3A_127, %dma_start3A_132] : memref<24x128xi32, #tpu.memory_space<vmem>> -> memref<1x128xi32, #tpu.memory_space<vmem>>
      %dma_start3A_134 = tpu.memref_squeeze %dma_start3A_133 : memref<1x128xi32, #tpu.memory_space<vmem>> -> memref<128xi32, #tpu.memory_space<vmem>>
      %dma_start3A_135 = arith.constant 0 : i32
      %dma_start3A_136 = tpu.memref_slice %arg2[%dma_start3A_135] : memref<31457280xi32, #tpu.memory_space<hbm>> -> memref<31457280xi32, #tpu.memory_space<hbm>>
      tpu.enqueue_indirect_dma source(%dma_start3A_136 : memref<31457280xi32, #tpu.memory_space<hbm>>) target(%dma_start3A_131 : memref<128xi32, #tpu.memory_space<vmem>>) offsets(%dma_start3A_134 : memref<128xi32, #tpu.memory_space<vmem>>) semaphore(%arg10 : memref<!tpu.dma_semaphore, #tpu.memory_space<semaphore_mem>>)
      %dma_start3A_137 = arith.constant 8 : i32
      %dma_start3A_138 = arith.constant 2 : i32
      %dma_start3A_139 = arith.constant 0 : i32
      %dma_start3A_140 = tpu.memref_slice %arg9[%dma_start3A_138, %dma_start3A_139] : memref<6x512xi32, #tpu.memory_space<vmem>> -> memref<1x128xi32, #tpu.memory_space<vmem>>
      %dma_start3A_141 = tpu.memref_squeeze %dma_start3A_140 : memref<1x128xi32, #tpu.memory_space<vmem>> -> memref<128xi32, #tpu.memory_space<vmem>>
      %dma_start3A_142 = arith.constant 0 : i32
      %dma_start3A_143 = tpu.memref_slice %arg8[%dma_start3A_137, %dma_start3A_142] : memref<24x128xi32, #tpu.memory_space<vmem>> -> memref<1x128xi32, #tpu.memory_space<vmem>>
      %dma_start3A_144 = tpu.memref_squeeze %dma_start3A_143 : memref<1x128xi32, #tpu.memory_space<vmem>> -> memref<128xi32, #tpu.memory_space<vmem>>
      %dma_start3A_145 = arith.constant 0 : i32
      %dma_start3A_146 = tpu.memref_slice %arg2[%dma_start3A_145] : memref<31457280xi32, #tpu.memory_space<hbm>> -> memref<31457280xi32, #tpu.memory_space<hbm>>
      tpu.enqueue_indirect_dma source(%dma_start3A_146 : memref<31457280xi32, #tpu.memory_space<hbm>>) target(%dma_start3A_141 : memref<128xi32, #tpu.memory_space<vmem>>) offsets(%dma_start3A_144 : memref<128xi32, #tpu.memory_space<vmem>>) semaphore(%arg10 : memref<!tpu.dma_semaphore, #tpu.memory_space<semaphore_mem>>)
      %dma_start3A_147 = arith.constant 9 : i32
      %dma_start3A_148 = arith.constant 2 : i32
      %dma_start3A_149 = arith.constant 128 : i32
      %dma_start3A_150 = tpu.memref_slice %arg9[%dma_start3A_148, %dma_start3A_149] : memref<6x512xi32, #tpu.memory_space<vmem>> -> memref<1x128xi32, #tpu.memory_space<vmem>>
      %dma_start3A_151 = tpu.memref_squeeze %dma_start3A_150 : memref<1x128xi32, #tpu.memory_space<vmem>> -> memref<128xi32, #tpu.memory_space<vmem>>
      %dma_start3A_152 = arith.constant 0 : i32
      %dma_start3A_153 = tpu.memref_slice %arg8[%dma_start3A_147, %dma_start3A_152] : memref<24x128xi32, #tpu.memory_space<vmem>> -> memref<1x128xi32, #tpu.memory_space<vmem>>
      %dma_start3A_154 = tpu.memref_squeeze %dma_start3A_153 : memref<1x128xi32, #tpu.memory_space<vmem>> -> memref<128xi32, #tpu.memory_space<vmem>>
      %dma_start3A_155 = arith.constant 0 : i32
      %dma_start3A_156 = tpu.memref_slice %arg2[%dma_start3A_155] : memref<31457280xi32, #tpu.memory_space<hbm>> -> memref<31457280xi32, #tpu.memory_space<hbm>>
      tpu.enqueue_indirect_dma source(%dma_start3A_156 : memref<31457280xi32, #tpu.memory_space<hbm>>) target(%dma_start3A_151 : memref<128xi32, #tpu.memory_space<vmem>>) offsets(%dma_start3A_154 : memref<128xi32, #tpu.memory_space<vmem>>) semaphore(%arg10 : memref<!tpu.dma_semaphore, #tpu.memory_space<semaphore_mem>>)
      %dma_start3A_157 = arith.constant 10 : i32
      %dma_start3A_158 = arith.constant 2 : i32
      %dma_start3A_159 = arith.constant 256 : i32
      %dma_start3A_160 = tpu.memref_slice %arg9[%dma_start3A_158, %dma_start3A_159] : memref<6x512xi32, #tpu.memory_space<vmem>> -> memref<1x128xi32, #tpu.memory_space<vmem>>
      %dma_start3A_161 = tpu.memref_squeeze %dma_start3A_160 : memref<1x128xi32, #tpu.memory_space<vmem>> -> memref<128xi32, #tpu.memory_space<vmem>>
      %dma_start3A_162 = arith.constant 0 : i32
      %dma_start3A_163 = tpu.memref_slice %arg8[%dma_start3A_157, %dma_start3A_162] : memref<24x128xi32, #tpu.memory_space<vmem>> -> memref<1x128xi32, #tpu.memory_space<vmem>>
      %dma_start3A_164 = tpu.memref_squeeze %dma_start3A_163 : memref<1x128xi32, #tpu.memory_space<vmem>> -> memref<128xi32, #tpu.memory_space<vmem>>
      %dma_start3A_165 = arith.constant 0 : i32
      %dma_start3A_166 = tpu.memref_slice %arg2[%dma_start3A_165] : memref<31457280xi32, #tpu.memory_space<hbm>> -> memref<31457280xi32, #tpu.memory_space<hbm>>
      tpu.enqueue_indirect_dma source(%dma_start3A_166 : memref<31457280xi32, #tpu.memory_space<hbm>>) target(%dma_start3A_161 : memref<128xi32, #tpu.memory_space<vmem>>) offsets(%dma_start3A_164 : memref<128xi32, #tpu.memory_space<vmem>>) semaphore(%arg10 : memref<!tpu.dma_semaphore, #tpu.memory_space<semaphore_mem>>)
      %dma_start3A_167 = arith.constant 11 : i32
      %dma_start3A_168 = arith.constant 2 : i32
      %dma_start3A_169 = arith.constant 384 : i32
      %dma_start3A_170 = tpu.memref_slice %arg9[%dma_start3A_168, %dma_start3A_169] : memref<6x512xi32, #tpu.memory_space<vmem>> -> memref<1x128xi32, #tpu.memory_space<vmem>>
      %dma_start3A_171 = tpu.memref_squeeze %dma_start3A_170 : memref<1x128xi32, #tpu.memory_space<vmem>> -> memref<128xi32, #tpu.memory_space<vmem>>
      %dma_start3A_172 = arith.constant 0 : i32
      %dma_start3A_173 = tpu.memref_slice %arg8[%dma_start3A_167, %dma_start3A_172] : memref<24x128xi32, #tpu.memory_space<vmem>> -> memref<1x128xi32, #tpu.memory_space<vmem>>
      %dma_start3A_174 = tpu.memref_squeeze %dma_start3A_173 : memref<1x128xi32, #tpu.memory_space<vmem>> -> memref<128xi32, #tpu.memory_space<vmem>>
      %dma_start3A_175 = arith.constant 0 : i32
      %dma_start3A_176 = tpu.memref_slice %arg2[%dma_start3A_175] : memref<31457280xi32, #tpu.memory_space<hbm>> -> memref<31457280xi32, #tpu.memory_space<hbm>>
      tpu.enqueue_indirect_dma source(%dma_start3A_176 : memref<31457280xi32, #tpu.memory_space<hbm>>) target(%dma_start3A_171 : memref<128xi32, #tpu.memory_space<vmem>>) offsets(%dma_start3A_174 : memref<128xi32, #tpu.memory_space<vmem>>) semaphore(%arg10 : memref<!tpu.dma_semaphore, #tpu.memory_space<semaphore_mem>>)
      %dma_start3A_177 = arith.constant 12 : i32
      %dma_start3A_178 = arith.constant 3 : i32
      %dma_start3A_179 = arith.constant 0 : i32
      %dma_start3A_180 = tpu.memref_slice %arg9[%dma_start3A_178, %dma_start3A_179] : memref<6x512xi32, #tpu.memory_space<vmem>> -> memref<1x128xi32, #tpu.memory_space<vmem>>
      %dma_start3A_181 = tpu.memref_squeeze %dma_start3A_180 : memref<1x128xi32, #tpu.memory_space<vmem>> -> memref<128xi32, #tpu.memory_space<vmem>>
      %dma_start3A_182 = arith.constant 0 : i32
      %dma_start3A_183 = tpu.memref_slice %arg8[%dma_start3A_177, %dma_start3A_182] : memref<24x128xi32, #tpu.memory_space<vmem>> -> memref<1x128xi32, #tpu.memory_space<vmem>>
      %dma_start3A_184 = tpu.memref_squeeze %dma_start3A_183 : memref<1x128xi32, #tpu.memory_space<vmem>> -> memref<128xi32, #tpu.memory_space<vmem>>
      %dma_start3A_185 = arith.constant 0 : i32
      %dma_start3A_186 = tpu.memref_slice %arg2[%dma_start3A_185] : memref<31457280xi32, #tpu.memory_space<hbm>> -> memref<31457280xi32, #tpu.memory_space<hbm>>
      tpu.enqueue_indirect_dma source(%dma_start3A_186 : memref<31457280xi32, #tpu.memory_space<hbm>>) target(%dma_start3A_181 : memref<128xi32, #tpu.memory_space<vmem>>) offsets(%dma_start3A_184 : memref<128xi32, #tpu.memory_space<vmem>>) semaphore(%arg10 : memref<!tpu.dma_semaphore, #tpu.memory_space<semaphore_mem>>)
      %dma_start3A_187 = arith.constant 13 : i32
      %dma_start3A_188 = arith.constant 3 : i32
      %dma_start3A_189 = arith.constant 128 : i32
      %dma_start3A_190 = tpu.memref_slice %arg9[%dma_start3A_188, %dma_start3A_189] : memref<6x512xi32, #tpu.memory_space<vmem>> -> memref<1x128xi32, #tpu.memory_space<vmem>>
      %dma_start3A_191 = tpu.memref_squeeze %dma_start3A_190 : memref<1x128xi32, #tpu.memory_space<vmem>> -> memref<128xi32, #tpu.memory_space<vmem>>
      %dma_start3A_192 = arith.constant 0 : i32
      %dma_start3A_193 = tpu.memref_slice %arg8[%dma_start3A_187, %dma_start3A_192] : memref<24x128xi32, #tpu.memory_space<vmem>> -> memref<1x128xi32, #tpu.memory_space<vmem>>
      %dma_start3A_194 = tpu.memref_squeeze %dma_start3A_193 : memref<1x128xi32, #tpu.memory_space<vmem>> -> memref<128xi32, #tpu.memory_space<vmem>>
      %dma_start3A_195 = arith.constant 0 : i32
      %dma_start3A_196 = tpu.memref_slice %arg2[%dma_start3A_195] : memref<31457280xi32, #tpu.memory_space<hbm>> -> memref<31457280xi32, #tpu.memory_space<hbm>>
      tpu.enqueue_indirect_dma source(%dma_start3A_196 : memref<31457280xi32, #tpu.memory_space<hbm>>) target(%dma_start3A_191 : memref<128xi32, #tpu.memory_space<vmem>>) offsets(%dma_start3A_194 : memref<128xi32, #tpu.memory_space<vmem>>) semaphore(%arg10 : memref<!tpu.dma_semaphore, #tpu.memory_space<semaphore_mem>>)
      %dma_start3A_197 = arith.constant 14 : i32
      %dma_start3A_198 = arith.constant 3 : i32
      %dma_start3A_199 = arith.constant 256 : i32
      %dma_start3A_200 = tpu.memref_slice %arg9[%dma_start3A_198, %dma_start3A_199] : memref<6x512xi32, #tpu.memory_space<vmem>> -> memref<1x128xi32, #tpu.memory_space<vmem>>
      %dma_start3A_201 = tpu.memref_squeeze %dma_start3A_200 : memref<1x128xi32, #tpu.memory_space<vmem>> -> memref<128xi32, #tpu.memory_space<vmem>>
      %dma_start3A_202 = arith.constant 0 : i32
      %dma_start3A_203 = tpu.memref_slice %arg8[%dma_start3A_197, %dma_start3A_202] : memref<24x128xi32, #tpu.memory_space<vmem>> -> memref<1x128xi32, #tpu.memory_space<vmem>>
      %dma_start3A_204 = tpu.memref_squeeze %dma_start3A_203 : memref<1x128xi32, #tpu.memory_space<vmem>> -> memref<128xi32, #tpu.memory_space<vmem>>
      %dma_start3A_205 = arith.constant 0 : i32
      %dma_start3A_206 = tpu.memref_slice %arg2[%dma_start3A_205] : memref<31457280xi32, #tpu.memory_space<hbm>> -> memref<31457280xi32, #tpu.memory_space<hbm>>
      tpu.enqueue_indirect_dma source(%dma_start3A_206 : memref<31457280xi32, #tpu.memory_space<hbm>>) target(%dma_start3A_201 : memref<128xi32, #tpu.memory_space<vmem>>) offsets(%dma_start3A_204 : memref<128xi32, #tpu.memory_space<vmem>>) semaphore(%arg10 : memref<!tpu.dma_semaphore, #tpu.memory_space<semaphore_mem>>)
      %dma_start3A_207 = arith.constant 15 : i32
      %dma_start3A_208 = arith.constant 3 : i32
      %dma_start3A_209 = arith.constant 384 : i32
      %dma_start3A_210 = tpu.memref_slice %arg9[%dma_start3A_208, %dma_start3A_209] : memref<6x512xi32, #tpu.memory_space<vmem>> -> memref<1x128xi32, #tpu.memory_space<vmem>>
      %dma_start3A_211 = tpu.memref_squeeze %dma_start3A_210 : memref<1x128xi32, #tpu.memory_space<vmem>> -> memref<128xi32, #tpu.memory_space<vmem>>
      %dma_start3A_212 = arith.constant 0 : i32
      %dma_start3A_213 = tpu.memref_slice %arg8[%dma_start3A_207, %dma_start3A_212] : memref<24x128xi32, #tpu.memory_space<vmem>> -> memref<1x128xi32, #tpu.memory_space<vmem>>
      %dma_start3A_214 = tpu.memref_squeeze %dma_start3A_213 : memref<1x128xi32, #tpu.memory_space<vmem>> -> memref<128xi32, #tpu.memory_space<vmem>>
      %dma_start3A_215 = arith.constant 0 : i32
      %dma_start3A_216 = tpu.memref_slice %arg2[%dma_start3A_215] : memref<31457280xi32, #tpu.memory_space<hbm>> -> memref<31457280xi32, #tpu.memory_space<hbm>>
      tpu.enqueue_indirect_dma source(%dma_start3A_216 : memref<31457280xi32, #tpu.memory_space<hbm>>) target(%dma_start3A_211 : memref<128xi32, #tpu.memory_space<vmem>>) offsets(%dma_start3A_214 : memref<128xi32, #tpu.memory_space<vmem>>) semaphore(%arg10 : memref<!tpu.dma_semaphore, #tpu.memory_space<semaphore_mem>>)
      %dma_start3A_217 = arith.constant 16 : i32
      %dma_start3A_218 = arith.constant 4 : i32
      %dma_start3A_219 = arith.constant 0 : i32
      %dma_start3A_220 = tpu.memref_slice %arg9[%dma_start3A_218, %dma_start3A_219] : memref<6x512xi32, #tpu.memory_space<vmem>> -> memref<1x128xi32, #tpu.memory_space<vmem>>
      %dma_start3A_221 = tpu.memref_squeeze %dma_start3A_220 : memref<1x128xi32, #tpu.memory_space<vmem>> -> memref<128xi32, #tpu.memory_space<vmem>>
      %dma_start3A_222 = arith.constant 0 : i32
      %dma_start3A_223 = tpu.memref_slice %arg8[%dma_start3A_217, %dma_start3A_222] : memref<24x128xi32, #tpu.memory_space<vmem>> -> memref<1x128xi32, #tpu.memory_space<vmem>>
      %dma_start3A_224 = tpu.memref_squeeze %dma_start3A_223 : memref<1x128xi32, #tpu.memory_space<vmem>> -> memref<128xi32, #tpu.memory_space<vmem>>
      %dma_start3A_225 = arith.constant 0 : i32
      %dma_start3A_226 = tpu.memref_slice %arg2[%dma_start3A_225] : memref<31457280xi32, #tpu.memory_space<hbm>> -> memref<31457280xi32, #tpu.memory_space<hbm>>
      tpu.enqueue_indirect_dma source(%dma_start3A_226 : memref<31457280xi32, #tpu.memory_space<hbm>>) target(%dma_start3A_221 : memref<128xi32, #tpu.memory_space<vmem>>) offsets(%dma_start3A_224 : memref<128xi32, #tpu.memory_space<vmem>>) semaphore(%arg10 : memref<!tpu.dma_semaphore, #tpu.memory_space<semaphore_mem>>)
      %dma_start3A_227 = arith.constant 17 : i32
      %dma_start3A_228 = arith.constant 4 : i32
      %dma_start3A_229 = arith.constant 128 : i32
      %dma_start3A_230 = tpu.memref_slice %arg9[%dma_start3A_228, %dma_start3A_229] : memref<6x512xi32, #tpu.memory_space<vmem>> -> memref<1x128xi32, #tpu.memory_space<vmem>>
      %dma_start3A_231 = tpu.memref_squeeze %dma_start3A_230 : memref<1x128xi32, #tpu.memory_space<vmem>> -> memref<128xi32, #tpu.memory_space<vmem>>
      %dma_start3A_232 = arith.constant 0 : i32
      %dma_start3A_233 = tpu.memref_slice %arg8[%dma_start3A_227, %dma_start3A_232] : memref<24x128xi32, #tpu.memory_space<vmem>> -> memref<1x128xi32, #tpu.memory_space<vmem>>
      %dma_start3A_234 = tpu.memref_squeeze %dma_start3A_233 : memref<1x128xi32, #tpu.memory_space<vmem>> -> memref<128xi32, #tpu.memory_space<vmem>>
      %dma_start3A_235 = arith.constant 0 : i32
      %dma_start3A_236 = tpu.memref_slice %arg2[%dma_start3A_235] : memref<31457280xi32, #tpu.memory_space<hbm>> -> memref<31457280xi32, #tpu.memory_space<hbm>>
      tpu.enqueue_indirect_dma source(%dma_start3A_236 : memref<31457280xi32, #tpu.memory_space<hbm>>) target(%dma_start3A_231 : memref<128xi32, #tpu.memory_space<vmem>>) offsets(%dma_start3A_234 : memref<128xi32, #tpu.memory_space<vmem>>) semaphore(%arg10 : memref<!tpu.dma_semaphore, #tpu.memory_space<semaphore_mem>>)
      %dma_start3A_237 = arith.constant 18 : i32
      %dma_start3A_238 = arith.constant 4 : i32
      %dma_start3A_239 = arith.constant 256 : i32
      %dma_start3A_240 = tpu.memref_slice %arg9[%dma_start3A_238, %dma_start3A_239] : memref<6x512xi32, #tpu.memory_space<vmem>> -> memref<1x128xi32, #tpu.memory_space<vmem>>
      %dma_start3A_241 = tpu.memref_squeeze %dma_start3A_240 : memref<1x128xi32, #tpu.memory_space<vmem>> -> memref<128xi32, #tpu.memory_space<vmem>>
      %dma_start3A_242 = arith.constant 0 : i32
      %dma_start3A_243 = tpu.memref_slice %arg8[%dma_start3A_237, %dma_start3A_242] : memref<24x128xi32, #tpu.memory_space<vmem>> -> memref<1x128xi32, #tpu.memory_space<vmem>>
      %dma_start3A_244 = tpu.memref_squeeze %dma_start3A_243 : memref<1x128xi32, #tpu.memory_space<vmem>> -> memref<128xi32, #tpu.memory_space<vmem>>
      %dma_start3A_245 = arith.constant 0 : i32
      %dma_start3A_246 = tpu.memref_slice %arg2[%dma_start3A_245] : memref<31457280xi32, #tpu.memory_space<hbm>> -> memref<31457280xi32, #tpu.memory_space<hbm>>
      tpu.enqueue_indirect_dma source(%dma_start3A_246 : memref<31457280xi32, #tpu.memory_space<hbm>>) target(%dma_start3A_241 : memref<128xi32, #tpu.memory_space<vmem>>) offsets(%dma_start3A_244 : memref<128xi32, #tpu.memory_space<vmem>>) semaphore(%arg10 : memref<!tpu.dma_semaphore, #tpu.memory_space<semaphore_mem>>)
      %dma_start3A_247 = arith.constant 19 : i32
      %dma_start3A_248 = arith.constant 4 : i32
      %dma_start3A_249 = arith.constant 384 : i32
      %dma_start3A_250 = tpu.memref_slice %arg9[%dma_start3A_248, %dma_start3A_249] : memref<6x512xi32, #tpu.memory_space<vmem>> -> memref<1x128xi32, #tpu.memory_space<vmem>>
      %dma_start3A_251 = tpu.memref_squeeze %dma_start3A_250 : memref<1x128xi32, #tpu.memory_space<vmem>> -> memref<128xi32, #tpu.memory_space<vmem>>
      %dma_start3A_252 = arith.constant 0 : i32
      %dma_start3A_253 = tpu.memref_slice %arg8[%dma_start3A_247, %dma_start3A_252] : memref<24x128xi32, #tpu.memory_space<vmem>> -> memref<1x128xi32, #tpu.memory_space<vmem>>
      %dma_start3A_254 = tpu.memref_squeeze %dma_start3A_253 : memref<1x128xi32, #tpu.memory_space<vmem>> -> memref<128xi32, #tpu.memory_space<vmem>>
      %dma_start3A_255 = arith.constant 0 : i32
      %dma_start3A_256 = tpu.memref_slice %arg2[%dma_start3A_255] : memref<31457280xi32, #tpu.memory_space<hbm>> -> memref<31457280xi32, #tpu.memory_space<hbm>>
      tpu.enqueue_indirect_dma source(%dma_start3A_256 : memref<31457280xi32, #tpu.memory_space<hbm>>) target(%dma_start3A_251 : memref<128xi32, #tpu.memory_space<vmem>>) offsets(%dma_start3A_254 : memref<128xi32, #tpu.memory_space<vmem>>) semaphore(%arg10 : memref<!tpu.dma_semaphore, #tpu.memory_space<semaphore_mem>>)
      %dma_start3A_257 = arith.constant 20 : i32
      %dma_start3A_258 = arith.constant 5 : i32
      %dma_start3A_259 = arith.constant 0 : i32
      %dma_start3A_260 = tpu.memref_slice %arg9[%dma_start3A_258, %dma_start3A_259] : memref<6x512xi32, #tpu.memory_space<vmem>> -> memref<1x128xi32, #tpu.memory_space<vmem>>
      %dma_start3A_261 = tpu.memref_squeeze %dma_start3A_260 : memref<1x128xi32, #tpu.memory_space<vmem>> -> memref<128xi32, #tpu.memory_space<vmem>>
      %dma_start3A_262 = arith.constant 0 : i32
      %dma_start3A_263 = tpu.memref_slice %arg8[%dma_start3A_257, %dma_start3A_262] : memref<24x128xi32, #tpu.memory_space<vmem>> -> memref<1x128xi32, #tpu.memory_space<vmem>>
      %dma_start3A_264 = tpu.memref_squeeze %dma_start3A_263 : memref<1x128xi32, #tpu.memory_space<vmem>> -> memref<128xi32, #tpu.memory_space<vmem>>
      %dma_start3A_265 = arith.constant 0 : i32
      %dma_start3A_266 = tpu.memref_slice %arg2[%dma_start3A_265] : memref<31457280xi32, #tpu.memory_space<hbm>> -> memref<31457280xi32, #tpu.memory_space<hbm>>
      tpu.enqueue_indirect_dma source(%dma_start3A_266 : memref<31457280xi32, #tpu.memory_space<hbm>>) target(%dma_start3A_261 : memref<128xi32, #tpu.memory_space<vmem>>) offsets(%dma_start3A_264 : memref<128xi32, #tpu.memory_space<vmem>>) semaphore(%arg10 : memref<!tpu.dma_semaphore, #tpu.memory_space<semaphore_mem>>)
      %dma_start3A_267 = arith.constant 21 : i32
      %dma_start3A_268 = arith.constant 5 : i32
      %dma_start3A_269 = arith.constant 128 : i32
      %dma_start3A_270 = tpu.memref_slice %arg9[%dma_start3A_268, %dma_start3A_269] : memref<6x512xi32, #tpu.memory_space<vmem>> -> memref<1x128xi32, #tpu.memory_space<vmem>>
      %dma_start3A_271 = tpu.memref_squeeze %dma_start3A_270 : memref<1x128xi32, #tpu.memory_space<vmem>> -> memref<128xi32, #tpu.memory_space<vmem>>
      %dma_start3A_272 = arith.constant 0 : i32
      %dma_start3A_273 = tpu.memref_slice %arg8[%dma_start3A_267, %dma_start3A_272] : memref<24x128xi32, #tpu.memory_space<vmem>> -> memref<1x128xi32, #tpu.memory_space<vmem>>
      %dma_start3A_274 = tpu.memref_squeeze %dma_start3A_273 : memref<1x128xi32, #tpu.memory_space<vmem>> -> memref<128xi32, #tpu.memory_space<vmem>>
      %dma_start3A_275 = arith.constant 0 : i32
      %dma_start3A_276 = tpu.memref_slice %arg2[%dma_start3A_275] : memref<31457280xi32, #tpu.memory_space<hbm>> -> memref<31457280xi32, #tpu.memory_space<hbm>>
      tpu.enqueue_indirect_dma source(%dma_start3A_276 : memref<31457280xi32, #tpu.memory_space<hbm>>) target(%dma_start3A_271 : memref<128xi32, #tpu.memory_space<vmem>>) offsets(%dma_start3A_274 : memref<128xi32, #tpu.memory_space<vmem>>) semaphore(%arg10 : memref<!tpu.dma_semaphore, #tpu.memory_space<semaphore_mem>>)
      %dma_start3A_277 = arith.constant 22 : i32
      %dma_start3A_278 = arith.constant 5 : i32
      %dma_start3A_279 = arith.constant 256 : i32
      %dma_start3A_280 = tpu.memref_slice %arg9[%dma_start3A_278, %dma_start3A_279] : memref<6x512xi32, #tpu.memory_space<vmem>> -> memref<1x128xi32, #tpu.memory_space<vmem>>
      %dma_start3A_281 = tpu.memref_squeeze %dma_start3A_280 : memref<1x128xi32, #tpu.memory_space<vmem>> -> memref<128xi32, #tpu.memory_space<vmem>>
      %dma_start3A_282 = arith.constant 0 : i32
      %dma_start3A_283 = tpu.memref_slice %arg8[%dma_start3A_277, %dma_start3A_282] : memref<24x128xi32, #tpu.memory_space<vmem>> -> memref<1x128xi32, #tpu.memory_space<vmem>>
      %dma_start3A_284 = tpu.memref_squeeze %dma_start3A_283 : memref<1x128xi32, #tpu.memory_space<vmem>> -> memref<128xi32, #tpu.memory_space<vmem>>
      %dma_start3A_285 = arith.constant 0 : i32
      %dma_start3A_286 = tpu.memref_slice %arg2[%dma_start3A_285] : memref<31457280xi32, #tpu.memory_space<hbm>> -> memref<31457280xi32, #tpu.memory_space<hbm>>
      tpu.enqueue_indirect_dma source(%dma_start3A_286 : memref<31457280xi32, #tpu.memory_space<hbm>>) target(%dma_start3A_281 : memref<128xi32, #tpu.memory_space<vmem>>) offsets(%dma_start3A_284 : memref<128xi32, #tpu.memory_space<vmem>>) semaphore(%arg10 : memref<!tpu.dma_semaphore, #tpu.memory_space<semaphore_mem>>)
      %dma_start3A_287 = arith.constant 23 : i32
      %dma_start3A_288 = arith.constant 5 : i32
      %dma_start3A_289 = arith.constant 384 : i32
      %dma_start3A_290 = tpu.memref_slice %arg9[%dma_start3A_288, %dma_start3A_289] : memref<6x512xi32, #tpu.memory_space<vmem>> -> memref<1x128xi32, #tpu.memory_space<vmem>>
      %dma_start3A_291 = tpu.memref_squeeze %dma_start3A_290 : memref<1x128xi32, #tpu.memory_space<vmem>> -> memref<128xi32, #tpu.memory_space<vmem>>
      %dma_start3A_292 = arith.constant 0 : i32
      %dma_start3A_293 = tpu.memref_slice %arg8[%dma_start3A_287, %dma_start3A_292] : memref<24x128xi32, #tpu.memory_space<vmem>> -> memref<1x128xi32, #tpu.memory_space<vmem>>
      %dma_start3A_294 = tpu.memref_squeeze %dma_start3A_293 : memref<1x128xi32, #tpu.memory_space<vmem>> -> memref<128xi32, #tpu.memory_space<vmem>>
      %dma_start3A_295 = arith.constant 0 : i32
      %dma_start3A_296 = tpu.memref_slice %arg2[%dma_start3A_295] : memref<31457280xi32, #tpu.memory_space<hbm>> -> memref<31457280xi32, #tpu.memory_space<hbm>>
      tpu.enqueue_indirect_dma source(%dma_start3A_296 : memref<31457280xi32, #tpu.memory_space<hbm>>) target(%dma_start3A_291 : memref<128xi32, #tpu.memory_space<vmem>>) offsets(%dma_start3A_294 : memref<128xi32, #tpu.memory_space<vmem>>) semaphore(%arg10 : memref<!tpu.dma_semaphore, #tpu.memory_space<semaphore_mem>>)
      %dma_wait3A = arith.constant 0 : i32
      %dma_wait3A_297 = arith.constant 0 : i32
      %dma_wait3A_298 = arith.constant 0 : i32
      %dma_wait3A_299 = tpu.memref_slice %arg9[%dma_wait3A_297, %dma_wait3A_298] : memref<6x512xi32, #tpu.memory_space<vmem>> -> memref<1x128xi32, #tpu.memory_space<vmem>>
      %dma_wait3A_300 = tpu.memref_squeeze %dma_wait3A_299 : memref<1x128xi32, #tpu.memory_space<vmem>> -> memref<128xi32, #tpu.memory_space<vmem>>
      %dma_wait3A_301 = arith.constant 0 : i32
      %dma_wait3A_302 = tpu.memref_slice %arg8[%dma_wait3A, %dma_wait3A_301] : memref<24x128xi32, #tpu.memory_space<vmem>> -> memref<1x128xi32, #tpu.memory_space<vmem>>
      %dma_wait3A_303 = tpu.memref_squeeze %dma_wait3A_302 : memref<1x128xi32, #tpu.memory_space<vmem>> -> memref<128xi32, #tpu.memory_space<vmem>>
      %dma_wait3A_304 = arith.constant 0 : i32
      %dma_wait3A_305 = tpu.memref_slice %arg2[%dma_wait3A_304] : memref<31457280xi32, #tpu.memory_space<hbm>> -> memref<31457280xi32, #tpu.memory_space<hbm>>
      tpu.wait_indirect_dma semaphore(%arg10 : memref<!tpu.dma_semaphore, #tpu.memory_space<semaphore_mem>>) src(%dma_wait3A_305 : memref<31457280xi32, #tpu.memory_space<hbm>>) dst(%dma_wait3A_300 : memref<128xi32, #tpu.memory_space<vmem>>)
      %dma_wait3A_306 = arith.constant 1 : i32
      %dma_wait3A_307 = arith.constant 0 : i32
      %dma_wait3A_308 = arith.constant 128 : i32
      %dma_wait3A_309 = tpu.memref_slice %arg9[%dma_wait3A_307, %dma_wait3A_308] : memref<6x512xi32, #tpu.memory_space<vmem>> -> memref<1x128xi32, #tpu.memory_space<vmem>>
      %dma_wait3A_310 = tpu.memref_squeeze %dma_wait3A_309 : memref<1x128xi32, #tpu.memory_space<vmem>> -> memref<128xi32, #tpu.memory_space<vmem>>
      %dma_wait3A_311 = arith.constant 0 : i32
      %dma_wait3A_312 = tpu.memref_slice %arg8[%dma_wait3A_306, %dma_wait3A_311] : memref<24x128xi32, #tpu.memory_space<vmem>> -> memref<1x128xi32, #tpu.memory_space<vmem>>
      %dma_wait3A_313 = tpu.memref_squeeze %dma_wait3A_312 : memref<1x128xi32, #tpu.memory_space<vmem>> -> memref<128xi32, #tpu.memory_space<vmem>>
      %dma_wait3A_314 = arith.constant 0 : i32
      %dma_wait3A_315 = tpu.memref_slice %arg2[%dma_wait3A_314] : memref<31457280xi32, #tpu.memory_space<hbm>> -> memref<31457280xi32, #tpu.memory_space<hbm>>
      tpu.wait_indirect_dma semaphore(%arg10 : memref<!tpu.dma_semaphore, #tpu.memory_space<semaphore_mem>>) src(%dma_wait3A_315 : memref<31457280xi32, #tpu.memory_space<hbm>>) dst(%dma_wait3A_310 : memref<128xi32, #tpu.memory_space<vmem>>)
      %dma_wait3A_316 = arith.constant 2 : i32
      %dma_wait3A_317 = arith.constant 0 : i32
      %dma_wait3A_318 = arith.constant 256 : i32
      %dma_wait3A_319 = tpu.memref_slice %arg9[%dma_wait3A_317, %dma_wait3A_318] : memref<6x512xi32, #tpu.memory_space<vmem>> -> memref<1x128xi32, #tpu.memory_space<vmem>>
      %dma_wait3A_320 = tpu.memref_squeeze %dma_wait3A_319 : memref<1x128xi32, #tpu.memory_space<vmem>> -> memref<128xi32, #tpu.memory_space<vmem>>
      %dma_wait3A_321 = arith.constant 0 : i32
      %dma_wait3A_322 = tpu.memref_slice %arg8[%dma_wait3A_316, %dma_wait3A_321] : memref<24x128xi32, #tpu.memory_space<vmem>> -> memref<1x128xi32, #tpu.memory_space<vmem>>
      %dma_wait3A_323 = tpu.memref_squeeze %dma_wait3A_322 : memref<1x128xi32, #tpu.memory_space<vmem>> -> memref<128xi32, #tpu.memory_space<vmem>>
      %dma_wait3A_324 = arith.constant 0 : i32
      %dma_wait3A_325 = tpu.memref_slice %arg2[%dma_wait3A_324] : memref<31457280xi32, #tpu.memory_space<hbm>> -> memref<31457280xi32, #tpu.memory_space<hbm>>
      tpu.wait_indirect_dma semaphore(%arg10 : memref<!tpu.dma_semaphore, #tpu.memory_space<semaphore_mem>>) src(%dma_wait3A_325 : memref<31457280xi32, #tpu.memory_space<hbm>>) dst(%dma_wait3A_320 : memref<128xi32, #tpu.memory_space<vmem>>)
      %dma_wait3A_326 = arith.constant 3 : i32
      %dma_wait3A_327 = arith.constant 0 : i32
      %dma_wait3A_328 = arith.constant 384 : i32
      %dma_wait3A_329 = tpu.memref_slice %arg9[%dma_wait3A_327, %dma_wait3A_328] : memref<6x512xi32, #tpu.memory_space<vmem>> -> memref<1x128xi32, #tpu.memory_space<vmem>>
      %dma_wait3A_330 = tpu.memref_squeeze %dma_wait3A_329 : memref<1x128xi32, #tpu.memory_space<vmem>> -> memref<128xi32, #tpu.memory_space<vmem>>
      %dma_wait3A_331 = arith.constant 0 : i32
      %dma_wait3A_332 = tpu.memref_slice %arg8[%dma_wait3A_326, %dma_wait3A_331] : memref<24x128xi32, #tpu.memory_space<vmem>> -> memref<1x128xi32, #tpu.memory_space<vmem>>
      %dma_wait3A_333 = tpu.memref_squeeze %dma_wait3A_332 : memref<1x128xi32, #tpu.memory_space<vmem>> -> memref<128xi32, #tpu.memory_space<vmem>>
      %dma_wait3A_334 = arith.constant 0 : i32
      %dma_wait3A_335 = tpu.memref_slice %arg2[%dma_wait3A_334] : memref<31457280xi32, #tpu.memory_space<hbm>> -> memref<31457280xi32, #tpu.memory_space<hbm>>
      tpu.wait_indirect_dma semaphore(%arg10 : memref<!tpu.dma_semaphore, #tpu.memory_space<semaphore_mem>>) src(%dma_wait3A_335 : memref<31457280xi32, #tpu.memory_space<hbm>>) dst(%dma_wait3A_330 : memref<128xi32, #tpu.memory_space<vmem>>)
      %dma_wait3A_336 = arith.constant 4 : i32
      %dma_wait3A_337 = arith.constant 1 : i32
      %dma_wait3A_338 = arith.constant 0 : i32
      %dma_wait3A_339 = tpu.memref_slice %arg9[%dma_wait3A_337, %dma_wait3A_338] : memref<6x512xi32, #tpu.memory_space<vmem>> -> memref<1x128xi32, #tpu.memory_space<vmem>>
      %dma_wait3A_340 = tpu.memref_squeeze %dma_wait3A_339 : memref<1x128xi32, #tpu.memory_space<vmem>> -> memref<128xi32, #tpu.memory_space<vmem>>
      %dma_wait3A_341 = arith.constant 0 : i32
      %dma_wait3A_342 = tpu.memref_slice %arg8[%dma_wait3A_336, %dma_wait3A_341] : memref<24x128xi32, #tpu.memory_space<vmem>> -> memref<1x128xi32, #tpu.memory_space<vmem>>
      %dma_wait3A_343 = tpu.memref_squeeze %dma_wait3A_342 : memref<1x128xi32, #tpu.memory_space<vmem>> -> memref<128xi32, #tpu.memory_space<vmem>>
      %dma_wait3A_344 = arith.constant 0 : i32
      %dma_wait3A_345 = tpu.memref_slice %arg2[%dma_wait3A_344] : memref<31457280xi32, #tpu.memory_space<hbm>> -> memref<31457280xi32, #tpu.memory_space<hbm>>
      tpu.wait_indirect_dma semaphore(%arg10 : memref<!tpu.dma_semaphore, #tpu.memory_space<semaphore_mem>>) src(%dma_wait3A_345 : memref<31457280xi32, #tpu.memory_space<hbm>>) dst(%dma_wait3A_340 : memref<128xi32, #tpu.memory_space<vmem>>)
      %dma_wait3A_346 = arith.constant 5 : i32
      %dma_wait3A_347 = arith.constant 1 : i32
      %dma_wait3A_348 = arith.constant 128 : i32
      %dma_wait3A_349 = tpu.memref_slice %arg9[%dma_wait3A_347, %dma_wait3A_348] : memref<6x512xi32, #tpu.memory_space<vmem>> -> memref<1x128xi32, #tpu.memory_space<vmem>>
      %dma_wait3A_350 = tpu.memref_squeeze %dma_wait3A_349 : memref<1x128xi32, #tpu.memory_space<vmem>> -> memref<128xi32, #tpu.memory_space<vmem>>
      %dma_wait3A_351 = arith.constant 0 : i32
      %dma_wait3A_352 = tpu.memref_slice %arg8[%dma_wait3A_346, %dma_wait3A_351] : memref<24x128xi32, #tpu.memory_space<vmem>> -> memref<1x128xi32, #tpu.memory_space<vmem>>
      %dma_wait3A_353 = tpu.memref_squeeze %dma_wait3A_352 : memref<1x128xi32, #tpu.memory_space<vmem>> -> memref<128xi32, #tpu.memory_space<vmem>>
      %dma_wait3A_354 = arith.constant 0 : i32
      %dma_wait3A_355 = tpu.memref_slice %arg2[%dma_wait3A_354] : memref<31457280xi32, #tpu.memory_space<hbm>> -> memref<31457280xi32, #tpu.memory_space<hbm>>
      tpu.wait_indirect_dma semaphore(%arg10 : memref<!tpu.dma_semaphore, #tpu.memory_space<semaphore_mem>>) src(%dma_wait3A_355 : memref<31457280xi32, #tpu.memory_space<hbm>>) dst(%dma_wait3A_350 : memref<128xi32, #tpu.memory_space<vmem>>)
      %dma_wait3A_356 = arith.constant 6 : i32
      %dma_wait3A_357 = arith.constant 1 : i32
      %dma_wait3A_358 = arith.constant 256 : i32
      %dma_wait3A_359 = tpu.memref_slice %arg9[%dma_wait3A_357, %dma_wait3A_358] : memref<6x512xi32, #tpu.memory_space<vmem>> -> memref<1x128xi32, #tpu.memory_space<vmem>>
      %dma_wait3A_360 = tpu.memref_squeeze %dma_wait3A_359 : memref<1x128xi32, #tpu.memory_space<vmem>> -> memref<128xi32, #tpu.memory_space<vmem>>
      %dma_wait3A_361 = arith.constant 0 : i32
      %dma_wait3A_362 = tpu.memref_slice %arg8[%dma_wait3A_356, %dma_wait3A_361] : memref<24x128xi32, #tpu.memory_space<vmem>> -> memref<1x128xi32, #tpu.memory_space<vmem>>
      %dma_wait3A_363 = tpu.memref_squeeze %dma_wait3A_362 : memref<1x128xi32, #tpu.memory_space<vmem>> -> memref<128xi32, #tpu.memory_space<vmem>>
      %dma_wait3A_364 = arith.constant 0 : i32
      %dma_wait3A_365 = tpu.memref_slice %arg2[%dma_wait3A_364] : memref<31457280xi32, #tpu.memory_space<hbm>> -> memref<31457280xi32, #tpu.memory_space<hbm>>
      tpu.wait_indirect_dma semaphore(%arg10 : memref<!tpu.dma_semaphore, #tpu.memory_space<semaphore_mem>>) src(%dma_wait3A_365 : memref<31457280xi32, #tpu.memory_space<hbm>>) dst(%dma_wait3A_360 : memref<128xi32, #tpu.memory_space<vmem>>)
      %dma_wait3A_366 = arith.constant 7 : i32
      %dma_wait3A_367 = arith.constant 1 : i32
      %dma_wait3A_368 = arith.constant 384 : i32
      %dma_wait3A_369 = tpu.memref_slice %arg9[%dma_wait3A_367, %dma_wait3A_368] : memref<6x512xi32, #tpu.memory_space<vmem>> -> memref<1x128xi32, #tpu.memory_space<vmem>>
      %dma_wait3A_370 = tpu.memref_squeeze %dma_wait3A_369 : memref<1x128xi32, #tpu.memory_space<vmem>> -> memref<128xi32, #tpu.memory_space<vmem>>
      %dma_wait3A_371 = arith.constant 0 : i32
      %dma_wait3A_372 = tpu.memref_slice %arg8[%dma_wait3A_366, %dma_wait3A_371] : memref<24x128xi32, #tpu.memory_space<vmem>> -> memref<1x128xi32, #tpu.memory_space<vmem>>
      %dma_wait3A_373 = tpu.memref_squeeze %dma_wait3A_372 : memref<1x128xi32, #tpu.memory_space<vmem>> -> memref<128xi32, #tpu.memory_space<vmem>>
      %dma_wait3A_374 = arith.constant 0 : i32
      %dma_wait3A_375 = tpu.memref_slice %arg2[%dma_wait3A_374] : memref<31457280xi32, #tpu.memory_space<hbm>> -> memref<31457280xi32, #tpu.memory_space<hbm>>
      tpu.wait_indirect_dma semaphore(%arg10 : memref<!tpu.dma_semaphore, #tpu.memory_space<semaphore_mem>>) src(%dma_wait3A_375 : memref<31457280xi32, #tpu.memory_space<hbm>>) dst(%dma_wait3A_370 : memref<128xi32, #tpu.memory_space<vmem>>)
      %dma_wait3A_376 = arith.constant 8 : i32
      %dma_wait3A_377 = arith.constant 2 : i32
      %dma_wait3A_378 = arith.constant 0 : i32
      %dma_wait3A_379 = tpu.memref_slice %arg9[%dma_wait3A_377, %dma_wait3A_378] : memref<6x512xi32, #tpu.memory_space<vmem>> -> memref<1x128xi32, #tpu.memory_space<vmem>>
      %dma_wait3A_380 = tpu.memref_squeeze %dma_wait3A_379 : memref<1x128xi32, #tpu.memory_space<vmem>> -> memref<128xi32, #tpu.memory_space<vmem>>
      %dma_wait3A_381 = arith.constant 0 : i32
      %dma_wait3A_382 = tpu.memref_slice %arg8[%dma_wait3A_376, %dma_wait3A_381] : memref<24x128xi32, #tpu.memory_space<vmem>> -> memref<1x128xi32, #tpu.memory_space<vmem>>
      %dma_wait3A_383 = tpu.memref_squeeze %dma_wait3A_382 : memref<1x128xi32, #tpu.memory_space<vmem>> -> memref<128xi32, #tpu.memory_space<vmem>>
      %dma_wait3A_384 = arith.constant 0 : i32
      %dma_wait3A_385 = tpu.memref_slice %arg2[%dma_wait3A_384] : memref<31457280xi32, #tpu.memory_space<hbm>> -> memref<31457280xi32, #tpu.memory_space<hbm>>
      tpu.wait_indirect_dma semaphore(%arg10 : memref<!tpu.dma_semaphore, #tpu.memory_space<semaphore_mem>>) src(%dma_wait3A_385 : memref<31457280xi32, #tpu.memory_space<hbm>>) dst(%dma_wait3A_380 : memref<128xi32, #tpu.memory_space<vmem>>)
      %dma_wait3A_386 = arith.constant 9 : i32
      %dma_wait3A_387 = arith.constant 2 : i32
      %dma_wait3A_388 = arith.constant 128 : i32
      %dma_wait3A_389 = tpu.memref_slice %arg9[%dma_wait3A_387, %dma_wait3A_388] : memref<6x512xi32, #tpu.memory_space<vmem>> -> memref<1x128xi32, #tpu.memory_space<vmem>>
      %dma_wait3A_390 = tpu.memref_squeeze %dma_wait3A_389 : memref<1x128xi32, #tpu.memory_space<vmem>> -> memref<128xi32, #tpu.memory_space<vmem>>
      %dma_wait3A_391 = arith.constant 0 : i32
      %dma_wait3A_392 = tpu.memref_slice %arg8[%dma_wait3A_386, %dma_wait3A_391] : memref<24x128xi32, #tpu.memory_space<vmem>> -> memref<1x128xi32, #tpu.memory_space<vmem>>
      %dma_wait3A_393 = tpu.memref_squeeze %dma_wait3A_392 : memref<1x128xi32, #tpu.memory_space<vmem>> -> memref<128xi32, #tpu.memory_space<vmem>>
      %dma_wait3A_394 = arith.constant 0 : i32
      %dma_wait3A_395 = tpu.memref_slice %arg2[%dma_wait3A_394] : memref<31457280xi32, #tpu.memory_space<hbm>> -> memref<31457280xi32, #tpu.memory_space<hbm>>
      tpu.wait_indirect_dma semaphore(%arg10 : memref<!tpu.dma_semaphore, #tpu.memory_space<semaphore_mem>>) src(%dma_wait3A_395 : memref<31457280xi32, #tpu.memory_space<hbm>>) dst(%dma_wait3A_390 : memref<128xi32, #tpu.memory_space<vmem>>)
      %dma_wait3A_396 = arith.constant 10 : i32
      %dma_wait3A_397 = arith.constant 2 : i32
      %dma_wait3A_398 = arith.constant 256 : i32
      %dma_wait3A_399 = tpu.memref_slice %arg9[%dma_wait3A_397, %dma_wait3A_398] : memref<6x512xi32, #tpu.memory_space<vmem>> -> memref<1x128xi32, #tpu.memory_space<vmem>>
      %dma_wait3A_400 = tpu.memref_squeeze %dma_wait3A_399 : memref<1x128xi32, #tpu.memory_space<vmem>> -> memref<128xi32, #tpu.memory_space<vmem>>
      %dma_wait3A_401 = arith.constant 0 : i32
      %dma_wait3A_402 = tpu.memref_slice %arg8[%dma_wait3A_396, %dma_wait3A_401] : memref<24x128xi32, #tpu.memory_space<vmem>> -> memref<1x128xi32, #tpu.memory_space<vmem>>
      %dma_wait3A_403 = tpu.memref_squeeze %dma_wait3A_402 : memref<1x128xi32, #tpu.memory_space<vmem>> -> memref<128xi32, #tpu.memory_space<vmem>>
      %dma_wait3A_404 = arith.constant 0 : i32
      %dma_wait3A_405 = tpu.memref_slice %arg2[%dma_wait3A_404] : memref<31457280xi32, #tpu.memory_space<hbm>> -> memref<31457280xi32, #tpu.memory_space<hbm>>
      tpu.wait_indirect_dma semaphore(%arg10 : memref<!tpu.dma_semaphore, #tpu.memory_space<semaphore_mem>>) src(%dma_wait3A_405 : memref<31457280xi32, #tpu.memory_space<hbm>>) dst(%dma_wait3A_400 : memref<128xi32, #tpu.memory_space<vmem>>)
      %dma_wait3A_406 = arith.constant 11 : i32
      %dma_wait3A_407 = arith.constant 2 : i32
      %dma_wait3A_408 = arith.constant 384 : i32
      %dma_wait3A_409 = tpu.memref_slice %arg9[%dma_wait3A_407, %dma_wait3A_408] : memref<6x512xi32, #tpu.memory_space<vmem>> -> memref<1x128xi32, #tpu.memory_space<vmem>>
      %dma_wait3A_410 = tpu.memref_squeeze %dma_wait3A_409 : memref<1x128xi32, #tpu.memory_space<vmem>> -> memref<128xi32, #tpu.memory_space<vmem>>
      %dma_wait3A_411 = arith.constant 0 : i32
      %dma_wait3A_412 = tpu.memref_slice %arg8[%dma_wait3A_406, %dma_wait3A_411] : memref<24x128xi32, #tpu.memory_space<vmem>> -> memref<1x128xi32, #tpu.memory_space<vmem>>
      %dma_wait3A_413 = tpu.memref_squeeze %dma_wait3A_412 : memref<1x128xi32, #tpu.memory_space<vmem>> -> memref<128xi32, #tpu.memory_space<vmem>>
      %dma_wait3A_414 = arith.constant 0 : i32
      %dma_wait3A_415 = tpu.memref_slice %arg2[%dma_wait3A_414] : memref<31457280xi32, #tpu.memory_space<hbm>> -> memref<31457280xi32, #tpu.memory_space<hbm>>
      tpu.wait_indirect_dma semaphore(%arg10 : memref<!tpu.dma_semaphore, #tpu.memory_space<semaphore_mem>>) src(%dma_wait3A_415 : memref<31457280xi32, #tpu.memory_space<hbm>>) dst(%dma_wait3A_410 : memref<128xi32, #tpu.memory_space<vmem>>)
      %dma_wait3A_416 = arith.constant 12 : i32
      %dma_wait3A_417 = arith.constant 3 : i32
      %dma_wait3A_418 = arith.constant 0 : i32
      %dma_wait3A_419 = tpu.memref_slice %arg9[%dma_wait3A_417, %dma_wait3A_418] : memref<6x512xi32, #tpu.memory_space<vmem>> -> memref<1x128xi32, #tpu.memory_space<vmem>>
      %dma_wait3A_420 = tpu.memref_squeeze %dma_wait3A_419 : memref<1x128xi32, #tpu.memory_space<vmem>> -> memref<128xi32, #tpu.memory_space<vmem>>
      %dma_wait3A_421 = arith.constant 0 : i32
      %dma_wait3A_422 = tpu.memref_slice %arg8[%dma_wait3A_416, %dma_wait3A_421] : memref<24x128xi32, #tpu.memory_space<vmem>> -> memref<1x128xi32, #tpu.memory_space<vmem>>
      %dma_wait3A_423 = tpu.memref_squeeze %dma_wait3A_422 : memref<1x128xi32, #tpu.memory_space<vmem>> -> memref<128xi32, #tpu.memory_space<vmem>>
      %dma_wait3A_424 = arith.constant 0 : i32
      %dma_wait3A_425 = tpu.memref_slice %arg2[%dma_wait3A_424] : memref<31457280xi32, #tpu.memory_space<hbm>> -> memref<31457280xi32, #tpu.memory_space<hbm>>
      tpu.wait_indirect_dma semaphore(%arg10 : memref<!tpu.dma_semaphore, #tpu.memory_space<semaphore_mem>>) src(%dma_wait3A_425 : memref<31457280xi32, #tpu.memory_space<hbm>>) dst(%dma_wait3A_420 : memref<128xi32, #tpu.memory_space<vmem>>)
      %dma_wait3A_426 = arith.constant 13 : i32
      %dma_wait3A_427 = arith.constant 3 : i32
      %dma_wait3A_428 = arith.constant 128 : i32
      %dma_wait3A_429 = tpu.memref_slice %arg9[%dma_wait3A_427, %dma_wait3A_428] : memref<6x512xi32, #tpu.memory_space<vmem>> -> memref<1x128xi32, #tpu.memory_space<vmem>>
      %dma_wait3A_430 = tpu.memref_squeeze %dma_wait3A_429 : memref<1x128xi32, #tpu.memory_space<vmem>> -> memref<128xi32, #tpu.memory_space<vmem>>
      %dma_wait3A_431 = arith.constant 0 : i32
      %dma_wait3A_432 = tpu.memref_slice %arg8[%dma_wait3A_426, %dma_wait3A_431] : memref<24x128xi32, #tpu.memory_space<vmem>> -> memref<1x128xi32, #tpu.memory_space<vmem>>
      %dma_wait3A_433 = tpu.memref_squeeze %dma_wait3A_432 : memref<1x128xi32, #tpu.memory_space<vmem>> -> memref<128xi32, #tpu.memory_space<vmem>>
      %dma_wait3A_434 = arith.constant 0 : i32
      %dma_wait3A_435 = tpu.memref_slice %arg2[%dma_wait3A_434] : memref<31457280xi32, #tpu.memory_space<hbm>> -> memref<31457280xi32, #tpu.memory_space<hbm>>
      tpu.wait_indirect_dma semaphore(%arg10 : memref<!tpu.dma_semaphore, #tpu.memory_space<semaphore_mem>>) src(%dma_wait3A_435 : memref<31457280xi32, #tpu.memory_space<hbm>>) dst(%dma_wait3A_430 : memref<128xi32, #tpu.memory_space<vmem>>)
      %dma_wait3A_436 = arith.constant 14 : i32
      %dma_wait3A_437 = arith.constant 3 : i32
      %dma_wait3A_438 = arith.constant 256 : i32
      %dma_wait3A_439 = tpu.memref_slice %arg9[%dma_wait3A_437, %dma_wait3A_438] : memref<6x512xi32, #tpu.memory_space<vmem>> -> memref<1x128xi32, #tpu.memory_space<vmem>>
      %dma_wait3A_440 = tpu.memref_squeeze %dma_wait3A_439 : memref<1x128xi32, #tpu.memory_space<vmem>> -> memref<128xi32, #tpu.memory_space<vmem>>
      %dma_wait3A_441 = arith.constant 0 : i32
      %dma_wait3A_442 = tpu.memref_slice %arg8[%dma_wait3A_436, %dma_wait3A_441] : memref<24x128xi32, #tpu.memory_space<vmem>> -> memref<1x128xi32, #tpu.memory_space<vmem>>
      %dma_wait3A_443 = tpu.memref_squeeze %dma_wait3A_442 : memref<1x128xi32, #tpu.memory_space<vmem>> -> memref<128xi32, #tpu.memory_space<vmem>>
      %dma_wait3A_444 = arith.constant 0 : i32
      %dma_wait3A_445 = tpu.memref_slice %arg2[%dma_wait3A_444] : memref<31457280xi32, #tpu.memory_space<hbm>> -> memref<31457280xi32, #tpu.memory_space<hbm>>
      tpu.wait_indirect_dma semaphore(%arg10 : memref<!tpu.dma_semaphore, #tpu.memory_space<semaphore_mem>>) src(%dma_wait3A_445 : memref<31457280xi32, #tpu.memory_space<hbm>>) dst(%dma_wait3A_440 : memref<128xi32, #tpu.memory_space<vmem>>)
      %dma_wait3A_446 = arith.constant 15 : i32
      %dma_wait3A_447 = arith.constant 3 : i32
      %dma_wait3A_448 = arith.constant 384 : i32
      %dma_wait3A_449 = tpu.memref_slice %arg9[%dma_wait3A_447, %dma_wait3A_448] : memref<6x512xi32, #tpu.memory_space<vmem>> -> memref<1x128xi32, #tpu.memory_space<vmem>>
      %dma_wait3A_450 = tpu.memref_squeeze %dma_wait3A_449 : memref<1x128xi32, #tpu.memory_space<vmem>> -> memref<128xi32, #tpu.memory_space<vmem>>
      %dma_wait3A_451 = arith.constant 0 : i32
      %dma_wait3A_452 = tpu.memref_slice %arg8[%dma_wait3A_446, %dma_wait3A_451] : memref<24x128xi32, #tpu.memory_space<vmem>> -> memref<1x128xi32, #tpu.memory_space<vmem>>
      %dma_wait3A_453 = tpu.memref_squeeze %dma_wait3A_452 : memref<1x128xi32, #tpu.memory_space<vmem>> -> memref<128xi32, #tpu.memory_space<vmem>>
      %dma_wait3A_454 = arith.constant 0 : i32
      %dma_wait3A_455 = tpu.memref_slice %arg2[%dma_wait3A_454] : memref<31457280xi32, #tpu.memory_space<hbm>> -> memref<31457280xi32, #tpu.memory_space<hbm>>
      tpu.wait_indirect_dma semaphore(%arg10 : memref<!tpu.dma_semaphore, #tpu.memory_space<semaphore_mem>>) src(%dma_wait3A_455 : memref<31457280xi32, #tpu.memory_space<hbm>>) dst(%dma_wait3A_450 : memref<128xi32, #tpu.memory_space<vmem>>)
      %dma_wait3A_456 = arith.constant 16 : i32
      %dma_wait3A_457 = arith.constant 4 : i32
      %dma_wait3A_458 = arith.constant 0 : i32
      %dma_wait3A_459 = tpu.memref_slice %arg9[%dma_wait3A_457, %dma_wait3A_458] : memref<6x512xi32, #tpu.memory_space<vmem>> -> memref<1x128xi32, #tpu.memory_space<vmem>>
      %dma_wait3A_460 = tpu.memref_squeeze %dma_wait3A_459 : memref<1x128xi32, #tpu.memory_space<vmem>> -> memref<128xi32, #tpu.memory_space<vmem>>
      %dma_wait3A_461 = arith.constant 0 : i32
      %dma_wait3A_462 = tpu.memref_slice %arg8[%dma_wait3A_456, %dma_wait3A_461] : memref<24x128xi32, #tpu.memory_space<vmem>> -> memref<1x128xi32, #tpu.memory_space<vmem>>
      %dma_wait3A_463 = tpu.memref_squeeze %dma_wait3A_462 : memref<1x128xi32, #tpu.memory_space<vmem>> -> memref<128xi32, #tpu.memory_space<vmem>>
      %dma_wait3A_464 = arith.constant 0 : i32
      %dma_wait3A_465 = tpu.memref_slice %arg2[%dma_wait3A_464] : memref<31457280xi32, #tpu.memory_space<hbm>> -> memref<31457280xi32, #tpu.memory_space<hbm>>
      tpu.wait_indirect_dma semaphore(%arg10 : memref<!tpu.dma_semaphore, #tpu.memory_space<semaphore_mem>>) src(%dma_wait3A_465 : memref<31457280xi32, #tpu.memory_space<hbm>>) dst(%dma_wait3A_460 : memref<128xi32, #tpu.memory_space<vmem>>)
      %dma_wait3A_466 = arith.constant 17 : i32
      %dma_wait3A_467 = arith.constant 4 : i32
      %dma_wait3A_468 = arith.constant 128 : i32
      %dma_wait3A_469 = tpu.memref_slice %arg9[%dma_wait3A_467, %dma_wait3A_468] : memref<6x512xi32, #tpu.memory_space<vmem>> -> memref<1x128xi32, #tpu.memory_space<vmem>>
      %dma_wait3A_470 = tpu.memref_squeeze %dma_wait3A_469 : memref<1x128xi32, #tpu.memory_space<vmem>> -> memref<128xi32, #tpu.memory_space<vmem>>
      %dma_wait3A_471 = arith.constant 0 : i32
      %dma_wait3A_472 = tpu.memref_slice %arg8[%dma_wait3A_466, %dma_wait3A_471] : memref<24x128xi32, #tpu.memory_space<vmem>> -> memref<1x128xi32, #tpu.memory_space<vmem>>
      %dma_wait3A_473 = tpu.memref_squeeze %dma_wait3A_472 : memref<1x128xi32, #tpu.memory_space<vmem>> -> memref<128xi32, #tpu.memory_space<vmem>>
      %dma_wait3A_474 = arith.constant 0 : i32
      %dma_wait3A_475 = tpu.memref_slice %arg2[%dma_wait3A_474] : memref<31457280xi32, #tpu.memory_space<hbm>> -> memref<31457280xi32, #tpu.memory_space<hbm>>
      tpu.wait_indirect_dma semaphore(%arg10 : memref<!tpu.dma_semaphore, #tpu.memory_space<semaphore_mem>>) src(%dma_wait3A_475 : memref<31457280xi32, #tpu.memory_space<hbm>>) dst(%dma_wait3A_470 : memref<128xi32, #tpu.memory_space<vmem>>)
      %dma_wait3A_476 = arith.constant 18 : i32
      %dma_wait3A_477 = arith.constant 4 : i32
      %dma_wait3A_478 = arith.constant 256 : i32
      %dma_wait3A_479 = tpu.memref_slice %arg9[%dma_wait3A_477, %dma_wait3A_478] : memref<6x512xi32, #tpu.memory_space<vmem>> -> memref<1x128xi32, #tpu.memory_space<vmem>>
      %dma_wait3A_480 = tpu.memref_squeeze %dma_wait3A_479 : memref<1x128xi32, #tpu.memory_space<vmem>> -> memref<128xi32, #tpu.memory_space<vmem>>
      %dma_wait3A_481 = arith.constant 0 : i32
      %dma_wait3A_482 = tpu.memref_slice %arg8[%dma_wait3A_476, %dma_wait3A_481] : memref<24x128xi32, #tpu.memory_space<vmem>> -> memref<1x128xi32, #tpu.memory_space<vmem>>
      %dma_wait3A_483 = tpu.memref_squeeze %dma_wait3A_482 : memref<1x128xi32, #tpu.memory_space<vmem>> -> memref<128xi32, #tpu.memory_space<vmem>>
      %dma_wait3A_484 = arith.constant 0 : i32
      %dma_wait3A_485 = tpu.memref_slice %arg2[%dma_wait3A_484] : memref<31457280xi32, #tpu.memory_space<hbm>> -> memref<31457280xi32, #tpu.memory_space<hbm>>
      tpu.wait_indirect_dma semaphore(%arg10 : memref<!tpu.dma_semaphore, #tpu.memory_space<semaphore_mem>>) src(%dma_wait3A_485 : memref<31457280xi32, #tpu.memory_space<hbm>>) dst(%dma_wait3A_480 : memref<128xi32, #tpu.memory_space<vmem>>)
      %dma_wait3A_486 = arith.constant 19 : i32
      %dma_wait3A_487 = arith.constant 4 : i32
      %dma_wait3A_488 = arith.constant 384 : i32
      %dma_wait3A_489 = tpu.memref_slice %arg9[%dma_wait3A_487, %dma_wait3A_488] : memref<6x512xi32, #tpu.memory_space<vmem>> -> memref<1x128xi32, #tpu.memory_space<vmem>>
      %dma_wait3A_490 = tpu.memref_squeeze %dma_wait3A_489 : memref<1x128xi32, #tpu.memory_space<vmem>> -> memref<128xi32, #tpu.memory_space<vmem>>
      %dma_wait3A_491 = arith.constant 0 : i32
      %dma_wait3A_492 = tpu.memref_slice %arg8[%dma_wait3A_486, %dma_wait3A_491] : memref<24x128xi32, #tpu.memory_space<vmem>> -> memref<1x128xi32, #tpu.memory_space<vmem>>
      %dma_wait3A_493 = tpu.memref_squeeze %dma_wait3A_492 : memref<1x128xi32, #tpu.memory_space<vmem>> -> memref<128xi32, #tpu.memory_space<vmem>>
      %dma_wait3A_494 = arith.constant 0 : i32
      %dma_wait3A_495 = tpu.memref_slice %arg2[%dma_wait3A_494] : memref<31457280xi32, #tpu.memory_space<hbm>> -> memref<31457280xi32, #tpu.memory_space<hbm>>
      tpu.wait_indirect_dma semaphore(%arg10 : memref<!tpu.dma_semaphore, #tpu.memory_space<semaphore_mem>>) src(%dma_wait3A_495 : memref<31457280xi32, #tpu.memory_space<hbm>>) dst(%dma_wait3A_490 : memref<128xi32, #tpu.memory_space<vmem>>)
      %dma_wait3A_496 = arith.constant 20 : i32
      %dma_wait3A_497 = arith.constant 5 : i32
      %dma_wait3A_498 = arith.constant 0 : i32
      %dma_wait3A_499 = tpu.memref_slice %arg9[%dma_wait3A_497, %dma_wait3A_498] : memref<6x512xi32, #tpu.memory_space<vmem>> -> memref<1x128xi32, #tpu.memory_space<vmem>>
      %dma_wait3A_500 = tpu.memref_squeeze %dma_wait3A_499 : memref<1x128xi32, #tpu.memory_space<vmem>> -> memref<128xi32, #tpu.memory_space<vmem>>
      %dma_wait3A_501 = arith.constant 0 : i32
      %dma_wait3A_502 = tpu.memref_slice %arg8[%dma_wait3A_496, %dma_wait3A_501] : memref<24x128xi32, #tpu.memory_space<vmem>> -> memref<1x128xi32, #tpu.memory_space<vmem>>
      %dma_wait3A_503 = tpu.memref_squeeze %dma_wait3A_502 : memref<1x128xi32, #tpu.memory_space<vmem>> -> memref<128xi32, #tpu.memory_space<vmem>>
      %dma_wait3A_504 = arith.constant 0 : i32
      %dma_wait3A_505 = tpu.memref_slice %arg2[%dma_wait3A_504] : memref<31457280xi32, #tpu.memory_space<hbm>> -> memref<31457280xi32, #tpu.memory_space<hbm>>
      tpu.wait_indirect_dma semaphore(%arg10 : memref<!tpu.dma_semaphore, #tpu.memory_space<semaphore_mem>>) src(%dma_wait3A_505 : memref<31457280xi32, #tpu.memory_space<hbm>>) dst(%dma_wait3A_500 : memref<128xi32, #tpu.memory_space<vmem>>)
      %dma_wait3A_506 = arith.constant 21 : i32
      %dma_wait3A_507 = arith.constant 5 : i32
      %dma_wait3A_508 = arith.constant 128 : i32
      %dma_wait3A_509 = tpu.memref_slice %arg9[%dma_wait3A_507, %dma_wait3A_508] : memref<6x512xi32, #tpu.memory_space<vmem>> -> memref<1x128xi32, #tpu.memory_space<vmem>>
      %dma_wait3A_510 = tpu.memref_squeeze %dma_wait3A_509 : memref<1x128xi32, #tpu.memory_space<vmem>> -> memref<128xi32, #tpu.memory_space<vmem>>
      %dma_wait3A_511 = arith.constant 0 : i32
      %dma_wait3A_512 = tpu.memref_slice %arg8[%dma_wait3A_506, %dma_wait3A_511] : memref<24x128xi32, #tpu.memory_space<vmem>> -> memref<1x128xi32, #tpu.memory_space<vmem>>
      %dma_wait3A_513 = tpu.memref_squeeze %dma_wait3A_512 : memref<1x128xi32, #tpu.memory_space<vmem>> -> memref<128xi32, #tpu.memory_space<vmem>>
      %dma_wait3A_514 = arith.constant 0 : i32
      %dma_wait3A_515 = tpu.memref_slice %arg2[%dma_wait3A_514] : memref<31457280xi32, #tpu.memory_space<hbm>> -> memref<31457280xi32, #tpu.memory_space<hbm>>
      tpu.wait_indirect_dma semaphore(%arg10 : memref<!tpu.dma_semaphore, #tpu.memory_space<semaphore_mem>>) src(%dma_wait3A_515 : memref<31457280xi32, #tpu.memory_space<hbm>>) dst(%dma_wait3A_510 : memref<128xi32, #tpu.memory_space<vmem>>)
      %dma_wait3A_516 = arith.constant 22 : i32
      %dma_wait3A_517 = arith.constant 5 : i32
      %dma_wait3A_518 = arith.constant 256 : i32
      %dma_wait3A_519 = tpu.memref_slice %arg9[%dma_wait3A_517, %dma_wait3A_518] : memref<6x512xi32, #tpu.memory_space<vmem>> -> memref<1x128xi32, #tpu.memory_space<vmem>>
      %dma_wait3A_520 = tpu.memref_squeeze %dma_wait3A_519 : memref<1x128xi32, #tpu.memory_space<vmem>> -> memref<128xi32, #tpu.memory_space<vmem>>
      %dma_wait3A_521 = arith.constant 0 : i32
      %dma_wait3A_522 = tpu.memref_slice %arg8[%dma_wait3A_516, %dma_wait3A_521] : memref<24x128xi32, #tpu.memory_space<vmem>> -> memref<1x128xi32, #tpu.memory_space<vmem>>
      %dma_wait3A_523 = tpu.memref_squeeze %dma_wait3A_522 : memref<1x128xi32, #tpu.memory_space<vmem>> -> memref<128xi32, #tpu.memory_space<vmem>>
      %dma_wait3A_524 = arith.constant 0 : i32
      %dma_wait3A_525 = tpu.memref_slice %arg2[%dma_wait3A_524] : memref<31457280xi32, #tpu.memory_space<hbm>> -> memref<31457280xi32, #tpu.memory_space<hbm>>
      tpu.wait_indirect_dma semaphore(%arg10 : memref<!tpu.dma_semaphore, #tpu.memory_space<semaphore_mem>>) src(%dma_wait3A_525 : memref<31457280xi32, #tpu.memory_space<hbm>>) dst(%dma_wait3A_520 : memref<128xi32, #tpu.memory_space<vmem>>)
      %dma_wait3A_526 = arith.constant 23 : i32
      %dma_wait3A_527 = arith.constant 5 : i32
      %dma_wait3A_528 = arith.constant 384 : i32
      %dma_wait3A_529 = tpu.memref_slice %arg9[%dma_wait3A_527, %dma_wait3A_528] : memref<6x512xi32, #tpu.memory_space<vmem>> -> memref<1x128xi32, #tpu.memory_space<vmem>>
      %dma_wait3A_530 = tpu.memref_squeeze %dma_wait3A_529 : memref<1x128xi32, #tpu.memory_space<vmem>> -> memref<128xi32, #tpu.memory_space<vmem>>
      %dma_wait3A_531 = arith.constant 0 : i32
      %dma_wait3A_532 = tpu.memref_slice %arg8[%dma_wait3A_526, %dma_wait3A_531] : memref<24x128xi32, #tpu.memory_space<vmem>> -> memref<1x128xi32, #tpu.memory_space<vmem>>
      %dma_wait3A_533 = tpu.memref_squeeze %dma_wait3A_532 : memref<1x128xi32, #tpu.memory_space<vmem>> -> memref<128xi32, #tpu.memory_space<vmem>>
      %dma_wait3A_534 = arith.constant 0 : i32
      %dma_wait3A_535 = tpu.memref_slice %arg2[%dma_wait3A_534] : memref<31457280xi32, #tpu.memory_space<hbm>> -> memref<31457280xi32, #tpu.memory_space<hbm>>
      tpu.wait_indirect_dma semaphore(%arg10 : memref<!tpu.dma_semaphore, #tpu.memory_space<semaphore_mem>>) src(%dma_wait3A_535 : memref<31457280xi32, #tpu.memory_space<hbm>>) dst(%dma_wait3A_530 : memref<128xi32, #tpu.memory_space<vmem>>)
      "tpu.region"() ({
        %run_scoped3A_536 = tpu.sem_alloc : memref<!tpu.dma_semaphore, #tpu.memory_space<semaphore_mem>>
        %dma_start3A_537 = arith.constant 0 : i32
        %dma_start3A_538 = tpu.memref_slice %arg5[%scan3A_19, %dma_start3A_537, %mul3A_2] : memref<6x6x16384xi32, #tpu.memory_space<hbm>> -> memref<1x6x512xi32, #tpu.memory_space<hbm>>
        %dma_start3A_539 = tpu.memref_squeeze %dma_start3A_538 : memref<1x6x512xi32, #tpu.memory_space<hbm>> -> memref<6x512xi32, #tpu.memory_space<hbm>>
        %dma_start3A_540 = arith.constant 0 : i32
        %dma_start3A_541 = tpu.memref_slice %arg5[%scan3A_19, %dma_start3A_540, %mul3A_2] : memref<6x6x16384xi32, #tpu.memory_space<hbm>> -> memref<1x6x512xi32, #tpu.memory_space<hbm>>
        %dma_start3A_542 = tpu.memref_squeeze %dma_start3A_541 : memref<1x6x512xi32, #tpu.memory_space<hbm>> -> memref<6x512xi32, #tpu.memory_space<hbm>>
        tpu.enqueue_dma source(%arg9 : memref<6x512xi32, #tpu.memory_space<vmem>>) target(%dma_start3A_542 : memref<6x512xi32, #tpu.memory_space<hbm>>) target_semaphore(%run_scoped3A_536 : memref<!tpu.dma_semaphore, #tpu.memory_space<semaphore_mem>>)
        %dma_wait3A_543 = arith.constant 0 : i32
        %dma_wait3A_544 = tpu.memref_slice %arg5[%scan3A_19, %dma_wait3A_543, %mul3A_2] : memref<6x6x16384xi32, #tpu.memory_space<hbm>> -> memref<1x6x512xi32, #tpu.memory_space<hbm>>
        %dma_wait3A_545 = tpu.memref_squeeze %dma_wait3A_544 : memref<1x6x512xi32, #tpu.memory_space<hbm>> -> memref<6x512xi32, #tpu.memory_space<hbm>>
        %dma_wait3A_546 = arith.constant 0 : i32
        %dma_wait3A_547 = tpu.memref_slice %arg5[%scan3A_19, %dma_wait3A_546, %mul3A_2] : memref<6x6x16384xi32, #tpu.memory_space<hbm>> -> memref<1x6x512xi32, #tpu.memory_space<hbm>>
        %dma_wait3A_548 = tpu.memref_squeeze %dma_wait3A_547 : memref<1x6x512xi32, #tpu.memory_space<hbm>> -> memref<6x512xi32, #tpu.memory_space<hbm>>
        tpu.wait_dma2 semaphore(%run_scoped3A_536 : memref<!tpu.dma_semaphore, #tpu.memory_space<semaphore_mem>>) src(%arg9 : memref<6x512xi32, #tpu.memory_space<vmem>>) dst(%dma_wait3A_548 : memref<6x512xi32, #tpu.memory_space<hbm>>)
        tpu.yield
      }) : () -> ()
    }
    %scan3A_18 = arith.constant 6 : i32
    return
  }
}

module attributes {stable_mosaic.version = 14 : i64} {
  func.func @_gram_body(%arg0: i32, %arg1: i32, %arg2: memref<1x1024x768xbf16, #tpu.memory_space<vmem>>, %arg3: memref<1x1024x768xbf16, #tpu.memory_space<vmem>>, %arg4: memref<4096x128xi32, #tpu.memory_space<vmem>>) attributes {dimension_semantics = [#tpu.dimension_semantics<arbitrary>, #tpu.dimension_semantics<arbitrary>], iteration_bounds = array<i64: 6, 10>, scalar_prefetch = 0 : i64, scratch_operands = 0 : i64, tpu.core_type = #tpu.core_type<tc>, window_params = [{transform_indices = @transform_0, window_bounds = array<i64: 1, 1024, 768>}, {transform_indices = @transform_1, window_bounds = array<i64: 1, 1024, 768>}, {transform_indices = @transform_2, window_bounds = array<i64: 4096, 128>}]} {
    %get3A = arith.constant 0 : index
    %get3A_0 = arith.constant 0 : index
    %get3A_1 = arith.constant 0 : index
    %get3A_2 = vector.load %arg2[%get3A, %get3A_0, %get3A_1] : memref<1x1024x768xbf16, #tpu.memory_space<vmem>>, vector<1x1024x768xbf16>
    %get3A_3 = vector.shape_cast %get3A_2 : vector<1x1024x768xbf16> to vector<1024x768xbf16>
    %get3A_4 = arith.constant 0 : index
    %get3A_5 = arith.constant 0 : index
    %get3A_6 = arith.constant 0 : index
    %get3A_7 = vector.load %arg3[%get3A_4, %get3A_5, %get3A_6] : memref<1x1024x768xbf16, #tpu.memory_space<vmem>>, vector<1x1024x768xbf16>
    %get3A_8 = vector.shape_cast %get3A_7 : vector<1x1024x768xbf16> to vector<1024x768xbf16>
    %dot_general3A = arith.constant dense<0.000000e+00> : vector<1024x1024xf32>
    %dot_general3A_9 = tpu.matmul %get3A_3, %get3A_8, %dot_general3A {dimension_numbers = #tpu.dot_dimension_numbers<[1], [1], [0], [0], [0, 0, 1, 0], [], []>, transpose_lhs_hint = false} : vector<1024x768xbf16>, vector<1024x768xbf16>, vector<1024x1024xf32> -> vector<1024x1024xf32>
    %slice3A = vector.extract_strided_slice %dot_general3A_9 {offsets = [0, 0], sizes = [1024, 128], strides = [1, 1]} : vector<1024x1024xf32> to vector<1024x128xf32>
    %slice3A_10 = vector.extract_strided_slice %dot_general3A_9 {offsets = [0, 128], sizes = [1024, 128], strides = [1, 1]} : vector<1024x1024xf32> to vector<1024x128xf32>
    %convert_element_type3A = arith.truncf %slice3A : vector<1024x128xf32> to vector<1024x128xbf16>
    %bitcast_convert_type3A = tpu.bitcast %convert_element_type3A : vector<1024x128xbf16> -> vector<1024x128xi16>
    %convert_element_type3A_11 = arith.truncf %slice3A_10 : vector<1024x128xf32> to vector<1024x128xbf16>
    %bitcast_convert_type3A_12 = tpu.bitcast %convert_element_type3A_11 : vector<1024x128xbf16> -> vector<1024x128xi16>
    %convert_element_type3A_13 = arith.extui %bitcast_convert_type3A : vector<1024x128xi16> to vector<1024x128xi32>
    %convert_element_type3A_14 = arith.extui %bitcast_convert_type3A_12 : vector<1024x128xi16> to vector<1024x128xi32>
    %shift_left3A = arith.constant 16 : i32
    %shift_left3A_15 = vector.broadcast %shift_left3A : i32 to vector<1024x128xi32>
    %shift_left3A_16 = arith.shli %convert_element_type3A_14, %shift_left3A_15 : vector<1024x128xi32>
    %or3A = arith.ori %convert_element_type3A_13, %shift_left3A_16 : vector<1024x128xi32>
    %slice3A_17 = vector.extract_strided_slice %dot_general3A_9 {offsets = [0, 256], sizes = [1024, 128], strides = [1, 1]} : vector<1024x1024xf32> to vector<1024x128xf32>
    %slice3A_18 = vector.extract_strided_slice %dot_general3A_9 {offsets = [0, 384], sizes = [1024, 128], strides = [1, 1]} : vector<1024x1024xf32> to vector<1024x128xf32>
    %convert_element_type3A_19 = arith.truncf %slice3A_17 : vector<1024x128xf32> to vector<1024x128xbf16>
    %bitcast_convert_type3A_20 = tpu.bitcast %convert_element_type3A_19 : vector<1024x128xbf16> -> vector<1024x128xi16>
    %convert_element_type3A_21 = arith.truncf %slice3A_18 : vector<1024x128xf32> to vector<1024x128xbf16>
    %bitcast_convert_type3A_22 = tpu.bitcast %convert_element_type3A_21 : vector<1024x128xbf16> -> vector<1024x128xi16>
    %convert_element_type3A_23 = arith.extui %bitcast_convert_type3A_20 : vector<1024x128xi16> to vector<1024x128xi32>
    %convert_element_type3A_24 = arith.extui %bitcast_convert_type3A_22 : vector<1024x128xi16> to vector<1024x128xi32>
    %shift_left3A_25 = arith.constant 16 : i32
    %shift_left3A_26 = vector.broadcast %shift_left3A_25 : i32 to vector<1024x128xi32>
    %shift_left3A_27 = arith.shli %convert_element_type3A_24, %shift_left3A_26 : vector<1024x128xi32>
    %or3A_28 = arith.ori %convert_element_type3A_23, %shift_left3A_27 : vector<1024x128xi32>
    %slice3A_29 = vector.extract_strided_slice %dot_general3A_9 {offsets = [0, 512], sizes = [1024, 128], strides = [1, 1]} : vector<1024x1024xf32> to vector<1024x128xf32>
    %slice3A_30 = vector.extract_strided_slice %dot_general3A_9 {offsets = [0, 640], sizes = [1024, 128], strides = [1, 1]} : vector<1024x1024xf32> to vector<1024x128xf32>
    %convert_element_type3A_31 = arith.truncf %slice3A_29 : vector<1024x128xf32> to vector<1024x128xbf16>
    %bitcast_convert_type3A_32 = tpu.bitcast %convert_element_type3A_31 : vector<1024x128xbf16> -> vector<1024x128xi16>
    %convert_element_type3A_33 = arith.truncf %slice3A_30 : vector<1024x128xf32> to vector<1024x128xbf16>
    %bitcast_convert_type3A_34 = tpu.bitcast %convert_element_type3A_33 : vector<1024x128xbf16> -> vector<1024x128xi16>
    %convert_element_type3A_35 = arith.extui %bitcast_convert_type3A_32 : vector<1024x128xi16> to vector<1024x128xi32>
    %convert_element_type3A_36 = arith.extui %bitcast_convert_type3A_34 : vector<1024x128xi16> to vector<1024x128xi32>
    %shift_left3A_37 = arith.constant 16 : i32
    %shift_left3A_38 = vector.broadcast %shift_left3A_37 : i32 to vector<1024x128xi32>
    %shift_left3A_39 = arith.shli %convert_element_type3A_36, %shift_left3A_38 : vector<1024x128xi32>
    %or3A_40 = arith.ori %convert_element_type3A_35, %shift_left3A_39 : vector<1024x128xi32>
    %slice3A_41 = vector.extract_strided_slice %dot_general3A_9 {offsets = [0, 768], sizes = [1024, 128], strides = [1, 1]} : vector<1024x1024xf32> to vector<1024x128xf32>
    %slice3A_42 = vector.extract_strided_slice %dot_general3A_9 {offsets = [0, 896], sizes = [1024, 128], strides = [1, 1]} : vector<1024x1024xf32> to vector<1024x128xf32>
    %convert_element_type3A_43 = arith.truncf %slice3A_41 : vector<1024x128xf32> to vector<1024x128xbf16>
    %bitcast_convert_type3A_44 = tpu.bitcast %convert_element_type3A_43 : vector<1024x128xbf16> -> vector<1024x128xi16>
    %convert_element_type3A_45 = arith.truncf %slice3A_42 : vector<1024x128xf32> to vector<1024x128xbf16>
    %bitcast_convert_type3A_46 = tpu.bitcast %convert_element_type3A_45 : vector<1024x128xbf16> -> vector<1024x128xi16>
    %convert_element_type3A_47 = arith.extui %bitcast_convert_type3A_44 : vector<1024x128xi16> to vector<1024x128xi32>
    %convert_element_type3A_48 = arith.extui %bitcast_convert_type3A_46 : vector<1024x128xi16> to vector<1024x128xi32>
    %shift_left3A_49 = arith.constant 16 : i32
    %shift_left3A_50 = vector.broadcast %shift_left3A_49 : i32 to vector<1024x128xi32>
    %shift_left3A_51 = arith.shli %convert_element_type3A_48, %shift_left3A_50 : vector<1024x128xi32>
    %or3A_52 = arith.ori %convert_element_type3A_47, %shift_left3A_51 : vector<1024x128xi32>
    %concatenate3A = tpu.concatenate %or3A, %or3A_28, %or3A_40, %or3A_52 in 0 : vector<1024x128xi32>, vector<1024x128xi32>, vector<1024x128xi32>, vector<1024x128xi32> -> vector<4096x128xi32>
    %swap3A = arith.constant 0 : index
    %swap3A_53 = arith.constant 0 : index
    %swap3A_54 = vector.load %arg4[%swap3A, %swap3A_53] : memref<4096x128xi32, #tpu.memory_space<vmem>>, vector<4096x128xi32>
    tpu.vector_store %arg4[%swap3A, %swap3A_53], %concatenate3A {strides = array<i32>} : memref<4096x128xi32, #tpu.memory_space<vmem>>, vector<4096x128xi32>,
    return
  }
  func.func @transform_0(%arg0: i32, %arg1: i32) -> (i32, i32, i32) {
    %add3A = arith.constant 0 : i32
    %add3A_0 = arith.addi %add3A, %arg0 : i32
    %ge3A = arith.constant 4 : i32
    %ge3A_1 = arith.cmpi sge, %arg1, %ge3A : i32
    %convert_element_type3A = arith.extui %ge3A_1 : i1 to i32
    %ge3A_2 = arith.constant 7 : i32
    %ge3A_3 = arith.cmpi sge, %arg1, %ge3A_2 : i32
    %convert_element_type3A_4 = arith.extui %ge3A_3 : i1 to i32
    %add3A_5 = arith.addi %convert_element_type3A, %convert_element_type3A_4 : i32
    %ge3A_6 = arith.constant 9 : i32
    %ge3A_7 = arith.cmpi sge, %arg1, %ge3A_6 : i32
    %convert_element_type3A_8 = arith.extui %ge3A_7 : i1 to i32
    %add3A_9 = arith.addi %add3A_5, %convert_element_type3A_8 : i32
    %c0_i32 = arith.constant 0 : i32
    %c0_i32_10 = arith.constant 0 : i32
    return %add3A_0, %add3A_9, %c0_i32 : i32, i32, i32
  }
  func.func @transform_1(%arg0: i32, %arg1: i32) -> (i32, i32, i32) {
    %ge3A = arith.constant 4 : i32
    %ge3A_0 = arith.cmpi sge, %arg1, %ge3A : i32
    %convert_element_type3A = arith.extui %ge3A_0 : i1 to i32
    %ge3A_1 = arith.constant 7 : i32
    %ge3A_2 = arith.cmpi sge, %arg1, %ge3A_1 : i32
    %convert_element_type3A_3 = arith.extui %ge3A_2 : i1 to i32
    %add3A = arith.addi %convert_element_type3A, %convert_element_type3A_3 : i32
    %ge3A_4 = arith.constant 9 : i32
    %ge3A_5 = arith.cmpi sge, %arg1, %ge3A_4 : i32
    %convert_element_type3A_6 = arith.extui %ge3A_5 : i1 to i32
    %add3A_7 = arith.addi %add3A, %convert_element_type3A_6 : i32
    %add3A_8 = arith.constant 0 : i32
    %add3A_9 = arith.addi %add3A_8, %arg0 : i32
    %mul3A = arith.constant 9 : i32
    %mul3A_10 = arith.muli %mul3A, %add3A_7 : i32
    %mul3A_11 = arith.muli %add3A_7, %add3A_7 : i32
    %sub3A = arith.subi %mul3A_10, %mul3A_11 : i32
    %shift_right_logical3A = arith.constant 1 : i32
    %shift_right_logical3A_12 = arith.shrui %sub3A, %shift_right_logical3A : i32
    %sub3A_13 = arith.subi %arg1, %shift_right_logical3A_12 : i32
    %add3A_14 = arith.addi %sub3A_13, %add3A_7 : i32
    %c0_i32 = arith.constant 0 : i32
    %c0_i32_15 = arith.constant 0 : i32
    return %add3A_9, %add3A_14, %c0_i32 : i32, i32, i32
  }
  func.func @transform_2(%arg0: i32, %arg1: i32) -> (i32, i32) {
    %mul3A = arith.constant 10 : i32
    %mul3A_0 = arith.muli %arg0, %mul3A : i32
    %add3A = arith.addi %mul3A_0, %arg1 : i32
    %c0_i32 = arith.constant 0 : i32
    %c0_i32_1 = arith.constant 0 : i32
    return %add3A, %c0_i32 : i32, i32
  }
}

module attributes {stable_mosaic.version = 14 : i64} {
  func.func @_normalize_body(%arg0: i32, %arg1: i32, %arg2: memref<1x1024x768xf32, #tpu.memory_space<vmem>>, %arg3: memref<1x1024x768xbf16, #tpu.memory_space<vmem>>) attributes {dimension_semantics = [#tpu.dimension_semantics<arbitrary>, #tpu.dimension_semantics<arbitrary>], iteration_bounds = array<i64: 12, 4>, scalar_prefetch = 0 : i64, scratch_operands = 0 : i64, tpu.core_type = #tpu.core_type<tc>, window_params = [{transform_indices = @transform_0, window_bounds = array<i64: 1, 1024, 768>}, {transform_indices = @transform_1, window_bounds = array<i64: 1, 1024, 768>}]} {
    %get3A = arith.constant 0 : index
    %get3A_0 = arith.constant 0 : index
    %get3A_1 = arith.constant 0 : index
    %get3A_2 = vector.load %arg2[%get3A, %get3A_0, %get3A_1] : memref<1x1024x768xf32, #tpu.memory_space<vmem>>, vector<1x1024x768xf32>
    %mul3A = arith.mulf %get3A_2, %get3A_2 : vector<1x1024x768xf32>
    %reduce_sum3A = arith.constant dense<0.000000e+00> : vector<1x1024xf32>
    %reduce_sum3A_3 = vector.multi_reduction <add>, %mul3A, %reduce_sum3A [2] : vector<1x1024x768xf32> to vector<1x1024xf32>
    %broadcast_in_dim3A = vector.shape_cast %reduce_sum3A_3 : vector<1x1024xf32> to vector<1x1024x1xf32>
    %sqrt3A = math.sqrt %broadcast_in_dim3A : vector<1x1024x1xf32>
    %max3A = arith.constant 9.99999993E-9 : f32
    %max3A_4 = vector.broadcast %max3A : f32 to vector<1x1024x1xf32>
    %max3A_5 = arith.maximumf %sqrt3A, %max3A_4 : vector<1x1024x1xf32>
    %div3A = vector.broadcast %max3A_5 : vector<1x1024x1xf32> to vector<1x1024x768xf32>
    %div3A_6 = arith.divf %get3A_2, %div3A : vector<1x1024x768xf32>
    %convert_element_type3A = arith.truncf %div3A_6 : vector<1x1024x768xf32> to vector<1x1024x768xbf16>
    %swap3A = arith.constant 0 : index
    %swap3A_7 = arith.constant 0 : index
    %swap3A_8 = arith.constant 0 : index
    %swap3A_9 = vector.load %arg3[%swap3A, %swap3A_7, %swap3A_8] : memref<1x1024x768xbf16, #tpu.memory_space<vmem>>, vector<1x1024x768xbf16>
    tpu.vector_store %arg3[%swap3A, %swap3A_7, %swap3A_8], %convert_element_type3A {strides = array<i32>} : memref<1x1024x768xbf16, #tpu.memory_space<vmem>>, vector<1x1024x768xbf16>,
    return
  }
  func.func @transform_0(%arg0: i32, %arg1: i32) -> (i32, i32, i32) {
    %c0_i32 = arith.constant 0 : i32
    %c0_i32_0 = arith.constant 0 : i32
    return %arg0, %arg1, %c0_i32 : i32, i32, i32
  }
  func.func @transform_1(%arg0: i32, %arg1: i32) -> (i32, i32, i32) {
    %c0_i32 = arith.constant 0 : i32
    %c0_i32_0 = arith.constant 0 : i32
    return %arg0, %arg1, %c0_i32 : i32, i32, i32
  }
}

module attributes {stable_mosaic.version = 14 : i64} {
  func.func @_gram_body(%arg0: i32, %arg1: i32, %arg2: memref<1x1024x768xbf16, #tpu.memory_space<vmem>>, %arg3: memref<1x1024x768xbf16, #tpu.memory_space<vmem>>, %arg4: memref<4096x128xi32, #tpu.memory_space<vmem>>) attributes {dimension_semantics = [#tpu.dimension_semantics<arbitrary>, #tpu.dimension_semantics<arbitrary>], iteration_bounds = array<i64: 6, 10>, scalar_prefetch = 0 : i64, scratch_operands = 0 : i64, tpu.core_type = #tpu.core_type<tc>, window_params = [{transform_indices = @transform_0, window_bounds = array<i64: 1, 1024, 768>}, {transform_indices = @transform_1, window_bounds = array<i64: 1, 1024, 768>}, {transform_indices = @transform_2, window_bounds = array<i64: 4096, 128>}]} {
    %get3A = arith.constant 0 : index
    %get3A_0 = arith.constant 0 : index
    %get3A_1 = arith.constant 0 : index
    %get3A_2 = vector.load %arg2[%get3A, %get3A_0, %get3A_1] : memref<1x1024x768xbf16, #tpu.memory_space<vmem>>, vector<1x1024x768xbf16>
    %get3A_3 = vector.shape_cast %get3A_2 : vector<1x1024x768xbf16> to vector<1024x768xbf16>
    %get3A_4 = arith.constant 0 : index
    %get3A_5 = arith.constant 0 : index
    %get3A_6 = arith.constant 0 : index
    %get3A_7 = vector.load %arg3[%get3A_4, %get3A_5, %get3A_6] : memref<1x1024x768xbf16, #tpu.memory_space<vmem>>, vector<1x1024x768xbf16>
    %get3A_8 = vector.shape_cast %get3A_7 : vector<1x1024x768xbf16> to vector<1024x768xbf16>
    %dot_general3A = arith.constant dense<0.000000e+00> : vector<1024x1024xf32>
    %dot_general3A_9 = tpu.matmul %get3A_3, %get3A_8, %dot_general3A {dimension_numbers = #tpu.dot_dimension_numbers<[1], [1], [0], [0], [0, 0, 1, 0], [], []>, transpose_lhs_hint = false} : vector<1024x768xbf16>, vector<1024x768xbf16>, vector<1024x1024xf32> -> vector<1024x1024xf32>
    %slice3A = vector.extract_strided_slice %dot_general3A_9 {offsets = [0, 0], sizes = [1024, 128], strides = [1, 1]} : vector<1024x1024xf32> to vector<1024x128xf32>
    %slice3A_10 = vector.extract_strided_slice %dot_general3A_9 {offsets = [0, 128], sizes = [1024, 128], strides = [1, 1]} : vector<1024x1024xf32> to vector<1024x128xf32>
    %convert_element_type3A = arith.truncf %slice3A : vector<1024x128xf32> to vector<1024x128xbf16>
    %bitcast_convert_type3A = tpu.bitcast %convert_element_type3A : vector<1024x128xbf16> -> vector<1024x128xi16>
    %convert_element_type3A_11 = arith.truncf %slice3A_10 : vector<1024x128xf32> to vector<1024x128xbf16>
    %bitcast_convert_type3A_12 = tpu.bitcast %convert_element_type3A_11 : vector<1024x128xbf16> -> vector<1024x128xi16>
    %convert_element_type3A_13 = arith.extui %bitcast_convert_type3A : vector<1024x128xi16> to vector<1024x128xi32>
    %convert_element_type3A_14 = arith.extui %bitcast_convert_type3A_12 : vector<1024x128xi16> to vector<1024x128xi32>
    %shift_left3A = arith.constant 16 : i32
    %shift_left3A_15 = vector.broadcast %shift_left3A : i32 to vector<1024x128xi32>
    %shift_left3A_16 = arith.shli %convert_element_type3A_14, %shift_left3A_15 : vector<1024x128xi32>
    %or3A = arith.ori %convert_element_type3A_13, %shift_left3A_16 : vector<1024x128xi32>
    %slice3A_17 = vector.extract_strided_slice %dot_general3A_9 {offsets = [0, 256], sizes = [1024, 128], strides = [1, 1]} : vector<1024x1024xf32> to vector<1024x128xf32>
    %slice3A_18 = vector.extract_strided_slice %dot_general3A_9 {offsets = [0, 384], sizes = [1024, 128], strides = [1, 1]} : vector<1024x1024xf32> to vector<1024x128xf32>
    %convert_element_type3A_19 = arith.truncf %slice3A_17 : vector<1024x128xf32> to vector<1024x128xbf16>
    %bitcast_convert_type3A_20 = tpu.bitcast %convert_element_type3A_19 : vector<1024x128xbf16> -> vector<1024x128xi16>
    %convert_element_type3A_21 = arith.truncf %slice3A_18 : vector<1024x128xf32> to vector<1024x128xbf16>
    %bitcast_convert_type3A_22 = tpu.bitcast %convert_element_type3A_21 : vector<1024x128xbf16> -> vector<1024x128xi16>
    %convert_element_type3A_23 = arith.extui %bitcast_convert_type3A_20 : vector<1024x128xi16> to vector<1024x128xi32>
    %convert_element_type3A_24 = arith.extui %bitcast_convert_type3A_22 : vector<1024x128xi16> to vector<1024x128xi32>
    %shift_left3A_25 = arith.constant 16 : i32
    %shift_left3A_26 = vector.broadcast %shift_left3A_25 : i32 to vector<1024x128xi32>
    %shift_left3A_27 = arith.shli %convert_element_type3A_24, %shift_left3A_26 : vector<1024x128xi32>
    %or3A_28 = arith.ori %convert_element_type3A_23, %shift_left3A_27 : vector<1024x128xi32>
    %slice3A_29 = vector.extract_strided_slice %dot_general3A_9 {offsets = [0, 512], sizes = [1024, 128], strides = [1, 1]} : vector<1024x1024xf32> to vector<1024x128xf32>
    %slice3A_30 = vector.extract_strided_slice %dot_general3A_9 {offsets = [0, 640], sizes = [1024, 128], strides = [1, 1]} : vector<1024x1024xf32> to vector<1024x128xf32>
    %convert_element_type3A_31 = arith.truncf %slice3A_29 : vector<1024x128xf32> to vector<1024x128xbf16>
    %bitcast_convert_type3A_32 = tpu.bitcast %convert_element_type3A_31 : vector<1024x128xbf16> -> vector<1024x128xi16>
    %convert_element_type3A_33 = arith.truncf %slice3A_30 : vector<1024x128xf32> to vector<1024x128xbf16>
    %bitcast_convert_type3A_34 = tpu.bitcast %convert_element_type3A_33 : vector<1024x128xbf16> -> vector<1024x128xi16>
    %convert_element_type3A_35 = arith.extui %bitcast_convert_type3A_32 : vector<1024x128xi16> to vector<1024x128xi32>
    %convert_element_type3A_36 = arith.extui %bitcast_convert_type3A_34 : vector<1024x128xi16> to vector<1024x128xi32>
    %shift_left3A_37 = arith.constant 16 : i32
    %shift_left3A_38 = vector.broadcast %shift_left3A_37 : i32 to vector<1024x128xi32>
    %shift_left3A_39 = arith.shli %convert_element_type3A_36, %shift_left3A_38 : vector<1024x128xi32>
    %or3A_40 = arith.ori %convert_element_type3A_35, %shift_left3A_39 : vector<1024x128xi32>
    %slice3A_41 = vector.extract_strided_slice %dot_general3A_9 {offsets = [0, 768], sizes = [1024, 128], strides = [1, 1]} : vector<1024x1024xf32> to vector<1024x128xf32>
    %slice3A_42 = vector.extract_strided_slice %dot_general3A_9 {offsets = [0, 896], sizes = [1024, 128], strides = [1, 1]} : vector<1024x1024xf32> to vector<1024x128xf32>
    %convert_element_type3A_43 = arith.truncf %slice3A_41 : vector<1024x128xf32> to vector<1024x128xbf16>
    %bitcast_convert_type3A_44 = tpu.bitcast %convert_element_type3A_43 : vector<1024x128xbf16> -> vector<1024x128xi16>
    %convert_element_type3A_45 = arith.truncf %slice3A_42 : vector<1024x128xf32> to vector<1024x128xbf16>
    %bitcast_convert_type3A_46 = tpu.bitcast %convert_element_type3A_45 : vector<1024x128xbf16> -> vector<1024x128xi16>
    %convert_element_type3A_47 = arith.extui %bitcast_convert_type3A_44 : vector<1024x128xi16> to vector<1024x128xi32>
    %convert_element_type3A_48 = arith.extui %bitcast_convert_type3A_46 : vector<1024x128xi16> to vector<1024x128xi32>
    %shift_left3A_49 = arith.constant 16 : i32
    %shift_left3A_50 = vector.broadcast %shift_left3A_49 : i32 to vector<1024x128xi32>
    %shift_left3A_51 = arith.shli %convert_element_type3A_48, %shift_left3A_50 : vector<1024x128xi32>
    %or3A_52 = arith.ori %convert_element_type3A_47, %shift_left3A_51 : vector<1024x128xi32>
    %concatenate3A = tpu.concatenate %or3A, %or3A_28, %or3A_40, %or3A_52 in 0 : vector<1024x128xi32>, vector<1024x128xi32>, vector<1024x128xi32>, vector<1024x128xi32> -> vector<4096x128xi32>
    %swap3A = arith.constant 0 : index
    %swap3A_53 = arith.constant 0 : index
    %swap3A_54 = vector.load %arg4[%swap3A, %swap3A_53] : memref<4096x128xi32, #tpu.memory_space<vmem>>, vector<4096x128xi32>
    tpu.vector_store %arg4[%swap3A, %swap3A_53], %concatenate3A {strides = array<i32>} : memref<4096x128xi32, #tpu.memory_space<vmem>>, vector<4096x128xi32>,
    return
  }
  func.func @transform_0(%arg0: i32, %arg1: i32) -> (i32, i32, i32) {
    %add3A = arith.constant 6 : i32
    %add3A_0 = arith.addi %add3A, %arg0 : i32
    %ge3A = arith.constant 4 : i32
    %ge3A_1 = arith.cmpi sge, %arg1, %ge3A : i32
    %convert_element_type3A = arith.extui %ge3A_1 : i1 to i32
    %ge3A_2 = arith.constant 7 : i32
    %ge3A_3 = arith.cmpi sge, %arg1, %ge3A_2 : i32
    %convert_element_type3A_4 = arith.extui %ge3A_3 : i1 to i32
    %add3A_5 = arith.addi %convert_element_type3A, %convert_element_type3A_4 : i32
    %ge3A_6 = arith.constant 9 : i32
    %ge3A_7 = arith.cmpi sge, %arg1, %ge3A_6 : i32
    %convert_element_type3A_8 = arith.extui %ge3A_7 : i1 to i32
    %add3A_9 = arith.addi %add3A_5, %convert_element_type3A_8 : i32
    %c0_i32 = arith.constant 0 : i32
    %c0_i32_10 = arith.constant 0 : i32
    return %add3A_0, %add3A_9, %c0_i32 : i32, i32, i32
  }
  func.func @transform_1(%arg0: i32, %arg1: i32) -> (i32, i32, i32) {
    %ge3A = arith.constant 4 : i32
    %ge3A_0 = arith.cmpi sge, %arg1, %ge3A : i32
    %convert_element_type3A = arith.extui %ge3A_0 : i1 to i32
    %ge3A_1 = arith.constant 7 : i32
    %ge3A_2 = arith.cmpi sge, %arg1, %ge3A_1 : i32
    %convert_element_type3A_3 = arith.extui %ge3A_2 : i1 to i32
    %add3A = arith.addi %convert_element_type3A, %convert_element_type3A_3 : i32
    %ge3A_4 = arith.constant 9 : i32
    %ge3A_5 = arith.cmpi sge, %arg1, %ge3A_4 : i32
    %convert_element_type3A_6 = arith.extui %ge3A_5 : i1 to i32
    %add3A_7 = arith.addi %add3A, %convert_element_type3A_6 : i32
    %add3A_8 = arith.constant 6 : i32
    %add3A_9 = arith.addi %add3A_8, %arg0 : i32
    %mul3A = arith.constant 9 : i32
    %mul3A_10 = arith.muli %mul3A, %add3A_7 : i32
    %mul3A_11 = arith.muli %add3A_7, %add3A_7 : i32
    %sub3A = arith.subi %mul3A_10, %mul3A_11 : i32
    %shift_right_logical3A = arith.constant 1 : i32
    %shift_right_logical3A_12 = arith.shrui %sub3A, %shift_right_logical3A : i32
    %sub3A_13 = arith.subi %arg1, %shift_right_logical3A_12 : i32
    %add3A_14 = arith.addi %sub3A_13, %add3A_7 : i32
    %c0_i32 = arith.constant 0 : i32
    %c0_i32_15 = arith.constant 0 : i32
    return %add3A_9, %add3A_14, %c0_i32 : i32, i32, i32
  }
  func.func @transform_2(%arg0: i32, %arg1: i32) -> (i32, i32) {
    %mul3A = arith.constant 10 : i32
    %mul3A_0 = arith.muli %arg0, %mul3A : i32
    %add3A = arith.addi %mul3A_0, %arg1 : i32
    %c0_i32 = arith.constant 0 : i32
    %c0_i32_1 = arith.constant 0 : i32
    return %add3A, %c0_i32 : i32, i32
  }
}

module attributes {stable_mosaic.version = 14 : i64} {
  func.func @_loss_body(%arg0: memref<6x6x16384xi32, #tpu.memory_space<vmem>>, %arg1: memref<6x16384xi32, #tpu.memory_space<vmem>>, %arg2: memref<16384xi32, #tpu.memory_space<vmem>>, %arg3: memref<1x1xf32, #tpu.memory_space<vmem>>) attributes {dimension_semantics = [], scalar_prefetch = 0 : i64, scratch_operands = 0 : i64, tpu.core_type = #tpu.core_type<tc>} {
    %get3A = arith.constant 0 : index
    %get3A_0 = arith.constant 0 : index
    %get3A_1 = arith.constant 0 : index
    %get3A_2 = vector.load %arg0[%get3A, %get3A_0, %get3A_1] : memref<6x6x16384xi32, #tpu.memory_space<vmem>>, vector<6x6x16384xi32>
    %get3A_3 = arith.constant 0 : index
    %get3A_4 = arith.constant 0 : index
    %get3A_5 = vector.load %arg1[%get3A_3, %get3A_4] : memref<6x16384xi32, #tpu.memory_space<vmem>>, vector<6x16384xi32>
    %get3A_6 = arith.constant 0 : index
    %get3A_7 = vector.load %arg2[%get3A_6] : memref<16384xi32, #tpu.memory_space<vmem>>, vector<16384xi32>
    %broadcast_in_dim3A = vector.shape_cast %get3A_7 : vector<16384xi32> to vector<1x16384xi32>
    %broadcast_in_dim3A_8 = vector.shape_cast %broadcast_in_dim3A : vector<1x16384xi32> to vector<1x16384xi32>
    %broadcast_in_dim3A_9 = vector.broadcast %broadcast_in_dim3A_8 : vector<1x16384xi32> to vector<6x16384xi32>
    %shift_right_logical3A = arith.constant 10 : i32
    %shift_right_logical3A_10 = vector.broadcast %shift_right_logical3A : i32 to vector<6x16384xi32>
    %shift_right_logical3A_11 = arith.shrui %broadcast_in_dim3A_9, %shift_right_logical3A_10 : vector<6x16384xi32>
    %shift_right_logical3A_12 = arith.constant 10 : i32
    %shift_right_logical3A_13 = vector.broadcast %shift_right_logical3A_12 : i32 to vector<6x16384xi32>
    %shift_right_logical3A_14 = arith.shrui %get3A_5, %shift_right_logical3A_13 : vector<6x16384xi32>
    %gt3A = arith.cmpi sgt, %shift_right_logical3A_11, %shift_right_logical3A_14 : vector<6x16384xi32>
    %select_n3A = arith.select %gt3A, %broadcast_in_dim3A_9, %get3A_5 : vector<6x16384xi1>, vector<6x16384xi32>
    %shift_right_logical3A_15 = arith.constant 7 : i32
    %shift_right_logical3A_16 = vector.broadcast %shift_right_logical3A_15 : i32 to vector<6x16384xi32>
    %shift_right_logical3A_17 = arith.shrui %select_n3A, %shift_right_logical3A_16 : vector<6x16384xi32>
    %and3A = arith.constant 1 : i32
    %and3A_18 = vector.broadcast %and3A : i32 to vector<6x16384xi32>
    %and3A_19 = arith.andi %shift_right_logical3A_17, %and3A_18 : vector<6x16384xi32>
    %broadcast_in_dim3A_20 = vector.shape_cast %and3A_19 : vector<6x16384xi32> to vector<1x6x16384xi32>
    %broadcast_in_dim3A_21 = vector.shape_cast %broadcast_in_dim3A_20 : vector<1x6x16384xi32> to vector<1x6x16384xi32>
    %broadcast_in_dim3A_22 = vector.broadcast %broadcast_in_dim3A_21 : vector<1x6x16384xi32> to vector<6x6x16384xi32>
    %eq3A = arith.constant 1 : i32
    %eq3A_23 = vector.broadcast %eq3A : i32 to vector<6x6x16384xi32>
    %eq3A_24 = arith.cmpi eq, %broadcast_in_dim3A_22, %eq3A_23 : vector<6x6x16384xi32>
    %shift_right_logical3A_25 = arith.constant 16 : i32
    %shift_right_logical3A_26 = vector.broadcast %shift_right_logical3A_25 : i32 to vector<6x6x16384xi32>
    %shift_right_logical3A_27 = arith.shrui %get3A_2, %shift_right_logical3A_26 : vector<6x6x16384xi32>
    %and3A_28 = arith.constant 65535 : i32
    %and3A_29 = vector.broadcast %and3A_28 : i32 to vector<6x6x16384xi32>
    %and3A_30 = arith.andi %get3A_2, %and3A_29 : vector<6x6x16384xi32>
    %select_n3A_31 = arith.select %eq3A_24, %shift_right_logical3A_27, %and3A_30 : vector<6x6x16384xi1>, vector<6x6x16384xi32>
    %shift_left3A = arith.constant 16 : i32
    %shift_left3A_32 = vector.broadcast %shift_left3A : i32 to vector<6x6x16384xi32>
    %shift_left3A_33 = arith.shli %select_n3A_31, %shift_left3A_32 : vector<6x6x16384xi32>
    %bitcast_convert_type3A = tpu.bitcast %shift_left3A_33 : vector<6x6x16384xi32> -> vector<6x6x16384xf32>
    %mul3A = arith.constant 1.000000e+01 : f32
    %mul3A_34 = vector.broadcast %mul3A : f32 to vector<6x6x16384xf32>
    %mul3A_35 = arith.mulf %bitcast_convert_type3A, %mul3A_34 : vector<6x6x16384xf32>
    %slice3A = vector.extract_strided_slice %mul3A_35 {offsets = [0, 0, 0], sizes = [6, 1, 16384], strides = [1, 1, 1]} : vector<6x6x16384xf32> to vector<6x1x16384xf32>
    %squeeze3A = vector.shape_cast %slice3A : vector<6x1x16384xf32> to vector<6x16384xf32>
    %exp3A = math.exp %squeeze3A : vector<6x16384xf32>
    %slice3A_36 = vector.extract_strided_slice %mul3A_35 {offsets = [0, 1, 0], sizes = [6, 5, 16384], strides = [1, 1, 1]} : vector<6x6x16384xf32> to vector<6x5x16384xf32>
    %exp3A_37 = math.exp %slice3A_36 : vector<6x5x16384xf32>
    %reduce_sum3A = arith.constant dense<0.000000e+00> : vector<6x16384xf32>
    %reduce_sum3A_38 = vector.multi_reduction <add>, %exp3A_37, %reduce_sum3A [1] : vector<6x5x16384xf32> to vector<6x16384xf32>
    %add3A = arith.addf %exp3A, %reduce_sum3A_38 : vector<6x16384xf32>
    %log3A = math.log %add3A : vector<6x16384xf32>
    %sub3A = arith.subf %squeeze3A, %log3A : vector<6x16384xf32>
    %reduce_sum3A_39 = arith.constant dense<0.000000e+00> : vector<6xf32>
    %reduce_sum3A_40 = vector.multi_reduction <add>, %sub3A, %reduce_sum3A_39 [1] : vector<6x16384xf32> to vector<6xf32>
    %div3A = arith.constant 1.638400e+04 : f32
    %div3A_41 = vector.broadcast %div3A : f32 to vector<6xf32>
    %div3A_42 = arith.divf %reduce_sum3A_40, %div3A_41 : vector<6xf32>
    %reduce_sum3A_43 = vector.shape_cast %div3A_42 : vector<6xf32> to vector<1x6xf32>
    %reduce_sum3A_44 = arith.constant dense<0.000000e+00> : vector<1xf32>
    %reduce_sum3A_45 = vector.multi_reduction <add>, %reduce_sum3A_43, %reduce_sum3A_44 [1] : vector<1x6xf32> to vector<1xf32>
    %reduce_sum3A_46 = vector.shape_cast %reduce_sum3A_45 : vector<1xf32> to vector<1x1xf32>
    %reduce_sum3A_47 = vector.extract %reduce_sum3A_46[0, 0] : f32 from vector<1x1xf32>
    %reshape3A = vector.broadcast %reduce_sum3A_47 : f32 to vector<1x1xf32>
    %swap3A = arith.constant 0 : index
    %swap3A_48 = arith.constant 0 : index
    %swap3A_49 = vector.load %arg3[%swap3A, %swap3A_48] : memref<1x1xf32, #tpu.memory_space<vmem>>, vector<1x1xf32>
    tpu.vector_store %arg3[%swap3A, %swap3A_48], %reshape3A {strides = array<i32>} : memref<1x1xf32, #tpu.memory_space<vmem>>, vector<1x1xf32>,
    return
  }
}

</mosaic_0001>

<sc_bundles>
// kernel: kernel.12.cloned.1.call-start
scs
__scs_entry_jumppad:
0x0: {  	(pc) =	sbr.rel $0x88, $3  }
0x1: {  	(tag) =	ssettag $0x0;
	lr =	simm.s32 $0x1  }
0x2: {  	[smem:$0x3F9D] =	sst lr;
	_ =	strace $0xD0000000  }
0x3: {  	_ = 	snop  }
0x4: {  	_ = 	snop  }
0x5: {  	_ = 	snop  }
0x6: {  	_ = 	snop  }
0x7: {  	_ = 	snop  }
__scs_overlays_trampoline_lowered:
0x8: {  	[smem:$0x3FAC] =	sst s0  }
0x9: {  	[smem:$0x3FAD] =	sst s1  }
0xa: {  	[smem:$0x3FAE] =	sst s2  }
0xb: {  	[smem:$0x3FAF] =	sst s3  }
0xc: {  	[smem:$0x3FB0] =	sst s4  }
0xd: {  	[smem:$0x3FB1] =	sst s5  }
0xe: {  	[smem:$0x3FB2] =	sst s6  }
0xf: {  	[smem:$0x3FB3] =	sst s7  }
0x10: {  	[smem:$0x3FB4] =	sst s8  }
0x11: {  	[smem:$0x3FB5] =	sst s9;
	s0 =	simm.s32 @!p0 $0x0  }
0x12: {  	s1 =	sld [smem:$0x3F9B];
	s0 =	simm.s32 @p0 $0x1  }
0x13: {  	[smem:$0x3FB6] =	sst s0;
	s0 =	simm.s32 @!p1 $0x0  }
0x14: {  	s2 =	sld [smem:$0x3F9A];
	s0 =	simm.s32 @p1 $0x1  }
0x15: {  	[smem:$0x3FB7] =	sst s0;
	s0 =	simm.s32 @!p2 $0x0  }
0x16: {  	s3 =	sld [smem:$0x3FDB];
	s0 =	simm.s32 @p2 $0x1  }
0x17: {  	s4 =	simm.s32 $0x1BF5;
	[smem:$0x3FB9] =	sst s0  }
0x18: {  	s0 =	sld [smem:$0x3F9C];
	_ =	swait.ge [sflag:s4], $0x0  }
0x19: {  	s7 =	sld [smem:$0x3F9D]  }
0x1a: {  	s8 =	sadd.s32 $0xFFFFE003, lr  }
0x1b: {  	s9 =	sadd.s32 $0xFFFFFEF7, lr;
	s5 =	simm.s32 $0xFFFFFFFF;
	p2 =	slt.u32 s8, $0xFFFFF086  }
0x1c: {  	p1 =	slt.u32 s9, $0xF7A;
	s5 =	simm.s32 @!p2 $0x0  }
0x1d: {  	s5 =	simm.s32 @p1 $0x1;
	p0 =	seq.s32 s7, s2  }
0x1e: {  	s7 =	smul.u32 @!p0 $0xF7A, s2;
	p2 =	seq.s32 @!p0 s5, $0x0  }
0x1f: {  	s9 =	smul.u32 $0xF7A, s1;
	s8 =	simm.s32 @!p0 $0x1BF5;
	p2 =	por !p2, p0  }
0x20: {  	[sflag:s8] =	ssyncset.s32 @!p0 $0xFFFFF086;
	s6 =	sadd.s32 @!p0 s3, s7;
	s7 =	simm.s32 @!p0 $0x108  }
0x21: {  	s3 =	sadd.s32 s3, s9;
	s6 =	sadd.s32 @!p0 $0x88, s6;
	s7 =	simm.s32 @p2 $0x1082  }
0x22: {  	[simem:s7], [sflag:s8] =	dma.local @!p0 [hbm:s6], $0xF7A  }
0x23: {  	s9 =	sor.u32 $0xD0000000, s2;
	s6 =	simm.s32 $0x108;
	_ =	swait.ge @!p0 [sflag:s8], $0x0  }
0x24: {  	s3 =	sadd.s32 $0x88, s3;
	s6 =	simm.s32 @!p1 $0x1082;
	[sflag:s4] =	ssyncset.s32 $0xFFFFF086  }
0x25: {  	[simem:s6], [sflag:s4] =	dma.local [hbm:s3], $0xF7A  }
0x26: {  	[smem:$0x3F9D] =	sst s1;
	(tag) =	ssettag s2;
	_ =	strace s9  }
0x27: {  	s1 =	sld [smem:$0x3FAD]  }
0x28: {  	s2 =	sld [smem:$0x3FAE]  }
0x29: {  	s4 =	sld [smem:$0x3FB0]  }
0x2a: {  	p0 =	seq.s32 s5, $0x0;
	s5 =	sld [smem:$0x3FB1]  }
0x2b: {  	s6 =	sld [smem:$0x3FB2]  }
0x2c: {  	s7 =	sld [smem:$0x3FB3]  }
0x2d: {  	s3 =	simm.s32 $0x108;
	s8 =	sld [smem:$0x3FB4]  }
0x2e: {  	s3 =	simm.s32 @!p0 $0x1082;
	s9 =	sld [smem:$0x3FB5]  }
0x2f: {  	lr =	sadd.s32 s0, s3;
	s0 =	sld [smem:$0x3FAC]  }
0x30: {  	s3 =	sld [smem:$0x3FAF]  }
0x31: {  	[smem:$0x3FB8] =	sst s10  }
0x32: {  	s10 =	sld [smem:$0x3FB6];
	_ =	sdelay $0x3  }
0x33: {  	p0 =	seq.s32 s10, $0x1;
	s10 =	sld [smem:$0x3FB8];
	_ =	sdelay $0x3  }
0x34: {  	[smem:$0x3FB8] =	sst s10  }
0x35: {  	s10 =	sld [smem:$0x3FB7];
	_ =	sdelay $0x3  }
0x36: {  	p1 =	seq.s32 s10, $0x1;
	s10 =	sld [smem:$0x3FB8];
	_ =	sdelay $0x3  }
0x37: {  	[smem:$0x3FB8] =	sst s10  }
0x38: {  	s10 =	sld [smem:$0x3FB9]  }
0x39: {  	_ = 	snop;
	(pc) =	sbr.ind lr, $3  }
0x3a: {  	_ = 	snop  }
0x3b: {  	_ = 	snop  }
0x3c: {  	p2 =	seq.s32 s10, $0x1;
	s10 =	sld [smem:$0x3FB8]  }
0x3d: {  	_ =	shalt  }
0x3e: {  	_ =	shalt  }
0x3f: {  	_ =	shalt  }
0x40: {  	_ =	shalt  }
0x41: {  	_ =	shalt  }
0x42: {  	_ =	shalt  }
0x43: {  	_ =	shalt  }
0x44: {  	_ =	shalt  }
0x45: {  	_ =	shalt  }
0x46: {  	_ =	shalt  }
0x47: {  	_ =	shalt  }
0x48: {  	_ =	shalt  }
0x49: {  	_ =	shalt  }
0x4a: {  	_ =	shalt  }
0x4b: {  	_ =	shalt  }
0x4c: {  	_ =	shalt  }
0x4d: {  	_ =	shalt  }
0x4e: {  	_ =	shalt  }
0x4f: {  	_ =	shalt  }
0x50: {  	_ =	shalt  }
0x51: {  	_ =	shalt  }
0x52: {  	_ =	shalt  }
0x53: {  	_ =	shalt  }
0x54: {  	_ =	shalt  }
0x55: {  	_ =	shalt  }
0x56: {  	_ =	shalt  }
0x57: {  	_ =	shalt  }
0x58: {  	_ =	shalt  }
0x59: {  	_ =	shalt  }
0x5a: {  	_ =	shalt  }
0x5b: {  	_ =	shalt  }
0x5c: {  	_ =	shalt  }
0x5d: {  	_ =	shalt  }
0x5e: {  	_ =	shalt  }
0x5f: {  	_ =	shalt  }
0x60: {  	_ =	shalt  }
0x61: {  	_ =	shalt  }
0x62: {  	_ =	shalt  }
0x63: {  	_ =	shalt  }
0x64: {  	_ =	shalt  }
0x65: {  	_ =	shalt  }
0x66: {  	_ =	shalt  }
0x67: {  	_ =	shalt  }
0x68: {  	_ =	shalt  }
0x69: {  	_ =	shalt  }
0x6a: {  	_ =	shalt  }
0x6b: {  	_ =	shalt  }
0x6c: {  	_ =	shalt  }
0x6d: {  	_ =	shalt  }
0x6e: {  	_ =	shalt  }
0x6f: {  	_ =	shalt  }
0x70: {  	_ =	shalt  }
0x71: {  	_ =	shalt  }
0x72: {  	_ =	shalt  }
0x73: {  	_ =	shalt  }
0x74: {  	_ =	shalt  }
0x75: {  	_ =	shalt  }
0x76: {  	_ =	shalt  }
0x77: {  	_ =	shalt  }
0x78: {  	_ =	shalt  }
0x79: {  	_ =	shalt  }
0x7a: {  	_ =	shalt  }
0x7b: {  	_ =	shalt  }
0x7c: {  	_ =	shalt  }
0x7d: {  	_ =	shalt  }
0x7e: {  	_ =	shalt  }
0x7f: {  	_ =	shalt  }
0x80: {  	_ =	shalt  }
0x81: {  	_ =	shalt  }
0x82: {  	_ =	shalt  }
0x83: {  	_ =	shalt  }
0x84: {  	_ =	shalt  }
0x85: {  	_ =	shalt  }
0x86: {  	_ =	shalt  }
0x87: {  	_ =	shalt  }
.Lfunc_end0:
.L_simem_size_0:
called_computation.1_lowered:
.L_overlay_start_0:
0x88: {  	s2 =	sld [smem:$0x3FD9]  }
0x89: {  	s3 =	sld [smem:$0x3FFE];
	_ =	sdelay $0x1  }
0x8a: {  	s1 =	srdreg.scid  }
0x8b: {  	s0 =	sand.u32 $0x1, s1  }
0x8c: {  	s17 =	sshll.u32 s0, $0xA;
	s2 =	sadd.s32 s3, s2  }
0x8d: {  	s2 =	sadd.s32 s2, s17  }
0x8e: {  	[smem:$0x3FC4] =	sst s2  }
0x8f: {  	_ = 	snop  }
0x90: {  	s2 =	sld [smem:$0x3FC8];
	(tm) =	ssettm $0x1  }
0x91: {  	s18 =	sld [smem:$0x3FFB];
	_ =	sdelay $0x3  }
0x92: {  	_ =	strace s18  }
0x93: {  	s3 =	sld [smem:$0x3FFC];
	_ =	sdelay $0x3  }
0x94: {  	_ =	strace s3  }
0x95: {  	s3 =	sld [smem:$0x3FFD];
	_ =	sdelay $0x3  }
0x96: {  	_ =	strace s3  }
0x97: {  	_ =	strace $0x8FFFFFFF  }
0x98: {  	s19 =	sld [smem:$0x3FDB];
	_ =	sdelay $0x1  }
0x99: {  	s4 =	simm.s32 $_scs_section_size  }
0x9a: {  	s5 =	simm.s32 $_size__tile_overlayer_lowered;
	s6 =	simm.s32 $_tile_overlayer_lowered  }
0x9b: {  	s22 =	simm.s32 $0x1BFF;
	s21 =	sshll.u32 s6, $0x1;
	s3 =	sadd.s32 s4, s19  }
0x9c: {  	s7 =	simm.s32 $0x0;
	s20 =	sshll.u32 s5, $0x1;
	s5 =	sadd.s32 s21, s3  }
0x9d: {  	[timem:s7], [sflag:s22] =	dma.local [hbm:s5], s20  }
0x9e: {  	_ =	swait.ge [sflag:s22], s20  }
0x9f: {  	s4 =	ssub.s32 $0x0, s20;
	[sflag:s22] =	ssyncset.done $0x0  }
0xa0: {  	[sflag:s22] =	ssyncadd.s32 s4;
	_ =	sdelay $0x1  }
0xa1: {  	s23 =	simm.s32 $0x1B8B  }
0xa2: {  	_ =	swait.ge [sflag:s23], $0x1  }
0xa3: {  	[sflag:s23] =	ssyncset.done $0x0  }
0xa4: {  	s25 =	simm.s32 $0x1B8E;
	s24 =	sld [smem:$0x3FFE];
	[sflag:s23] =	ssyncadd.s32 $0xFFFFFFFF  }
0xa5: {  	s26 =	simm.s32 $execute0_lowered;
	[smem:$0x3FD2] =	sst s25  }
0xa6: {  	s5 =	sshll.u32 s26, $0x1;
	_ =	strace $0x80000046;
	[dreg:$0x1] =	wrdreg $0xFFFFFFFF  }
0xa7: {  	s28 =	simm.s32 $_size_execute0_lowered;
	s3 =	sadd.s32 s3, s5;
	[dreg:$0x0] =	wrdreg $0x0  }
0xa8: {  	s5 =	sshll.u32 s28, $0x1;
	[dreg:$0x2] =	wrdreg s3  }
0xa9: {  	[dreg:$0x3] =	wrdreg s5  }
0xaa: {  	[dreg:$0x4] =	wrdreg $0xC0  }
0xab: {  	_ =	task [dreg:s7], $0x5FFFF  }
0xac: {  	[dreg:$0x1] =	wrdreg $0xFFFFFFFF  }
0xad: {  	[dreg:$0x0] =	wrdreg $0x60  }
0xae: {  	[dreg:$0x2] =	wrdreg s24  }
0xaf: {  	[dreg:$0x3] =	wrdreg s2  }
0xb0: {  	[dreg:$0x4] =	wrdreg $0xA  }
0xb1: {  	_ =	task.clear_ibuf [dreg:s7], $0x5FFFF;
	_ =	strace $0x90000046  }
0xb2: {  	s29 =	simm.s32 $0xA;
	_ =	strace $0x80000048  }
0xb3: {  	_ =	swait.ge [sflag:s29], $0x1  }
0xb4: {  	[sflag:s29] =	ssyncadd.s32 $0xFFFFFFFF  }
0xb5: {  	_ =	strace $0x90000048  }
0xb6: {  	_ =	sfence  }
0xb7: {  	s30 =	sld [smem:$0x0];
	_ =	sdelay $0x2  }
0xb8: {  	s31 =	sshll.u32 s1, $0xD;
	s1 =	sshrl.u32 s1, $0x2  }
0xb9: {  	s3 =	sand.u32 $0x4000, s31;
	s1 =	sadd.s32 s1, s30  }
0xba: {  	s0 =	sor.u32 s3, s0;
	s1 =	sshll.u32 s1, $0x11  }
0xbb: {  	s0 =	sor.u32 s1, s0  }
0xbc: {  	s0 =	sadd.s32 $0x8F2B, s0  }
0xbd: {  	[sflag:s0] =	ssyncadd.remote.s32 $0x1  }
0xbe: {  	_ =	sfence.sel $0xFFFF  }
0xbf: {  	[dreg:$0x0] =	wrdreg $0xFFFFFFFF;
	(pc) =	sbr.abs _section_cstart, $3  }
0xc0: {  	[dreg:$0x1] =	wrdreg $0xFFFFFFFF  }
0xc1: {  	_ =	task.clear_ibuf [dreg:s7], $0x2FFFF;
	_ =	strace $0x9FFFFFFF  }
0xc2: {  	(tm) =	ssettm $0x7FFFFFFF  }
0xc3: {  	_ =	shalt  }
tec
execute0_lowered:
.L_overlay_start_1:
0x0: {  	(tag) =	ssettag $0x1  }
0x1: {  	s0 =	rddreg [dreg:$0x0]  }
0x2: {  	s1 =	rddreg [dreg:$0x1];
	s2 =	srdreg.scid  }
0x3: {  	s4 =	stileid.u32;
	s13 =	simm.s32 $0x2;
	s30 =	simm.s32 $0x80  }
0x4: {  	s28 =	simm.s32 $0x1B00;
	s29 =	simm.s32 $0x2800;
	s3 =	sand.u32 $0x1, s2  }
0x5: {  	s12 =	simm.s32 $0x2C00;
	s4 =	sshll.u32 s4, $0xA;
	s5 =	sshll.u32 s3, $0x9  }
0x6: {  	s15 =	simm.s32 $0x1C00;
	s2 =	simm.s32 $0x0;
	s4 =	sor.u32 s5, s4  }
0x7: {  	s9 =	simm.s32 $0x0;
	[smem:$0x7FF] =	sst s2;
	s6 =	sadd.s32 s4, s0  }
0x8: {  	s16 =	ssub.s32 $0x2, s3;
	s4 =	sshrl.u32 s4, $0x3;
	s8 =	sadd.s32 $0x601420, s6  }
0x9: {  	_ =	strace $0x80000047;
	s1 =	sadd.s32 s1, s4;
	[dreg:$0x5] =	wrdreg s8  }
0xa: {  	s3 =	sadd.s32 $0x241400, s0;
	s20 =	sadd.s32 $0x601430, s6;
	[dreg:$0x6] =	wrdreg s1  }
0xb: {  	s7 =	sshrl.u32 s16, $0x1;
	s21 =	sadd.s32 $0x601440, s6;
	[dreg:$0x7] =	wrdreg s20  }
0xc: {  	s17 =	ssub.s32 s16, s7;
	s22 =	sadd.s32 $0x601450, s6;
	[dreg:$0x8] =	wrdreg s21  }
0xd: {  	s5 =	simm.s32 $0x1D80;
	s0 =	smax.u32 s17, $0x1;
	[dreg:$0x9] =	wrdreg s22  }
0xe: {  	s7 =	simm.s32 $0x1B80;
	s18 =	sadd.s32 $0x601400, s6;
	[dreg:$0xa] =	wrdreg s0  }
0xf: {  	s19 =	sadd.s32 $0x601410, s6;
	s11 =	sadd.s32 $0x605400, s6;
	[dreg:$0x3] =	wrdreg s18  }
0x10: {  	s17 =	simm.s32 $0x2080;
	s23 =	sadd.s32 $0x80, s18;
	[dreg:$0x4] =	wrdreg s19  }
0x11: {  	s4 =	simm.s32 $0x2880;
	s24 =	sadd.s32 $0x100, s18;
	[dreg:$0xb] =	wrdreg s23  }
0x12: {  	s6 =	simm.s32 $0x2C80;
	s25 =	sadd.s32 $0x180, s18;
	[dreg:$0xc] =	wrdreg s24  }
0x13: {  	s26 =	sadd.s32 $0x80, s19;
	s31 =	sadd.s32 $0x100, s19;
	[dreg:$0xd] =	wrdreg s25  }
0x14: {  	s0 =	simm.s32 $0x1E00;
	s19 =	simm.s32 $0x1C80;
	[dreg:$0xe] =	wrdreg s26  }
0x15: {  	s22 =	simm.s32 $0x2480;
	s8 =	simm.s32 $0x1;
	[dreg:$0xf] =	wrdreg s31  }
0x16: {  	s25 =	simm.s32 $0x1A80;
	s26 =	simm.s32 $0x2400;
	s24 =	simm.s32 $0x1D00  }
.LBB2_1:
0x17: {  	[dreg:$0x10] =	wrdreg s9  }
0x18: {  	s1 =	rddreg [dreg:$0x6]  }
0x19: {  	[tilespmem:s2], [sflag:$0x2] =	stream.linear.gather [hbm4b:s1+s2], $0x200, $0x38;
	[tilespmem:$0x2E00] =	vst v63  }
0x1a: {  	_ =	swait.ge [sflag:s13], $0x200  }
0x1b: {  	[sflag:s13] =	ssyncset.done $0x0  }
0x1c: {  	s18 =	simm.s32 $0x200;
	s16 =	rddreg [dreg:$0x3];
	[sflag:s13] =	ssyncadd.s32 $0xFFFFFE00  }
0x1d: {  	[tilespmem:s18], [sflag:$0x2] =	stream.linear.gather [hbm4b:s16+s2], $0x80, $0x38;
	[tilespmem:$0x2E00] =	vst v63  }
0x1e: {  	s21 =	simm.s32 $0x600;
	s20 =	rddreg [dreg:$0xb]  }
0x1f: {  	[tilespmem:s21], [sflag:$0x2] =	stream.linear.gather [hbm4b:s20+s2], $0x80, $0x38;
	[tilespmem:$0x2E00] =	vst v63  }
0x20: {  	s31 =	simm.s32 $0xA00;
	s23 =	rddreg [dreg:$0xc]  }
0x21: {  	[tilespmem:s31], [sflag:$0x2] =	stream.linear.gather [hbm4b:s23+s2], $0x80, $0x38;
	[tilespmem:$0x2E00] =	vst v63  }
0x22: {  	s10 =	simm.s32 $0xE00;
	s9 =	rddreg [dreg:$0xd]  }
0x23: {  	[tilespmem:s10], [sflag:$0x2] =	stream.linear.gather [hbm4b:s9+s2], $0x80, $0x38;
	[tilespmem:$0x2E00] =	vst v63  }
0x24: {  	_ =	swait.ge [sflag:s13], $0x200  }
0x25: {  	[sflag:s13] =	ssyncset.done $0x0  }
0x26: {  	s16 =	simm.s32 $0x280;
	s14 =	rddreg [dreg:$0x4];
	[sflag:s13] =	ssyncadd.s32 $0xFFFFFE00  }
0x27: {  	[tilespmem:s16], [sflag:$0x2] =	stream.linear.gather [hbm4b:s14+s2], $0x80, $0x38;
	[tilespmem:$0x2E00] =	vst v63  }
0x28: {  	s10 =	simm.s32 $0x680;
	s18 =	rddreg [dreg:$0xe]  }
0x29: {  	[tilespmem:s10], [sflag:$0x2] =	stream.linear.gather [hbm4b:s18+s2], $0x80, $0x38;
	[tilespmem:$0x2E00] =	vst v63  }
0x2a: {  	s21 =	simm.s32 $0xA80;
	s20 =	rddreg [dreg:$0xf]  }
0x2b: {  	[tilespmem:s21], [sflag:$0x2] =	stream.linear.gather [hbm4b:s20+s2], $0x80, $0x38;
	[tilespmem:$0x2E00] =	vst v63  }
0x2c: {  	s23 =	simm.s32 $0xE80;
	s1 =	sadd.s32 $0x180, s14  }
0x2d: {  	[tilespmem:s23], [sflag:$0x2] =	stream.linear.gather [hbm4b:s1+s2], $0x80, $0x38;
	[tilespmem:$0x2E00] =	vst v63  }
0x2e: {  	_ =	swait.ge [sflag:s13], $0x200  }
0x2f: {  	[sflag:s13] =	ssyncset.done $0x0  }
0x30: {  	s10 =	simm.s32 $0x300;
	s31 =	rddreg [dreg:$0x5];
	[sflag:s13] =	ssyncadd.s32 $0xFFFFFE00  }
0x31: {  	[tilespmem:s10], [sflag:$0x2] =	stream.linear.gather [hbm4b:s31+s2], $0x80, $0x38;
	[tilespmem:$0x2E00] =	vst v63  }
0x32: {  	s16 =	simm.s32 $0x700;
	s14 =	sadd.s32 $0x80, s31  }
0x33: {  	[tilespmem:s16], [sflag:$0x2] =	stream.linear.gather [hbm4b:s14+s2], $0x80, $0x38;
	[tilespmem:$0x2E00] =	vst v63  }
0x34: {  	s20 =	simm.s32 $0xB00;
	s18 =	sadd.s32 $0x100, s31  }
0x35: {  	[tilespmem:s20], [sflag:$0x2] =	stream.linear.gather [hbm4b:s18+s2], $0x80, $0x38;
	[tilespmem:$0x2E00] =	vst v63  }
0x36: {  	s23 =	simm.s32 $0xF00;
	s21 =	sadd.s32 $0x180, s31  }
0x37: {  	[tilespmem:s23], [sflag:$0x2] =	stream.linear.gather [hbm4b:s21+s2], $0x80, $0x38;
	[tilespmem:$0x2E00] =	vst v63  }
0x38: {  	_ =	swait.ge [sflag:s13], $0x200  }
0x39: {  	[sflag:s13] =	ssyncset.done $0x0  }
0x3a: {  	s10 =	simm.s32 $0x380;
	s31 =	rddreg [dreg:$0x7];
	[sflag:s13] =	ssyncadd.s32 $0xFFFFFE00  }
0x3b: {  	[tilespmem:s10], [sflag:$0x2] =	stream.linear.gather [hbm4b:s31+s2], $0x80, $0x38;
	[tilespmem:$0x2E00] =	vst v63  }
0x3c: {  	s16 =	simm.s32 $0x780;
	s14 =	sadd.s32 $0x80, s31  }
0x3d: {  	[tilespmem:s16], [sflag:$0x2] =	stream.linear.gather [hbm4b:s14+s2], $0x80, $0x38;
	[tilespmem:$0x2E00] =	vst v63  }
0x3e: {  	s20 =	simm.s32 $0xB80;
	s18 =	sadd.s32 $0x100, s31  }
0x3f: {  	[tilespmem:s20], [sflag:$0x2] =	stream.linear.gather [hbm4b:s18+s2], $0x80, $0x38;
	[tilespmem:$0x2E00] =	vst v63  }
0x40: {  	s23 =	simm.s32 $0xF80;
	s21 =	sadd.s32 $0x180, s31  }
0x41: {  	[tilespmem:s23], [sflag:$0x2] =	stream.linear.gather [hbm4b:s21+s2], $0x80, $0x38;
	[tilespmem:$0x2E00] =	vst v63  }
0x42: {  	_ =	swait.ge [sflag:s13], $0x200  }
0x43: {  	[sflag:s13] =	ssyncset.done $0x0  }
0x44: {  	s10 =	simm.s32 $0x400;
	s31 =	rddreg [dreg:$0x8];
	[sflag:s13] =	ssyncadd.s32 $0xFFFFFE00  }
0x45: {  	[tilespmem:s10], [sflag:$0x2] =	stream.linear.gather [hbm4b:s31+s2], $0x80, $0x38;
	[tilespmem:$0x2E00] =	vst v63  }
0x46: {  	s16 =	simm.s32 $0x800;
	s14 =	sadd.s32 $0x80, s31  }
0x47: {  	[tilespmem:s16], [sflag:$0x2] =	stream.linear.gather [hbm4b:s14+s2], $0x80, $0x38;
	[tilespmem:$0x2E00] =	vst v63  }
0x48: {  	s20 =	simm.s32 $0xC00;
	s18 =	sadd.s32 $0x100, s31  }
0x49: {  	[tilespmem:s20], [sflag:$0x2] =	stream.linear.gather [hbm4b:s18+s2], $0x80, $0x38;
	[tilespmem:$0x2E00] =	vst v63  }
0x4a: {  	s23 =	simm.s32 $0x1000;
	s21 =	sadd.s32 $0x180, s31  }
0x4b: {  	[tilespmem:s23], [sflag:$0x2] =	stream.linear.gather [hbm4b:s21+s2], $0x80, $0x38;
	[tilespmem:$0x2E00] =	vst v63  }
0x4c: {  	_ =	swait.ge [sflag:s13], $0x200  }
0x4d: {  	[sflag:s13] =	ssyncset.done $0x0  }
0x4e: {  	s14 =	simm.s32 $0x480;
	s31 =	rddreg [dreg:$0x9];
	[sflag:s13] =	ssyncadd.s32 $0xFFFFFE00  }
0x4f: {  	[tilespmem:s14], [sflag:$0x2] =	stream.linear.gather [hbm4b:s31+s2], $0x80, $0x38;
	[tilespmem:$0x2E00] =	vst v63  }
0x50: {  	s18 =	simm.s32 $0x880;
	s16 =	sadd.s32 $0x80, s31  }
0x51: {  	[tilespmem:s18], [sflag:$0x2] =	stream.linear.gather [hbm4b:s16+s2], $0x80, $0x38;
	[tilespmem:$0x2E00] =	vst v63  }
0x52: {  	s21 =	simm.s32 $0xC80;
	s20 =	sadd.s32 $0x100, s31  }
0x53: {  	[tilespmem:s21], [sflag:$0x2] =	stream.linear.gather [hbm4b:s20+s2], $0x80, $0x38;
	[tilespmem:$0x2E00] =	vst v63  }
0x54: {  	s23 =	sadd.s32 $0x180, s31;
	s31 =	simm.s32 $0x1080  }
0x55: {  	[tilespmem:s31], [sflag:$0x2] =	stream.linear.gather [hbm4b:s23+s2], $0x80, $0x38;
	[tilespmem:$0x2E00] =	vst v63  }
0x56: {  	_ =	swait.ge [sflag:s13], $0x200  }
0x57: {  	[sflag:s13] =	ssyncset.done $0x0  }
0x58: {  	s9 =	simm.s32 $0x0;
	[sflag:s13] =	ssyncadd.s32 $0xFFFFFE00  }
.LBB2_2:
0x59: {  	s10 =	simm.s32 $0x0;
	s14 =	smul.u32 $0xA, s9  }
0x5a: {  	s16 =	simm.s32 $0x10;
	s1 =	sand.u32 $0x70, s10;
	s31 =	sand.u32 $0xC00, s10  }
0x5b: {  	s18 =	simm.s32 $0x0;
	s20 =	sor.u32 s1, s31;
	v0 =	vmov s14;
	s14 =	simm.s32 $0x0  }
.LBB2_3:
0x5c: {  	p0 =	sne.s32 s16, $0x1F0;
	s21 =	sshra.s32 s14, $0x2;
	v1 =	vld [tilespmem:s20+$0x200]  }
0x5d: {  	v2 =	vld [tilespmem:s21+$0x0];
	_ =	sdelay $0x4  }
0x5e: {  	v4 =	vshrl.u32 v1, $0xA;
	v3 =	vshrl.u32 v2, $0xA  }
0x5f: {  	vm0 =	vgt.u32 v3, v4  }
0x60: {  	v3 =	vsel vm0, v1, v2  }
0x61: {  	v4 =	vshrl.u32 v3, $0xA  }
0x62: {  	v1 =	vsel vm0, v2, v1;
	v2 =	vsub.s32 $0x9, v4  }
0x63: {  	v5 =	vshrl.u32 v1, $0xA;
	v2 =	vmul.u32 v4, v2  }
0x64: {  	v5 =	vadd.s32 v0, v5  }
0x65: {  	v4 =	vsub.s32 v5, v4;
	v2 =	vshrl.u32 v2, $0x1  }
0x66: {  	v2 =	vadd.s32 v2, v4;
	v4 =	vshll.u32 v1, $0x2  }
0x67: {  	v2 =	vshll.u32 v2, $0xC;
	v4 =	vand.u32 $0xC00, v4  }
.Ltmp0:
0x68: {  	v3 =	vand.u32 $0x3FF, v3;
	v2 =	vor.u32 v4, v2;
	(pc) =	sbr.rel @p0 .LBB2_3-.Ltmp0, $4  }
0x69: {  	s20 =	sand.u32 $0x600, s14;
	v2 =	vor.u32 v3, v2  }
0x6a: {  	s18 =	sadd.s32 $0x80, s18;
	s20 =	sshrl.u32 s20, $0x2;
	v1 =	vand.u32 $0x7F, v1;
	v2 =	vshll.u32 v2, $0x7  }
0x6b: {  	s21 =	sand.u32 $0xC00, s18;
	s23 =	sor.u32 s1, s20;
	s1 =	sand.u32 $0x70, s16;
	v1 =	vor.u32 v1, v2  }
0x6c: {  	s14 =	sadd.s32 $0x40, s14;
	s16 =	sadd.s32 $0x10, s16;
	s20 =	sor.u32 s1, s21;
	[tilespmem:s23+$0x1200] =	vst v1  }
0x6d: {  	s16 =	sshra.s32 s14, $0x2;
	v1 =	vld [tilespmem:s20+$0x200]  }
0x6e: {  	v2 =	vld [tilespmem:s16+$0x0];
	_ =	sdelay $0x4  }
0x6f: {  	v4 =	vshrl.u32 v1, $0xA;
	v3 =	vshrl.u32 v2, $0xA  }
0x70: {  	vm0 =	vgt.u32 v3, v4  }
0x71: {  	v3 =	vsel vm0, v1, v2  }
0x72: {  	v62 =	vshrl.u32 v3, $0xA  }
0x73: {  	v1 =	vsel vm0, v2, v1;
	v2 =	vsub.s32 $0x9, v62  }
0x74: {  	v5 =	vshrl.u32 v1, $0xA;
	v2 =	vmul.u32 v62, v2  }
0x75: {  	v5 =	vadd.s32 v0, v5  }
0x76: {  	v4 =	vsub.s32 v5, v62;
	v2 =	vshrl.u32 v2, $0x1  }
0x77: {  	v63 =	vshll.u32 v1, $0x2;
	v2 =	vadd.s32 v2, v4  }
0x78: {  	v4 =	vand.u32 $0xC00, v63;
	v2 =	vshll.u32 v2, $0xC  }
0x79: {  	v3 =	vand.u32 $0x3FF, v3;
	v2 =	vor.u32 v4, v2  }
0x7a: {  	s23 =	sand.u32 $0x600, s14;
	v2 =	vor.u32 v3, v2  }
0x7b: {  	s14 =	sshrl.u32 s23, $0x2;
	v1 =	vand.u32 $0x7F, v1;
	v2 =	vshll.u32 v2, $0x7  }
0x7c: {  	s1 =	sor.u32 s1, s14;
	s14 =	sand.u32 $0x70, s10;
	v1 =	vor.u32 v1, v2  }
0x7d: {  	s16 =	simm.s32 $0x0;
	s18 =	sor.u32 s14, s31;
	[tilespmem:s1+$0x1200] =	vst v1;
	s1 =	simm.s32 $0x10  }
.LBB2_5:
0x7e: {  	p0 =	sne.s32 s1, $0x1F0;
	s20 =	sshra.s32 s10, $0x2;
	v1 =	vld [tilespmem:s18+$0x280]  }
0x7f: {  	v2 =	vld [tilespmem:s20+$0x0];
	_ =	sdelay $0x4  }
0x80: {  	v4 =	vshrl.u32 v1, $0xA;
	v3 =	vshrl.u32 v2, $0xA  }
0x81: {  	vm0 =	vgt.u32 v3, v4  }
0x82: {  	v3 =	vsel vm0, v1, v2  }
0x83: {  	v4 =	vshrl.u32 v3, $0xA  }
0x84: {  	v1 =	vsel vm0, v2, v1;
	v2 =	vsub.s32 $0x9, v4  }
0x85: {  	v5 =	vshrl.u32 v1, $0xA;
	v2 =	vmul.u32 v4, v2  }
0x86: {  	v5 =	vadd.s32 v0, v5  }
0x87: {  	v4 =	vsub.s32 v5, v4;
	v2 =	vshrl.u32 v2, $0x1  }
0x88: {  	v2 =	vadd.s32 v2, v4;
	v4 =	vshll.u32 v1, $0x2  }
0x89: {  	v2 =	vshll.u32 v2, $0xC;
	v4 =	vand.u32 $0xC00, v4  }
.Ltmp1:
0x8a: {  	v3 =	vand.u32 $0x3FF, v3;
	v2 =	vor.u32 v4, v2;
	(pc) =	sbr.rel @p0 .LBB2_5-.Ltmp1, $4  }
0x8b: {  	s18 =	sand.u32 $0x600, s10;
	v2 =	vor.u32 v3, v2  }
0x8c: {  	s16 =	sadd.s32 $0x80, s16;
	s18 =	sshrl.u32 s18, $0x2;
	v1 =	vand.u32 $0x7F, v1;
	v2 =	vshll.u32 v2, $0x7  }
0x8d: {  	s20 =	sand.u32 $0xC00, s16;
	s21 =	sor.u32 s14, s18;
	s14 =	sand.u32 $0x70, s1;
	v1 =	vor.u32 v1, v2  }
0x8e: {  	s10 =	sadd.s32 $0x40, s10;
	s1 =	sadd.s32 $0x10, s1;
	s18 =	sor.u32 s14, s20;
	[tilespmem:s21+$0x1400] =	vst v1  }
0x8f: {  	s1 =	sshra.s32 s10, $0x2;
	v1 =	vld [tilespmem:s18+$0x280]  }
0x90: {  	v2 =	vld [tilespmem:s1+$0x0];
	_ =	sdelay $0x4  }
0x91: {  	v4 =	vshrl.u32 v1, $0xA;
	v3 =	vshrl.u32 v2, $0xA  }
0x92: {  	vm0 =	vgt.u32 v3, v4  }
0x93: {  	v3 =	vsel vm0, v1, v2  }
0x94: {  	v62 =	vshrl.u32 v3, $0xA  }
0x95: {  	v1 =	vsel vm0, v2, v1;
	v2 =	vsub.s32 $0x9, v62  }
0x96: {  	v5 =	vshrl.u32 v1, $0xA;
	v2 =	vmul.u32 v62, v2  }
0x97: {  	v5 =	vadd.s32 v0, v5  }
0x98: {  	v4 =	vsub.s32 v5, v62;
	v2 =	vshrl.u32 v2, $0x1  }
0x99: {  	v63 =	vshll.u32 v1, $0x2;
	v2 =	vadd.s32 v2, v4  }
0x9a: {  	v4 =	vand.u32 $0xC00, v63;
	v2 =	vshll.u32 v2, $0xC  }
0x9b: {  	v3 =	vand.u32 $0x3FF, v3;
	v2 =	vor.u32 v4, v2  }
0x9c: {  	s23 =	sand.u32 $0x600, s10;
	v2 =	vor.u32 v3, v2  }
0x9d: {  	s10 =	simm.s32 $0x0;
	s18 =	simm.s32 $0x0;
	s16 =	sshrl.u32 s23, $0x2;
	v1 =	vand.u32 $0x7F, v1;
	v2 =	vshll.u32 v2, $0x7  }
0x9e: {  	s1 =	sand.u32 $0x70, s10;
	s31 =	sand.u32 $0xC00, s10;
	s14 =	sor.u32 s14, s16;
	v1 =	vor.u32 v1, v2  }
0x9f: {  	s20 =	sor.u32 s1, s31;
	s16 =	simm.s32 $0x10;
	[tilespmem:s14+$0x1400] =	vst v1;
	s14 =	simm.s32 $0x0  }
.LBB2_7:
0xa0: {  	p0 =	sne.s32 s16, $0x1F0;
	s21 =	sshra.s32 s14, $0x2;
	v1 =	vld [tilespmem:s20+$0x300]  }
0xa1: {  	v2 =	vld [tilespmem:s21+$0x0];
	_ =	sdelay $0x4  }
0xa2: {  	v4 =	vshrl.u32 v1, $0xA;
	v3 =	vshrl.u32 v2, $0xA  }
0xa3: {  	vm0 =	vgt.u32 v3, v4  }
0xa4: {  	v3 =	vsel vm0, v1, v2  }
0xa5: {  	v4 =	vshrl.u32 v3, $0xA  }
0xa6: {  	v1 =	vsel vm0, v2, v1;
	v2 =	vsub.s32 $0x9, v4  }
0xa7: {  	v5 =	vshrl.u32 v1, $0xA;
	v2 =	vmul.u32 v4, v2  }
0xa8: {  	v5 =	vadd.s32 v0, v5  }
0xa9: {  	v4 =	vsub.s32 v5, v4;
	v2 =	vshrl.u32 v2, $0x1  }
0xaa: {  	v2 =	vadd.s32 v2, v4;
	v4 =	vshll.u32 v1, $0x2  }
0xab: {  	v2 =	vshll.u32 v2, $0xC;
	v4 =	vand.u32 $0xC00, v4  }
.Ltmp2:
0xac: {  	v3 =	vand.u32 $0x3FF, v3;
	v2 =	vor.u32 v4, v2;
	(pc) =	sbr.rel @p0 .LBB2_7-.Ltmp2, $4  }
0xad: {  	s20 =	sand.u32 $0x600, s14;
	v2 =	vor.u32 v3, v2  }
0xae: {  	s18 =	sadd.s32 $0x80, s18;
	s20 =	sshrl.u32 s20, $0x2;
	v1 =	vand.u32 $0x7F, v1;
	v2 =	vshll.u32 v2, $0x7  }
0xaf: {  	s21 =	sand.u32 $0xC00, s18;
	s23 =	sor.u32 s1, s20;
	s1 =	sand.u32 $0x70, s16;
	v1 =	vor.u32 v1, v2  }
0xb0: {  	s14 =	sadd.s32 $0x40, s14;
	s16 =	sadd.s32 $0x10, s16;
	s20 =	sor.u32 s1, s21;
	[tilespmem:s23+$0x1600] =	vst v1  }
0xb1: {  	s16 =	sshra.s32 s14, $0x2;
	v1 =	vld [tilespmem:s20+$0x300]  }
0xb2: {  	v2 =	vld [tilespmem:s16+$0x0];
	_ =	sdelay $0x4  }
0xb3: {  	v4 =	vshrl.u32 v1, $0xA;
	v3 =	vshrl.u32 v2, $0xA  }
0xb4: {  	vm0 =	vgt.u32 v3, v4  }
0xb5: {  	v3 =	vsel vm0, v1, v2  }
0xb6: {  	v62 =	vshrl.u32 v3, $0xA  }
0xb7: {  	v1 =	vsel vm0, v2, v1;
	v2 =	vsub.s32 $0x9, v62  }
0xb8: {  	v5 =	vshrl.u32 v1, $0xA;
	v2 =	vmul.u32 v62, v2  }
0xb9: {  	v5 =	vadd.s32 v0, v5  }
0xba: {  	v4 =	vsub.s32 v5, v62;
	v2 =	vshrl.u32 v2, $0x1  }
0xbb: {  	v63 =	vshll.u32 v1, $0x2;
	v2 =	vadd.s32 v2, v4  }
0xbc: {  	v4 =	vand.u32 $0xC00, v63;
	v2 =	vshll.u32 v2, $0xC  }
0xbd: {  	v3 =	vand.u32 $0x3FF, v3;
	v2 =	vor.u32 v4, v2  }
0xbe: {  	s23 =	sand.u32 $0x600, s14;
	v2 =	vor.u32 v3, v2  }
0xbf: {  	s14 =	sshrl.u32 s23, $0x2;
	v1 =	vand.u32 $0x7F, v1;
	v2 =	vshll.u32 v2, $0x7  }
0xc0: {  	s1 =	sor.u32 s1, s14;
	s14 =	sand.u32 $0x70, s10;
	v1 =	vor.u32 v1, v2  }
0xc1: {  	s16 =	simm.s32 $0x0;
	s18 =	sor.u32 s14, s31;
	[tilespmem:s1+$0x1600] =	vst v1;
	s1 =	simm.s32 $0x10  }
.LBB2_9:
0xc2: {  	p0 =	sne.s32 s1, $0x1F0;
	s20 =	sshra.s32 s10, $0x2;
	v1 =	vld [tilespmem:s18+$0x380]  }
0xc3: {  	v2 =	vld [tilespmem:s20+$0x0];
	_ =	sdelay $0x4  }
0xc4: {  	v4 =	vshrl.u32 v1, $0xA;
	v3 =	vshrl.u32 v2, $0xA  }
0xc5: {  	vm0 =	vgt.u32 v3, v4  }
0xc6: {  	v3 =	vsel vm0, v1, v2  }
0xc7: {  	v4 =	vshrl.u32 v3, $0xA  }
0xc8: {  	v1 =	vsel vm0, v2, v1;
	v2 =	vsub.s32 $0x9, v4  }
0xc9: {  	v5 =	vshrl.u32 v1, $0xA;
	v2 =	vmul.u32 v4, v2  }
0xca: {  	v5 =	vadd.s32 v0, v5  }
0xcb: {  	v4 =	vsub.s32 v5, v4;
	v2 =	vshrl.u32 v2, $0x1  }
0xcc: {  	v2 =	vadd.s32 v2, v4;
	v4 =	vshll.u32 v1, $0x2  }
0xcd: {  	v2 =	vshll.u32 v2, $0xC;
	v4 =	vand.u32 $0xC00, v4  }
.Ltmp3:
0xce: {  	v3 =	vand.u32 $0x3FF, v3;
	v2 =	vor.u32 v4, v2;
	(pc) =	sbr.rel @p0 .LBB2_9-.Ltmp3, $4  }
0xcf: {  	s18 =	sand.u32 $0x600, s10;
	v2 =	vor.u32 v3, v2  }
0xd0: {  	s16 =	sadd.s32 $0x80, s16;
	s18 =	sshrl.u32 s18, $0x2;
	v1 =	vand.u32 $0x7F, v1;
	v2 =	vshll.u32 v2, $0x7  }
0xd1: {  	s20 =	sand.u32 $0xC00, s16;
	s21 =	sor.u32 s14, s18;
	s14 =	sand.u32 $0x70, s1;
	v1 =	vor.u32 v1, v2  }
0xd2: {  	s10 =	sadd.s32 $0x40, s10;
	s1 =	sadd.s32 $0x10, s1;
	s18 =	sor.u32 s14, s20;
	[tilespmem:s21+$0x1800] =	vst v1  }
0xd3: {  	s1 =	sshra.s32 s10, $0x2;
	v1 =	vld [tilespmem:s18+$0x380]  }
0xd4: {  	v2 =	vld [tilespmem:s1+$0x0];
	_ =	sdelay $0x4  }
0xd5: {  	v4 =	vshrl.u32 v1, $0xA;
	v3 =	vshrl.u32 v2, $0xA  }
0xd6: {  	vm0 =	vgt.u32 v3, v4  }
0xd7: {  	v3 =	vsel vm0, v1, v2  }
0xd8: {  	v62 =	vshrl.u32 v3, $0xA  }
0xd9: {  	v1 =	vsel vm0, v2, v1;
	v2 =	vsub.s32 $0x9, v62  }
0xda: {  	v5 =	vshrl.u32 v1, $0xA;
	v2 =	vmul.u32 v62, v2  }
0xdb: {  	v5 =	vadd.s32 v0, v5  }
0xdc: {  	v4 =	vsub.s32 v5, v62;
	v2 =	vshrl.u32 v2, $0x1  }
0xdd: {  	v63 =	vshll.u32 v1, $0x2;
	v2 =	vadd.s32 v2, v4  }
0xde: {  	v4 =	vand.u32 $0xC00, v63;
	v2 =	vshll.u32 v2, $0xC  }
0xdf: {  	v3 =	vand.u32 $0x3FF, v3;
	v2 =	vor.u32 v4, v2  }
0xe0: {  	s23 =	sand.u32 $0x600, s10;
	v2 =	vor.u32 v3, v2  }
0xe1: {  	s10 =	simm.s32 $0x0;
	s18 =	simm.s32 $0x0;
	s16 =	sshrl.u32 s23, $0x2;
	v1 =	vand.u32 $0x7F, v1;
	v2 =	vshll.u32 v2, $0x7  }
0xe2: {  	s1 =	sand.u32 $0x70, s10;
	s31 =	sand.u32 $0xC00, s10;
	s14 =	sor.u32 s14, s16;
	v1 =	vor.u32 v1, v2  }
0xe3: {  	s20 =	sor.u32 s1, s31;
	s16 =	simm.s32 $0x10;
	[tilespmem:s14+$0x1800] =	vst v1;
	s14 =	simm.s32 $0x0  }
.LBB2_11:
0xe4: {  	p0 =	sne.s32 s16, $0x1F0;
	s21 =	sshra.s32 s14, $0x2;
	v1 =	vld [tilespmem:s20+$0x400]  }
0xe5: {  	v2 =	vld [tilespmem:s21+$0x0];
	_ =	sdelay $0x4  }
0xe6: {  	v4 =	vshrl.u32 v1, $0xA;
	v3 =	vshrl.u32 v2, $0xA  }
0xe7: {  	vm0 =	vgt.u32 v3, v4  }
0xe8: {  	v3 =	vsel vm0, v1, v2  }
0xe9: {  	v4 =	vshrl.u32 v3, $0xA  }
0xea: {  	v1 =	vsel vm0, v2, v1;
	v2 =	vsub.s32 $0x9, v4  }
0xeb: {  	v5 =	vshrl.u32 v1, $0xA;
	v2 =	vmul.u32 v4, v2  }
0xec: {  	v5 =	vadd.s32 v0, v5  }
0xed: {  	v4 =	vsub.s32 v5, v4;
	v2 =	vshrl.u32 v2, $0x1  }
0xee: {  	v2 =	vadd.s32 v2, v4;
	v4 =	vshll.u32 v1, $0x2  }
0xef: {  	v2 =	vshll.u32 v2, $0xC;
	v4 =	vand.u32 $0xC00, v4  }
.Ltmp4:
0xf0: {  	v3 =	vand.u32 $0x3FF, v3;
	v2 =	vor.u32 v4, v2;
	(pc) =	sbr.rel @p0 .LBB2_11-.Ltmp4, $4  }
0xf1: {  	s20 =	sand.u32 $0x600, s14;
	v2 =	vor.u32 v3, v2  }
0xf2: {  	s18 =	sadd.s32 $0x80, s18;
	s20 =	sshrl.u32 s20, $0x2;
	v1 =	vand.u32 $0x7F, v1;
	v2 =	vshll.u32 v2, $0x7  }
0xf3: {  	s21 =	sand.u32 $0xC00, s18;
	s23 =	sor.u32 s1, s20;
	s1 =	sand.u32 $0x70, s16;
	v1 =	vor.u32 v1, v2  }
0xf4: {  	s14 =	sadd.s32 $0x40, s14;
	s16 =	sadd.s32 $0x10, s16;
	s20 =	sor.u32 s1, s21;
	[tilespmem:s23+$0x1A00] =	vst v1  }
0xf5: {  	s16 =	sshra.s32 s14, $0x2;
	v1 =	vld [tilespmem:s20+$0x400]  }
0xf6: {  	v2 =	vld [tilespmem:s16+$0x0];
	_ =	sdelay $0x4  }
0xf7: {  	v4 =	vshrl.u32 v1, $0xA;
	v3 =	vshrl.u32 v2, $0xA  }
0xf8: {  	vm0 =	vgt.u32 v3, v4  }
0xf9: {  	v3 =	vsel vm0, v1, v2  }
0xfa: {  	v62 =	vshrl.u32 v3, $0xA  }
0xfb: {  	v1 =	vsel vm0, v2, v1;
	v2 =	vsub.s32 $0x9, v62  }
0xfc: {  	v5 =	vshrl.u32 v1, $0xA;
	v2 =	vmul.u32 v62, v2  }
0xfd: {  	v5 =	vadd.s32 v0, v5  }
0xfe: {  	v4 =	vsub.s32 v5, v62;
	v2 =	vshrl.u32 v2, $0x1  }
0xff: {  	v63 =	vshll.u32 v1, $0x2;
	v2 =	vadd.s32 v2, v4  }
0x100: {  	v4 =	vand.u32 $0xC00, v63;
	v2 =	vshll.u32 v2, $0xC  }
0x101: {  	v3 =	vand.u32 $0x3FF, v3;
	v2 =	vor.u32 v4, v2  }
0x102: {  	s23 =	sand.u32 $0x600, s14;
	v2 =	vor.u32 v3, v2  }
0x103: {  	s14 =	sshrl.u32 s23, $0x2;
	v1 =	vand.u32 $0x7F, v1;
	v2 =	vshll.u32 v2, $0x7  }
0x104: {  	s14 =	sor.u32 s1, s14;
	s1 =	sand.u32 $0x70, s10;
	v1 =	vor.u32 v1, v2  }
0x105: {  	s16 =	simm.s32 $0x0;
	s18 =	sor.u32 s1, s31;
	[tilespmem:s14+$0x1A00] =	vst v1;
	s14 =	simm.s32 $0x10  }
.LBB2_13:
0x106: {  	p0 =	sne.s32 s14, $0x1F0;
	s20 =	sshra.s32 s10, $0x2;
	v1 =	vld [tilespmem:s18+$0x480]  }
0x107: {  	v2 =	vld [tilespmem:s20+$0x0];
	_ =	sdelay $0x4  }
0x108: {  	v4 =	vshrl.u32 v1, $0xA;
	v3 =	vshrl.u32 v2, $0xA  }
0x109: {  	vm0 =	vgt.u32 v3, v4  }
0x10a: {  	v3 =	vsel vm0, v1, v2  }
0x10b: {  	v4 =	vshrl.u32 v3, $0xA  }
0x10c: {  	v1 =	vsel vm0, v2, v1;
	v2 =	vsub.s32 $0x9, v4  }
0x10d: {  	v5 =	vshrl.u32 v1, $0xA;
	v2 =	vmul.u32 v4, v2  }
0x10e: {  	v5 =	vadd.s32 v0, v5  }
0x10f: {  	v4 =	vsub.s32 v5, v4;
	v2 =	vshrl.u32 v2, $0x1  }
0x110: {  	v2 =	vadd.s32 v2, v4;
	v4 =	vshll.u32 v1, $0x2  }
0x111: {  	v2 =	vshll.u32 v2, $0xC;
	v4 =	vand.u32 $0xC00, v4  }
.Ltmp5:
0x112: {  	v3 =	vand.u32 $0x3FF, v3;
	v2 =	vor.u32 v4, v2;
	(pc) =	sbr.rel @p0 .LBB2_13-.Ltmp5, $4  }
0x113: {  	s18 =	sand.u32 $0x600, s10;
	v2 =	vor.u32 v3, v2  }
0x114: {  	s16 =	sadd.s32 $0x80, s16;
	s18 =	sshrl.u32 s18, $0x2;
	v1 =	vand.u32 $0x7F, v1;
	v2 =	vshll.u32 v2, $0x7  }
0x115: {  	s20 =	sand.u32 $0xC00, s16;
	s21 =	sor.u32 s1, s18;
	s1 =	sand.u32 $0x70, s14;
	v1 =	vor.u32 v1, v2  }
0x116: {  	s10 =	sadd.s32 $0x40, s10;
	s14 =	sadd.s32 $0x10, s14;
	s18 =	sor.u32 s1, s20;
	[tilespmem:s21+$0x1C00] =	vst v1  }
0x117: {  	v1 =	vld [tilespmem:s18+$0x480];
	s14 =	sshra.s32 s10, $0x2  }
0x118: {  	v2 =	vld [tilespmem:s14+$0x0];
	_ =	sdelay $0x4  }
0x119: {  	v4 =	vshrl.u32 v1, $0xA;
	v3 =	vshrl.u32 v2, $0xA  }
0x11a: {  	vm0 =	vgt.u32 v3, v4  }
0x11b: {  	v3 =	vsel vm0, v1, v2  }
0x11c: {  	v60 =	vshrl.u32 v3, $0xA  }
0x11d: {  	v1 =	vsel vm0, v2, v1;
	v61 =	vsub.s32 $0x9, v60  }
0x11e: {  	v5 =	vshrl.u32 v1, $0xA;
	v2 =	vmul.u32 v60, v61  }
0x11f: {  	v0 =	vadd.s32 v0, v5  }
0x120: {  	v0 =	vsub.s32 v0, v60;
	v2 =	vshrl.u32 v2, $0x1  }
0x121: {  	v62 =	vshll.u32 v1, $0x2;
	v0 =	vadd.s32 v2, v0  }
0x122: {  	v2 =	vand.u32 $0xC00, v62;
	v0 =	vshll.u32 v0, $0xC  }
0x123: {  	v63 =	vand.u32 $0x3FF, v3;
	v0 =	vor.u32 v2, v0  }
0x124: {  	s20 =	sand.u32 $0x600, s10;
	v0 =	vor.u32 v63, v0  }
0x125: {  	s10 =	sshrl.u32 s20, $0x2;
	v1 =	vand.u32 $0x7F, v1;
	v0 =	vshll.u32 v0, $0x7  }
0x126: {  	s1 =	sor.u32 s1, s10;
	v0 =	vor.u32 v1, v0  }
0x127: {  	s21 =	simm.s32 $0x1200;
	[tilespmem:s1+$0x1C00] =	vst v0  }
0x128: {  	[tilespmem:s0], [sflag:$0x1] =	stream.indirect.gather [hbm4b:s3+s30], $0x1, s21, s30, $0xb8;
	[tilespmem:$0x2E00] =	vst v63  }
0x129: {  	s23 =	simm.s32 $0x1280;
	s31 =	simm.s32 $0x2200  }
0x12a: {  	[tilespmem:s31], [sflag:$0x1] =	stream.indirect.gather [hbm4b:s3+s30], $0x1, s23, s30, $0xb8;
	[tilespmem:$0x2E00] =	vst v63  }
0x12b: {  	s14 =	simm.s32 $0x2600;
	s10 =	simm.s32 $0x1300  }
0x12c: {  	[tilespmem:s14], [sflag:$0x1] =	stream.indirect.gather [hbm4b:s3+s30], $0x1, s10, s30, $0xb8;
	[tilespmem:$0x2E00] =	vst v63  }
0x12d: {  	s16 =	simm.s32 $0x1380;
	s18 =	simm.s32 $0x2A00  }
0x12e: {  	[tilespmem:s18], [sflag:$0x1] =	stream.indirect.gather [hbm4b:s3+s30], $0x1, s16, s30, $0xb8;
	[tilespmem:$0x2E00] =	vst v63  }
0x12f: {  	s20 =	simm.s32 $0x1400;
	s21 =	simm.s32 $0x1E80  }
0x130: {  	[tilespmem:s21], [sflag:$0x1] =	stream.indirect.gather [hbm4b:s3+s30], $0x1, s20, s30, $0xb8;
	[tilespmem:$0x2E00] =	vst v63  }
0x131: {  	s23 =	simm.s32 $0x1480;
	s31 =	simm.s32 $0x2280  }
0x132: {  	[tilespmem:s31], [sflag:$0x1] =	stream.indirect.gather [hbm4b:s3+s30], $0x1, s23, s30, $0xb8;
	[tilespmem:$0x2E00] =	vst v63  }
0x133: {  	s10 =	simm.s32 $0x1500;
	s14 =	simm.s32 $0x2680  }
0x134: {  	[tilespmem:s14], [sflag:$0x1] =	stream.indirect.gather [hbm4b:s3+s30], $0x1, s10, s30, $0xb8;
	[tilespmem:$0x2E00] =	vst v63  }
0x135: {  	s16 =	simm.s32 $0x1580;
	s18 =	simm.s32 $0x2A80  }
0x136: {  	[tilespmem:s18], [sflag:$0x1] =	stream.indirect.gather [hbm4b:s3+s30], $0x1, s16, s30, $0xb8;
	[tilespmem:$0x2E00] =	vst v63  }
0x137: {  	s20 =	simm.s32 $0x1600;
	s21 =	simm.s32 $0x1F00  }
0x138: {  	[tilespmem:s21], [sflag:$0x1] =	stream.indirect.gather [hbm4b:s3+s30], $0x1, s20, s30, $0xb8;
	[tilespmem:$0x2E00] =	vst v63  }
0x139: {  	s23 =	simm.s32 $0x1680;
	s31 =	simm.s32 $0x2300  }
0x13a: {  	[tilespmem:s31], [sflag:$0x1] =	stream.indirect.gather [hbm4b:s3+s30], $0x1, s23, s30, $0xb8;
	[tilespmem:$0x2E00] =	vst v63  }
0x13b: {  	s10 =	simm.s32 $0x1700;
	s14 =	simm.s32 $0x2700  }
0x13c: {  	[tilespmem:s14], [sflag:$0x1] =	stream.indirect.gather [hbm4b:s3+s30], $0x1, s10, s30, $0xb8;
	[tilespmem:$0x2E00] =	vst v63  }
0x13d: {  	s16 =	simm.s32 $0x1780;
	s18 =	simm.s32 $0x2B00  }
0x13e: {  	[tilespmem:s18], [sflag:$0x1] =	stream.indirect.gather [hbm4b:s3+s30], $0x1, s16, s30, $0xb8;
	[tilespmem:$0x2E00] =	vst v63  }
0x13f: {  	s20 =	simm.s32 $0x1800;
	s21 =	simm.s32 $0x1F80  }
0x140: {  	[tilespmem:s21], [sflag:$0x1] =	stream.indirect.gather [hbm4b:s3+s30], $0x1, s20, s30, $0xb8;
	[tilespmem:$0x2E00] =	vst v63  }
0x141: {  	s23 =	simm.s32 $0x1880;
	s31 =	simm.s32 $0x2380  }
0x142: {  	[tilespmem:s31], [sflag:$0x1] =	stream.indirect.gather [hbm4b:s3+s30], $0x1, s23, s30, $0xb8;
	[tilespmem:$0x2E00] =	vst v63  }
0x143: {  	s14 =	simm.s32 $0x1900;
	s16 =	simm.s32 $0x2780  }
0x144: {  	[tilespmem:s16], [sflag:$0x1] =	stream.indirect.gather [hbm4b:s3+s30], $0x1, s14, s30, $0xb8;
	[tilespmem:$0x2E00] =	vst v63  }
0x145: {  	s18 =	simm.s32 $0x1980;
	s20 =	simm.s32 $0x2B80  }
0x146: {  	[tilespmem:s20], [sflag:$0x1] =	stream.indirect.gather [hbm4b:s3+s30], $0x1, s18, s30, $0xb8;
	[tilespmem:$0x2E00] =	vst v63  }
0x147: {  	s21 =	simm.s32 $0x1A00;
	s23 =	simm.s32 $0x2000  }
0x148: {  	[tilespmem:s23], [sflag:$0x1] =	stream.indirect.gather [hbm4b:s3+s30], $0x1, s21, s30, $0xb8;
	[tilespmem:$0x2E00] =	vst v63  }
0x149: {  	_ = 	snop  }
0x14a: {  	[tilespmem:s26], [sflag:$0x1] =	stream.indirect.gather [hbm4b:s3+s30], $0x1, s25, s30, $0xb8;
	[tilespmem:$0x2E00] =	vst v63  }
0x14b: {  	_ = 	snop  }
0x14c: {  	[tilespmem:s29], [sflag:$0x1] =	stream.indirect.gather [hbm4b:s3+s30], $0x1, s28, s30, $0xb8;
	[tilespmem:$0x2E00] =	vst v63  }
0x14d: {  	_ = 	snop  }
0x14e: {  	[tilespmem:s12], [sflag:$0x1] =	stream.indirect.gather [hbm4b:s3+s30], $0x1, s7, s30, $0xb8;
	[tilespmem:$0x2E00] =	vst v63  }
0x14f: {  	_ = 	snop  }
0x150: {  	[tilespmem:s17], [sflag:$0x1] =	stream.indirect.gather [hbm4b:s3+s30], $0x1, s15, s30, $0xb8;
	[tilespmem:$0x2E00] =	vst v63  }
0x151: {  	_ = 	snop  }
0x152: {  	[tilespmem:s22], [sflag:$0x1] =	stream.indirect.gather [hbm4b:s3+s30], $0x1, s19, s30, $0xb8;
	[tilespmem:$0x2E00] =	vst v63  }
0x153: {  	_ = 	snop  }
0x154: {  	[tilespmem:s4], [sflag:$0x1] =	stream.indirect.gather [hbm4b:s3+s30], $0x1, s24, s30, $0xb8;
	[tilespmem:$0x2E00] =	vst v63  }
0x155: {  	_ = 	snop  }
0x156: {  	[tilespmem:s6], [sflag:$0x1] =	stream.indirect.gather [hbm4b:s3+s30], $0x1, s5, s30, $0xb8;
	[tilespmem:$0x2E00] =	vst v63  }
0x157: {  	_ =	swait.ge [sflag:s8], $0x80  }
0x158: {  	[sflag:s8] =	ssyncset.done $0x0  }
0x159: {  	[sflag:s8] =	ssyncadd.s32 $0xFFFFFF80  }
0x15a: {  	_ =	swait.ge [sflag:s8], $0x80  }
0x15b: {  	[sflag:s8] =	ssyncset.done $0x0  }
0x15c: {  	[sflag:s8] =	ssyncadd.s32 $0xFFFFFF80  }
0x15d: {  	_ =	swait.ge [sflag:s8], $0x80  }
0x15e: {  	[sflag:s8] =	ssyncset.done $0x0  }
0x15f: {  	[sflag:s8] =	ssyncadd.s32 $0xFFFFFF80  }
0x160: {  	_ =	swait.ge [sflag:s8], $0x80  }
0x161: {  	[sflag:s8] =	ssyncset.done $0x0  }
0x162: {  	[sflag:s8] =	ssyncadd.s32 $0xFFFFFF80  }
0x163: {  	_ =	swait.ge [sflag:s8], $0x80  }
0x164: {  	[sflag:s8] =	ssyncset.done $0x0  }
0x165: {  	[sflag:s8] =	ssyncadd.s32 $0xFFFFFF80  }
0x166: {  	_ =	swait.ge [sflag:s8], $0x80  }
0x167: {  	[sflag:s8] =	ssyncset.done $0x0  }
0x168: {  	[sflag:s8] =	ssyncadd.s32 $0xFFFFFF80  }
0x169: {  	_ =	swait.ge [sflag:s8], $0x80  }
0x16a: {  	[sflag:s8] =	ssyncset.done $0x0  }
0x16b: {  	[sflag:s8] =	ssyncadd.s32 $0xFFFFFF80  }
0x16c: {  	_ =	swait.ge [sflag:s8], $0x80  }
0x16d: {  	[sflag:s8] =	ssyncset.done $0x0  }
0x16e: {  	[sflag:s8] =	ssyncadd.s32 $0xFFFFFF80  }
0x16f: {  	_ =	swait.ge [sflag:s8], $0x80  }
0x170: {  	[sflag:s8] =	ssyncset.done $0x0  }
0x171: {  	[sflag:s8] =	ssyncadd.s32 $0xFFFFFF80  }
0x172: {  	_ =	swait.ge [sflag:s8], $0x80  }
0x173: {  	[sflag:s8] =	ssyncset.done $0x0  }
0x174: {  	[sflag:s8] =	ssyncadd.s32 $0xFFFFFF80  }
0x175: {  	_ =	swait.ge [sflag:s8], $0x80  }
0x176: {  	[sflag:s8] =	ssyncset.done $0x0  }
0x177: {  	[sflag:s8] =	ssyncadd.s32 $0xFFFFFF80  }
0x178: {  	_ =	swait.ge [sflag:s8], $0x80  }
0x179: {  	[sflag:s8] =	ssyncset.done $0x0  }
0x17a: {  	[sflag:s8] =	ssyncadd.s32 $0xFFFFFF80  }
0x17b: {  	_ =	swait.ge [sflag:s8], $0x80  }
0x17c: {  	[sflag:s8] =	ssyncset.done $0x0  }
0x17d: {  	[sflag:s8] =	ssyncadd.s32 $0xFFFFFF80  }
0x17e: {  	_ =	swait.ge [sflag:s8], $0x80  }
0x17f: {  	[sflag:s8] =	ssyncset.done $0x0  }
0x180: {  	[sflag:s8] =	ssyncadd.s32 $0xFFFFFF80  }
0x181: {  	_ =	swait.ge [sflag:s8], $0x80  }
0x182: {  	[sflag:s8] =	ssyncset.done $0x0  }
0x183: {  	[sflag:s8] =	ssyncadd.s32 $0xFFFFFF80  }
0x184: {  	_ =	swait.ge [sflag:s8], $0x80  }
0x185: {  	[sflag:s8] =	ssyncset.done $0x0  }
0x186: {  	[sflag:s8] =	ssyncadd.s32 $0xFFFFFF80  }
0x187: {  	_ =	swait.ge [sflag:s8], $0x80  }
0x188: {  	[sflag:s8] =	ssyncset.done $0x0  }
0x189: {  	[sflag:s8] =	ssyncadd.s32 $0xFFFFFF80  }
0x18a: {  	_ =	swait.ge [sflag:s8], $0x80  }
0x18b: {  	[sflag:s8] =	ssyncset.done $0x0  }
0x18c: {  	[sflag:s8] =	ssyncadd.s32 $0xFFFFFF80  }
0x18d: {  	_ =	swait.ge [sflag:s8], $0x80  }
0x18e: {  	[sflag:s8] =	ssyncset.done $0x0  }
0x18f: {  	[sflag:s8] =	ssyncadd.s32 $0xFFFFFF80  }
0x190: {  	_ =	swait.ge [sflag:s8], $0x80  }
0x191: {  	[sflag:s8] =	ssyncset.done $0x0  }
0x192: {  	[sflag:s8] =	ssyncadd.s32 $0xFFFFFF80  }
0x193: {  	_ =	swait.ge [sflag:s8], $0x80  }
0x194: {  	[sflag:s8] =	ssyncset.done $0x0  }
0x195: {  	[sflag:s8] =	ssyncadd.s32 $0xFFFFFF80  }
0x196: {  	_ =	swait.ge [sflag:s8], $0x80  }
0x197: {  	[sflag:s8] =	ssyncset.done $0x0  }
0x198: {  	[sflag:s8] =	ssyncadd.s32 $0xFFFFFF80  }
0x199: {  	_ =	swait.ge [sflag:s8], $0x80  }
0x19a: {  	[sflag:s8] =	ssyncset.done $0x0  }
0x19b: {  	[sflag:s8] =	ssyncadd.s32 $0xFFFFFF80  }
0x19c: {  	s31 =	sshll.u32 s9, $0xE;
	s9 =	sadd.s32 $0x1, s9;
	_ =	swait.ge [sflag:s8], $0x80  }
0x19d: {  	p0 =	sne.s32 s9, $0x6;
	[sflag:s8] =	ssyncset.done $0x0  }
.Ltmp6:
0x19e: {  	s1 =	sadd.s32 s31, s11;
	[sflag:s8] =	ssyncadd.s32 $0xFFFFFF80;
	(pc) =	sbr.rel @p0 .LBB2_2-.Ltmp6, $4  }
0x19f: {  	[hbm4b:s1+s2] =	stream.linear.scatter [tilespmem:s0], [sflag:$0x2], $0x1000, $0x38;
	[tilespmem:$0x2E00] =	vst v63  }
0x1a0: {  	_ =	swait.ge [sflag:s13], $0x1000  }
0x1a1: {  	[sflag:s13] =	ssyncset.done $0x0  }
0x1a2: {  	[sflag:s13] =	ssyncadd.s32 $0xFFFFF000  }
0x1a3: {  	s9 =	rddreg [dreg:$0x10]  }
0x1a4: {  	s1 =	rddreg [dreg:$0xa];
	s9 =	sadd.s32 $0x1, s9  }
0x1a5: {  	p0 =	sne.s32 s9, s1  }
.Ltmp7:
0x1a6: {  	_ = 	snop;
	(pc) =	sbr.rel @p0 .LBB2_1-.Ltmp7, $1  }
0x1a7: {  	_ =	sdelay $0x3  }
0x1a8: {  	_ =	sfence.sel $0x180000  }
0x1a9: {  	[bflag:$0x0] =	sbarrier.arrive $0xFFFF  }
0x1aa: {  	_ =	strace $0x90000047  }
0x1ab: {  	s0 =	stileid.u32;
	[bflag:$0x2] =	sbarrier.arrive $0xFFFF  }
0x1ac: {  	p0 =	sne.s32 s0, $0x0;
	s0 =	rddreg [dreg:$0x2]  }
0x1ad: {  	s0 =	sadd.s32 @!p0 $0x100000, s0  }
0x1ae: {  	[sflag:s0] =	ssyncadd.tile.s32 @!p0 $0x1;
	_ =	shalt  }
.Lfunc_end2:
_tile_overlayer_lowered:
.L_overlay_start_2:
0x1af: {  	(tag) =	ssettag $0x2  }
0x1b0: {  	s0 =	rddreg [dreg:$0x0];
	s2 =	stileid.u32  }
0x1b1: {  	s1 =	rddreg [dreg:$0x1];
	p0 =	sne.s32 s2, $0x0  }
0x1b2: {  	s3 =	rddreg [dreg:$0x2];
	[bflag:$0x3] =	sbarrier.arrive $0xFFFF;
	s2 =	simm.s32 @!p0 $0x1C02  }
0x1b3: {  	[timem:s3], [sflag:s2] =	dma.local @!p0 [hbm:s0], s1  }
0x1b4: {  	s0 =	simm.s32 @!p0 $0x2  }
0x1b5: {  	_ =	swait.ge @!p0 [sflag:s0], s1  }
0x1b6: {  	s1 =	ssub.s32 @!p0 $0x0, s1;
	[sflag:s0] =	ssyncset.done @!p0 $0x0  }
0x1b7: {  	[sflag:s0] =	ssyncadd.s32 @!p0 s1  }
0x1b8: {  	[bflag:$0x3] =	sbarrier.arrive $0xFFFF  }
0x1b9: {  	_ =	shalt  }

// kernel: kernel.9.cloned.1.call-start
scs
__scs_entry_jumppad:
0x0: {  	(pc) =	sbr.rel $0x88, $3  }
0x1: {  	(tag) =	ssettag $0x0;
	lr =	simm.s32 $0x1  }
0x2: {  	[smem:$0x3F9D] =	sst lr;
	_ =	strace $0xD0000000  }
0x3: {  	_ = 	snop  }
0x4: {  	_ = 	snop  }
0x5: {  	_ = 	snop  }
0x6: {  	_ = 	snop  }
0x7: {  	_ = 	snop  }
__scs_overlays_trampoline_lowered:
0x8: {  	[smem:$0x3FAC] =	sst s0  }
0x9: {  	[smem:$0x3FAD] =	sst s1  }
0xa: {  	[smem:$0x3FAE] =	sst s2  }
0xb: {  	[smem:$0x3FAF] =	sst s3  }
0xc: {  	[smem:$0x3FB0] =	sst s4  }
0xd: {  	[smem:$0x3FB1] =	sst s5  }
0xe: {  	[smem:$0x3FB2] =	sst s6  }
0xf: {  	[smem:$0x3FB3] =	sst s7  }
0x10: {  	[smem:$0x3FB4] =	sst s8  }
0x11: {  	[smem:$0x3FB5] =	sst s9;
	s0 =	simm.s32 @!p0 $0x0  }
0x12: {  	s1 =	sld [smem:$0x3F9B];
	s0 =	simm.s32 @p0 $0x1  }
0x13: {  	[smem:$0x3FB6] =	sst s0;
	s0 =	simm.s32 @!p1 $0x0  }
0x14: {  	s2 =	sld [smem:$0x3F9A];
	s0 =	simm.s32 @p1 $0x1  }
0x15: {  	[smem:$0x3FB7] =	sst s0;
	s0 =	simm.s32 @!p2 $0x0  }
0x16: {  	s3 =	sld [smem:$0x3FDB];
	s0 =	simm.s32 @p2 $0x1  }
0x17: {  	s4 =	simm.s32 $0x1BF5;
	[smem:$0x3FB9] =	sst s0  }
0x18: {  	s0 =	sld [smem:$0x3F9C];
	_ =	swait.ge [sflag:s4], $0x0  }
0x19: {  	s7 =	sld [smem:$0x3F9D]  }
0x1a: {  	s8 =	sadd.s32 $0xFFFFE003, lr  }
0x1b: {  	s9 =	sadd.s32 $0xFFFFFEF7, lr;
	s5 =	simm.s32 $0xFFFFFFFF;
	p2 =	slt.u32 s8, $0xFFFFF086  }
0x1c: {  	p1 =	slt.u32 s9, $0xF7A;
	s5 =	simm.s32 @!p2 $0x0  }
0x1d: {  	s5 =	simm.s32 @p1 $0x1;
	p0 =	seq.s32 s7, s2  }
0x1e: {  	s7 =	smul.u32 @!p0 $0xF7A, s2;
	p2 =	seq.s32 @!p0 s5, $0x0  }
0x1f: {  	s9 =	smul.u32 $0xF7A, s1;
	s8 =	simm.s32 @!p0 $0x1BF5;
	p2 =	por !p2, p0  }
0x20: {  	[sflag:s8] =	ssyncset.s32 @!p0 $0xFFFFF086;
	s6 =	sadd.s32 @!p0 s3, s7;
	s7 =	simm.s32 @!p0 $0x108  }
0x21: {  	s3 =	sadd.s32 s3, s9;
	s6 =	sadd.s32 @!p0 $0x88, s6;
	s7 =	simm.s32 @p2 $0x1082  }
0x22: {  	[simem:s7], [sflag:s8] =	dma.local @!p0 [hbm:s6], $0xF7A  }
0x23: {  	s9 =	sor.u32 $0xD0000000, s2;
	s6 =	simm.s32 $0x108;
	_ =	swait.ge @!p0 [sflag:s8], $0x0  }
0x24: {  	s3 =	sadd.s32 $0x88, s3;
	s6 =	simm.s32 @!p1 $0x1082;
	[sflag:s4] =	ssyncset.s32 $0xFFFFF086  }
0x25: {  	[simem:s6], [sflag:s4] =	dma.local [hbm:s3], $0xF7A  }
0x26: {  	[smem:$0x3F9D] =	sst s1;
	(tag) =	ssettag s2;
	_ =	strace s9  }
0x27: {  	s1 =	sld [smem:$0x3FAD]  }
0x28: {  	s2 =	sld [smem:$0x3FAE]  }
0x29: {  	s4 =	sld [smem:$0x3FB0]  }
0x2a: {  	p0 =	seq.s32 s5, $0x0;
	s5 =	sld [smem:$0x3FB1]  }
0x2b: {  	s6 =	sld [smem:$0x3FB2]  }
0x2c: {  	s7 =	sld [smem:$0x3FB3]  }
0x2d: {  	s3 =	simm.s32 $0x108;
	s8 =	sld [smem:$0x3FB4]  }
0x2e: {  	s3 =	simm.s32 @!p0 $0x1082;
	s9 =	sld [smem:$0x3FB5]  }
0x2f: {  	lr =	sadd.s32 s0, s3;
	s0 =	sld [smem:$0x3FAC]  }
0x30: {  	s3 =	sld [smem:$0x3FAF]  }
0x31: {  	[smem:$0x3FB8] =	sst s10  }
0x32: {  	s10 =	sld [smem:$0x3FB6];
	_ =	sdelay $0x3  }
0x33: {  	p0 =	seq.s32 s10, $0x1;
	s10 =	sld [smem:$0x3FB8];
	_ =	sdelay $0x3  }
0x34: {  	[smem:$0x3FB8] =	sst s10  }
0x35: {  	s10 =	sld [smem:$0x3FB7];
	_ =	sdelay $0x3  }
0x36: {  	p1 =	seq.s32 s10, $0x1;
	s10 =	sld [smem:$0x3FB8];
	_ =	sdelay $0x3  }
0x37: {  	[smem:$0x3FB8] =	sst s10  }
0x38: {  	s10 =	sld [smem:$0x3FB9]  }
0x39: {  	_ = 	snop;
	(pc) =	sbr.ind lr, $3  }
0x3a: {  	_ = 	snop  }
0x3b: {  	_ = 	snop  }
0x3c: {  	p2 =	seq.s32 s10, $0x1;
	s10 =	sld [smem:$0x3FB8]  }
0x3d: {  	_ =	shalt  }
0x3e: {  	_ =	shalt  }
0x3f: {  	_ =	shalt  }
0x40: {  	_ =	shalt  }
0x41: {  	_ =	shalt  }
0x42: {  	_ =	shalt  }
0x43: {  	_ =	shalt  }
0x44: {  	_ =	shalt  }
0x45: {  	_ =	shalt  }
0x46: {  	_ =	shalt  }
0x47: {  	_ =	shalt  }
0x48: {  	_ =	shalt  }
0x49: {  	_ =	shalt  }
0x4a: {  	_ =	shalt  }
0x4b: {  	_ =	shalt  }
0x4c: {  	_ =	shalt  }
0x4d: {  	_ =	shalt  }
0x4e: {  	_ =	shalt  }
0x4f: {  	_ =	shalt  }
0x50: {  	_ =	shalt  }
0x51: {  	_ =	shalt  }
0x52: {  	_ =	shalt  }
0x53: {  	_ =	shalt  }
0x54: {  	_ =	shalt  }
0x55: {  	_ =	shalt  }
0x56: {  	_ =	shalt  }
0x57: {  	_ =	shalt  }
0x58: {  	_ =	shalt  }
0x59: {  	_ =	shalt  }
0x5a: {  	_ =	shalt  }
0x5b: {  	_ =	shalt  }
0x5c: {  	_ =	shalt  }
0x5d: {  	_ =	shalt  }
0x5e: {  	_ =	shalt  }
0x5f: {  	_ =	shalt  }
0x60: {  	_ =	shalt  }
0x61: {  	_ =	shalt  }
0x62: {  	_ =	shalt  }
0x63: {  	_ =	shalt  }
0x64: {  	_ =	shalt  }
0x65: {  	_ =	shalt  }
0x66: {  	_ =	shalt  }
0x67: {  	_ =	shalt  }
0x68: {  	_ =	shalt  }
0x69: {  	_ =	shalt  }
0x6a: {  	_ =	shalt  }
0x6b: {  	_ =	shalt  }
0x6c: {  	_ =	shalt  }
0x6d: {  	_ =	shalt  }
0x6e: {  	_ =	shalt  }
0x6f: {  	_ =	shalt  }
0x70: {  	_ =	shalt  }
0x71: {  	_ =	shalt  }
0x72: {  	_ =	shalt  }
0x73: {  	_ =	shalt  }
0x74: {  	_ =	shalt  }
0x75: {  	_ =	shalt  }
0x76: {  	_ =	shalt  }
0x77: {  	_ =	shalt  }
0x78: {  	_ =	shalt  }
0x79: {  	_ =	shalt  }
0x7a: {  	_ =	shalt  }
0x7b: {  	_ =	shalt  }
0x7c: {  	_ =	shalt  }
0x7d: {  	_ =	shalt  }
0x7e: {  	_ =	shalt  }
0x7f: {  	_ =	shalt  }
0x80: {  	_ =	shalt  }
0x81: {  	_ =	shalt  }
0x82: {  	_ =	shalt  }
0x83: {  	_ =	shalt  }
0x84: {  	_ =	shalt  }
0x85: {  	_ =	shalt  }
0x86: {  	_ =	shalt  }
0x87: {  	_ =	shalt  }
.Lfunc_end0:
.L_simem_size_0:
called_computation_lowered:
.L_overlay_start_0:
0x88: {  	s2 =	sld [smem:$0x3FD9]  }
0x89: {  	s3 =	sld [smem:$0x3FFE];
	_ =	sdelay $0x1  }
0x8a: {  	s1 =	srdreg.scid  }
0x8b: {  	s0 =	sand.u32 $0x1, s1  }
0x8c: {  	s17 =	sshll.u32 s0, $0xA;
	s2 =	sadd.s32 s3, s2  }
0x8d: {  	s2 =	sadd.s32 s2, s17  }
0x8e: {  	[smem:$0x3FC4] =	sst s2  }
0x8f: {  	_ = 	snop  }
0x90: {  	s18 =	sld [smem:$0x3FC8];
	(tm) =	ssettm $0x1  }
0x91: {  	s19 =	sld [smem:$0x3FFB];
	_ =	sdelay $0x3  }
0x92: {  	_ =	strace s19  }
0x93: {  	s2 =	sld [smem:$0x3FFC];
	_ =	sdelay $0x3  }
0x94: {  	_ =	strace s2  }
0x95: {  	s2 =	sld [smem:$0x3FFD];
	_ =	sdelay $0x3  }
0x96: {  	_ =	strace s2  }
0x97: {  	_ =	strace $0x8FFFFFFF  }
0x98: {  	s20 =	sld [smem:$0x3FDB];
	_ =	sdelay $0x1  }
0x99: {  	s4 =	simm.s32 $_scs_section_size  }
0x9a: {  	s5 =	simm.s32 $_size__tile_overlayer_lowered;
	s6 =	simm.s32 $_tile_overlayer_lowered  }
0x9b: {  	s7 =	simm.s32 $0x1BFF;
	s21 =	sshll.u32 s6, $0x1;
	s4 =	sadd.s32 s4, s20  }
0x9c: {  	s22 =	simm.s32 $0x0;
	s5 =	sshll.u32 s5, $0x1;
	s6 =	sadd.s32 s21, s4  }
0x9d: {  	[timem:s22], [sflag:s7] =	dma.local [hbm:s6], s5  }
0x9e: {  	_ =	swait.ge [sflag:s7], s5  }
0x9f: {  	s5 =	ssub.s32 $0x0, s5;
	[sflag:s7] =	ssyncset.done $0x0  }
0xa0: {  	[sflag:s7] =	ssyncadd.s32 s5;
	_ =	sdelay $0x1  }
0xa1: {  	s23 =	simm.s32 $0x1B8B  }
0xa2: {  	_ =	swait.ge [sflag:s23], $0x1  }
0xa3: {  	[sflag:s23] =	ssyncset.done $0x0  }
0xa4: {  	[sflag:s23] =	ssyncadd.s32 $0xFFFFFFFF  }
0xa5: {  	s5 =	sld [smem:$0x0]  }
0xa6: {  	s6 =	sand.u32 $0xFFFFFFFE, s1  }
0xa7: {  	p0 =	sne.s32 s1, s6  }
0xa8: {  	s6 =	sshll.u32 @p0 s6, $0xE  }
0xa9: {  	s6 =	sadd.s32 @p0 $0x11B8D, s6;
	s7 =	sshll.u32 @p0 s5, $0x11  }
0xaa: {  	s6 =	sor.u32 @p0 s7, s6  }
0xab: {  	[sflag:s6] =	ssyncadd.remote.s32 @p0 $0x1;
	_ =	sdelay $0x1  }
0xac: {  	s6 =	simm.s32 @p0 $0x1B8D  }
0xad: {  	_ =	swait.eq @p0 [sflag:s6], $0x1  }
0xae: {  	[sflag:s6] =	ssyncadd.s32 @p0 $0xFFFFFFFF  }
0xaf: {  	s7 =	sshll.u32 @!p0 s1, $0xE  }
0xb0: {  	s7 =	sor.u32 @!p0 $0x4000, s7;
	s6 =	simm.s32 @!p0 $0x1B8D  }
0xb1: {  	s5 =	sshll.u32 @!p0 s5, $0x11;
	s7 =	sadd.s32 @!p0 $0x11B8D, s7;
	_ =	swait.eq @!p0 [sflag:s6], $0x1  }
0xb2: {  	s5 =	sor.u32 @!p0 s5, s7;
	[sflag:s6] =	ssyncadd.s32 @!p0 $0xFFFFFFFF  }
0xb3: {  	s25 =	simm.s32 $0x1B8E;
	s24 =	sld [smem:$0x3FFE];
	[sflag:s5] =	ssyncadd.remote.s32 @!p0 $0x1  }
0xb4: {  	s26 =	simm.s32 $execute0_lowered;
	[smem:$0x3FD2] =	sst s25  }
0xb5: {  	s6 =	sshll.u32 s26, $0x1;
	_ =	strace $0x80000049;
	[dreg:$0x1] =	wrdreg $0xFFFFFFFF  }
0xb6: {  	s28 =	simm.s32 $_size_execute0_lowered;
	s4 =	sadd.s32 s4, s6;
	[dreg:$0x0] =	wrdreg $0x0  }
0xb7: {  	s6 =	sshll.u32 s28, $0x1;
	[dreg:$0x2] =	wrdreg s4  }
0xb8: {  	[dreg:$0x3] =	wrdreg s6  }
0xb9: {  	[dreg:$0x4] =	wrdreg $0xC0  }
0xba: {  	_ =	task [dreg:s22], $0x5FFFF  }
0xbb: {  	[dreg:$0x1] =	wrdreg $0xFFFFFFFF  }
0xbc: {  	[dreg:$0x0] =	wrdreg $0x60  }
0xbd: {  	[dreg:$0x2] =	wrdreg s24  }
0xbe: {  	[dreg:$0x3] =	wrdreg s18  }
0xbf: {  	[dreg:$0x4] =	wrdreg $0x9  }
0xc0: {  	_ =	task.clear_ibuf [dreg:s22], $0x5FFFF;
	_ =	strace $0x90000049  }
0xc1: {  	s29 =	simm.s32 $0x9;
	_ =	strace $0x8000004B  }
0xc2: {  	_ =	swait.ge [sflag:s29], $0x1  }
0xc3: {  	[sflag:s29] =	ssyncadd.s32 $0xFFFFFFFF  }
0xc4: {  	_ =	strace $0x9000004B  }
0xc5: {  	_ =	sfence  }
0xc6: {  	s30 =	sld [smem:$0x0];
	_ =	sdelay $0x2  }
0xc7: {  	s31 =	sshll.u32 s1, $0xD;
	s1 =	sshrl.u32 s1, $0x2  }
0xc8: {  	s4 =	sand.u32 $0x4000, s31;
	s1 =	sadd.s32 s1, s30  }
0xc9: {  	s0 =	sor.u32 s4, s0;
	s1 =	sshll.u32 s1, $0x11  }
0xca: {  	s0 =	sor.u32 s1, s0  }
0xcb: {  	s0 =	sadd.s32 $0x8F2B, s0  }
0xcc: {  	[sflag:s0] =	ssyncadd.remote.s32 $0x1  }
0xcd: {  	_ =	sfence.sel $0xFFFF  }
0xce: {  	[dreg:$0x0] =	wrdreg $0xFFFFFFFF;
	(pc) =	sbr.abs _section_cstart, $3  }
0xcf: {  	[dreg:$0x1] =	wrdreg $0xFFFFFFFF  }
0xd0: {  	_ =	task.clear_ibuf [dreg:s22], $0x2FFFF;
	_ =	strace $0x9FFFFFFF  }
0xd1: {  	(tm) =	ssettm $0x7FFFFFFF  }
tec
execute0_lowered:
.L_overlay_start_1:
0x0: {  	(tag) =	ssettag $0x1  }
0x1: {  	s0 =	rddreg [dreg:$0x0]  }
0x2: {  	s1 =	rddreg [dreg:$0x1];
	s2 =	srdreg.scid  }
0x3: {  	s4 =	stileid.u32;
	s13 =	simm.s32 $0x2;
	s30 =	simm.s32 $0x80  }
0x4: {  	s28 =	simm.s32 $0x1B00;
	s29 =	simm.s32 $0x2800;
	s3 =	sand.u32 $0x1, s2  }
0x5: {  	s12 =	simm.s32 $0x2C00;
	s4 =	sshll.u32 s4, $0xA;
	s5 =	sshll.u32 s3, $0x9  }
0x6: {  	s15 =	simm.s32 $0x1C00;
	s2 =	simm.s32 $0x0;
	s4 =	sor.u32 s5, s4  }
0x7: {  	s9 =	simm.s32 $0x0;
	[smem:$0x7FF] =	sst s2;
	s6 =	sadd.s32 s4, s0  }
0x8: {  	s16 =	ssub.s32 $0x2, s3;
	s4 =	sshrl.u32 s4, $0x3;
	s8 =	sadd.s32 $0x601420, s6  }
0x9: {  	_ =	strace $0x8000004A;
	s1 =	sadd.s32 s1, s4;
	[dreg:$0x5] =	wrdreg s8  }
0xa: {  	s3 =	sadd.s32 $0x61D400, s0;
	s20 =	sadd.s32 $0x601430, s6;
	[dreg:$0x6] =	wrdreg s1  }
0xb: {  	s7 =	sshrl.u32 s16, $0x1;
	s21 =	sadd.s32 $0x601440, s6;
	[dreg:$0x7] =	wrdreg s20  }
0xc: {  	s17 =	ssub.s32 s16, s7;
	s22 =	sadd.s32 $0x601450, s6;
	[dreg:$0x8] =	wrdreg s21  }
0xd: {  	s5 =	simm.s32 $0x1D80;
	s0 =	smax.u32 s17, $0x1;
	[dreg:$0x9] =	wrdreg s22  }
0xe: {  	s7 =	simm.s32 $0x1B80;
	s18 =	sadd.s32 $0x601400, s6;
	[dreg:$0xa] =	wrdreg s0  }
0xf: {  	s19 =	sadd.s32 $0x601410, s6;
	s11 =	sadd.s32 $0x1400, s6;
	[dreg:$0x3] =	wrdreg s18  }
0x10: {  	s17 =	simm.s32 $0x2080;
	s23 =	sadd.s32 $0x80, s18;
	[dreg:$0x4] =	wrdreg s19  }
0x11: {  	s4 =	simm.s32 $0x2880;
	s24 =	sadd.s32 $0x100, s18;
	[dreg:$0xb] =	wrdreg s23  }
0x12: {  	s6 =	simm.s32 $0x2C80;
	s25 =	sadd.s32 $0x180, s18;
	[dreg:$0xc] =	wrdreg s24  }
0x13: {  	s26 =	sadd.s32 $0x80, s19;
	s31 =	sadd.s32 $0x100, s19;
	[dreg:$0xd] =	wrdreg s25  }
0x14: {  	s0 =	simm.s32 $0x1E00;
	s19 =	simm.s32 $0x1C80;
	[dreg:$0xe] =	wrdreg s26  }
0x15: {  	s22 =	simm.s32 $0x2480;
	s8 =	simm.s32 $0x1;
	[dreg:$0xf] =	wrdreg s31  }
0x16: {  	s25 =	simm.s32 $0x1A80;
	s26 =	simm.s32 $0x2400;
	s24 =	simm.s32 $0x1D00  }
.LBB2_1:
0x17: {  	[dreg:$0x10] =	wrdreg s9  }
0x18: {  	s1 =	rddreg [dreg:$0x6]  }
0x19: {  	[tilespmem:s2], [sflag:$0x2] =	stream.linear.gather [hbm4b:s1+s2], $0x200, $0x38;
	[tilespmem:$0x2E00] =	vst v63  }
0x1a: {  	_ =	swait.ge [sflag:s13], $0x200  }
0x1b: {  	[sflag:s13] =	ssyncset.done $0x0  }
0x1c: {  	s18 =	simm.s32 $0x200;
	s16 =	rddreg [dreg:$0x3];
	[sflag:s13] =	ssyncadd.s32 $0xFFFFFE00  }
0x1d: {  	[tilespmem:s18], [sflag:$0x2] =	stream.linear.gather [hbm4b:s16+s2], $0x80, $0x38;
	[tilespmem:$0x2E00] =	vst v63  }
0x1e: {  	s21 =	simm.s32 $0x600;
	s20 =	rddreg [dreg:$0xb]  }
0x1f: {  	[tilespmem:s21], [sflag:$0x2] =	stream.linear.gather [hbm4b:s20+s2], $0x80, $0x38;
	[tilespmem:$0x2E00] =	vst v63  }
0x20: {  	s31 =	simm.s32 $0xA00;
	s23 =	rddreg [dreg:$0xc]  }
0x21: {  	[tilespmem:s31], [sflag:$0x2] =	stream.linear.gather [hbm4b:s23+s2], $0x80, $0x38;
	[tilespmem:$0x2E00] =	vst v63  }
0x22: {  	s10 =	simm.s32 $0xE00;
	s9 =	rddreg [dreg:$0xd]  }
0x23: {  	[tilespmem:s10], [sflag:$0x2] =	stream.linear.gather [hbm4b:s9+s2], $0x80, $0x38;
	[tilespmem:$0x2E00] =	vst v63  }
0x24: {  	_ =	swait.ge [sflag:s13], $0x200  }
0x25: {  	[sflag:s13] =	ssyncset.done $0x0  }
0x26: {  	s16 =	simm.s32 $0x280;
	s14 =	rddreg [dreg:$0x4];
	[sflag:s13] =	ssyncadd.s32 $0xFFFFFE00  }
0x27: {  	[tilespmem:s16], [sflag:$0x2] =	stream.linear.gather [hbm4b:s14+s2], $0x80, $0x38;
	[tilespmem:$0x2E00] =	vst v63  }
0x28: {  	s10 =	simm.s32 $0x680;
	s18 =	rddreg [dreg:$0xe]  }
0x29: {  	[tilespmem:s10], [sflag:$0x2] =	stream.linear.gather [hbm4b:s18+s2], $0x80, $0x38;
	[tilespmem:$0x2E00] =	vst v63  }
0x2a: {  	s21 =	simm.s32 $0xA80;
	s20 =	rddreg [dreg:$0xf]  }
0x2b: {  	[tilespmem:s21], [sflag:$0x2] =	stream.linear.gather [hbm4b:s20+s2], $0x80, $0x38;
	[tilespmem:$0x2E00] =	vst v63  }
0x2c: {  	s23 =	simm.s32 $0xE80;
	s1 =	sadd.s32 $0x180, s14  }
0x2d: {  	[tilespmem:s23], [sflag:$0x2] =	stream.linear.gather [hbm4b:s1+s2], $0x80, $0x38;
	[tilespmem:$0x2E00] =	vst v63  }
0x2e: {  	_ =	swait.ge [sflag:s13], $0x200  }
0x2f: {  	[sflag:s13] =	ssyncset.done $0x0  }
0x30: {  	s10 =	simm.s32 $0x300;
	s31 =	rddreg [dreg:$0x5];
	[sflag:s13] =	ssyncadd.s32 $0xFFFFFE00  }
0x31: {  	[tilespmem:s10], [sflag:$0x2] =	stream.linear.gather [hbm4b:s31+s2], $0x80, $0x38;
	[tilespmem:$0x2E00] =	vst v63  }
0x32: {  	s16 =	simm.s32 $0x700;
	s14 =	sadd.s32 $0x80, s31  }
0x33: {  	[tilespmem:s16], [sflag:$0x2] =	stream.linear.gather [hbm4b:s14+s2], $0x80, $0x38;
	[tilespmem:$0x2E00] =	vst v63  }
0x34: {  	s20 =	simm.s32 $0xB00;
	s18 =	sadd.s32 $0x100, s31  }
0x35: {  	[tilespmem:s20], [sflag:$0x2] =	stream.linear.gather [hbm4b:s18+s2], $0x80, $0x38;
	[tilespmem:$0x2E00] =	vst v63  }
0x36: {  	s23 =	simm.s32 $0xF00;
	s21 =	sadd.s32 $0x180, s31  }
0x37: {  	[tilespmem:s23], [sflag:$0x2] =	stream.linear.gather [hbm4b:s21+s2], $0x80, $0x38;
	[tilespmem:$0x2E00] =	vst v63  }
0x38: {  	_ =	swait.ge [sflag:s13], $0x200  }
0x39: {  	[sflag:s13] =	ssyncset.done $0x0  }
0x3a: {  	s10 =	simm.s32 $0x380;
	s31 =	rddreg [dreg:$0x7];
	[sflag:s13] =	ssyncadd.s32 $0xFFFFFE00  }
0x3b: {  	[tilespmem:s10], [sflag:$0x2] =	stream.linear.gather [hbm4b:s31+s2], $0x80, $0x38;
	[tilespmem:$0x2E00] =	vst v63  }
0x3c: {  	s16 =	simm.s32 $0x780;
	s14 =	sadd.s32 $0x80, s31  }
0x3d: {  	[tilespmem:s16], [sflag:$0x2] =	stream.linear.gather [hbm4b:s14+s2], $0x80, $0x38;
	[tilespmem:$0x2E00] =	vst v63  }
0x3e: {  	s20 =	simm.s32 $0xB80;
	s18 =	sadd.s32 $0x100, s31  }
0x3f: {  	[tilespmem:s20], [sflag:$0x2] =	stream.linear.gather [hbm4b:s18+s2], $0x80, $0x38;
	[tilespmem:$0x2E00] =	vst v63  }
0x40: {  	s23 =	simm.s32 $0xF80;
	s21 =	sadd.s32 $0x180, s31  }
0x41: {  	[tilespmem:s23], [sflag:$0x2] =	stream.linear.gather [hbm4b:s21+s2], $0x80, $0x38;
	[tilespmem:$0x2E00] =	vst v63  }
0x42: {  	_ =	swait.ge [sflag:s13], $0x200  }
0x43: {  	[sflag:s13] =	ssyncset.done $0x0  }
0x44: {  	s10 =	simm.s32 $0x400;
	s31 =	rddreg [dreg:$0x8];
	[sflag:s13] =	ssyncadd.s32 $0xFFFFFE00  }
0x45: {  	[tilespmem:s10], [sflag:$0x2] =	stream.linear.gather [hbm4b:s31+s2], $0x80, $0x38;
	[tilespmem:$0x2E00] =	vst v63  }
0x46: {  	s16 =	simm.s32 $0x800;
	s14 =	sadd.s32 $0x80, s31  }
0x47: {  	[tilespmem:s16], [sflag:$0x2] =	stream.linear.gather [hbm4b:s14+s2], $0x80, $0x38;
	[tilespmem:$0x2E00] =	vst v63  }
0x48: {  	s20 =	simm.s32 $0xC00;
	s18 =	sadd.s32 $0x100, s31  }
0x49: {  	[tilespmem:s20], [sflag:$0x2] =	stream.linear.gather [hbm4b:s18+s2], $0x80, $0x38;
	[tilespmem:$0x2E00] =	vst v63  }
0x4a: {  	s23 =	simm.s32 $0x1000;
	s21 =	sadd.s32 $0x180, s31  }
0x4b: {  	[tilespmem:s23], [sflag:$0x2] =	stream.linear.gather [hbm4b:s21+s2], $0x80, $0x38;
	[tilespmem:$0x2E00] =	vst v63  }
0x4c: {  	_ =	swait.ge [sflag:s13], $0x200  }
0x4d: {  	[sflag:s13] =	ssyncset.done $0x0  }
0x4e: {  	s14 =	simm.s32 $0x480;
	s31 =	rddreg [dreg:$0x9];
	[sflag:s13] =	ssyncadd.s32 $0xFFFFFE00  }
0x4f: {  	[tilespmem:s14], [sflag:$0x2] =	stream.linear.gather [hbm4b:s31+s2], $0x80, $0x38;
	[tilespmem:$0x2E00] =	vst v63  }
0x50: {  	s18 =	simm.s32 $0x880;
	s16 =	sadd.s32 $0x80, s31  }
0x51: {  	[tilespmem:s18], [sflag:$0x2] =	stream.linear.gather [hbm4b:s16+s2], $0x80, $0x38;
	[tilespmem:$0x2E00] =	vst v63  }
0x52: {  	s21 =	simm.s32 $0xC80;
	s20 =	sadd.s32 $0x100, s31  }
0x53: {  	[tilespmem:s21], [sflag:$0x2] =	stream.linear.gather [hbm4b:s20+s2], $0x80, $0x38;
	[tilespmem:$0x2E00] =	vst v63  }
0x54: {  	s23 =	sadd.s32 $0x180, s31;
	s31 =	simm.s32 $0x1080  }
0x55: {  	[tilespmem:s31], [sflag:$0x2] =	stream.linear.gather [hbm4b:s23+s2], $0x80, $0x38;
	[tilespmem:$0x2E00] =	vst v63  }
0x56: {  	_ =	swait.ge [sflag:s13], $0x200  }
0x57: {  	[sflag:s13] =	ssyncset.done $0x0  }
0x58: {  	s9 =	simm.s32 $0x0;
	[sflag:s13] =	ssyncadd.s32 $0xFFFFFE00  }
.LBB2_2:
0x59: {  	s10 =	simm.s32 $0x0;
	s14 =	smul.u32 $0xA, s9  }
0x5a: {  	s16 =	simm.s32 $0x10;
	s1 =	sand.u32 $0x70, s10;
	s31 =	sand.u32 $0xC00, s10  }
0x5b: {  	s18 =	simm.s32 $0x0;
	s20 =	sor.u32 s1, s31;
	v0 =	vmov s14;
	s14 =	simm.s32 $0x0  }
.LBB2_3:
0x5c: {  	p0 =	sne.s32 s16, $0x1F0;
	s21 =	sshra.s32 s14, $0x2;
	v1 =	vld [tilespmem:s20+$0x200]  }
0x5d: {  	v2 =	vld [tilespmem:s21+$0x0];
	_ =	sdelay $0x4  }
0x5e: {  	v4 =	vshrl.u32 v1, $0xA;
	v3 =	vshrl.u32 v2, $0xA  }
0x5f: {  	vm0 =	vgt.u32 v3, v4  }
0x60: {  	v3 =	vsel vm0, v1, v2  }
0x61: {  	v4 =	vshrl.u32 v3, $0xA  }
0x62: {  	v1 =	vsel vm0, v2, v1;
	v2 =	vsub.s32 $0x9, v4  }
0x63: {  	v5 =	vshrl.u32 v1, $0xA;
	v2 =	vmul.u32 v4, v2  }
0x64: {  	v5 =	vadd.s32 v0, v5  }
0x65: {  	v4 =	vsub.s32 v5, v4;
	v2 =	vshrl.u32 v2, $0x1  }
0x66: {  	v2 =	vadd.s32 v2, v4;
	v4 =	vshll.u32 v1, $0x2  }
0x67: {  	v2 =	vshll.u32 v2, $0xC;
	v4 =	vand.u32 $0xC00, v4  }
.Ltmp0:
0x68: {  	v3 =	vand.u32 $0x3FF, v3;
	v2 =	vor.u32 v4, v2;
	(pc) =	sbr.rel @p0 .LBB2_3-.Ltmp0, $4  }
0x69: {  	s20 =	sand.u32 $0x600, s14;
	v2 =	vor.u32 v3, v2  }
0x6a: {  	s18 =	sadd.s32 $0x80, s18;
	s20 =	sshrl.u32 s20, $0x2;
	v1 =	vand.u32 $0x7F, v1;
	v2 =	vshll.u32 v2, $0x7  }
0x6b: {  	s21 =	sand.u32 $0xC00, s18;
	s23 =	sor.u32 s1, s20;
	s1 =	sand.u32 $0x70, s16;
	v1 =	vor.u32 v1, v2  }
0x6c: {  	s14 =	sadd.s32 $0x40, s14;
	s16 =	sadd.s32 $0x10, s16;
	s20 =	sor.u32 s1, s21;
	[tilespmem:s23+$0x1200] =	vst v1  }
0x6d: {  	s16 =	sshra.s32 s14, $0x2;
	v1 =	vld [tilespmem:s20+$0x200]  }
0x6e: {  	v2 =	vld [tilespmem:s16+$0x0];
	_ =	sdelay $0x4  }
0x6f: {  	v4 =	vshrl.u32 v1, $0xA;
	v3 =	vshrl.u32 v2, $0xA  }
0x70: {  	vm0 =	vgt.u32 v3, v4  }
0x71: {  	v3 =	vsel vm0, v1, v2  }
0x72: {  	v62 =	vshrl.u32 v3, $0xA  }
0x73: {  	v1 =	vsel vm0, v2, v1;
	v2 =	vsub.s32 $0x9, v62  }
0x74: {  	v5 =	vshrl.u32 v1, $0xA;
	v2 =	vmul.u32 v62, v2  }
0x75: {  	v5 =	vadd.s32 v0, v5  }
0x76: {  	v4 =	vsub.s32 v5, v62;
	v2 =	vshrl.u32 v2, $0x1  }
0x77: {  	v63 =	vshll.u32 v1, $0x2;
	v2 =	vadd.s32 v2, v4  }
0x78: {  	v4 =	vand.u32 $0xC00, v63;
	v2 =	vshll.u32 v2, $0xC  }
0x79: {  	v3 =	vand.u32 $0x3FF, v3;
	v2 =	vor.u32 v4, v2  }
0x7a: {  	s23 =	sand.u32 $0x600, s14;
	v2 =	vor.u32 v3, v2  }
0x7b: {  	s14 =	sshrl.u32 s23, $0x2;
	v1 =	vand.u32 $0x7F, v1;
	v2 =	vshll.u32 v2, $0x7  }
0x7c: {  	s1 =	sor.u32 s1, s14;
	s14 =	sand.u32 $0x70, s10;
	v1 =	vor.u32 v1, v2  }
0x7d: {  	s16 =	simm.s32 $0x0;
	s18 =	sor.u32 s14, s31;
	[tilespmem:s1+$0x1200] =	vst v1;
	s1 =	simm.s32 $0x10  }
.LBB2_5:
0x7e: {  	p0 =	sne.s32 s1, $0x1F0;
	s20 =	sshra.s32 s10, $0x2;
	v1 =	vld [tilespmem:s18+$0x280]  }
0x7f: {  	v2 =	vld [tilespmem:s20+$0x0];
	_ =	sdelay $0x4  }
0x80: {  	v4 =	vshrl.u32 v1, $0xA;
	v3 =	vshrl.u32 v2, $0xA  }
0x81: {  	vm0 =	vgt.u32 v3, v4  }
0x82: {  	v3 =	vsel vm0, v1, v2  }
0x83: {  	v4 =	vshrl.u32 v3, $0xA  }
0x84: {  	v1 =	vsel vm0, v2, v1;
	v2 =	vsub.s32 $0x9, v4  }
0x85: {  	v5 =	vshrl.u32 v1, $0xA;
	v2 =	vmul.u32 v4, v2  }
0x86: {  	v5 =	vadd.s32 v0, v5  }
0x87: {  	v4 =	vsub.s32 v5, v4;
	v2 =	vshrl.u32 v2, $0x1  }
0x88: {  	v2 =	vadd.s32 v2, v4;
	v4 =	vshll.u32 v1, $0x2  }
0x89: {  	v2 =	vshll.u32 v2, $0xC;
	v4 =	vand.u32 $0xC00, v4  }
.Ltmp1:
0x8a: {  	v3 =	vand.u32 $0x3FF, v3;
	v2 =	vor.u32 v4, v2;
	(pc) =	sbr.rel @p0 .LBB2_5-.Ltmp1, $4  }
0x8b: {  	s18 =	sand.u32 $0x600, s10;
	v2 =	vor.u32 v3, v2  }
0x8c: {  	s16 =	sadd.s32 $0x80, s16;
	s18 =	sshrl.u32 s18, $0x2;
	v1 =	vand.u32 $0x7F, v1;
	v2 =	vshll.u32 v2, $0x7  }
0x8d: {  	s20 =	sand.u32 $0xC00, s16;
	s21 =	sor.u32 s14, s18;
	s14 =	sand.u32 $0x70, s1;
	v1 =	vor.u32 v1, v2  }
0x8e: {  	s10 =	sadd.s32 $0x40, s10;
	s1 =	sadd.s32 $0x10, s1;
	s18 =	sor.u32 s14, s20;
	[tilespmem:s21+$0x1400] =	vst v1  }
0x8f: {  	s1 =	sshra.s32 s10, $0x2;
	v1 =	vld [tilespmem:s18+$0x280]  }
0x90: {  	v2 =	vld [tilespmem:s1+$0x0];
	_ =	sdelay $0x4  }
0x91: {  	v4 =	vshrl.u32 v1, $0xA;
	v3 =	vshrl.u32 v2, $0xA  }
0x92: {  	vm0 =	vgt.u32 v3, v4  }
0x93: {  	v3 =	vsel vm0, v1, v2  }
0x94: {  	v62 =	vshrl.u32 v3, $0xA  }
0x95: {  	v1 =	vsel vm0, v2, v1;
	v2 =	vsub.s32 $0x9, v62  }
0x96: {  	v5 =	vshrl.u32 v1, $0xA;
	v2 =	vmul.u32 v62, v2  }
0x97: {  	v5 =	vadd.s32 v0, v5  }
0x98: {  	v4 =	vsub.s32 v5, v62;
	v2 =	vshrl.u32 v2, $0x1  }
0x99: {  	v63 =	vshll.u32 v1, $0x2;
	v2 =	vadd.s32 v2, v4  }
0x9a: {  	v4 =	vand.u32 $0xC00, v63;
	v2 =	vshll.u32 v2, $0xC  }
0x9b: {  	v3 =	vand.u32 $0x3FF, v3;
	v2 =	vor.u32 v4, v2  }
0x9c: {  	s23 =	sand.u32 $0x600, s10;
	v2 =	vor.u32 v3, v2  }
0x9d: {  	s10 =	simm.s32 $0x0;
	s18 =	simm.s32 $0x0;
	s16 =	sshrl.u32 s23, $0x2;
	v1 =	vand.u32 $0x7F, v1;
	v2 =	vshll.u32 v2, $0x7  }
0x9e: {  	s1 =	sand.u32 $0x70, s10;
	s31 =	sand.u32 $0xC00, s10;
	s14 =	sor.u32 s14, s16;
	v1 =	vor.u32 v1, v2  }
0x9f: {  	s20 =	sor.u32 s1, s31;
	s16 =	simm.s32 $0x10;
	[tilespmem:s14+$0x1400] =	vst v1;
	s14 =	simm.s32 $0x0  }
.LBB2_7:
0xa0: {  	p0 =	sne.s32 s16, $0x1F0;
	s21 =	sshra.s32 s14, $0x2;
	v1 =	vld [tilespmem:s20+$0x300]  }
0xa1: {  	v2 =	vld [tilespmem:s21+$0x0];
	_ =	sdelay $0x4  }
0xa2: {  	v4 =	vshrl.u32 v1, $0xA;
	v3 =	vshrl.u32 v2, $0xA  }
0xa3: {  	vm0 =	vgt.u32 v3, v4  }
0xa4: {  	v3 =	vsel vm0, v1, v2  }
0xa5: {  	v4 =	vshrl.u32 v3, $0xA  }
0xa6: {  	v1 =	vsel vm0, v2, v1;
	v2 =	vsub.s32 $0x9, v4  }
0xa7: {  	v5 =	vshrl.u32 v1, $0xA;
	v2 =	vmul.u32 v4, v2  }
0xa8: {  	v5 =	vadd.s32 v0, v5  }
0xa9: {  	v4 =	vsub.s32 v5, v4;
	v2 =	vshrl.u32 v2, $0x1  }
0xaa: {  	v2 =	vadd.s32 v2, v4;
	v4 =	vshll.u32 v1, $0x2  }
0xab: {  	v2 =	vshll.u32 v2, $0xC;
	v4 =	vand.u32 $0xC00, v4  }
.Ltmp2:
0xac: {  	v3 =	vand.u32 $0x3FF, v3;
	v2 =	vor.u32 v4, v2;
	(pc) =	sbr.rel @p0 .LBB2_7-.Ltmp2, $4  }
0xad: {  	s20 =	sand.u32 $0x600, s14;
	v2 =	vor.u32 v3, v2  }
0xae: {  	s18 =	sadd.s32 $0x80, s18;
	s20 =	sshrl.u32 s20, $0x2;
	v1 =	vand.u32 $0x7F, v1;
	v2 =	vshll.u32 v2, $0x7  }
0xaf: {  	s21 =	sand.u32 $0xC00, s18;
	s23 =	sor.u32 s1, s20;
	s1 =	sand.u32 $0x70, s16;
	v1 =	vor.u32 v1, v2  }
0xb0: {  	s14 =	sadd.s32 $0x40, s14;
	s16 =	sadd.s32 $0x10, s16;
	s20 =	sor.u32 s1, s21;
	[tilespmem:s23+$0x1600] =	vst v1  }
0xb1: {  	s16 =	sshra.s32 s14, $0x2;
	v1 =	vld [tilespmem:s20+$0x300]  }
0xb2: {  	v2 =	vld [tilespmem:s16+$0x0];
	_ =	sdelay $0x4  }
0xb3: {  	v4 =	vshrl.u32 v1, $0xA;
	v3 =	vshrl.u32 v2, $0xA  }
0xb4: {  	vm0 =	vgt.u32 v3, v4  }
0xb5: {  	v3 =	vsel vm0, v1, v2  }
0xb6: {  	v62 =	vshrl.u32 v3, $0xA  }
0xb7: {  	v1 =	vsel vm0, v2, v1;
	v2 =	vsub.s32 $0x9, v62  }
0xb8: {  	v5 =	vshrl.u32 v1, $0xA;
	v2 =	vmul.u32 v62, v2  }
0xb9: {  	v5 =	vadd.s32 v0, v5  }
0xba: {  	v4 =	vsub.s32 v5, v62;
	v2 =	vshrl.u32 v2, $0x1  }
0xbb: {  	v63 =	vshll.u32 v1, $0x2;
	v2 =	vadd.s32 v2, v4  }
0xbc: {  	v4 =	vand.u32 $0xC00, v63;
	v2 =	vshll.u32 v2, $0xC  }
0xbd: {  	v3 =	vand.u32 $0x3FF, v3;
	v2 =	vor.u32 v4, v2  }
0xbe: {  	s23 =	sand.u32 $0x600, s14;
	v2 =	vor.u32 v3, v2  }
0xbf: {  	s14 =	sshrl.u32 s23, $0x2;
	v1 =	vand.u32 $0x7F, v1;
	v2 =	vshll.u32 v2, $0x7  }
0xc0: {  	s1 =	sor.u32 s1, s14;
	s14 =	sand.u32 $0x70, s10;
	v1 =	vor.u32 v1, v2  }
0xc1: {  	s16 =	simm.s32 $0x0;
	s18 =	sor.u32 s14, s31;
	[tilespmem:s1+$0x1600] =	vst v1;
	s1 =	simm.s32 $0x10  }
.LBB2_9:
0xc2: {  	p0 =	sne.s32 s1, $0x1F0;
	s20 =	sshra.s32 s10, $0x2;
	v1 =	vld [tilespmem:s18+$0x380]  }
0xc3: {  	v2 =	vld [tilespmem:s20+$0x0];
	_ =	sdelay $0x4  }
0xc4: {  	v4 =	vshrl.u32 v1, $0xA;
	v3 =	vshrl.u32 v2, $0xA  }
0xc5: {  	vm0 =	vgt.u32 v3, v4  }
0xc6: {  	v3 =	vsel vm0, v1, v2  }
0xc7: {  	v4 =	vshrl.u32 v3, $0xA  }
0xc8: {  	v1 =	vsel vm0, v2, v1;
	v2 =	vsub.s32 $0x9, v4  }
0xc9: {  	v5 =	vshrl.u32 v1, $0xA;
	v2 =	vmul.u32 v4, v2  }
0xca: {  	v5 =	vadd.s32 v0, v5  }
0xcb: {  	v4 =	vsub.s32 v5, v4;
	v2 =	vshrl.u32 v2, $0x1  }
0xcc: {  	v2 =	vadd.s32 v2, v4;
	v4 =	vshll.u32 v1, $0x2  }
0xcd: {  	v2 =	vshll.u32 v2, $0xC;
	v4 =	vand.u32 $0xC00, v4  }
.Ltmp3:
0xce: {  	v3 =	vand.u32 $0x3FF, v3;
	v2 =	vor.u32 v4, v2;
	(pc) =	sbr.rel @p0 .LBB2_9-.Ltmp3, $4  }
0xcf: {  	s18 =	sand.u32 $0x600, s10;
	v2 =	vor.u32 v3, v2  }
0xd0: {  	s16 =	sadd.s32 $0x80, s16;
	s18 =	sshrl.u32 s18, $0x2;
	v1 =	vand.u32 $0x7F, v1;
	v2 =	vshll.u32 v2, $0x7  }
0xd1: {  	s20 =	sand.u32 $0xC00, s16;
	s21 =	sor.u32 s14, s18;
	s14 =	sand.u32 $0x70, s1;
	v1 =	vor.u32 v1, v2  }
0xd2: {  	s10 =	sadd.s32 $0x40, s10;
	s1 =	sadd.s32 $0x10, s1;
	s18 =	sor.u32 s14, s20;
	[tilespmem:s21+$0x1800] =	vst v1  }
0xd3: {  	s1 =	sshra.s32 s10, $0x2;
	v1 =	vld [tilespmem:s18+$0x380]  }
0xd4: {  	v2 =	vld [tilespmem:s1+$0x0];
	_ =	sdelay $0x4  }
0xd5: {  	v4 =	vshrl.u32 v1, $0xA;
	v3 =	vshrl.u32 v2, $0xA  }
0xd6: {  	vm0 =	vgt.u32 v3, v4  }
0xd7: {  	v3 =	vsel vm0, v1, v2  }
0xd8: {  	v62 =	vshrl.u32 v3, $0xA  }
0xd9: {  	v1 =	vsel vm0, v2, v1;
	v2 =	vsub.s32 $0x9, v62  }
0xda: {  	v5 =	vshrl.u32 v1, $0xA;
	v2 =	vmul.u32 v62, v2  }
0xdb: {  	v5 =	vadd.s32 v0, v5  }
0xdc: {  	v4 =	vsub.s32 v5, v62;
	v2 =	vshrl.u32 v2, $0x1  }
0xdd: {  	v63 =	vshll.u32 v1, $0x2;
	v2 =	vadd.s32 v2, v4  }
0xde: {  	v4 =	vand.u32 $0xC00, v63;
	v2 =	vshll.u32 v2, $0xC  }
0xdf: {  	v3 =	vand.u32 $0x3FF, v3;
	v2 =	vor.u32 v4, v2  }
0xe0: {  	s23 =	sand.u32 $0x600, s10;
	v2 =	vor.u32 v3, v2  }
0xe1: {  	s10 =	simm.s32 $0x0;
	s18 =	simm.s32 $0x0;
	s16 =	sshrl.u32 s23, $0x2;
	v1 =	vand.u32 $0x7F, v1;
	v2 =	vshll.u32 v2, $0x7  }
0xe2: {  	s1 =	sand.u32 $0x70, s10;
	s31 =	sand.u32 $0xC00, s10;
	s14 =	sor.u32 s14, s16;
	v1 =	vor.u32 v1, v2  }
0xe3: {  	s20 =	sor.u32 s1, s31;
	s16 =	simm.s32 $0x10;
	[tilespmem:s14+$0x1800] =	vst v1;
	s14 =	simm.s32 $0x0  }
.LBB2_11:
0xe4: {  	p0 =	sne.s32 s16, $0x1F0;
	s21 =	sshra.s32 s14, $0x2;
	v1 =	vld [tilespmem:s20+$0x400]  }
0xe5: {  	v2 =	vld [tilespmem:s21+$0x0];
	_ =	sdelay $0x4  }
0xe6: {  	v4 =	vshrl.u32 v1, $0xA;
	v3 =	vshrl.u32 v2, $0xA  }
0xe7: {  	vm0 =	vgt.u32 v3, v4  }
0xe8: {  	v3 =	vsel vm0, v1, v2  }
0xe9: {  	v4 =	vshrl.u32 v3, $0xA  }
0xea: {  	v1 =	vsel vm0, v2, v1;
	v2 =	vsub.s32 $0x9, v4  }
0xeb: {  	v5 =	vshrl.u32 v1, $0xA;
	v2 =	vmul.u32 v4, v2  }
0xec: {  	v5 =	vadd.s32 v0, v5  }
0xed: {  	v4 =	vsub.s32 v5, v4;
	v2 =	vshrl.u32 v2, $0x1  }
0xee: {  	v2 =	vadd.s32 v2, v4;
	v4 =	vshll.u32 v1, $0x2  }
0xef: {  	v2 =	vshll.u32 v2, $0xC;
	v4 =	vand.u32 $0xC00, v4  }
.Ltmp4:
0xf0: {  	v3 =	vand.u32 $0x3FF, v3;
	v2 =	vor.u32 v4, v2;
	(pc) =	sbr.rel @p0 .LBB2_11-.Ltmp4, $4  }
0xf1: {  	s20 =	sand.u32 $0x600, s14;
	v2 =	vor.u32 v3, v2  }
0xf2: {  	s18 =	sadd.s32 $0x80, s18;
	s20 =	sshrl.u32 s20, $0x2;
	v1 =	vand.u32 $0x7F, v1;
	v2 =	vshll.u32 v2, $0x7  }
0xf3: {  	s21 =	sand.u32 $0xC00, s18;
	s23 =	sor.u32 s1, s20;
	s1 =	sand.u32 $0x70, s16;
	v1 =	vor.u32 v1, v2  }
0xf4: {  	s14 =	sadd.s32 $0x40, s14;
	s16 =	sadd.s32 $0x10, s16;
	s20 =	sor.u32 s1, s21;
	[tilespmem:s23+$0x1A00] =	vst v1  }
0xf5: {  	s16 =	sshra.s32 s14, $0x2;
	v1 =	vld [tilespmem:s20+$0x400]  }
0xf6: {  	v2 =	vld [tilespmem:s16+$0x0];
	_ =	sdelay $0x4  }
0xf7: {  	v4 =	vshrl.u32 v1, $0xA;
	v3 =	vshrl.u32 v2, $0xA  }
0xf8: {  	vm0 =	vgt.u32 v3, v4  }
0xf9: {  	v3 =	vsel vm0, v1, v2  }
0xfa: {  	v62 =	vshrl.u32 v3, $0xA  }
0xfb: {  	v1 =	vsel vm0, v2, v1;
	v2 =	vsub.s32 $0x9, v62  }
0xfc: {  	v5 =	vshrl.u32 v1, $0xA;
	v2 =	vmul.u32 v62, v2  }
0xfd: {  	v5 =	vadd.s32 v0, v5  }
0xfe: {  	v4 =	vsub.s32 v5, v62;
	v2 =	vshrl.u32 v2, $0x1  }
0xff: {  	v63 =	vshll.u32 v1, $0x2;
	v2 =	vadd.s32 v2, v4  }
0x100: {  	v4 =	vand.u32 $0xC00, v63;
	v2 =	vshll.u32 v2, $0xC  }
0x101: {  	v3 =	vand.u32 $0x3FF, v3;
	v2 =	vor.u32 v4, v2  }
0x102: {  	s23 =	sand.u32 $0x600, s14;
	v2 =	vor.u32 v3, v2  }
0x103: {  	s14 =	sshrl.u32 s23, $0x2;
	v1 =	vand.u32 $0x7F, v1;
	v2 =	vshll.u32 v2, $0x7  }
0x104: {  	s14 =	sor.u32 s1, s14;
	s1 =	sand.u32 $0x70, s10;
	v1 =	vor.u32 v1, v2  }
0x105: {  	s16 =	simm.s32 $0x0;
	s18 =	sor.u32 s1, s31;
	[tilespmem:s14+$0x1A00] =	vst v1;
	s14 =	simm.s32 $0x10  }
.LBB2_13:
0x106: {  	p0 =	sne.s32 s14, $0x1F0;
	s20 =	sshra.s32 s10, $0x2;
	v1 =	vld [tilespmem:s18+$0x480]  }
0x107: {  	v2 =	vld [tilespmem:s20+$0x0];
	_ =	sdelay $0x4  }
0x108: {  	v4 =	vshrl.u32 v1, $0xA;
	v3 =	vshrl.u32 v2, $0xA  }
0x109: {  	vm0 =	vgt.u32 v3, v4  }
0x10a: {  	v3 =	vsel vm0, v1, v2  }
0x10b: {  	v4 =	vshrl.u32 v3, $0xA  }
0x10c: {  	v1 =	vsel vm0, v2, v1;
	v2 =	vsub.s32 $0x9, v4  }
0x10d: {  	v5 =	vshrl.u32 v1, $0xA;
	v2 =	vmul.u32 v4, v2  }
0x10e: {  	v5 =	vadd.s32 v0, v5  }
0x10f: {  	v4 =	vsub.s32 v5, v4;
	v2 =	vshrl.u32 v2, $0x1  }
0x110: {  	v2 =	vadd.s32 v2, v4;
	v4 =	vshll.u32 v1, $0x2  }
0x111: {  	v2 =	vshll.u32 v2, $0xC;
	v4 =	vand.u32 $0xC00, v4  }
.Ltmp5:
0x112: {  	v3 =	vand.u32 $0x3FF, v3;
	v2 =	vor.u32 v4, v2;
	(pc) =	sbr.rel @p0 .LBB2_13-.Ltmp5, $4  }
0x113: {  	s18 =	sand.u32 $0x600, s10;
	v2 =	vor.u32 v3, v2  }
0x114: {  	s16 =	sadd.s32 $0x80, s16;
	s18 =	sshrl.u32 s18, $0x2;
	v1 =	vand.u32 $0x7F, v1;
	v2 =	vshll.u32 v2, $0x7  }
0x115: {  	s20 =	sand.u32 $0xC00, s16;
	s21 =	sor.u32 s1, s18;
	s1 =	sand.u32 $0x70, s14;
	v1 =	vor.u32 v1, v2  }
0x116: {  	s10 =	sadd.s32 $0x40, s10;
	s14 =	sadd.s32 $0x10, s14;
	s18 =	sor.u32 s1, s20;
	[tilespmem:s21+$0x1C00] =	vst v1  }
0x117: {  	v1 =	vld [tilespmem:s18+$0x480];
	s14 =	sshra.s32 s10, $0x2  }
0x118: {  	v2 =	vld [tilespmem:s14+$0x0];
	_ =	sdelay $0x4  }
0x119: {  	v4 =	vshrl.u32 v1, $0xA;
	v3 =	vshrl.u32 v2, $0xA  }
0x11a: {  	vm0 =	vgt.u32 v3, v4  }
0x11b: {  	v3 =	vsel vm0, v1, v2  }
0x11c: {  	v60 =	vshrl.u32 v3, $0xA  }
0x11d: {  	v1 =	vsel vm0, v2, v1;
	v61 =	vsub.s32 $0x9, v60  }
0x11e: {  	v5 =	vshrl.u32 v1, $0xA;
	v2 =	vmul.u32 v60, v61  }
0x11f: {  	v0 =	vadd.s32 v0, v5  }
0x120: {  	v0 =	vsub.s32 v0, v60;
	v2 =	vshrl.u32 v2, $0x1  }
0x121: {  	v62 =	vshll.u32 v1, $0x2;
	v0 =	vadd.s32 v2, v0  }
0x122: {  	v2 =	vand.u32 $0xC00, v62;
	v0 =	vshll.u32 v0, $0xC  }
0x123: {  	v63 =	vand.u32 $0x3FF, v3;
	v0 =	vor.u32 v2, v0  }
0x124: {  	s20 =	sand.u32 $0x600, s10;
	v0 =	vor.u32 v63, v0  }
0x125: {  	s10 =	sshrl.u32 s20, $0x2;
	v1 =	vand.u32 $0x7F, v1;
	v0 =	vshll.u32 v0, $0x7  }
0x126: {  	s1 =	sor.u32 s1, s10;
	v0 =	vor.u32 v1, v0  }
0x127: {  	s21 =	simm.s32 $0x1200;
	[tilespmem:s1+$0x1C00] =	vst v0  }
0x128: {  	[tilespmem:s0], [sflag:$0x1] =	stream.indirect.gather [hbm4b:s3+s30], $0x1, s21, s30, $0xb8;
	[tilespmem:$0x2E00] =	vst v63  }
0x129: {  	s23 =	simm.s32 $0x1280;
	s31 =	simm.s32 $0x2200  }
0x12a: {  	[tilespmem:s31], [sflag:$0x1] =	stream.indirect.gather [hbm4b:s3+s30], $0x1, s23, s30, $0xb8;
	[tilespmem:$0x2E00] =	vst v63  }
0x12b: {  	s14 =	simm.s32 $0x2600;
	s10 =	simm.s32 $0x1300  }
0x12c: {  	[tilespmem:s14], [sflag:$0x1] =	stream.indirect.gather [hbm4b:s3+s30], $0x1, s10, s30, $0xb8;
	[tilespmem:$0x2E00] =	vst v63  }
0x12d: {  	s16 =	simm.s32 $0x1380;
	s18 =	simm.s32 $0x2A00  }
0x12e: {  	[tilespmem:s18], [sflag:$0x1] =	stream.indirect.gather [hbm4b:s3+s30], $0x1, s16, s30, $0xb8;
	[tilespmem:$0x2E00] =	vst v63  }
0x12f: {  	s20 =	simm.s32 $0x1400;
	s21 =	simm.s32 $0x1E80  }
0x130: {  	[tilespmem:s21], [sflag:$0x1] =	stream.indirect.gather [hbm4b:s3+s30], $0x1, s20, s30, $0xb8;
	[tilespmem:$0x2E00] =	vst v63  }
0x131: {  	s23 =	simm.s32 $0x1480;
	s31 =	simm.s32 $0x2280  }
0x132: {  	[tilespmem:s31], [sflag:$0x1] =	stream.indirect.gather [hbm4b:s3+s30], $0x1, s23, s30, $0xb8;
	[tilespmem:$0x2E00] =	vst v63  }
0x133: {  	s10 =	simm.s32 $0x1500;
	s14 =	simm.s32 $0x2680  }
0x134: {  	[tilespmem:s14], [sflag:$0x1] =	stream.indirect.gather [hbm4b:s3+s30], $0x1, s10, s30, $0xb8;
	[tilespmem:$0x2E00] =	vst v63  }
0x135: {  	s16 =	simm.s32 $0x1580;
	s18 =	simm.s32 $0x2A80  }
0x136: {  	[tilespmem:s18], [sflag:$0x1] =	stream.indirect.gather [hbm4b:s3+s30], $0x1, s16, s30, $0xb8;
	[tilespmem:$0x2E00] =	vst v63  }
0x137: {  	s20 =	simm.s32 $0x1600;
	s21 =	simm.s32 $0x1F00  }
0x138: {  	[tilespmem:s21], [sflag:$0x1] =	stream.indirect.gather [hbm4b:s3+s30], $0x1, s20, s30, $0xb8;
	[tilespmem:$0x2E00] =	vst v63  }
0x139: {  	s23 =	simm.s32 $0x1680;
	s31 =	simm.s32 $0x2300  }
0x13a: {  	[tilespmem:s31], [sflag:$0x1] =	stream.indirect.gather [hbm4b:s3+s30], $0x1, s23, s30, $0xb8;
	[tilespmem:$0x2E00] =	vst v63  }
0x13b: {  	s10 =	simm.s32 $0x1700;
	s14 =	simm.s32 $0x2700  }
0x13c: {  	[tilespmem:s14], [sflag:$0x1] =	stream.indirect.gather [hbm4b:s3+s30], $0x1, s10, s30, $0xb8;
	[tilespmem:$0x2E00] =	vst v63  }
0x13d: {  	s16 =	simm.s32 $0x1780;
	s18 =	simm.s32 $0x2B00  }
0x13e: {  	[tilespmem:s18], [sflag:$0x1] =	stream.indirect.gather [hbm4b:s3+s30], $0x1, s16, s30, $0xb8;
	[tilespmem:$0x2E00] =	vst v63  }
0x13f: {  	s20 =	simm.s32 $0x1800;
	s21 =	simm.s32 $0x1F80  }
0x140: {  	[tilespmem:s21], [sflag:$0x1] =	stream.indirect.gather [hbm4b:s3+s30], $0x1, s20, s30, $0xb8;
	[tilespmem:$0x2E00] =	vst v63  }
0x141: {  	s23 =	simm.s32 $0x1880;
	s31 =	simm.s32 $0x2380  }
0x142: {  	[tilespmem:s31], [sflag:$0x1] =	stream.indirect.gather [hbm4b:s3+s30], $0x1, s23, s30, $0xb8;
	[tilespmem:$0x2E00] =	vst v63  }
0x143: {  	s14 =	simm.s32 $0x1900;
	s16 =	simm.s32 $0x2780  }
0x144: {  	[tilespmem:s16], [sflag:$0x1] =	stream.indirect.gather [hbm4b:s3+s30], $0x1, s14, s30, $0xb8;
	[tilespmem:$0x2E00] =	vst v63  }
0x145: {  	s18 =	simm.s32 $0x1980;
	s20 =	simm.s32 $0x2B80  }
0x146: {  	[tilespmem:s20], [sflag:$0x1] =	stream.indirect.gather [hbm4b:s3+s30], $0x1, s18, s30, $0xb8;
	[tilespmem:$0x2E00] =	vst v63  }
0x147: {  	s21 =	simm.s32 $0x1A00;
	s23 =	simm.s32 $0x2000  }
0x148: {  	[tilespmem:s23], [sflag:$0x1] =	stream.indirect.gather [hbm4b:s3+s30], $0x1, s21, s30, $0xb8;
	[tilespmem:$0x2E00] =	vst v63  }
0x149: {  	_ = 	snop  }
0x14a: {  	[tilespmem:s26], [sflag:$0x1] =	stream.indirect.gather [hbm4b:s3+s30], $0x1, s25, s30, $0xb8;
	[tilespmem:$0x2E00] =	vst v63  }
0x14b: {  	_ = 	snop  }
0x14c: {  	[tilespmem:s29], [sflag:$0x1] =	stream.indirect.gather [hbm4b:s3+s30], $0x1, s28, s30, $0xb8;
	[tilespmem:$0x2E00] =	vst v63  }
0x14d: {  	_ = 	snop  }
0x14e: {  	[tilespmem:s12], [sflag:$0x1] =	stream.indirect.gather [hbm4b:s3+s30], $0x1, s7, s30, $0xb8;
	[tilespmem:$0x2E00] =	vst v63  }
0x14f: {  	_ = 	snop  }
0x150: {  	[tilespmem:s17], [sflag:$0x1] =	stream.indirect.gather [hbm4b:s3+s30], $0x1, s15, s30, $0xb8;
	[tilespmem:$0x2E00] =	vst v63  }
0x151: {  	_ = 	snop  }
0x152: {  	[tilespmem:s22], [sflag:$0x1] =	stream.indirect.gather [hbm4b:s3+s30], $0x1, s19, s30, $0xb8;
	[tilespmem:$0x2E00] =	vst v63  }
0x153: {  	_ = 	snop  }
0x154: {  	[tilespmem:s4], [sflag:$0x1] =	stream.indirect.gather [hbm4b:s3+s30], $0x1, s24, s30, $0xb8;
	[tilespmem:$0x2E00] =	vst v63  }
0x155: {  	_ = 	snop  }
0x156: {  	[tilespmem:s6], [sflag:$0x1] =	stream.indirect.gather [hbm4b:s3+s30], $0x1, s5, s30, $0xb8;
	[tilespmem:$0x2E00] =	vst v63  }
0x157: {  	_ =	swait.ge [sflag:s8], $0x80  }
0x158: {  	[sflag:s8] =	ssyncset.done $0x0  }
0x159: {  	[sflag:s8] =	ssyncadd.s32 $0xFFFFFF80  }
0x15a: {  	_ =	swait.ge [sflag:s8], $0x80  }
0x15b: {  	[sflag:s8] =	ssyncset.done $0x0  }
0x15c: {  	[sflag:s8] =	ssyncadd.s32 $0xFFFFFF80  }
0x15d: {  	_ =	swait.ge [sflag:s8], $0x80  }
0x15e: {  	[sflag:s8] =	ssyncset.done $0x0  }
0x15f: {  	[sflag:s8] =	ssyncadd.s32 $0xFFFFFF80  }
0x160: {  	_ =	swait.ge [sflag:s8], $0x80  }
0x161: {  	[sflag:s8] =	ssyncset.done $0x0  }
0x162: {  	[sflag:s8] =	ssyncadd.s32 $0xFFFFFF80  }
0x163: {  	_ =	swait.ge [sflag:s8], $0x80  }
0x164: {  	[sflag:s8] =	ssyncset.done $0x0  }
0x165: {  	[sflag:s8] =	ssyncadd.s32 $0xFFFFFF80  }
0x166: {  	_ =	swait.ge [sflag:s8], $0x80  }
0x167: {  	[sflag:s8] =	ssyncset.done $0x0  }
0x168: {  	[sflag:s8] =	ssyncadd.s32 $0xFFFFFF80  }
0x169: {  	_ =	swait.ge [sflag:s8], $0x80  }
0x16a: {  	[sflag:s8] =	ssyncset.done $0x0  }
0x16b: {  	[sflag:s8] =	ssyncadd.s32 $0xFFFFFF80  }
0x16c: {  	_ =	swait.ge [sflag:s8], $0x80  }
0x16d: {  	[sflag:s8] =	ssyncset.done $0x0  }
0x16e: {  	[sflag:s8] =	ssyncadd.s32 $0xFFFFFF80  }
0x16f: {  	_ =	swait.ge [sflag:s8], $0x80  }
0x170: {  	[sflag:s8] =	ssyncset.done $0x0  }
0x171: {  	[sflag:s8] =	ssyncadd.s32 $0xFFFFFF80  }
0x172: {  	_ =	swait.ge [sflag:s8], $0x80  }
0x173: {  	[sflag:s8] =	ssyncset.done $0x0  }
0x174: {  	[sflag:s8] =	ssyncadd.s32 $0xFFFFFF80  }
0x175: {  	_ =	swait.ge [sflag:s8], $0x80  }
0x176: {  	[sflag:s8] =	ssyncset.done $0x0  }
0x177: {  	[sflag:s8] =	ssyncadd.s32 $0xFFFFFF80  }
0x178: {  	_ =	swait.ge [sflag:s8], $0x80  }
0x179: {  	[sflag:s8] =	ssyncset.done $0x0  }
0x17a: {  	[sflag:s8] =	ssyncadd.s32 $0xFFFFFF80  }
0x17b: {  	_ =	swait.ge [sflag:s8], $0x80  }
0x17c: {  	[sflag:s8] =	ssyncset.done $0x0  }
0x17d: {  	[sflag:s8] =	ssyncadd.s32 $0xFFFFFF80  }
0x17e: {  	_ =	swait.ge [sflag:s8], $0x80  }
0x17f: {  	[sflag:s8] =	ssyncset.done $0x0  }
0x180: {  	[sflag:s8] =	ssyncadd.s32 $0xFFFFFF80  }
0x181: {  	_ =	swait.ge [sflag:s8], $0x80  }
0x182: {  	[sflag:s8] =	ssyncset.done $0x0  }
0x183: {  	[sflag:s8] =	ssyncadd.s32 $0xFFFFFF80  }
0x184: {  	_ =	swait.ge [sflag:s8], $0x80  }
0x185: {  	[sflag:s8] =	ssyncset.done $0x0  }
0x186: {  	[sflag:s8] =	ssyncadd.s32 $0xFFFFFF80  }
0x187: {  	_ =	swait.ge [sflag:s8], $0x80  }
0x188: {  	[sflag:s8] =	ssyncset.done $0x0  }
0x189: {  	[sflag:s8] =	ssyncadd.s32 $0xFFFFFF80  }
0x18a: {  	_ =	swait.ge [sflag:s8], $0x80  }
0x18b: {  	[sflag:s8] =	ssyncset.done $0x0  }
0x18c: {  	[sflag:s8] =	ssyncadd.s32 $0xFFFFFF80  }
0x18d: {  	_ =	swait.ge [sflag:s8], $0x80  }
0x18e: {  	[sflag:s8] =	ssyncset.done $0x0  }
0x18f: {  	[sflag:s8] =	ssyncadd.s32 $0xFFFFFF80  }
0x190: {  	_ =	swait.ge [sflag:s8], $0x80  }
0x191: {  	[sflag:s8] =	ssyncset.done $0x0  }
0x192: {  	[sflag:s8] =	ssyncadd.s32 $0xFFFFFF80  }
0x193: {  	_ =	swait.ge [sflag:s8], $0x80  }
0x194: {  	[sflag:s8] =	ssyncset.done $0x0  }
0x195: {  	[sflag:s8] =	ssyncadd.s32 $0xFFFFFF80  }
0x196: {  	_ =	swait.ge [sflag:s8], $0x80  }
0x197: {  	[sflag:s8] =	ssyncset.done $0x0  }
0x198: {  	[sflag:s8] =	ssyncadd.s32 $0xFFFFFF80  }
0x199: {  	_ =	swait.ge [sflag:s8], $0x80  }
0x19a: {  	[sflag:s8] =	ssyncset.done $0x0  }
0x19b: {  	[sflag:s8] =	ssyncadd.s32 $0xFFFFFF80  }
0x19c: {  	s31 =	sshll.u32 s9, $0xE;
	s9 =	sadd.s32 $0x1, s9;
	_ =	swait.ge [sflag:s8], $0x80  }
0x19d: {  	p0 =	sne.s32 s9, $0x6;
	[sflag:s8] =	ssyncset.done $0x0  }
.Ltmp6:
0x19e: {  	s1 =	sadd.s32 s31, s11;
	[sflag:s8] =	ssyncadd.s32 $0xFFFFFF80;
	(pc) =	sbr.rel @p0 .LBB2_2-.Ltmp6, $4  }
0x19f: {  	[hbm4b:s1+s2] =	stream.linear.scatter [tilespmem:s0], [sflag:$0x2], $0x1000, $0x38;
	[tilespmem:$0x2E00] =	vst v63  }
0x1a0: {  	_ =	swait.ge [sflag:s13], $0x1000  }
0x1a1: {  	[sflag:s13] =	ssyncset.done $0x0  }
0x1a2: {  	[sflag:s13] =	ssyncadd.s32 $0xFFFFF000  }
0x1a3: {  	s9 =	rddreg [dreg:$0x10]  }
0x1a4: {  	s1 =	rddreg [dreg:$0xa];
	s9 =	sadd.s32 $0x1, s9  }
0x1a5: {  	p0 =	sne.s32 s9, s1  }
.Ltmp7:
0x1a6: {  	_ = 	snop;
	(pc) =	sbr.rel @p0 .LBB2_1-.Ltmp7, $1  }
0x1a7: {  	_ =	sdelay $0x3  }
0x1a8: {  	_ =	sfence.sel $0x180000  }
0x1a9: {  	[bflag:$0x0] =	sbarrier.arrive $0xFFFF  }
0x1aa: {  	_ =	strace $0x9000004A  }
0x1ab: {  	s0 =	stileid.u32;
	[bflag:$0x2] =	sbarrier.arrive $0xFFFF  }
0x1ac: {  	p0 =	sne.s32 s0, $0x0;
	s0 =	rddreg [dreg:$0x2]  }
0x1ad: {  	s0 =	sadd.s32 @!p0 $0x100000, s0  }
0x1ae: {  	[sflag:s0] =	ssyncadd.tile.s32 @!p0 $0x1;
	_ =	shalt  }
.Lfunc_end2:
_tile_overlayer_lowered:
.L_overlay_start_2:
0x1af: {  	(tag) =	ssettag $0x2  }
0x1b0: {  	s0 =	rddreg [dreg:$0x0];
	s2 =	stileid.u32  }
0x1b1: {  	s1 =	rddreg [dreg:$0x1];
	p0 =	sne.s32 s2, $0x0  }
0x1b2: {  	s3 =	rddreg [dreg:$0x2];
	[bflag:$0x3] =	sbarrier.arrive $0xFFFF;
	s2 =	simm.s32 @!p0 $0x1C02  }
0x1b3: {  	[timem:s3], [sflag:s2] =	dma.local @!p0 [hbm:s0], s1  }
0x1b4: {  	s0 =	simm.s32 @!p0 $0x2  }
0x1b5: {  	_ =	swait.ge @!p0 [sflag:s0], s1  }
0x1b6: {  	s1 =	ssub.s32 @!p0 $0x0, s1;
	[sflag:s0] =	ssyncset.done @!p0 $0x0  }
0x1b7: {  	[sflag:s0] =	ssyncadd.s32 @!p0 s1  }
0x1b8: {  	[bflag:$0x3] =	sbarrier.arrive $0xFFFF  }
0x1b9: {  	_ =	shalt  }

</sc_bundles>
